<compile_context>
chip_gen: v7x
topology: tpu7x:2x2x1
jax: 0.10.2.dev20260603
libtpu: 0.0.44.dev20260713+nightly
codegen_flags: <defaults>
</compile_context>

<pallas_src>
import functools

import jax
import jax.numpy as jnp
from jax import lax
from jax.experimental import pallas as pl
from jax.experimental.pallas import tpu as pltpu
from jax.experimental.pallas import tpu_sc as plsc

NC = 2
NS = 16
NW = NC * NS
CHUNK = 120
NBUF = 3
F0_NUM, F0_DEN = 222, 326

ROW_BLK = 2000


def _make_segsum(n_rows, h, k0, k1, acc_rows):
    mesh = plsc.VectorSubcoreMesh(core_axis_name="c", subcore_axis_name="s")
    rpt = acc_rows // NS

    @functools.partial(
        pl.kernel,
        mesh=mesh,
        out_type=jax.ShapeDtypeStruct((NC, acc_rows, h), jnp.float32),
        scratch_types=[
            pltpu.VMEM((8, 128), jnp.int32),
            pltpu.VMEM((8, 128), jnp.int32),
            pltpu.VMEM((NBUF, CHUNK, h), jnp.float32),
            pltpu.VMEM_SHARED((acc_rows, h), jnp.float32),
        ] + [pltpu.SemaphoreType.DMA] * (4 * NBUF + 1),
    )
    def segsum(table_hbm, src_hbm, dst_hbm, zeros_hbm, out_hbm,
               sring, dring, rows_v, acc, *sems):
        c = lax.axis_index("c")
        s = lax.axis_index("s")
        wid = s * NC + c
        kc = jnp.where(c == 0, k0, k1)
        gsem = sems[:NBUF]
        ssem = sems[NBUF:2 * NBUF]
        dsem = sems[2 * NBUF:3 * NBUF]
        isem = sems[3 * NBUF:4 * NBUF]
        zsem = sems[4 * NBUF]
        zcp = pltpu.make_async_copy(zeros_hbm.at[pl.ds(s * rpt, rpt)],
                                    acc.at[pl.ds(s * rpt, rpt)], zsem)
        zcp.start()

        def sidx_cp(jj, b):
            return pltpu.make_async_copy(src_hbm.at[wid, jj], sring.at[b],
                                         isem[b])

        def didx_cp(jj, b):
            return pltpu.make_async_copy(dst_hbm.at[wid, jj], dring.at[b],
                                         dsem[b])

        def gather_cp(jj, b):
            return pltpu.make_async_copy(
                table_hbm.at[sring.at[b, pl.ds(0, CHUNK)]], rows_v.at[b],
                gsem[b])

        def scatter_cp(b):
            return pltpu.make_async_copy(
                rows_v.at[b], acc.at[dring.at[b, pl.ds(0, CHUNK)]], ssem[b])

        sidx_cp(0, 0).start()
        sidx_cp(1, 1).start()
        sidx_cp(2, 2).start()
        didx_cp(0, 0).start()
        didx_cp(1, 1).start()
        sidx_cp(0, 0).wait()
        gather_cp(0, 0).start()
        sidx_cp(1, 1).wait()
        gather_cp(1, 1).start()
        zcp.wait()
        plsc.subcore_barrier()

        def body(i, carry):
            j = i * NBUF
            for b in range(NBUF):
                jj = j + b
                bn = (b + 2) % NBUF

                @pl.when(jj >= 1)
                def _():
                    scatter_cp(bn).wait()

                gather_cp(jj, b).wait()
                didx_cp(jj, b).wait()
                pltpu.async_copy(
                    rows_v.at[b], acc.at[dring.at[b, pl.ds(0, CHUNK)]],
                    ssem[b], add=True)

                @pl.when(jj + 3 < kc)
                def _():
                    sidx_cp(jj + 3, b).start()

                @pl.when(jj + 2 < kc)
                def _():
                    didx_cp(jj + 2, bn).start()
                    sidx_cp(jj + 2, bn).wait()
                    gather_cp(jj + 2, bn).start()
            return carry

        lax.fori_loop(0, kc // NBUF, body, 0)
        scatter_cp(2).wait()
        plsc.subcore_barrier()
        pltpu.sync_copy(acc.at[pl.ds(s * rpt, rpt)],
                        out_hbm.at[c, pl.ds(s * rpt, rpt)])

    return segsum


def _mlp1_body(x_ref, a0_ref, a1_ref, w_ref, b_ref, t_ref, stats_ref):
    hcols = t_ref.shape[1]
    hid = x_ref[...] + a0_ref[...] + a1_ref[...]
    t = jnp.dot(hid, w_ref[...], preferred_element_type=jnp.float32) + b_ref[...]
    t_ref[...] = t

    @pl.when(pl.program_id(0) == 0)
    def _():
        stats_ref[...] = jnp.zeros_like(stats_ref)

    sums = jnp.concatenate(
        [jnp.sum(t, axis=0, keepdims=True),
         jnp.sum(t * t, axis=0, keepdims=True),
         jnp.zeros((6, hcols), jnp.float32)],
        axis=0,
    )
    stats_ref[...] += sums


def _mlp1(x, a0, a1, w1, b1, n_rows):
    h = x.shape[1]
    h2 = w1.shape[1]
    grid = n_rows // ROW_BLK
    return pl.pallas_call(
        _mlp1_body,
        grid=(grid,),
        in_specs=[
            pl.BlockSpec((ROW_BLK, h), lambda i: (i, 0)),
            pl.BlockSpec((ROW_BLK, h), lambda i: (i, 0)),
            pl.BlockSpec((ROW_BLK, h), lambda i: (i, 0)),
            pl.BlockSpec((h, h2), lambda i: (0, 0)),
            pl.BlockSpec((1, h2), lambda i: (0, 0)),
        ],
        out_specs=[
            pl.BlockSpec((ROW_BLK, h2), lambda i: (i, 0)),
            pl.BlockSpec((8, h2), lambda i: (0, 0)),
        ],
        out_shape=[
            jax.ShapeDtypeStruct((n_rows, h2), jnp.float32),
            jax.ShapeDtypeStruct((8, h2), jnp.float32),
        ],
    )(x, a0, a1, w1, b1.reshape(1, h2))


def _mlp2_body(t_ref, stats_ref, g_ref, be_ref, w_ref, b_ref, o_ref,
               *, relu, n_rows, final):
    inv_n = 1.0 / n_rows
    m = stats_ref[0:1, :] * inv_n
    v = stats_ref[1:2, :] * inv_n - m * m
    scale = lax.rsqrt(v + 1e-5) * g_ref[...]
    hid = (t_ref[...] - m) * scale + be_ref[...]
    if relu:
        hid = jnp.maximum(hid, 0.0)
    o = jnp.dot(hid, w_ref[...], preferred_element_type=jnp.float32) + b_ref[...]
    o_ref[...] = o


def _mlp2_final_body(t_ref, stats_ref, g_ref, be_ref, w_ref, b_ref,
                     mean_ref, noise_ref, o_ref, *, n_rows):
    inv_n = 1.0 / n_rows
    m = stats_ref[0:1, :] * inv_n
    v = stats_ref[1:2, :] * inv_n - m * m
    scale = lax.rsqrt(v + 1e-5) * g_ref[...]
    hid = (t_ref[...] - m) * scale + be_ref[...]
    o = jnp.dot(hid, w_ref[...], preferred_element_type=jnp.float32) + b_ref[...]
    o_ref[...] = noise_ref[...] * jnp.exp(o) + mean_ref[...]


def _mlp1_dual_body(x_ref, a0_ref, a1_ref, wm_ref, bm_ref, wl_ref, bl_ref,
                    tm_ref, tl_ref, stats_ref):
    hcols = tm_ref.shape[1]
    hid = x_ref[...] + a0_ref[...] + a1_ref[...]
    tm = jnp.dot(hid, wm_ref[...], preferred_element_type=jnp.float32) + bm_ref[...]
    tl = jnp.dot(hid, wl_ref[...], preferred_element_type=jnp.float32) + bl_ref[...]
    tm_ref[...] = tm
    tl_ref[...] = tl

    @pl.when(pl.program_id(0) == 0)
    def _():
        stats_ref[...] = jnp.zeros_like(stats_ref)

    sums = jnp.concatenate(
        [jnp.sum(tm, axis=0, keepdims=True),
         jnp.sum(tm * tm, axis=0, keepdims=True),
         jnp.sum(tl, axis=0, keepdims=True),
         jnp.sum(tl * tl, axis=0, keepdims=True),
         jnp.zeros((4, hcols), jnp.float32)],
        axis=0,
    )
    stats_ref[...] += sums


def _mlp1_dual(x, a0, a1, wm, bm, wl, bl, n_rows):
    h = x.shape[1]
    h2 = wm.shape[1]
    grid = n_rows // ROW_BLK
    row = pl.BlockSpec((ROW_BLK, h), lambda i: (i, 0))
    mat = pl.BlockSpec((h, h2), lambda i: (0, 0))
    vec = pl.BlockSpec((1, h2), lambda i: (0, 0))
    return pl.pallas_call(
        _mlp1_dual_body,
        grid=(grid,),
        in_specs=[row, row, row, mat, vec, mat, vec],
        out_specs=[
            pl.BlockSpec((ROW_BLK, h2), lambda i: (i, 0)),
            pl.BlockSpec((ROW_BLK, h2), lambda i: (i, 0)),
            pl.BlockSpec((8, h2), lambda i: (0, 0)),
        ],
        out_shape=[
            jax.ShapeDtypeStruct((n_rows, h2), jnp.float32),
            jax.ShapeDtypeStruct((n_rows, h2), jnp.float32),
            jax.ShapeDtypeStruct((8, h2), jnp.float32),
        ],
    )(x, a0, a1, wm, bm.reshape(1, h2), wl, bl.reshape(1, h2))


def _mlp2_dual_final_body(tm_ref, tl_ref, stats_ref, gm_ref, bem_ref, wm_ref,
                          bm2_ref, gl_ref, bel_ref, wl_ref, bl2_ref,
                          noise_ref, o_ref, *, n_rows):
    inv_n = 1.0 / n_rows
    mm = stats_ref[0:1, :] * inv_n
    vm = stats_ref[1:2, :] * inv_n - mm * mm
    ml = stats_ref[2:3, :] * inv_n
    vl = stats_ref[3:4, :] * inv_n - ml * ml
    hm = (tm_ref[...] - mm) * (lax.rsqrt(vm + 1e-5) * gm_ref[...]) + bem_ref[...]
    hl = (tl_ref[...] - ml) * (lax.rsqrt(vl + 1e-5) * gl_ref[...]) + bel_ref[...]
    mean = jnp.dot(hm, wm_ref[...], preferred_element_type=jnp.float32) + bm2_ref[...]
    o = jnp.dot(hl, wl_ref[...], preferred_element_type=jnp.float32) + bl2_ref[...]
    o_ref[...] = noise_ref[...] * jnp.exp(o) + mean


def _mlp2_dual_final(tm, tl, stats, pm, plog, noise, n_rows):
    h2 = tm.shape[1]
    h = pm["W2"].shape[1]
    grid = n_rows // ROW_BLK
    rowt = pl.BlockSpec((ROW_BLK, h2), lambda i: (i, 0))
    mat = pl.BlockSpec((h2, h), lambda i: (0, 0))
    vec2 = pl.BlockSpec((1, h2), lambda i: (0, 0))
    vech = pl.BlockSpec((1, h), lambda i: (0, 0))
    return pl.pallas_call(
        functools.partial(_mlp2_dual_final_body, n_rows=n_rows),
        grid=(grid,),
        in_specs=[rowt, rowt, pl.BlockSpec((8, h2), lambda i: (0, 0)),
                  vec2, vec2, mat, vech, vec2, vec2, mat, vech,
                  pl.BlockSpec((ROW_BLK, h), lambda i: (i, 0))],
        out_specs=pl.BlockSpec((ROW_BLK, h), lambda i: (i, 0)),
        out_shape=jax.ShapeDtypeStruct((n_rows, h), jnp.float32),
    )(tm, tl, stats,
      pm["g"].reshape(1, h2), pm["be"].reshape(1, h2), pm["W2"],
      pm["b2"].reshape(1, h),
      plog["g"].reshape(1, h2), plog["be"].reshape(1, h2), plog["W2"],
      plog["b2"].reshape(1, h),
      noise)


def _mlp2(t, stats, g, be, w2, b2, relu, n_rows, mean=None, noise=None):
    h2 = t.shape[1]
    h = w2.shape[1]
    grid = n_rows // ROW_BLK
    in_specs = [
        pl.BlockSpec((ROW_BLK, h2), lambda i: (i, 0)),
        pl.BlockSpec((8, h2), lambda i: (0, 0)),
        pl.BlockSpec((1, h2), lambda i: (0, 0)),
        pl.BlockSpec((1, h2), lambda i: (0, 0)),
        pl.BlockSpec((h2, h), lambda i: (0, 0)),
        pl.BlockSpec((1, h), lambda i: (0, 0)),
    ]
    args = [t, stats, g.reshape(1, h2), be.reshape(1, h2), w2, b2.reshape(1, h)]
    if mean is None:
        body = functools.partial(_mlp2_body, relu=relu, n_rows=n_rows, final=False)
    else:
        body = functools.partial(_mlp2_final_body, n_rows=n_rows)
        in_specs += [
            pl.BlockSpec((ROW_BLK, h), lambda i: (i, 0)),
            pl.BlockSpec((ROW_BLK, h), lambda i: (i, 0)),
        ]
        args += [mean, noise]
    return pl.pallas_call(
        body,
        grid=(grid,),
        in_specs=in_specs,
        out_specs=pl.BlockSpec((ROW_BLK, h), lambda i: (i, 0)),
        out_shape=jax.ShapeDtypeStruct((n_rows, h), jnp.float32),
    )(*args)


def kernel(x, edge_index, gaussian_noise, params):
    n, h = x.shape
    e = edge_index.shape[1]
    acc_rows = ((n + NS * 8) // (NS * 8)) * (NS * 8)

    epp = -(-e // NS)
    e0 = (epp * F0_NUM) // F0_DEN
    k0 = -(-(-(-e0 // CHUNK)) // NBUF) * NBUF
    e1 = epp - e0
    k1 = -(-(-(-e1 // CHUNK)) // NBUF) * NBUF

    def slab(vals, fill, e_pt, k):
        v = vals.reshape(NS, e_pt)
        pad = jnp.broadcast_to(fill[:, None], (NS, k * CHUNK - e_pt))
        v = jnp.concatenate([v, pad], axis=1).reshape(NS, k, CHUNK)
        v = jnp.pad(v, ((0, 0), (0, k0 - k), (0, 128 - CHUNK)))
        return v

    def split(vals, fill):
        a = slab(vals[:NS * e0], fill, e0, k0)
        b = slab(vals[NS * e0:NS * epp], fill, e1, k1)
        return jnp.stack([a, b], axis=1).reshape(NW, k0, 128)

    ep = NS * epp
    src = split(jnp.concatenate(
        [edge_index[0], jnp.zeros((ep - e,), jnp.int32)]),
        jnp.zeros((NS,), jnp.int32))
    dst = split(jnp.concatenate(
        [edge_index[1], jnp.full((ep - e,), n, jnp.int32)]),
        n + jnp.arange(NS, dtype=jnp.int32))
    zeros = jnp.zeros((acc_rows, h), jnp.float32)

    segsum = _make_segsum(n, h, k0, k1, acc_rows)

    def gin_dense(h_in, parts, p, relu):
        t, stats = _mlp1(h_in, parts[0, :n], parts[1, :n], p["W1"], p["b1"], n)
        return _mlp2(t, stats, p["g"], p["be"], p["W2"], p["b2"], relu, n)

    p0 = segsum(x, src, dst, zeros)
    h0 = gin_dense(x, p0, params["c0"], True)
    p1 = segsum(h0, src, dst, zeros)
    h1 = gin_dense(h0, p1, params["c1"], True)
    p2 = segsum(h1, src, dst, zeros)
    pm, plog = params["c2"], params["c3"]
    tm, tl, st = _mlp1_dual(h1, p2[0, :n], p2[1, :n], pm["W1"], pm["b1"],
                            plog["W1"], plog["b1"], n)
    z = _mlp2_dual_final(tm, tl, st, pm, plog, gaussian_noise, n)
    return z

# --- scband reference (transcript-rebuilt; emitter-appended) ---
"""Pipeline reference for scband-vgae-17583596110491 (READ-ONLY COPY).

The authoritative reference and input builder live on the scoring server;
editing this copy changes nothing except your own understanding.
"""

import jax, jax.numpy as jnp
import numpy as np

N = 10000
E = 320000
D = 128
H = 128


def _mk_conv_params(key, d_in, d_hidden):
    k1, k2 = jax.random.split(key)
    return {
        "W1": jax.random.normal(k1, (d_in, 2 * d_hidden), dtype=jnp.float32) * 0.05,
        "b1": jnp.zeros((2 * d_hidden,), dtype=jnp.float32),
        "g": jnp.ones((2 * d_hidden,), dtype=jnp.float32),
        "be": jnp.zeros((2 * d_hidden,), dtype=jnp.float32),
        "W2": jax.random.normal(k2, (2 * d_hidden, d_hidden), dtype=jnp.float32) * 0.05,
        "b2": jnp.zeros((d_hidden,), dtype=jnp.float32),
    }


def setup_inputs(seed: int = 0) -> dict:
    key = jax.random.key(seed)
    ks = jax.random.split(key, 8)
    x = jax.random.normal(ks[0], (N, D), dtype=jnp.float32)
    edge_index = jax.random.randint(ks[1], (2, E), 0, N, dtype=jnp.int32)
    gaussian_noise = jax.random.normal(ks[2], (N, H), dtype=jnp.float32)
    params = {
        "c0": _mk_conv_params(ks[3], D, H),  # base_gcn (input dim = dim_node), ReLU MLP
        "c1": _mk_conv_params(ks[4], H, H),  # base_gcn2, ReLU MLP
        "c2": _mk_conv_params(ks[5], H, H),  # gcn_mean, no ReLU
        "c3": _mk_conv_params(ks[6], H, H),  # gcn_logstddev, no ReLU
    }
    return {"x": x, "edge_index": edge_index, "gaussian_noise": gaussian_noise, "params": params}


def _batchnorm_train(h, g, b):
    m = jnp.mean(h, axis=0)
    v = jnp.var(h, axis=0)
    return (h - m) / jnp.sqrt(v + 1e-5) * g + b


def _gin_conv(x, src, dst, p, use_relu):
    # GINConv: MLP((1+eps)*x + sum_{j in N(i)} x_j), eps=0 (default)
    agg = jax.ops.segment_sum(x[src], dst, num_segments=x.shape[0])
    h = x + agg
    h = h @ p["W1"] + p["b1"]
    h = _batchnorm_train(h, p["g"], p["be"])
    if use_relu:
        h = jax.nn.relu(h)
    h = h @ p["W2"] + p["b2"]
    return h


def reference(x, edge_index, gaussian_noise, params):
    src = edge_index[0]
    dst = edge_index[1]
    hidden = _gin_conv(x, src, dst, params["c0"], True)
    hidden = _gin_conv(hidden, src, dst, params["c1"], True)
    mean = _gin_conv(hidden, src, dst, params["c2"], False)
    logstd = _gin_conv(hidden, src, dst, params["c3"], False)
    sampled_z = gaussian_noise * jnp.exp(logstd) + mean
    return sampled_z

if __name__ == "__main__":
    import jax
    _d = setup_inputs()
    print(jax.jit(kernel)(*tuple(_d.values())))

</pallas_src>

<mosaic_0001>
#map = affine_map<(d0, d1) -> (0, 0)>
#map1 = affine_map<(d0, d1) -> (0, 0, 0)>
module attributes {stable_mosaic.version = 14 : i64} {
  func.func @segsum(%arg0: i32, %arg1: i32, %arg2: memref<10000x128xf32, #tpu.memory_space<hbm>>, %arg3: memref<32x114x128xi32, #tpu.memory_space<hbm>>, %arg4: memref<32x114x128xi32, #tpu.memory_space<hbm>>, %arg5: memref<10112x128xf32, #tpu.memory_space<hbm>>, %arg6: memref<2x10112x128xf32, #tpu.memory_space<hbm>>, %arg7: memref<8x128xi32, #tpu.memory_space<vmem>>, %arg8: memref<8x128xi32, #tpu.memory_space<vmem>>, %arg9: memref<3x120x128xf32, #tpu.memory_space<vmem>>, %arg10: memref<10112x128xf32, #tpu.memory_space<vmem_shared>>, %arg11: memref<!tpu.dma_semaphore, #tpu.memory_space<semaphore_mem>>, %arg12: memref<!tpu.dma_semaphore, #tpu.memory_space<semaphore_mem>>, %arg13: memref<!tpu.dma_semaphore, #tpu.memory_space<semaphore_mem>>, %arg14: memref<!tpu.dma_semaphore, #tpu.memory_space<semaphore_mem>>, %arg15: memref<!tpu.dma_semaphore, #tpu.memory_space<semaphore_mem>>, %arg16: memref<!tpu.dma_semaphore, #tpu.memory_space<semaphore_mem>>, %arg17: memref<!tpu.dma_semaphore, #tpu.memory_space<semaphore_mem>>, %arg18: memref<!tpu.dma_semaphore, #tpu.memory_space<semaphore_mem>>, %arg19: memref<!tpu.dma_semaphore, #tpu.memory_space<semaphore_mem>>, %arg20: memref<!tpu.dma_semaphore, #tpu.memory_space<semaphore_mem>>, %arg21: memref<!tpu.dma_semaphore, #tpu.memory_space<semaphore_mem>>, %arg22: memref<!tpu.dma_semaphore, #tpu.memory_space<semaphore_mem>>, %arg23: memref<!tpu.dma_semaphore, #tpu.memory_space<semaphore_mem>>) attributes {dimension_semantics = [#tpu.dimension_semantics<core_parallel>, #tpu.dimension_semantics<subcore_parallel>], iteration_bounds = array<i64: 2, 16>, scalar_prefetch = 0 : i64, scratch_operands = 17 : i64, tpu.core_type = #tpu.core_type<sc_vector_subcore>, window_params = [{transform_indices = #map}, {transform_indices = #map1}, {transform_indices = #map1}, {transform_indices = #map}, {transform_indices = #map1}]} {
    %mul3A = arith.constant 2 : i32
    %mul3A_0 = arith.muli %arg1, %mul3A : i32
    %add3A = arith.addi %mul3A_0, %arg0 : i32
    %eq3A = arith.constant 0 : i32
    %eq3A_1 = arith.cmpi eq, %arg0, %eq3A : i32
    %jit3A = arith.constant 114 : i32
    %jit3A_2 = arith.constant 54 : i32
    %select_n3A = arith.select %eq3A_1, %jit3A, %jit3A_2 : i32
    %mul3A_3 = arith.constant 632 : i32
    %mul3A_4 = arith.muli %arg1, %mul3A_3 : i32
    %mul3A_5 = arith.constant 632 : i32
    %mul3A_6 = arith.muli %arg1, %mul3A_5 : i32
    %dma_start3A = arith.constant 0 : i32
    %dma_start3A_7 = tpu.memref_slice %arg10[%mul3A_6, %dma_start3A] : memref<10112x128xf32, #tpu.memory_space<vmem_shared>> -> memref<632x128xf32, #tpu.memory_space<vmem_shared>>
    %dma_start3A_8 = arith.constant 0 : i32
    %dma_start3A_9 = tpu.memref_slice %arg5[%mul3A_4, %dma_start3A_8] : memref<10112x128xf32, #tpu.memory_space<hbm>> -> memref<632x128xf32, #tpu.memory_space<hbm>>
    tpu.enqueue_dma source(%dma_start3A_9 : memref<632x128xf32, #tpu.memory_space<hbm>>) target(%dma_start3A_7 : memref<632x128xf32, #tpu.memory_space<vmem_shared>>) target_semaphore(%arg23 : memref<!tpu.dma_semaphore, #tpu.memory_space<semaphore_mem>>)
    %dma_start3A_10 = arith.constant 0 : i32
    %dma_start3A_11 = arith.constant 0 : i32
    %dma_start3A_12 = arith.constant 0 : i32
    %dma_start3A_13 = tpu.memref_slice %arg7[%dma_start3A_11, %dma_start3A_12] : memref<8x128xi32, #tpu.memory_space<vmem>> -> memref<1x128xi32, #tpu.memory_space<vmem>>
    %dma_start3A_14 = tpu.memref_squeeze %dma_start3A_13 : memref<1x128xi32, #tpu.memory_space<vmem>> -> memref<128xi32, #tpu.memory_space<vmem>>
    %dma_start3A_15 = arith.constant 0 : i32
    %dma_start3A_16 = tpu.memref_slice %arg3[%add3A, %dma_start3A_10, %dma_start3A_15] : memref<32x114x128xi32, #tpu.memory_space<hbm>> -> memref<1x1x128xi32, #tpu.memory_space<hbm>>
    %dma_start3A_17 = tpu.memref_squeeze %dma_start3A_16 : memref<1x1x128xi32, #tpu.memory_space<hbm>> -> memref<128xi32, #tpu.memory_space<hbm>>
    %dma_start3A_18 = arith.constant 0 : i32
    %dma_start3A_19 = tpu.memref_slice %arg7[%dma_start3A_11, %dma_start3A_18] : memref<8x128xi32, #tpu.memory_space<vmem>> -> memref<1x128xi32, #tpu.memory_space<vmem>>
    %dma_start3A_20 = tpu.memref_squeeze %dma_start3A_19 : memref<1x128xi32, #tpu.memory_space<vmem>> -> memref<128xi32, #tpu.memory_space<vmem>>
    %dma_start3A_21 = arith.constant 0 : i32
    %dma_start3A_22 = tpu.memref_slice %arg3[%add3A, %dma_start3A_10, %dma_start3A_21] : memref<32x114x128xi32, #tpu.memory_space<hbm>> -> memref<1x1x128xi32, #tpu.memory_space<hbm>>
    %dma_start3A_23 = tpu.memref_squeeze %dma_start3A_22 : memref<1x1x128xi32, #tpu.memory_space<hbm>> -> memref<128xi32, #tpu.memory_space<hbm>>
    tpu.enqueue_dma source(%dma_start3A_23 : memref<128xi32, #tpu.memory_space<hbm>>) target(%dma_start3A_20 : memref<128xi32, #tpu.memory_space<vmem>>) target_semaphore(%arg20 : memref<!tpu.dma_semaphore, #tpu.memory_space<semaphore_mem>>)
    %dma_start3A_24 = arith.constant 1 : i32
    %dma_start3A_25 = arith.constant 1 : i32
    %dma_start3A_26 = arith.constant 0 : i32
    %dma_start3A_27 = tpu.memref_slice %arg7[%dma_start3A_25, %dma_start3A_26] : memref<8x128xi32, #tpu.memory_space<vmem>> -> memref<1x128xi32, #tpu.memory_space<vmem>>
    %dma_start3A_28 = tpu.memref_squeeze %dma_start3A_27 : memref<1x128xi32, #tpu.memory_space<vmem>> -> memref<128xi32, #tpu.memory_space<vmem>>
    %dma_start3A_29 = arith.constant 0 : i32
    %dma_start3A_30 = tpu.memref_slice %arg3[%add3A, %dma_start3A_24, %dma_start3A_29] : memref<32x114x128xi32, #tpu.memory_space<hbm>> -> memref<1x1x128xi32, #tpu.memory_space<hbm>>
    %dma_start3A_31 = tpu.memref_squeeze %dma_start3A_30 : memref<1x1x128xi32, #tpu.memory_space<hbm>> -> memref<128xi32, #tpu.memory_space<hbm>>
    %dma_start3A_32 = arith.constant 0 : i32
    %dma_start3A_33 = tpu.memref_slice %arg7[%dma_start3A_25, %dma_start3A_32] : memref<8x128xi32, #tpu.memory_space<vmem>> -> memref<1x128xi32, #tpu.memory_space<vmem>>
    %dma_start3A_34 = tpu.memref_squeeze %dma_start3A_33 : memref<1x128xi32, #tpu.memory_space<vmem>> -> memref<128xi32, #tpu.memory_space<vmem>>
    %dma_start3A_35 = arith.constant 0 : i32
    %dma_start3A_36 = tpu.memref_slice %arg3[%add3A, %dma_start3A_24, %dma_start3A_35] : memref<32x114x128xi32, #tpu.memory_space<hbm>> -> memref<1x1x128xi32, #tpu.memory_space<hbm>>
    %dma_start3A_37 = tpu.memref_squeeze %dma_start3A_36 : memref<1x1x128xi32, #tpu.memory_space<hbm>> -> memref<128xi32, #tpu.memory_space<hbm>>
    tpu.enqueue_dma source(%dma_start3A_37 : memref<128xi32, #tpu.memory_space<hbm>>) target(%dma_start3A_34 : memref<128xi32, #tpu.memory_space<vmem>>) target_semaphore(%arg21 : memref<!tpu.dma_semaphore, #tpu.memory_space<semaphore_mem>>)
    %dma_start3A_38 = arith.constant 2 : i32
    %dma_start3A_39 = arith.constant 2 : i32
    %dma_start3A_40 = arith.constant 0 : i32
    %dma_start3A_41 = tpu.memref_slice %arg7[%dma_start3A_39, %dma_start3A_40] : memref<8x128xi32, #tpu.memory_space<vmem>> -> memref<1x128xi32, #tpu.memory_space<vmem>>
    %dma_start3A_42 = tpu.memref_squeeze %dma_start3A_41 : memref<1x128xi32, #tpu.memory_space<vmem>> -> memref<128xi32, #tpu.memory_space<vmem>>
    %dma_start3A_43 = arith.constant 0 : i32
    %dma_start3A_44 = tpu.memref_slice %arg3[%add3A, %dma_start3A_38, %dma_start3A_43] : memref<32x114x128xi32, #tpu.memory_space<hbm>> -> memref<1x1x128xi32, #tpu.memory_space<hbm>>
    %dma_start3A_45 = tpu.memref_squeeze %dma_start3A_44 : memref<1x1x128xi32, #tpu.memory_space<hbm>> -> memref<128xi32, #tpu.memory_space<hbm>>
    %dma_start3A_46 = arith.constant 0 : i32
    %dma_start3A_47 = tpu.memref_slice %arg7[%dma_start3A_39, %dma_start3A_46] : memref<8x128xi32, #tpu.memory_space<vmem>> -> memref<1x128xi32, #tpu.memory_space<vmem>>
    %dma_start3A_48 = tpu.memref_squeeze %dma_start3A_47 : memref<1x128xi32, #tpu.memory_space<vmem>> -> memref<128xi32, #tpu.memory_space<vmem>>
    %dma_start3A_49 = arith.constant 0 : i32
    %dma_start3A_50 = tpu.memref_slice %arg3[%add3A, %dma_start3A_38, %dma_start3A_49] : memref<32x114x128xi32, #tpu.memory_space<hbm>> -> memref<1x1x128xi32, #tpu.memory_space<hbm>>
    %dma_start3A_51 = tpu.memref_squeeze %dma_start3A_50 : memref<1x1x128xi32, #tpu.memory_space<hbm>> -> memref<128xi32, #tpu.memory_space<hbm>>
    tpu.enqueue_dma source(%dma_start3A_51 : memref<128xi32, #tpu.memory_space<hbm>>) target(%dma_start3A_48 : memref<128xi32, #tpu.memory_space<vmem>>) target_semaphore(%arg22 : memref<!tpu.dma_semaphore, #tpu.memory_space<semaphore_mem>>)
    %dma_start3A_52 = arith.constant 0 : i32
    %dma_start3A_53 = arith.constant 0 : i32
    %dma_start3A_54 = arith.constant 0 : i32
    %dma_start3A_55 = tpu.memref_slice %arg8[%dma_start3A_53, %dma_start3A_54] : memref<8x128xi32, #tpu.memory_space<vmem>> -> memref<1x128xi32, #tpu.memory_space<vmem>>
    %dma_start3A_56 = tpu.memref_squeeze %dma_start3A_55 : memref<1x128xi32, #tpu.memory_space<vmem>> -> memref<128xi32, #tpu.memory_space<vmem>>
    %dma_start3A_57 = arith.constant 0 : i32
    %dma_start3A_58 = tpu.memref_slice %arg4[%add3A, %dma_start3A_52, %dma_start3A_57] : memref<32x114x128xi32, #tpu.memory_space<hbm>> -> memref<1x1x128xi32, #tpu.memory_space<hbm>>
    %dma_start3A_59 = tpu.memref_squeeze %dma_start3A_58 : memref<1x1x128xi32, #tpu.memory_space<hbm>> -> memref<128xi32, #tpu.memory_space<hbm>>
    %dma_start3A_60 = arith.constant 0 : i32
    %dma_start3A_61 = tpu.memref_slice %arg8[%dma_start3A_53, %dma_start3A_60] : memref<8x128xi32, #tpu.memory_space<vmem>> -> memref<1x128xi32, #tpu.memory_space<vmem>>
    %dma_start3A_62 = tpu.memref_squeeze %dma_start3A_61 : memref<1x128xi32, #tpu.memory_space<vmem>> -> memref<128xi32, #tpu.memory_space<vmem>>
    %dma_start3A_63 = arith.constant 0 : i32
    %dma_start3A_64 = tpu.memref_slice %arg4[%add3A, %dma_start3A_52, %dma_start3A_63] : memref<32x114x128xi32, #tpu.memory_space<hbm>> -> memref<1x1x128xi32, #tpu.memory_space<hbm>>
    %dma_start3A_65 = tpu.memref_squeeze %dma_start3A_64 : memref<1x1x128xi32, #tpu.memory_space<hbm>> -> memref<128xi32, #tpu.memory_space<hbm>>
    tpu.enqueue_dma source(%dma_start3A_65 : memref<128xi32, #tpu.memory_space<hbm>>) target(%dma_start3A_62 : memref<128xi32, #tpu.memory_space<vmem>>) target_semaphore(%arg17 : memref<!tpu.dma_semaphore, #tpu.memory_space<semaphore_mem>>)
    %dma_start3A_66 = arith.constant 1 : i32
    %dma_start3A_67 = arith.constant 1 : i32
    %dma_start3A_68 = arith.constant 0 : i32
    %dma_start3A_69 = tpu.memref_slice %arg8[%dma_start3A_67, %dma_start3A_68] : memref<8x128xi32, #tpu.memory_space<vmem>> -> memref<1x128xi32, #tpu.memory_space<vmem>>
    %dma_start3A_70 = tpu.memref_squeeze %dma_start3A_69 : memref<1x128xi32, #tpu.memory_space<vmem>> -> memref<128xi32, #tpu.memory_space<vmem>>
    %dma_start3A_71 = arith.constant 0 : i32
    %dma_start3A_72 = tpu.memref_slice %arg4[%add3A, %dma_start3A_66, %dma_start3A_71] : memref<32x114x128xi32, #tpu.memory_space<hbm>> -> memref<1x1x128xi32, #tpu.memory_space<hbm>>
    %dma_start3A_73 = tpu.memref_squeeze %dma_start3A_72 : memref<1x1x128xi32, #tpu.memory_space<hbm>> -> memref<128xi32, #tpu.memory_space<hbm>>
    %dma_start3A_74 = arith.constant 0 : i32
    %dma_start3A_75 = tpu.memref_slice %arg8[%dma_start3A_67, %dma_start3A_74] : memref<8x128xi32, #tpu.memory_space<vmem>> -> memref<1x128xi32, #tpu.memory_space<vmem>>
    %dma_start3A_76 = tpu.memref_squeeze %dma_start3A_75 : memref<1x128xi32, #tpu.memory_space<vmem>> -> memref<128xi32, #tpu.memory_space<vmem>>
    %dma_start3A_77 = arith.constant 0 : i32
    %dma_start3A_78 = tpu.memref_slice %arg4[%add3A, %dma_start3A_66, %dma_start3A_77] : memref<32x114x128xi32, #tpu.memory_space<hbm>> -> memref<1x1x128xi32, #tpu.memory_space<hbm>>
    %dma_start3A_79 = tpu.memref_squeeze %dma_start3A_78 : memref<1x1x128xi32, #tpu.memory_space<hbm>> -> memref<128xi32, #tpu.memory_space<hbm>>
    tpu.enqueue_dma source(%dma_start3A_79 : memref<128xi32, #tpu.memory_space<hbm>>) target(%dma_start3A_76 : memref<128xi32, #tpu.memory_space<vmem>>) target_semaphore(%arg18 : memref<!tpu.dma_semaphore, #tpu.memory_space<semaphore_mem>>)
    %dma_wait3A = arith.constant 0 : i32
    %dma_wait3A_80 = arith.constant 0 : i32
    %dma_wait3A_81 = arith.constant 0 : i32
    %dma_wait3A_82 = tpu.memref_slice %arg7[%dma_wait3A_80, %dma_wait3A_81] : memref<8x128xi32, #tpu.memory_space<vmem>> -> memref<1x128xi32, #tpu.memory_space<vmem>>
    %dma_wait3A_83 = tpu.memref_squeeze %dma_wait3A_82 : memref<1x128xi32, #tpu.memory_space<vmem>> -> memref<128xi32, #tpu.memory_space<vmem>>
    %dma_wait3A_84 = arith.constant 0 : i32
    %dma_wait3A_85 = tpu.memref_slice %arg3[%add3A, %dma_wait3A, %dma_wait3A_84] : memref<32x114x128xi32, #tpu.memory_space<hbm>> -> memref<1x1x128xi32, #tpu.memory_space<hbm>>
    %dma_wait3A_86 = tpu.memref_squeeze %dma_wait3A_85 : memref<1x1x128xi32, #tpu.memory_space<hbm>> -> memref<128xi32, #tpu.memory_space<hbm>>
    %dma_wait3A_87 = arith.constant 0 : i32
    %dma_wait3A_88 = tpu.memref_slice %arg7[%dma_wait3A_80, %dma_wait3A_87] : memref<8x128xi32, #tpu.memory_space<vmem>> -> memref<1x128xi32, #tpu.memory_space<vmem>>
    %dma_wait3A_89 = tpu.memref_squeeze %dma_wait3A_88 : memref<1x128xi32, #tpu.memory_space<vmem>> -> memref<128xi32, #tpu.memory_space<vmem>>
    %dma_wait3A_90 = arith.constant 0 : i32
    %dma_wait3A_91 = tpu.memref_slice %arg3[%add3A, %dma_wait3A, %dma_wait3A_90] : memref<32x114x128xi32, #tpu.memory_space<hbm>> -> memref<1x1x128xi32, #tpu.memory_space<hbm>>
    %dma_wait3A_92 = tpu.memref_squeeze %dma_wait3A_91 : memref<1x1x128xi32, #tpu.memory_space<hbm>> -> memref<128xi32, #tpu.memory_space<hbm>>
    tpu.wait_dma2 semaphore(%arg20 : memref<!tpu.dma_semaphore, #tpu.memory_space<semaphore_mem>>) src(%dma_wait3A_92 : memref<128xi32, #tpu.memory_space<hbm>>) dst(%dma_wait3A_89 : memref<128xi32, #tpu.memory_space<vmem>>)
    %dma_start3A_93 = arith.constant 0 : i32
    %dma_start3A_94 = arith.constant 0 : i32
    %dma_start3A_95 = arith.constant 0 : i32
    %dma_start3A_96 = arith.constant 0 : i32
    %dma_start3A_97 = tpu.memref_slice %arg9[%dma_start3A_94, %dma_start3A_95, %dma_start3A_96] : memref<3x120x128xf32, #tpu.memory_space<vmem>> -> memref<1x120x128xf32, #tpu.memory_space<vmem>>
    %dma_start3A_98 = tpu.memref_squeeze %dma_start3A_97 : memref<1x120x128xf32, #tpu.memory_space<vmem>> -> memref<120x128xf32, #tpu.memory_space<vmem>>
    %dma_start3A_99 = arith.constant 0 : i32
    %dma_start3A_100 = tpu.memref_slice %arg7[%dma_start3A_93, %dma_start3A_99] : memref<8x128xi32, #tpu.memory_space<vmem>> -> memref<1x120xi32, #tpu.memory_space<vmem>>
    %dma_start3A_101 = tpu.memref_squeeze %dma_start3A_100 : memref<1x120xi32, #tpu.memory_space<vmem>> -> memref<120xi32, #tpu.memory_space<vmem>>
    %dma_start3A_102 = arith.constant 0 : i32
    %dma_start3A_103 = arith.constant 0 : i32
    %dma_start3A_104 = tpu.memref_slice %arg2[%dma_start3A_102, %dma_start3A_103] : memref<10000x128xf32, #tpu.memory_space<hbm>> -> memref<10000x128xf32, #tpu.memory_space<hbm>>
    tpu.enqueue_indirect_dma source(%dma_start3A_104 : memref<10000x128xf32, #tpu.memory_space<hbm>>) target(%dma_start3A_98 : memref<120x128xf32, #tpu.memory_space<vmem>>) offsets(%dma_start3A_101 : memref<120xi32, #tpu.memory_space<vmem>>) semaphore(%arg11 : memref<!tpu.dma_semaphore, #tpu.memory_space<semaphore_mem>>)
    %dma_wait3A_105 = arith.constant 1 : i32
    %dma_wait3A_106 = arith.constant 1 : i32
    %dma_wait3A_107 = arith.constant 0 : i32
    %dma_wait3A_108 = tpu.memref_slice %arg7[%dma_wait3A_106, %dma_wait3A_107] : memref<8x128xi32, #tpu.memory_space<vmem>> -> memref<1x128xi32, #tpu.memory_space<vmem>>
    %dma_wait3A_109 = tpu.memref_squeeze %dma_wait3A_108 : memref<1x128xi32, #tpu.memory_space<vmem>> -> memref<128xi32, #tpu.memory_space<vmem>>
    %dma_wait3A_110 = arith.constant 0 : i32
    %dma_wait3A_111 = tpu.memref_slice %arg3[%add3A, %dma_wait3A_105, %dma_wait3A_110] : memref<32x114x128xi32, #tpu.memory_space<hbm>> -> memref<1x1x128xi32, #tpu.memory_space<hbm>>
    %dma_wait3A_112 = tpu.memref_squeeze %dma_wait3A_111 : memref<1x1x128xi32, #tpu.memory_space<hbm>> -> memref<128xi32, #tpu.memory_space<hbm>>
    %dma_wait3A_113 = arith.constant 0 : i32
    %dma_wait3A_114 = tpu.memref_slice %arg7[%dma_wait3A_106, %dma_wait3A_113] : memref<8x128xi32, #tpu.memory_space<vmem>> -> memref<1x128xi32, #tpu.memory_space<vmem>>
    %dma_wait3A_115 = tpu.memref_squeeze %dma_wait3A_114 : memref<1x128xi32, #tpu.memory_space<vmem>> -> memref<128xi32, #tpu.memory_space<vmem>>
    %dma_wait3A_116 = arith.constant 0 : i32
    %dma_wait3A_117 = tpu.memref_slice %arg3[%add3A, %dma_wait3A_105, %dma_wait3A_116] : memref<32x114x128xi32, #tpu.memory_space<hbm>> -> memref<1x1x128xi32, #tpu.memory_space<hbm>>
    %dma_wait3A_118 = tpu.memref_squeeze %dma_wait3A_117 : memref<1x1x128xi32, #tpu.memory_space<hbm>> -> memref<128xi32, #tpu.memory_space<hbm>>
    tpu.wait_dma2 semaphore(%arg21 : memref<!tpu.dma_semaphore, #tpu.memory_space<semaphore_mem>>) src(%dma_wait3A_118 : memref<128xi32, #tpu.memory_space<hbm>>) dst(%dma_wait3A_115 : memref<128xi32, #tpu.memory_space<vmem>>)
    %dma_start3A_119 = arith.constant 1 : i32
    %dma_start3A_120 = arith.constant 1 : i32
    %dma_start3A_121 = arith.constant 0 : i32
    %dma_start3A_122 = arith.constant 0 : i32
    %dma_start3A_123 = tpu.memref_slice %arg9[%dma_start3A_120, %dma_start3A_121, %dma_start3A_122] : memref<3x120x128xf32, #tpu.memory_space<vmem>> -> memref<1x120x128xf32, #tpu.memory_space<vmem>>
    %dma_start3A_124 = tpu.memref_squeeze %dma_start3A_123 : memref<1x120x128xf32, #tpu.memory_space<vmem>> -> memref<120x128xf32, #tpu.memory_space<vmem>>
    %dma_start3A_125 = arith.constant 0 : i32
    %dma_start3A_126 = tpu.memref_slice %arg7[%dma_start3A_119, %dma_start3A_125] : memref<8x128xi32, #tpu.memory_space<vmem>> -> memref<1x120xi32, #tpu.memory_space<vmem>>
    %dma_start3A_127 = tpu.memref_squeeze %dma_start3A_126 : memref<1x120xi32, #tpu.memory_space<vmem>> -> memref<120xi32, #tpu.memory_space<vmem>>
    %dma_start3A_128 = arith.constant 0 : i32
    %dma_start3A_129 = arith.constant 0 : i32
    %dma_start3A_130 = tpu.memref_slice %arg2[%dma_start3A_128, %dma_start3A_129] : memref<10000x128xf32, #tpu.memory_space<hbm>> -> memref<10000x128xf32, #tpu.memory_space<hbm>>
    tpu.enqueue_indirect_dma source(%dma_start3A_130 : memref<10000x128xf32, #tpu.memory_space<hbm>>) target(%dma_start3A_124 : memref<120x128xf32, #tpu.memory_space<vmem>>) offsets(%dma_start3A_127 : memref<120xi32, #tpu.memory_space<vmem>>) semaphore(%arg12 : memref<!tpu.dma_semaphore, #tpu.memory_space<semaphore_mem>>)
    %dma_wait3A_131 = arith.constant 0 : i32
    %dma_wait3A_132 = tpu.memref_slice %arg10[%mul3A_6, %dma_wait3A_131] : memref<10112x128xf32, #tpu.memory_space<vmem_shared>> -> memref<632x128xf32, #tpu.memory_space<vmem_shared>>
    %dma_wait3A_133 = arith.constant 0 : i32
    %dma_wait3A_134 = tpu.memref_slice %arg5[%mul3A_4, %dma_wait3A_133] : memref<10112x128xf32, #tpu.memory_space<hbm>> -> memref<632x128xf32, #tpu.memory_space<hbm>>
    tpu.wait_dma2 semaphore(%arg23 : memref<!tpu.dma_semaphore, #tpu.memory_space<semaphore_mem>>) src(%dma_wait3A_134 : memref<632x128xf32, #tpu.memory_space<hbm>>) dst(%dma_wait3A_132 : memref<632x128xf32, #tpu.memory_space<vmem_shared>>)
    %barrier3A = arith.constant 0 : index
    tpu.barrier barrier_id(%barrier3A)
    %jit3A_135 = arith.constant 3 : i32
    %div3A = arith.divsi %select_n3A, %jit3A_135 : i32
    %sign3A = arith.constant 0 : i32
    %sign3A_136 = arith.cmpi sgt, %select_n3A, %sign3A : i32
    %sign3A_137 = arith.extui %sign3A_136 : i1 to i32
    %sign3A_138 = arith.constant 0 : i32
    %sign3A_139 = arith.cmpi slt, %select_n3A, %sign3A_138 : i32
    %sign3A_140 = arith.extui %sign3A_139 : i1 to i32
    %sign3A_141 = arith.subi %sign3A_137, %sign3A_140 : i32
    %sign3A_142 = arith.constant 0 : i32
    %sign3A_143 = arith.cmpi sgt, %jit3A_135, %sign3A_142 : i32
    %sign3A_144 = arith.extui %sign3A_143 : i1 to i32
    %sign3A_145 = arith.constant 0 : i32
    %sign3A_146 = arith.cmpi slt, %jit3A_135, %sign3A_145 : i32
    %sign3A_147 = arith.extui %sign3A_146 : i1 to i32
    %sign3A_148 = arith.subi %sign3A_144, %sign3A_147 : i32
    %ne3A = arith.cmpi ne, %sign3A_141, %sign3A_148 : i32
    %rem3A = arith.remsi %select_n3A, %jit3A_135 : i32
    %ne3A_149 = arith.constant 0 : i32
    %ne3A_150 = arith.cmpi ne, %rem3A, %ne3A_149 : i32
    %and3A = arith.andi %ne3A, %ne3A_150 : i1
    %sub3A = arith.constant 1 : i32
    %sub3A_151 = arith.subi %div3A, %sub3A : i32
    %select_n3A_152 = arith.select %and3A, %sub3A_151, %div3A : i32
    %while3A = arith.constant 0 : i32
    %while3A_153 = arith.constant 0 : i32
    %while3A_154 = arith.subi %select_n3A_152, %while3A_153 : i32
    %while3A_155 = arith.addi %while3A_153, %while3A_154 : i32
    %while3A_156 = arith.constant 1 : i32
    %while3A_157 = arith.divsi %while3A_154, %while3A_156 : i32
    %while3A_158 = arith.muli %while3A_157, %while3A_156 : i32
    %while3A_159 = arith.addi %while3A_153, %while3A_158 : i32
    %while3A_160 = arith.constant 1 : i32
    scf.for %while3A_179 = %while3A_153 to %while3A_159 step %while3A_160  : i32 {
      %mul3A_180 = arith.constant 3 : i32
      %mul3A_181 = arith.muli %while3A_179, %mul3A_180 : i32
      %add3A_182 = arith.constant 0 : i32
      %add3A_183 = arith.addi %mul3A_181, %add3A_182 : i32
      %ge3A = arith.constant 1 : i32
      %ge3A_184 = arith.cmpi sge, %add3A_183, %ge3A : i32
      %convert_element_type3A = arith.extui %ge3A_184 : i1 to i32
      %cond3A = arith.constant 0 : i32
      %cond3A_185 = arith.cmpi ne, %convert_element_type3A, %cond3A : i32
      scf.if %cond3A_185 {
        %dma_wait3A_346 = arith.constant 2 : i32
        %dma_wait3A_347 = arith.constant 2 : i32
        %dma_wait3A_348 = arith.constant 0 : i32
        %dma_wait3A_349 = arith.constant 0 : i32
        %dma_wait3A_350 = tpu.memref_slice %arg9[%dma_wait3A_346, %dma_wait3A_348, %dma_wait3A_349] : memref<3x120x128xf32, #tpu.memory_space<vmem>> -> memref<1x120x128xf32, #tpu.memory_space<vmem>>
        %dma_wait3A_351 = tpu.memref_squeeze %dma_wait3A_350 : memref<1x120x128xf32, #tpu.memory_space<vmem>> -> memref<120x128xf32, #tpu.memory_space<vmem>>
        %dma_wait3A_352 = arith.constant 0 : i32
        %dma_wait3A_353 = tpu.memref_slice %arg8[%dma_wait3A_347, %dma_wait3A_352] : memref<8x128xi32, #tpu.memory_space<vmem>> -> memref<1x120xi32, #tpu.memory_space<vmem>>
        %dma_wait3A_354 = tpu.memref_squeeze %dma_wait3A_353 : memref<1x120xi32, #tpu.memory_space<vmem>> -> memref<120xi32, #tpu.memory_space<vmem>>
        %dma_wait3A_355 = arith.constant 0 : i32
        %dma_wait3A_356 = arith.constant 0 : i32
        %dma_wait3A_357 = tpu.memref_slice %arg10[%dma_wait3A_355, %dma_wait3A_356] : memref<10112x128xf32, #tpu.memory_space<vmem_shared>> -> memref<10112x128xf32, #tpu.memory_space<vmem_shared>>
        tpu.wait_indirect_dma semaphore(%arg16 : memref<!tpu.dma_semaphore, #tpu.memory_space<semaphore_mem>>) src(%dma_wait3A_351 : memref<120x128xf32, #tpu.memory_space<vmem>>) dst(%dma_wait3A_357 : memref<10112x128xf32, #tpu.memory_space<vmem_shared>>)
      } else {
      }
      %dma_wait3A_186 = arith.constant 0 : i32
      %dma_wait3A_187 = arith.constant 0 : i32
      %dma_wait3A_188 = arith.constant 0 : i32
      %dma_wait3A_189 = arith.constant 0 : i32
      %dma_wait3A_190 = tpu.memref_slice %arg9[%dma_wait3A_187, %dma_wait3A_188, %dma_wait3A_189] : memref<3x120x128xf32, #tpu.memory_space<vmem>> -> memref<1x120x128xf32, #tpu.memory_space<vmem>>
      %dma_wait3A_191 = tpu.memref_squeeze %dma_wait3A_190 : memref<1x120x128xf32, #tpu.memory_space<vmem>> -> memref<120x128xf32, #tpu.memory_space<vmem>>
      %dma_wait3A_192 = arith.constant 0 : i32
      %dma_wait3A_193 = tpu.memref_slice %arg7[%dma_wait3A_186, %dma_wait3A_192] : memref<8x128xi32, #tpu.memory_space<vmem>> -> memref<1x120xi32, #tpu.memory_space<vmem>>
      %dma_wait3A_194 = tpu.memref_squeeze %dma_wait3A_193 : memref<1x120xi32, #tpu.memory_space<vmem>> -> memref<120xi32, #tpu.memory_space<vmem>>
      %dma_wait3A_195 = arith.constant 0 : i32
      %dma_wait3A_196 = arith.constant 0 : i32
      %dma_wait3A_197 = tpu.memref_slice %arg2[%dma_wait3A_195, %dma_wait3A_196] : memref<10000x128xf32, #tpu.memory_space<hbm>> -> memref<10000x128xf32, #tpu.memory_space<hbm>>
      tpu.wait_indirect_dma semaphore(%arg11 : memref<!tpu.dma_semaphore, #tpu.memory_space<semaphore_mem>>) src(%dma_wait3A_197 : memref<10000x128xf32, #tpu.memory_space<hbm>>) dst(%dma_wait3A_191 : memref<120x128xf32, #tpu.memory_space<vmem>>)
      %dma_wait3A_198 = arith.constant 0 : i32
      %dma_wait3A_199 = arith.constant 0 : i32
      %dma_wait3A_200 = tpu.memref_slice %arg8[%dma_wait3A_198, %dma_wait3A_199] : memref<8x128xi32, #tpu.memory_space<vmem>> -> memref<1x128xi32, #tpu.memory_space<vmem>>
      %dma_wait3A_201 = tpu.memref_squeeze %dma_wait3A_200 : memref<1x128xi32, #tpu.memory_space<vmem>> -> memref<128xi32, #tpu.memory_space<vmem>>
      %dma_wait3A_202 = arith.constant 0 : i32
      %dma_wait3A_203 = tpu.memref_slice %arg4[%add3A, %add3A_183, %dma_wait3A_202] : memref<32x114x128xi32, #tpu.memory_space<hbm>> -> memref<1x1x128xi32, #tpu.memory_space<hbm>>
      %dma_wait3A_204 = tpu.memref_squeeze %dma_wait3A_203 : memref<1x1x128xi32, #tpu.memory_space<hbm>> -> memref<128xi32, #tpu.memory_space<hbm>>
      %dma_wait3A_205 = arith.constant 0 : i32
      %dma_wait3A_206 = tpu.memref_slice %arg8[%dma_wait3A_198, %dma_wait3A_205] : memref<8x128xi32, #tpu.memory_space<vmem>> -> memref<1x128xi32, #tpu.memory_space<vmem>>
      %dma_wait3A_207 = tpu.memref_squeeze %dma_wait3A_206 : memref<1x128xi32, #tpu.memory_space<vmem>> -> memref<128xi32, #tpu.memory_space<vmem>>
      %dma_wait3A_208 = arith.constant 0 : i32
      %dma_wait3A_209 = tpu.memref_slice %arg4[%add3A, %add3A_183, %dma_wait3A_208] : memref<32x114x128xi32, #tpu.memory_space<hbm>> -> memref<1x1x128xi32, #tpu.memory_space<hbm>>
      %dma_wait3A_210 = tpu.memref_squeeze %dma_wait3A_209 : memref<1x1x128xi32, #tpu.memory_space<hbm>> -> memref<128xi32, #tpu.memory_space<hbm>>
      tpu.wait_dma2 semaphore(%arg17 : memref<!tpu.dma_semaphore, #tpu.memory_space<semaphore_mem>>) src(%dma_wait3A_210 : memref<128xi32, #tpu.memory_space<hbm>>) dst(%dma_wait3A_207 : memref<128xi32, #tpu.memory_space<vmem>>)
      %dma_start3A_211 = arith.constant 0 : i32
      %dma_start3A_212 = arith.constant 0 : i32
      %dma_start3A_213 = arith.constant 0 : i32
      %dma_start3A_214 = arith.constant 0 : i32
      %dma_start3A_215 = tpu.memref_slice %arg9[%dma_start3A_211, %dma_start3A_213, %dma_start3A_214] : memref<3x120x128xf32, #tpu.memory_space<vmem>> -> memref<1x120x128xf32, #tpu.memory_space<vmem>>
      %dma_start3A_216 = tpu.memref_squeeze %dma_start3A_215 : memref<1x120x128xf32, #tpu.memory_space<vmem>> -> memref<120x128xf32, #tpu.memory_space<vmem>>
      %dma_start3A_217 = arith.constant 0 : i32
      %dma_start3A_218 = tpu.memref_slice %arg8[%dma_start3A_212, %dma_start3A_217] : memref<8x128xi32, #tpu.memory_space<vmem>> -> memref<1x120xi32, #tpu.memory_space<vmem>>
      %dma_start3A_219 = tpu.memref_squeeze %dma_start3A_218 : memref<1x120xi32, #tpu.memory_space<vmem>> -> memref<120xi32, #tpu.memory_space<vmem>>
      %dma_start3A_220 = arith.constant 0 : i32
      %dma_start3A_221 = arith.constant 0 : i32
      %dma_start3A_222 = tpu.memref_slice %arg10[%dma_start3A_220, %dma_start3A_221] : memref<10112x128xf32, #tpu.memory_space<vmem_shared>> -> memref<10112x128xf32, #tpu.memory_space<vmem_shared>>
      tpu.enqueue_indirect_dma source(%dma_start3A_216 : memref<120x128xf32, #tpu.memory_space<vmem>>) target(%dma_start3A_222 : memref<10112x128xf32, #tpu.memory_space<vmem_shared>>) offsets(%dma_start3A_219 : memref<120xi32, #tpu.memory_space<vmem>>) semaphore(%arg14 : memref<!tpu.dma_semaphore, #tpu.memory_space<semaphore_mem>>) {add = true}
      %add3A_223 = arith.constant 3 : i32
      %add3A_224 = arith.addi %add3A_183, %add3A_223 : i32
      %lt3A = arith.cmpi slt, %add3A_224, %select_n3A : i32
      %convert_element_type3A_225 = arith.extui %lt3A : i1 to i32
      %cond3A_226 = arith.constant 0 : i32
      %cond3A_227 = arith.cmpi ne, %convert_element_type3A_225, %cond3A_226 : i32
      scf.if %cond3A_227 {
        %add3A_346 = arith.constant 3 : i32
        %add3A_347 = arith.addi %add3A_183, %add3A_346 : i32
        %dma_start3A_348 = arith.constant 0 : i32
        %dma_start3A_349 = arith.constant 0 : i32
        %dma_start3A_350 = tpu.memref_slice %arg7[%dma_start3A_348, %dma_start3A_349] : memref<8x128xi32, #tpu.memory_space<vmem>> -> memref<1x128xi32, #tpu.memory_space<vmem>>
        %dma_start3A_351 = tpu.memref_squeeze %dma_start3A_350 : memref<1x128xi32, #tpu.memory_space<vmem>> -> memref<128xi32, #tpu.memory_space<vmem>>
        %dma_start3A_352 = arith.constant 0 : i32
        %dma_start3A_353 = tpu.memref_slice %arg3[%add3A, %add3A_347, %dma_start3A_352] : memref<32x114x128xi32, #tpu.memory_space<hbm>> -> memref<1x1x128xi32, #tpu.memory_space<hbm>>
        %dma_start3A_354 = tpu.memref_squeeze %dma_start3A_353 : memref<1x1x128xi32, #tpu.memory_space<hbm>> -> memref<128xi32, #tpu.memory_space<hbm>>
        %dma_start3A_355 = arith.constant 0 : i32
        %dma_start3A_356 = tpu.memref_slice %arg7[%dma_start3A_348, %dma_start3A_355] : memref<8x128xi32, #tpu.memory_space<vmem>> -> memref<1x128xi32, #tpu.memory_space<vmem>>
        %dma_start3A_357 = tpu.memref_squeeze %dma_start3A_356 : memref<1x128xi32, #tpu.memory_space<vmem>> -> memref<128xi32, #tpu.memory_space<vmem>>
        %dma_start3A_358 = arith.constant 0 : i32
        %dma_start3A_359 = tpu.memref_slice %arg3[%add3A, %add3A_347, %dma_start3A_358] : memref<32x114x128xi32, #tpu.memory_space<hbm>> -> memref<1x1x128xi32, #tpu.memory_space<hbm>>
        %dma_start3A_360 = tpu.memref_squeeze %dma_start3A_359 : memref<1x1x128xi32, #tpu.memory_space<hbm>> -> memref<128xi32, #tpu.memory_space<hbm>>
        tpu.enqueue_dma source(%dma_start3A_360 : memref<128xi32, #tpu.memory_space<hbm>>) target(%dma_start3A_357 : memref<128xi32, #tpu.memory_space<vmem>>) target_semaphore(%arg20 : memref<!tpu.dma_semaphore, #tpu.memory_space<semaphore_mem>>)
      } else {
      }
      %add3A_228 = arith.constant 2 : i32
      %add3A_229 = arith.addi %add3A_183, %add3A_228 : i32
      %lt3A_230 = arith.cmpi slt, %add3A_229, %select_n3A : i32
      %convert_element_type3A_231 = arith.extui %lt3A_230 : i1 to i32
      %cond3A_232 = arith.constant 0 : i32
      %cond3A_233 = arith.cmpi ne, %convert_element_type3A_231, %cond3A_232 : i32
      scf.if %cond3A_233 {
        %add3A_346 = arith.constant 2 : i32
        %add3A_347 = arith.addi %add3A_183, %add3A_346 : i32
        %dma_start3A_348 = arith.constant 2 : i32
        %dma_start3A_349 = arith.constant 0 : i32
        %dma_start3A_350 = tpu.memref_slice %arg8[%dma_start3A_348, %dma_start3A_349] : memref<8x128xi32, #tpu.memory_space<vmem>> -> memref<1x128xi32, #tpu.memory_space<vmem>>
        %dma_start3A_351 = tpu.memref_squeeze %dma_start3A_350 : memref<1x128xi32, #tpu.memory_space<vmem>> -> memref<128xi32, #tpu.memory_space<vmem>>
        %dma_start3A_352 = arith.constant 0 : i32
        %dma_start3A_353 = tpu.memref_slice %arg4[%add3A, %add3A_347, %dma_start3A_352] : memref<32x114x128xi32, #tpu.memory_space<hbm>> -> memref<1x1x128xi32, #tpu.memory_space<hbm>>
        %dma_start3A_354 = tpu.memref_squeeze %dma_start3A_353 : memref<1x1x128xi32, #tpu.memory_space<hbm>> -> memref<128xi32, #tpu.memory_space<hbm>>
        %dma_start3A_355 = arith.constant 0 : i32
        %dma_start3A_356 = tpu.memref_slice %arg8[%dma_start3A_348, %dma_start3A_355] : memref<8x128xi32, #tpu.memory_space<vmem>> -> memref<1x128xi32, #tpu.memory_space<vmem>>
        %dma_start3A_357 = tpu.memref_squeeze %dma_start3A_356 : memref<1x128xi32, #tpu.memory_space<vmem>> -> memref<128xi32, #tpu.memory_space<vmem>>
        %dma_start3A_358 = arith.constant 0 : i32
        %dma_start3A_359 = tpu.memref_slice %arg4[%add3A, %add3A_347, %dma_start3A_358] : memref<32x114x128xi32, #tpu.memory_space<hbm>> -> memref<1x1x128xi32, #tpu.memory_space<hbm>>
        %dma_start3A_360 = tpu.memref_squeeze %dma_start3A_359 : memref<1x1x128xi32, #tpu.memory_space<hbm>> -> memref<128xi32, #tpu.memory_space<hbm>>
        tpu.enqueue_dma source(%dma_start3A_360 : memref<128xi32, #tpu.memory_space<hbm>>) target(%dma_start3A_357 : memref<128xi32, #tpu.memory_space<vmem>>) target_semaphore(%arg19 : memref<!tpu.dma_semaphore, #tpu.memory_space<semaphore_mem>>)
        %add3A_361 = arith.constant 2 : i32
        %add3A_362 = arith.addi %add3A_183, %add3A_361 : i32
        %dma_wait3A_363 = arith.constant 2 : i32
        %dma_wait3A_364 = arith.constant 0 : i32
        %dma_wait3A_365 = tpu.memref_slice %arg7[%dma_wait3A_363, %dma_wait3A_364] : memref<8x128xi32, #tpu.memory_space<vmem>> -> memref<1x128xi32, #tpu.memory_space<vmem>>
        %dma_wait3A_366 = tpu.memref_squeeze %dma_wait3A_365 : memref<1x128xi32, #tpu.memory_space<vmem>> -> memref<128xi32, #tpu.memory_space<vmem>>
        %dma_wait3A_367 = arith.constant 0 : i32
        %dma_wait3A_368 = tpu.memref_slice %arg3[%add3A, %add3A_362, %dma_wait3A_367] : memref<32x114x128xi32, #tpu.memory_space<hbm>> -> memref<1x1x128xi32, #tpu.memory_space<hbm>>
        %dma_wait3A_369 = tpu.memref_squeeze %dma_wait3A_368 : memref<1x1x128xi32, #tpu.memory_space<hbm>> -> memref<128xi32, #tpu.memory_space<hbm>>
        %dma_wait3A_370 = arith.constant 0 : i32
        %dma_wait3A_371 = tpu.memref_slice %arg7[%dma_wait3A_363, %dma_wait3A_370] : memref<8x128xi32, #tpu.memory_space<vmem>> -> memref<1x128xi32, #tpu.memory_space<vmem>>
        %dma_wait3A_372 = tpu.memref_squeeze %dma_wait3A_371 : memref<1x128xi32, #tpu.memory_space<vmem>> -> memref<128xi32, #tpu.memory_space<vmem>>
        %dma_wait3A_373 = arith.constant 0 : i32
        %dma_wait3A_374 = tpu.memref_slice %arg3[%add3A, %add3A_362, %dma_wait3A_373] : memref<32x114x128xi32, #tpu.memory_space<hbm>> -> memref<1x1x128xi32, #tpu.memory_space<hbm>>
        %dma_wait3A_375 = tpu.memref_squeeze %dma_wait3A_374 : memref<1x1x128xi32, #tpu.memory_space<hbm>> -> memref<128xi32, #tpu.memory_space<hbm>>
        tpu.wait_dma2 semaphore(%arg22 : memref<!tpu.dma_semaphore, #tpu.memory_space<semaphore_mem>>) src(%dma_wait3A_375 : memref<128xi32, #tpu.memory_space<hbm>>) dst(%dma_wait3A_372 : memref<128xi32, #tpu.memory_space<vmem>>)
        %add3A_376 = arith.constant 2 : i32
        %add3A_377 = arith.addi %add3A_183, %add3A_376 : i32
        %dma_start3A_378 = arith.constant 2 : i32
        %dma_start3A_379 = arith.constant 2 : i32
        %dma_start3A_380 = arith.constant 0 : i32
        %dma_start3A_381 = arith.constant 0 : i32
        %dma_start3A_382 = tpu.memref_slice %arg9[%dma_start3A_379, %dma_start3A_380, %dma_start3A_381] : memref<3x120x128xf32, #tpu.memory_space<vmem>> -> memref<1x120x128xf32, #tpu.memory_space<vmem>>
        %dma_start3A_383 = tpu.memref_squeeze %dma_start3A_382 : memref<1x120x128xf32, #tpu.memory_space<vmem>> -> memref<120x128xf32, #tpu.memory_space<vmem>>
        %dma_start3A_384 = arith.constant 0 : i32
        %dma_start3A_385 = tpu.memref_slice %arg7[%dma_start3A_378, %dma_start3A_384] : memref<8x128xi32, #tpu.memory_space<vmem>> -> memref<1x120xi32, #tpu.memory_space<vmem>>
        %dma_start3A_386 = tpu.memref_squeeze %dma_start3A_385 : memref<1x120xi32, #tpu.memory_space<vmem>> -> memref<120xi32, #tpu.memory_space<vmem>>
        %dma_start3A_387 = arith.constant 0 : i32
        %dma_start3A_388 = arith.constant 0 : i32
        %dma_start3A_389 = tpu.memref_slice %arg2[%dma_start3A_387, %dma_start3A_388] : memref<10000x128xf32, #tpu.memory_space<hbm>> -> memref<10000x128xf32, #tpu.memory_space<hbm>>
        tpu.enqueue_indirect_dma source(%dma_start3A_389 : memref<10000x128xf32, #tpu.memory_space<hbm>>) target(%dma_start3A_383 : memref<120x128xf32, #tpu.memory_space<vmem>>) offsets(%dma_start3A_386 : memref<120xi32, #tpu.memory_space<vmem>>) semaphore(%arg13 : memref<!tpu.dma_semaphore, #tpu.memory_space<semaphore_mem>>)
      } else {
      }
      %add3A_234 = arith.constant 1 : i32
      %add3A_235 = arith.addi %mul3A_181, %add3A_234 : i32
      %ge3A_236 = arith.constant 1 : i32
      %ge3A_237 = arith.cmpi sge, %add3A_235, %ge3A_236 : i32
      %convert_element_type3A_238 = arith.extui %ge3A_237 : i1 to i32
      %cond3A_239 = arith.constant 0 : i32
      %cond3A_240 = arith.cmpi ne, %convert_element_type3A_238, %cond3A_239 : i32
      scf.if %cond3A_240 {
        %dma_wait3A_346 = arith.constant 0 : i32
        %dma_wait3A_347 = arith.constant 0 : i32
        %dma_wait3A_348 = arith.constant 0 : i32
        %dma_wait3A_349 = arith.constant 0 : i32
        %dma_wait3A_350 = tpu.memref_slice %arg9[%dma_wait3A_346, %dma_wait3A_348, %dma_wait3A_349] : memref<3x120x128xf32, #tpu.memory_space<vmem>> -> memref<1x120x128xf32, #tpu.memory_space<vmem>>
        %dma_wait3A_351 = tpu.memref_squeeze %dma_wait3A_350 : memref<1x120x128xf32, #tpu.memory_space<vmem>> -> memref<120x128xf32, #tpu.memory_space<vmem>>
        %dma_wait3A_352 = arith.constant 0 : i32
        %dma_wait3A_353 = tpu.memref_slice %arg8[%dma_wait3A_347, %dma_wait3A_352] : memref<8x128xi32, #tpu.memory_space<vmem>> -> memref<1x120xi32, #tpu.memory_space<vmem>>
        %dma_wait3A_354 = tpu.memref_squeeze %dma_wait3A_353 : memref<1x120xi32, #tpu.memory_space<vmem>> -> memref<120xi32, #tpu.memory_space<vmem>>
        %dma_wait3A_355 = arith.constant 0 : i32
        %dma_wait3A_356 = arith.constant 0 : i32
        %dma_wait3A_357 = tpu.memref_slice %arg10[%dma_wait3A_355, %dma_wait3A_356] : memref<10112x128xf32, #tpu.memory_space<vmem_shared>> -> memref<10112x128xf32, #tpu.memory_space<vmem_shared>>
        tpu.wait_indirect_dma semaphore(%arg14 : memref<!tpu.dma_semaphore, #tpu.memory_space<semaphore_mem>>) src(%dma_wait3A_351 : memref<120x128xf32, #tpu.memory_space<vmem>>) dst(%dma_wait3A_357 : memref<10112x128xf32, #tpu.memory_space<vmem_shared>>)
      } else {
      }
      %dma_wait3A_241 = arith.constant 1 : i32
      %dma_wait3A_242 = arith.constant 1 : i32
      %dma_wait3A_243 = arith.constant 0 : i32
      %dma_wait3A_244 = arith.constant 0 : i32
      %dma_wait3A_245 = tpu.memref_slice %arg9[%dma_wait3A_242, %dma_wait3A_243, %dma_wait3A_244] : memref<3x120x128xf32, #tpu.memory_space<vmem>> -> memref<1x120x128xf32, #tpu.memory_space<vmem>>
      %dma_wait3A_246 = tpu.memref_squeeze %dma_wait3A_245 : memref<1x120x128xf32, #tpu.memory_space<vmem>> -> memref<120x128xf32, #tpu.memory_space<vmem>>
      %dma_wait3A_247 = arith.constant 0 : i32
      %dma_wait3A_248 = tpu.memref_slice %arg7[%dma_wait3A_241, %dma_wait3A_247] : memref<8x128xi32, #tpu.memory_space<vmem>> -> memref<1x120xi32, #tpu.memory_space<vmem>>
      %dma_wait3A_249 = tpu.memref_squeeze %dma_wait3A_248 : memref<1x120xi32, #tpu.memory_space<vmem>> -> memref<120xi32, #tpu.memory_space<vmem>>
      %dma_wait3A_250 = arith.constant 0 : i32
      %dma_wait3A_251 = arith.constant 0 : i32
      %dma_wait3A_252 = tpu.memref_slice %arg2[%dma_wait3A_250, %dma_wait3A_251] : memref<10000x128xf32, #tpu.memory_space<hbm>> -> memref<10000x128xf32, #tpu.memory_space<hbm>>
      tpu.wait_indirect_dma semaphore(%arg12 : memref<!tpu.dma_semaphore, #tpu.memory_space<semaphore_mem>>) src(%dma_wait3A_252 : memref<10000x128xf32, #tpu.memory_space<hbm>>) dst(%dma_wait3A_246 : memref<120x128xf32, #tpu.memory_space<vmem>>)
      %dma_wait3A_253 = arith.constant 1 : i32
      %dma_wait3A_254 = arith.constant 0 : i32
      %dma_wait3A_255 = tpu.memref_slice %arg8[%dma_wait3A_253, %dma_wait3A_254] : memref<8x128xi32, #tpu.memory_space<vmem>> -> memref<1x128xi32, #tpu.memory_space<vmem>>
      %dma_wait3A_256 = tpu.memref_squeeze %dma_wait3A_255 : memref<1x128xi32, #tpu.memory_space<vmem>> -> memref<128xi32, #tpu.memory_space<vmem>>
      %dma_wait3A_257 = arith.constant 0 : i32
      %dma_wait3A_258 = tpu.memref_slice %arg4[%add3A, %add3A_235, %dma_wait3A_257] : memref<32x114x128xi32, #tpu.memory_space<hbm>> -> memref<1x1x128xi32, #tpu.memory_space<hbm>>
      %dma_wait3A_259 = tpu.memref_squeeze %dma_wait3A_258 : memref<1x1x128xi32, #tpu.memory_space<hbm>> -> memref<128xi32, #tpu.memory_space<hbm>>
      %dma_wait3A_260 = arith.constant 0 : i32
      %dma_wait3A_261 = tpu.memref_slice %arg8[%dma_wait3A_253, %dma_wait3A_260] : memref<8x128xi32, #tpu.memory_space<vmem>> -> memref<1x128xi32, #tpu.memory_space<vmem>>
      %dma_wait3A_262 = tpu.memref_squeeze %dma_wait3A_261 : memref<1x128xi32, #tpu.memory_space<vmem>> -> memref<128xi32, #tpu.memory_space<vmem>>
      %dma_wait3A_263 = arith.constant 0 : i32
      %dma_wait3A_264 = tpu.memref_slice %arg4[%add3A, %add3A_235, %dma_wait3A_263] : memref<32x114x128xi32, #tpu.memory_space<hbm>> -> memref<1x1x128xi32, #tpu.memory_space<hbm>>
      %dma_wait3A_265 = tpu.memref_squeeze %dma_wait3A_264 : memref<1x1x128xi32, #tpu.memory_space<hbm>> -> memref<128xi32, #tpu.memory_space<hbm>>
      tpu.wait_dma2 semaphore(%arg18 : memref<!tpu.dma_semaphore, #tpu.memory_space<semaphore_mem>>) src(%dma_wait3A_265 : memref<128xi32, #tpu.memory_space<hbm>>) dst(%dma_wait3A_262 : memref<128xi32, #tpu.memory_space<vmem>>)
      %dma_start3A_266 = arith.constant 1 : i32
      %dma_start3A_267 = arith.constant 1 : i32
      %dma_start3A_268 = arith.constant 0 : i32
      %dma_start3A_269 = arith.constant 0 : i32
      %dma_start3A_270 = tpu.memref_slice %arg9[%dma_start3A_266, %dma_start3A_268, %dma_start3A_269] : memref<3x120x128xf32, #tpu.memory_space<vmem>> -> memref<1x120x128xf32, #tpu.memory_space<vmem>>
      %dma_start3A_271 = tpu.memref_squeeze %dma_start3A_270 : memref<1x120x128xf32, #tpu.memory_space<vmem>> -> memref<120x128xf32, #tpu.memory_space<vmem>>
      %dma_start3A_272 = arith.constant 0 : i32
      %dma_start3A_273 = tpu.memref_slice %arg8[%dma_start3A_267, %dma_start3A_272] : memref<8x128xi32, #tpu.memory_space<vmem>> -> memref<1x120xi32, #tpu.memory_space<vmem>>
      %dma_start3A_274 = tpu.memref_squeeze %dma_start3A_273 : memref<1x120xi32, #tpu.memory_space<vmem>> -> memref<120xi32, #tpu.memory_space<vmem>>
      %dma_start3A_275 = arith.constant 0 : i32
      %dma_start3A_276 = arith.constant 0 : i32
      %dma_start3A_277 = tpu.memref_slice %arg10[%dma_start3A_275, %dma_start3A_276] : memref<10112x128xf32, #tpu.memory_space<vmem_shared>> -> memref<10112x128xf32, #tpu.memory_space<vmem_shared>>
      tpu.enqueue_indirect_dma source(%dma_start3A_271 : memref<120x128xf32, #tpu.memory_space<vmem>>) target(%dma_start3A_277 : memref<10112x128xf32, #tpu.memory_space<vmem_shared>>) offsets(%dma_start3A_274 : memref<120xi32, #tpu.memory_space<vmem>>) semaphore(%arg15 : memref<!tpu.dma_semaphore, #tpu.memory_space<semaphore_mem>>) {add = true}
      %add3A_278 = arith.constant 3 : i32
      %add3A_279 = arith.addi %add3A_235, %add3A_278 : i32
      %lt3A_280 = arith.cmpi slt, %add3A_279, %select_n3A : i32
      %convert_element_type3A_281 = arith.extui %lt3A_280 : i1 to i32
      %cond3A_282 = arith.constant 0 : i32
      %cond3A_283 = arith.cmpi ne, %convert_element_type3A_281, %cond3A_282 : i32
      scf.if %cond3A_283 {
        %add3A_346 = arith.constant 3 : i32
        %add3A_347 = arith.addi %add3A_235, %add3A_346 : i32
        %dma_start3A_348 = arith.constant 1 : i32
        %dma_start3A_349 = arith.constant 0 : i32
        %dma_start3A_350 = tpu.memref_slice %arg7[%dma_start3A_348, %dma_start3A_349] : memref<8x128xi32, #tpu.memory_space<vmem>> -> memref<1x128xi32, #tpu.memory_space<vmem>>
        %dma_start3A_351 = tpu.memref_squeeze %dma_start3A_350 : memref<1x128xi32, #tpu.memory_space<vmem>> -> memref<128xi32, #tpu.memory_space<vmem>>
        %dma_start3A_352 = arith.constant 0 : i32
        %dma_start3A_353 = tpu.memref_slice %arg3[%add3A, %add3A_347, %dma_start3A_352] : memref<32x114x128xi32, #tpu.memory_space<hbm>> -> memref<1x1x128xi32, #tpu.memory_space<hbm>>
        %dma_start3A_354 = tpu.memref_squeeze %dma_start3A_353 : memref<1x1x128xi32, #tpu.memory_space<hbm>> -> memref<128xi32, #tpu.memory_space<hbm>>
        %dma_start3A_355 = arith.constant 0 : i32
        %dma_start3A_356 = tpu.memref_slice %arg7[%dma_start3A_348, %dma_start3A_355] : memref<8x128xi32, #tpu.memory_space<vmem>> -> memref<1x128xi32, #tpu.memory_space<vmem>>
        %dma_start3A_357 = tpu.memref_squeeze %dma_start3A_356 : memref<1x128xi32, #tpu.memory_space<vmem>> -> memref<128xi32, #tpu.memory_space<vmem>>
        %dma_start3A_358 = arith.constant 0 : i32
        %dma_start3A_359 = tpu.memref_slice %arg3[%add3A, %add3A_347, %dma_start3A_358] : memref<32x114x128xi32, #tpu.memory_space<hbm>> -> memref<1x1x128xi32, #tpu.memory_space<hbm>>
        %dma_start3A_360 = tpu.memref_squeeze %dma_start3A_359 : memref<1x1x128xi32, #tpu.memory_space<hbm>> -> memref<128xi32, #tpu.memory_space<hbm>>
        tpu.enqueue_dma source(%dma_start3A_360 : memref<128xi32, #tpu.memory_space<hbm>>) target(%dma_start3A_357 : memref<128xi32, #tpu.memory_space<vmem>>) target_semaphore(%arg21 : memref<!tpu.dma_semaphore, #tpu.memory_space<semaphore_mem>>)
      } else {
      }
      %add3A_284 = arith.constant 2 : i32
      %add3A_285 = arith.addi %add3A_235, %add3A_284 : i32
      %lt3A_286 = arith.cmpi slt, %add3A_285, %select_n3A : i32
      %convert_element_type3A_287 = arith.extui %lt3A_286 : i1 to i32
      %cond3A_288 = arith.constant 0 : i32
      %cond3A_289 = arith.cmpi ne, %convert_element_type3A_287, %cond3A_288 : i32
      scf.if %cond3A_289 {
        %add3A_346 = arith.constant 2 : i32
        %add3A_347 = arith.addi %add3A_235, %add3A_346 : i32
        %dma_start3A_348 = arith.constant 0 : i32
        %dma_start3A_349 = arith.constant 0 : i32
        %dma_start3A_350 = tpu.memref_slice %arg8[%dma_start3A_348, %dma_start3A_349] : memref<8x128xi32, #tpu.memory_space<vmem>> -> memref<1x128xi32, #tpu.memory_space<vmem>>
        %dma_start3A_351 = tpu.memref_squeeze %dma_start3A_350 : memref<1x128xi32, #tpu.memory_space<vmem>> -> memref<128xi32, #tpu.memory_space<vmem>>
        %dma_start3A_352 = arith.constant 0 : i32
        %dma_start3A_353 = tpu.memref_slice %arg4[%add3A, %add3A_347, %dma_start3A_352] : memref<32x114x128xi32, #tpu.memory_space<hbm>> -> memref<1x1x128xi32, #tpu.memory_space<hbm>>
        %dma_start3A_354 = tpu.memref_squeeze %dma_start3A_353 : memref<1x1x128xi32, #tpu.memory_space<hbm>> -> memref<128xi32, #tpu.memory_space<hbm>>
        %dma_start3A_355 = arith.constant 0 : i32
        %dma_start3A_356 = tpu.memref_slice %arg8[%dma_start3A_348, %dma_start3A_355] : memref<8x128xi32, #tpu.memory_space<vmem>> -> memref<1x128xi32, #tpu.memory_space<vmem>>
        %dma_start3A_357 = tpu.memref_squeeze %dma_start3A_356 : memref<1x128xi32, #tpu.memory_space<vmem>> -> memref<128xi32, #tpu.memory_space<vmem>>
        %dma_start3A_358 = arith.constant 0 : i32
        %dma_start3A_359 = tpu.memref_slice %arg4[%add3A, %add3A_347, %dma_start3A_358] : memref<32x114x128xi32, #tpu.memory_space<hbm>> -> memref<1x1x128xi32, #tpu.memory_space<hbm>>
        %dma_start3A_360 = tpu.memref_squeeze %dma_start3A_359 : memref<1x1x128xi32, #tpu.memory_space<hbm>> -> memref<128xi32, #tpu.memory_space<hbm>>
        tpu.enqueue_dma source(%dma_start3A_360 : memref<128xi32, #tpu.memory_space<hbm>>) target(%dma_start3A_357 : memref<128xi32, #tpu.memory_space<vmem>>) target_semaphore(%arg17 : memref<!tpu.dma_semaphore, #tpu.memory_space<semaphore_mem>>)
        %add3A_361 = arith.constant 2 : i32
        %add3A_362 = arith.addi %add3A_235, %add3A_361 : i32
        %dma_wait3A_363 = arith.constant 0 : i32
        %dma_wait3A_364 = arith.constant 0 : i32
        %dma_wait3A_365 = tpu.memref_slice %arg7[%dma_wait3A_363, %dma_wait3A_364] : memref<8x128xi32, #tpu.memory_space<vmem>> -> memref<1x128xi32, #tpu.memory_space<vmem>>
        %dma_wait3A_366 = tpu.memref_squeeze %dma_wait3A_365 : memref<1x128xi32, #tpu.memory_space<vmem>> -> memref<128xi32, #tpu.memory_space<vmem>>
        %dma_wait3A_367 = arith.constant 0 : i32
        %dma_wait3A_368 = tpu.memref_slice %arg3[%add3A, %add3A_362, %dma_wait3A_367] : memref<32x114x128xi32, #tpu.memory_space<hbm>> -> memref<1x1x128xi32, #tpu.memory_space<hbm>>
        %dma_wait3A_369 = tpu.memref_squeeze %dma_wait3A_368 : memref<1x1x128xi32, #tpu.memory_space<hbm>> -> memref<128xi32, #tpu.memory_space<hbm>>
        %dma_wait3A_370 = arith.constant 0 : i32
        %dma_wait3A_371 = tpu.memref_slice %arg7[%dma_wait3A_363, %dma_wait3A_370] : memref<8x128xi32, #tpu.memory_space<vmem>> -> memref<1x128xi32, #tpu.memory_space<vmem>>
        %dma_wait3A_372 = tpu.memref_squeeze %dma_wait3A_371 : memref<1x128xi32, #tpu.memory_space<vmem>> -> memref<128xi32, #tpu.memory_space<vmem>>
        %dma_wait3A_373 = arith.constant 0 : i32
        %dma_wait3A_374 = tpu.memref_slice %arg3[%add3A, %add3A_362, %dma_wait3A_373] : memref<32x114x128xi32, #tpu.memory_space<hbm>> -> memref<1x1x128xi32, #tpu.memory_space<hbm>>
        %dma_wait3A_375 = tpu.memref_squeeze %dma_wait3A_374 : memref<1x1x128xi32, #tpu.memory_space<hbm>> -> memref<128xi32, #tpu.memory_space<hbm>>
        tpu.wait_dma2 semaphore(%arg20 : memref<!tpu.dma_semaphore, #tpu.memory_space<semaphore_mem>>) src(%dma_wait3A_375 : memref<128xi32, #tpu.memory_space<hbm>>) dst(%dma_wait3A_372 : memref<128xi32, #tpu.memory_space<vmem>>)
        %add3A_376 = arith.constant 2 : i32
        %add3A_377 = arith.addi %add3A_235, %add3A_376 : i32
        %dma_start3A_378 = arith.constant 0 : i32
        %dma_start3A_379 = arith.constant 0 : i32
        %dma_start3A_380 = arith.constant 0 : i32
        %dma_start3A_381 = arith.constant 0 : i32
        %dma_start3A_382 = tpu.memref_slice %arg9[%dma_start3A_379, %dma_start3A_380, %dma_start3A_381] : memref<3x120x128xf32, #tpu.memory_space<vmem>> -> memref<1x120x128xf32, #tpu.memory_space<vmem>>
        %dma_start3A_383 = tpu.memref_squeeze %dma_start3A_382 : memref<1x120x128xf32, #tpu.memory_space<vmem>> -> memref<120x128xf32, #tpu.memory_space<vmem>>
        %dma_start3A_384 = arith.constant 0 : i32
        %dma_start3A_385 = tpu.memref_slice %arg7[%dma_start3A_378, %dma_start3A_384] : memref<8x128xi32, #tpu.memory_space<vmem>> -> memref<1x120xi32, #tpu.memory_space<vmem>>
        %dma_start3A_386 = tpu.memref_squeeze %dma_start3A_385 : memref<1x120xi32, #tpu.memory_space<vmem>> -> memref<120xi32, #tpu.memory_space<vmem>>
        %dma_start3A_387 = arith.constant 0 : i32
        %dma_start3A_388 = arith.constant 0 : i32
        %dma_start3A_389 = tpu.memref_slice %arg2[%dma_start3A_387, %dma_start3A_388] : memref<10000x128xf32, #tpu.memory_space<hbm>> -> memref<10000x128xf32, #tpu.memory_space<hbm>>
        tpu.enqueue_indirect_dma source(%dma_start3A_389 : memref<10000x128xf32, #tpu.memory_space<hbm>>) target(%dma_start3A_383 : memref<120x128xf32, #tpu.memory_space<vmem>>) offsets(%dma_start3A_386 : memref<120xi32, #tpu.memory_space<vmem>>) semaphore(%arg11 : memref<!tpu.dma_semaphore, #tpu.memory_space<semaphore_mem>>)
      } else {
      }
      %add3A_290 = arith.constant 2 : i32
      %add3A_291 = arith.addi %mul3A_181, %add3A_290 : i32
      %ge3A_292 = arith.constant 1 : i32
      %ge3A_293 = arith.cmpi sge, %add3A_291, %ge3A_292 : i32
      %convert_element_type3A_294 = arith.extui %ge3A_293 : i1 to i32
      %cond3A_295 = arith.constant 0 : i32
      %cond3A_296 = arith.cmpi ne, %convert_element_type3A_294, %cond3A_295 : i32
      scf.if %cond3A_296 {
        %dma_wait3A_346 = arith.constant 1 : i32
        %dma_wait3A_347 = arith.constant 1 : i32
        %dma_wait3A_348 = arith.constant 0 : i32
        %dma_wait3A_349 = arith.constant 0 : i32
        %dma_wait3A_350 = tpu.memref_slice %arg9[%dma_wait3A_346, %dma_wait3A_348, %dma_wait3A_349] : memref<3x120x128xf32, #tpu.memory_space<vmem>> -> memref<1x120x128xf32, #tpu.memory_space<vmem>>
        %dma_wait3A_351 = tpu.memref_squeeze %dma_wait3A_350 : memref<1x120x128xf32, #tpu.memory_space<vmem>> -> memref<120x128xf32, #tpu.memory_space<vmem>>
        %dma_wait3A_352 = arith.constant 0 : i32
        %dma_wait3A_353 = tpu.memref_slice %arg8[%dma_wait3A_347, %dma_wait3A_352] : memref<8x128xi32, #tpu.memory_space<vmem>> -> memref<1x120xi32, #tpu.memory_space<vmem>>
        %dma_wait3A_354 = tpu.memref_squeeze %dma_wait3A_353 : memref<1x120xi32, #tpu.memory_space<vmem>> -> memref<120xi32, #tpu.memory_space<vmem>>
        %dma_wait3A_355 = arith.constant 0 : i32
        %dma_wait3A_356 = arith.constant 0 : i32
        %dma_wait3A_357 = tpu.memref_slice %arg10[%dma_wait3A_355, %dma_wait3A_356] : memref<10112x128xf32, #tpu.memory_space<vmem_shared>> -> memref<10112x128xf32, #tpu.memory_space<vmem_shared>>
        tpu.wait_indirect_dma semaphore(%arg15 : memref<!tpu.dma_semaphore, #tpu.memory_space<semaphore_mem>>) src(%dma_wait3A_351 : memref<120x128xf32, #tpu.memory_space<vmem>>) dst(%dma_wait3A_357 : memref<10112x128xf32, #tpu.memory_space<vmem_shared>>)
      } else {
      }
      %dma_wait3A_297 = arith.constant 2 : i32
      %dma_wait3A_298 = arith.constant 2 : i32
      %dma_wait3A_299 = arith.constant 0 : i32
      %dma_wait3A_300 = arith.constant 0 : i32
      %dma_wait3A_301 = tpu.memref_slice %arg9[%dma_wait3A_298, %dma_wait3A_299, %dma_wait3A_300] : memref<3x120x128xf32, #tpu.memory_space<vmem>> -> memref<1x120x128xf32, #tpu.memory_space<vmem>>
      %dma_wait3A_302 = tpu.memref_squeeze %dma_wait3A_301 : memref<1x120x128xf32, #tpu.memory_space<vmem>> -> memref<120x128xf32, #tpu.memory_space<vmem>>
      %dma_wait3A_303 = arith.constant 0 : i32
      %dma_wait3A_304 = tpu.memref_slice %arg7[%dma_wait3A_297, %dma_wait3A_303] : memref<8x128xi32, #tpu.memory_space<vmem>> -> memref<1x120xi32, #tpu.memory_space<vmem>>
      %dma_wait3A_305 = tpu.memref_squeeze %dma_wait3A_304 : memref<1x120xi32, #tpu.memory_space<vmem>> -> memref<120xi32, #tpu.memory_space<vmem>>
      %dma_wait3A_306 = arith.constant 0 : i32
      %dma_wait3A_307 = arith.constant 0 : i32
      %dma_wait3A_308 = tpu.memref_slice %arg2[%dma_wait3A_306, %dma_wait3A_307] : memref<10000x128xf32, #tpu.memory_space<hbm>> -> memref<10000x128xf32, #tpu.memory_space<hbm>>
      tpu.wait_indirect_dma semaphore(%arg13 : memref<!tpu.dma_semaphore, #tpu.memory_space<semaphore_mem>>) src(%dma_wait3A_308 : memref<10000x128xf32, #tpu.memory_space<hbm>>) dst(%dma_wait3A_302 : memref<120x128xf32, #tpu.memory_space<vmem>>)
      %dma_wait3A_309 = arith.constant 2 : i32
      %dma_wait3A_310 = arith.constant 0 : i32
      %dma_wait3A_311 = tpu.memref_slice %arg8[%dma_wait3A_309, %dma_wait3A_310] : memref<8x128xi32, #tpu.memory_space<vmem>> -> memref<1x128xi32, #tpu.memory_space<vmem>>
      %dma_wait3A_312 = tpu.memref_squeeze %dma_wait3A_311 : memref<1x128xi32, #tpu.memory_space<vmem>> -> memref<128xi32, #tpu.memory_space<vmem>>
      %dma_wait3A_313 = arith.constant 0 : i32
      %dma_wait3A_314 = tpu.memref_slice %arg4[%add3A, %add3A_291, %dma_wait3A_313] : memref<32x114x128xi32, #tpu.memory_space<hbm>> -> memref<1x1x128xi32, #tpu.memory_space<hbm>>
      %dma_wait3A_315 = tpu.memref_squeeze %dma_wait3A_314 : memref<1x1x128xi32, #tpu.memory_space<hbm>> -> memref<128xi32, #tpu.memory_space<hbm>>
      %dma_wait3A_316 = arith.constant 0 : i32
      %dma_wait3A_317 = tpu.memref_slice %arg8[%dma_wait3A_309, %dma_wait3A_316] : memref<8x128xi32, #tpu.memory_space<vmem>> -> memref<1x128xi32, #tpu.memory_space<vmem>>
      %dma_wait3A_318 = tpu.memref_squeeze %dma_wait3A_317 : memref<1x128xi32, #tpu.memory_space<vmem>> -> memref<128xi32, #tpu.memory_space<vmem>>
      %dma_wait3A_319 = arith.constant 0 : i32
      %dma_wait3A_320 = tpu.memref_slice %arg4[%add3A, %add3A_291, %dma_wait3A_319] : memref<32x114x128xi32, #tpu.memory_space<hbm>> -> memref<1x1x128xi32, #tpu.memory_space<hbm>>
      %dma_wait3A_321 = tpu.memref_squeeze %dma_wait3A_320 : memref<1x1x128xi32, #tpu.memory_space<hbm>> -> memref<128xi32, #tpu.memory_space<hbm>>
      tpu.wait_dma2 semaphore(%arg19 : memref<!tpu.dma_semaphore, #tpu.memory_space<semaphore_mem>>) src(%dma_wait3A_321 : memref<128xi32, #tpu.memory_space<hbm>>) dst(%dma_wait3A_318 : memref<128xi32, #tpu.memory_space<vmem>>)
      %dma_start3A_322 = arith.constant 2 : i32
      %dma_start3A_323 = arith.constant 2 : i32
      %dma_start3A_324 = arith.constant 0 : i32
      %dma_start3A_325 = arith.constant 0 : i32
      %dma_start3A_326 = tpu.memref_slice %arg9[%dma_start3A_322, %dma_start3A_324, %dma_start3A_325] : memref<3x120x128xf32, #tpu.memory_space<vmem>> -> memref<1x120x128xf32, #tpu.memory_space<vmem>>
      %dma_start3A_327 = tpu.memref_squeeze %dma_start3A_326 : memref<1x120x128xf32, #tpu.memory_space<vmem>> -> memref<120x128xf32, #tpu.memory_space<vmem>>
      %dma_start3A_328 = arith.constant 0 : i32
      %dma_start3A_329 = tpu.memref_slice %arg8[%dma_start3A_323, %dma_start3A_328] : memref<8x128xi32, #tpu.memory_space<vmem>> -> memref<1x120xi32, #tpu.memory_space<vmem>>
      %dma_start3A_330 = tpu.memref_squeeze %dma_start3A_329 : memref<1x120xi32, #tpu.memory_space<vmem>> -> memref<120xi32, #tpu.memory_space<vmem>>
      %dma_start3A_331 = arith.constant 0 : i32
      %dma_start3A_332 = arith.constant 0 : i32
      %dma_start3A_333 = tpu.memref_slice %arg10[%dma_start3A_331, %dma_start3A_332] : memref<10112x128xf32, #tpu.memory_space<vmem_shared>> -> memref<10112x128xf32, #tpu.memory_space<vmem_shared>>
      tpu.enqueue_indirect_dma source(%dma_start3A_327 : memref<120x128xf32, #tpu.memory_space<vmem>>) target(%dma_start3A_333 : memref<10112x128xf32, #tpu.memory_space<vmem_shared>>) offsets(%dma_start3A_330 : memref<120xi32, #tpu.memory_space<vmem>>) semaphore(%arg16 : memref<!tpu.dma_semaphore, #tpu.memory_space<semaphore_mem>>) {add = true}
      %add3A_334 = arith.constant 3 : i32
      %add3A_335 = arith.addi %add3A_291, %add3A_334 : i32
      %lt3A_336 = arith.cmpi slt, %add3A_335, %select_n3A : i32
      %convert_element_type3A_337 = arith.extui %lt3A_336 : i1 to i32
      %cond3A_338 = arith.constant 0 : i32
      %cond3A_339 = arith.cmpi ne, %convert_element_type3A_337, %cond3A_338 : i32
      scf.if %cond3A_339 {
        %add3A_346 = arith.constant 3 : i32
        %add3A_347 = arith.addi %add3A_291, %add3A_346 : i32
        %dma_start3A_348 = arith.constant 2 : i32
        %dma_start3A_349 = arith.constant 0 : i32
        %dma_start3A_350 = tpu.memref_slice %arg7[%dma_start3A_348, %dma_start3A_349] : memref<8x128xi32, #tpu.memory_space<vmem>> -> memref<1x128xi32, #tpu.memory_space<vmem>>
        %dma_start3A_351 = tpu.memref_squeeze %dma_start3A_350 : memref<1x128xi32, #tpu.memory_space<vmem>> -> memref<128xi32, #tpu.memory_space<vmem>>
        %dma_start3A_352 = arith.constant 0 : i32
        %dma_start3A_353 = tpu.memref_slice %arg3[%add3A, %add3A_347, %dma_start3A_352] : memref<32x114x128xi32, #tpu.memory_space<hbm>> -> memref<1x1x128xi32, #tpu.memory_space<hbm>>
        %dma_start3A_354 = tpu.memref_squeeze %dma_start3A_353 : memref<1x1x128xi32, #tpu.memory_space<hbm>> -> memref<128xi32, #tpu.memory_space<hbm>>
        %dma_start3A_355 = arith.constant 0 : i32
        %dma_start3A_356 = tpu.memref_slice %arg7[%dma_start3A_348, %dma_start3A_355] : memref<8x128xi32, #tpu.memory_space<vmem>> -> memref<1x128xi32, #tpu.memory_space<vmem>>
        %dma_start3A_357 = tpu.memref_squeeze %dma_start3A_356 : memref<1x128xi32, #tpu.memory_space<vmem>> -> memref<128xi32, #tpu.memory_space<vmem>>
        %dma_start3A_358 = arith.constant 0 : i32
        %dma_start3A_359 = tpu.memref_slice %arg3[%add3A, %add3A_347, %dma_start3A_358] : memref<32x114x128xi32, #tpu.memory_space<hbm>> -> memref<1x1x128xi32, #tpu.memory_space<hbm>>
        %dma_start3A_360 = tpu.memref_squeeze %dma_start3A_359 : memref<1x1x128xi32, #tpu.memory_space<hbm>> -> memref<128xi32, #tpu.memory_space<hbm>>
        tpu.enqueue_dma source(%dma_start3A_360 : memref<128xi32, #tpu.memory_space<hbm>>) target(%dma_start3A_357 : memref<128xi32, #tpu.memory_space<vmem>>) target_semaphore(%arg22 : memref<!tpu.dma_semaphore, #tpu.memory_space<semaphore_mem>>)
      } else {
      }
      %add3A_340 = arith.constant 2 : i32
      %add3A_341 = arith.addi %add3A_291, %add3A_340 : i32
      %lt3A_342 = arith.cmpi slt, %add3A_341, %select_n3A : i32
      %convert_element_type3A_343 = arith.extui %lt3A_342 : i1 to i32
      %cond3A_344 = arith.constant 0 : i32
      %cond3A_345 = arith.cmpi ne, %convert_element_type3A_343, %cond3A_344 : i32
      scf.if %cond3A_345 {
        %add3A_346 = arith.constant 2 : i32
        %add3A_347 = arith.addi %add3A_291, %add3A_346 : i32
        %dma_start3A_348 = arith.constant 1 : i32
        %dma_start3A_349 = arith.constant 0 : i32
        %dma_start3A_350 = tpu.memref_slice %arg8[%dma_start3A_348, %dma_start3A_349] : memref<8x128xi32, #tpu.memory_space<vmem>> -> memref<1x128xi32, #tpu.memory_space<vmem>>
        %dma_start3A_351 = tpu.memref_squeeze %dma_start3A_350 : memref<1x128xi32, #tpu.memory_space<vmem>> -> memref<128xi32, #tpu.memory_space<vmem>>
        %dma_start3A_352 = arith.constant 0 : i32
        %dma_start3A_353 = tpu.memref_slice %arg4[%add3A, %add3A_347, %dma_start3A_352] : memref<32x114x128xi32, #tpu.memory_space<hbm>> -> memref<1x1x128xi32, #tpu.memory_space<hbm>>
        %dma_start3A_354 = tpu.memref_squeeze %dma_start3A_353 : memref<1x1x128xi32, #tpu.memory_space<hbm>> -> memref<128xi32, #tpu.memory_space<hbm>>
        %dma_start3A_355 = arith.constant 0 : i32
        %dma_start3A_356 = tpu.memref_slice %arg8[%dma_start3A_348, %dma_start3A_355] : memref<8x128xi32, #tpu.memory_space<vmem>> -> memref<1x128xi32, #tpu.memory_space<vmem>>
        %dma_start3A_357 = tpu.memref_squeeze %dma_start3A_356 : memref<1x128xi32, #tpu.memory_space<vmem>> -> memref<128xi32, #tpu.memory_space<vmem>>
        %dma_start3A_358 = arith.constant 0 : i32
        %dma_start3A_359 = tpu.memref_slice %arg4[%add3A, %add3A_347, %dma_start3A_358] : memref<32x114x128xi32, #tpu.memory_space<hbm>> -> memref<1x1x128xi32, #tpu.memory_space<hbm>>
        %dma_start3A_360 = tpu.memref_squeeze %dma_start3A_359 : memref<1x1x128xi32, #tpu.memory_space<hbm>> -> memref<128xi32, #tpu.memory_space<hbm>>
        tpu.enqueue_dma source(%dma_start3A_360 : memref<128xi32, #tpu.memory_space<hbm>>) target(%dma_start3A_357 : memref<128xi32, #tpu.memory_space<vmem>>) target_semaphore(%arg18 : memref<!tpu.dma_semaphore, #tpu.memory_space<semaphore_mem>>)
        %add3A_361 = arith.constant 2 : i32
        %add3A_362 = arith.addi %add3A_291, %add3A_361 : i32
        %dma_wait3A_363 = arith.constant 1 : i32
        %dma_wait3A_364 = arith.constant 0 : i32
        %dma_wait3A_365 = tpu.memref_slice %arg7[%dma_wait3A_363, %dma_wait3A_364] : memref<8x128xi32, #tpu.memory_space<vmem>> -> memref<1x128xi32, #tpu.memory_space<vmem>>
        %dma_wait3A_366 = tpu.memref_squeeze %dma_wait3A_365 : memref<1x128xi32, #tpu.memory_space<vmem>> -> memref<128xi32, #tpu.memory_space<vmem>>
        %dma_wait3A_367 = arith.constant 0 : i32
        %dma_wait3A_368 = tpu.memref_slice %arg3[%add3A, %add3A_362, %dma_wait3A_367] : memref<32x114x128xi32, #tpu.memory_space<hbm>> -> memref<1x1x128xi32, #tpu.memory_space<hbm>>
        %dma_wait3A_369 = tpu.memref_squeeze %dma_wait3A_368 : memref<1x1x128xi32, #tpu.memory_space<hbm>> -> memref<128xi32, #tpu.memory_space<hbm>>
        %dma_wait3A_370 = arith.constant 0 : i32
        %dma_wait3A_371 = tpu.memref_slice %arg7[%dma_wait3A_363, %dma_wait3A_370] : memref<8x128xi32, #tpu.memory_space<vmem>> -> memref<1x128xi32, #tpu.memory_space<vmem>>
        %dma_wait3A_372 = tpu.memref_squeeze %dma_wait3A_371 : memref<1x128xi32, #tpu.memory_space<vmem>> -> memref<128xi32, #tpu.memory_space<vmem>>
        %dma_wait3A_373 = arith.constant 0 : i32
        %dma_wait3A_374 = tpu.memref_slice %arg3[%add3A, %add3A_362, %dma_wait3A_373] : memref<32x114x128xi32, #tpu.memory_space<hbm>> -> memref<1x1x128xi32, #tpu.memory_space<hbm>>
        %dma_wait3A_375 = tpu.memref_squeeze %dma_wait3A_374 : memref<1x1x128xi32, #tpu.memory_space<hbm>> -> memref<128xi32, #tpu.memory_space<hbm>>
        tpu.wait_dma2 semaphore(%arg21 : memref<!tpu.dma_semaphore, #tpu.memory_space<semaphore_mem>>) src(%dma_wait3A_375 : memref<128xi32, #tpu.memory_space<hbm>>) dst(%dma_wait3A_372 : memref<128xi32, #tpu.memory_space<vmem>>)
        %add3A_376 = arith.constant 2 : i32
        %add3A_377 = arith.addi %add3A_291, %add3A_376 : i32
        %dma_start3A_378 = arith.constant 1 : i32
        %dma_start3A_379 = arith.constant 1 : i32
        %dma_start3A_380 = arith.constant 0 : i32
        %dma_start3A_381 = arith.constant 0 : i32
        %dma_start3A_382 = tpu.memref_slice %arg9[%dma_start3A_379, %dma_start3A_380, %dma_start3A_381] : memref<3x120x128xf32, #tpu.memory_space<vmem>> -> memref<1x120x128xf32, #tpu.memory_space<vmem>>
        %dma_start3A_383 = tpu.memref_squeeze %dma_start3A_382 : memref<1x120x128xf32, #tpu.memory_space<vmem>> -> memref<120x128xf32, #tpu.memory_space<vmem>>
        %dma_start3A_384 = arith.constant 0 : i32
        %dma_start3A_385 = tpu.memref_slice %arg7[%dma_start3A_378, %dma_start3A_384] : memref<8x128xi32, #tpu.memory_space<vmem>> -> memref<1x120xi32, #tpu.memory_space<vmem>>
        %dma_start3A_386 = tpu.memref_squeeze %dma_start3A_385 : memref<1x120xi32, #tpu.memory_space<vmem>> -> memref<120xi32, #tpu.memory_space<vmem>>
        %dma_start3A_387 = arith.constant 0 : i32
        %dma_start3A_388 = arith.constant 0 : i32
        %dma_start3A_389 = tpu.memref_slice %arg2[%dma_start3A_387, %dma_start3A_388] : memref<10000x128xf32, #tpu.memory_space<hbm>> -> memref<10000x128xf32, #tpu.memory_space<hbm>>
        tpu.enqueue_indirect_dma source(%dma_start3A_389 : memref<10000x128xf32, #tpu.memory_space<hbm>>) target(%dma_start3A_383 : memref<120x128xf32, #tpu.memory_space<vmem>>) offsets(%dma_start3A_386 : memref<120xi32, #tpu.memory_space<vmem>>) semaphore(%arg12 : memref<!tpu.dma_semaphore, #tpu.memory_space<semaphore_mem>>)
      } else {
      }
    }
    %while3A_161 = arith.constant 1 : i32
    scf.for %while3A_179 = %while3A_159 to %while3A_155 step %while3A_161  : i32 {
      %mul3A_180 = arith.constant 3 : i32
      %mul3A_181 = arith.muli %while3A_179, %mul3A_180 : i32
      %add3A_182 = arith.constant 0 : i32
      %add3A_183 = arith.addi %mul3A_181, %add3A_182 : i32
      %ge3A = arith.constant 1 : i32
      %ge3A_184 = arith.cmpi sge, %add3A_183, %ge3A : i32
      %convert_element_type3A = arith.extui %ge3A_184 : i1 to i32
      %cond3A = arith.constant 0 : i32
      %cond3A_185 = arith.cmpi ne, %convert_element_type3A, %cond3A : i32
      scf.if %cond3A_185 {
        %dma_wait3A_346 = arith.constant 2 : i32
        %dma_wait3A_347 = arith.constant 2 : i32
        %dma_wait3A_348 = arith.constant 0 : i32
        %dma_wait3A_349 = arith.constant 0 : i32
        %dma_wait3A_350 = tpu.memref_slice %arg9[%dma_wait3A_346, %dma_wait3A_348, %dma_wait3A_349] : memref<3x120x128xf32, #tpu.memory_space<vmem>> -> memref<1x120x128xf32, #tpu.memory_space<vmem>>
        %dma_wait3A_351 = tpu.memref_squeeze %dma_wait3A_350 : memref<1x120x128xf32, #tpu.memory_space<vmem>> -> memref<120x128xf32, #tpu.memory_space<vmem>>
        %dma_wait3A_352 = arith.constant 0 : i32
        %dma_wait3A_353 = tpu.memref_slice %arg8[%dma_wait3A_347, %dma_wait3A_352] : memref<8x128xi32, #tpu.memory_space<vmem>> -> memref<1x120xi32, #tpu.memory_space<vmem>>
        %dma_wait3A_354 = tpu.memref_squeeze %dma_wait3A_353 : memref<1x120xi32, #tpu.memory_space<vmem>> -> memref<120xi32, #tpu.memory_space<vmem>>
        %dma_wait3A_355 = arith.constant 0 : i32
        %dma_wait3A_356 = arith.constant 0 : i32
        %dma_wait3A_357 = tpu.memref_slice %arg10[%dma_wait3A_355, %dma_wait3A_356] : memref<10112x128xf32, #tpu.memory_space<vmem_shared>> -> memref<10112x128xf32, #tpu.memory_space<vmem_shared>>
        tpu.wait_indirect_dma semaphore(%arg16 : memref<!tpu.dma_semaphore, #tpu.memory_space<semaphore_mem>>) src(%dma_wait3A_351 : memref<120x128xf32, #tpu.memory_space<vmem>>) dst(%dma_wait3A_357 : memref<10112x128xf32, #tpu.memory_space<vmem_shared>>)
      } else {
      }
      %dma_wait3A_186 = arith.constant 0 : i32
      %dma_wait3A_187 = arith.constant 0 : i32
      %dma_wait3A_188 = arith.constant 0 : i32
      %dma_wait3A_189 = arith.constant 0 : i32
      %dma_wait3A_190 = tpu.memref_slice %arg9[%dma_wait3A_187, %dma_wait3A_188, %dma_wait3A_189] : memref<3x120x128xf32, #tpu.memory_space<vmem>> -> memref<1x120x128xf32, #tpu.memory_space<vmem>>
      %dma_wait3A_191 = tpu.memref_squeeze %dma_wait3A_190 : memref<1x120x128xf32, #tpu.memory_space<vmem>> -> memref<120x128xf32, #tpu.memory_space<vmem>>
      %dma_wait3A_192 = arith.constant 0 : i32
      %dma_wait3A_193 = tpu.memref_slice %arg7[%dma_wait3A_186, %dma_wait3A_192] : memref<8x128xi32, #tpu.memory_space<vmem>> -> memref<1x120xi32, #tpu.memory_space<vmem>>
      %dma_wait3A_194 = tpu.memref_squeeze %dma_wait3A_193 : memref<1x120xi32, #tpu.memory_space<vmem>> -> memref<120xi32, #tpu.memory_space<vmem>>
      %dma_wait3A_195 = arith.constant 0 : i32
      %dma_wait3A_196 = arith.constant 0 : i32
      %dma_wait3A_197 = tpu.memref_slice %arg2[%dma_wait3A_195, %dma_wait3A_196] : memref<10000x128xf32, #tpu.memory_space<hbm>> -> memref<10000x128xf32, #tpu.memory_space<hbm>>
      tpu.wait_indirect_dma semaphore(%arg11 : memref<!tpu.dma_semaphore, #tpu.memory_space<semaphore_mem>>) src(%dma_wait3A_197 : memref<10000x128xf32, #tpu.memory_space<hbm>>) dst(%dma_wait3A_191 : memref<120x128xf32, #tpu.memory_space<vmem>>)
      %dma_wait3A_198 = arith.constant 0 : i32
      %dma_wait3A_199 = arith.constant 0 : i32
      %dma_wait3A_200 = tpu.memref_slice %arg8[%dma_wait3A_198, %dma_wait3A_199] : memref<8x128xi32, #tpu.memory_space<vmem>> -> memref<1x128xi32, #tpu.memory_space<vmem>>
      %dma_wait3A_201 = tpu.memref_squeeze %dma_wait3A_200 : memref<1x128xi32, #tpu.memory_space<vmem>> -> memref<128xi32, #tpu.memory_space<vmem>>
      %dma_wait3A_202 = arith.constant 0 : i32
      %dma_wait3A_203 = tpu.memref_slice %arg4[%add3A, %add3A_183, %dma_wait3A_202] : memref<32x114x128xi32, #tpu.memory_space<hbm>> -> memref<1x1x128xi32, #tpu.memory_space<hbm>>
      %dma_wait3A_204 = tpu.memref_squeeze %dma_wait3A_203 : memref<1x1x128xi32, #tpu.memory_space<hbm>> -> memref<128xi32, #tpu.memory_space<hbm>>
      %dma_wait3A_205 = arith.constant 0 : i32
      %dma_wait3A_206 = tpu.memref_slice %arg8[%dma_wait3A_198, %dma_wait3A_205] : memref<8x128xi32, #tpu.memory_space<vmem>> -> memref<1x128xi32, #tpu.memory_space<vmem>>
      %dma_wait3A_207 = tpu.memref_squeeze %dma_wait3A_206 : memref<1x128xi32, #tpu.memory_space<vmem>> -> memref<128xi32, #tpu.memory_space<vmem>>
      %dma_wait3A_208 = arith.constant 0 : i32
      %dma_wait3A_209 = tpu.memref_slice %arg4[%add3A, %add3A_183, %dma_wait3A_208] : memref<32x114x128xi32, #tpu.memory_space<hbm>> -> memref<1x1x128xi32, #tpu.memory_space<hbm>>
      %dma_wait3A_210 = tpu.memref_squeeze %dma_wait3A_209 : memref<1x1x128xi32, #tpu.memory_space<hbm>> -> memref<128xi32, #tpu.memory_space<hbm>>
      tpu.wait_dma2 semaphore(%arg17 : memref<!tpu.dma_semaphore, #tpu.memory_space<semaphore_mem>>) src(%dma_wait3A_210 : memref<128xi32, #tpu.memory_space<hbm>>) dst(%dma_wait3A_207 : memref<128xi32, #tpu.memory_space<vmem>>)
      %dma_start3A_211 = arith.constant 0 : i32
      %dma_start3A_212 = arith.constant 0 : i32
      %dma_start3A_213 = arith.constant 0 : i32
      %dma_start3A_214 = arith.constant 0 : i32
      %dma_start3A_215 = tpu.memref_slice %arg9[%dma_start3A_211, %dma_start3A_213, %dma_start3A_214] : memref<3x120x128xf32, #tpu.memory_space<vmem>> -> memref<1x120x128xf32, #tpu.memory_space<vmem>>
      %dma_start3A_216 = tpu.memref_squeeze %dma_start3A_215 : memref<1x120x128xf32, #tpu.memory_space<vmem>> -> memref<120x128xf32, #tpu.memory_space<vmem>>
      %dma_start3A_217 = arith.constant 0 : i32
      %dma_start3A_218 = tpu.memref_slice %arg8[%dma_start3A_212, %dma_start3A_217] : memref<8x128xi32, #tpu.memory_space<vmem>> -> memref<1x120xi32, #tpu.memory_space<vmem>>
      %dma_start3A_219 = tpu.memref_squeeze %dma_start3A_218 : memref<1x120xi32, #tpu.memory_space<vmem>> -> memref<120xi32, #tpu.memory_space<vmem>>
      %dma_start3A_220 = arith.constant 0 : i32
      %dma_start3A_221 = arith.constant 0 : i32
      %dma_start3A_222 = tpu.memref_slice %arg10[%dma_start3A_220, %dma_start3A_221] : memref<10112x128xf32, #tpu.memory_space<vmem_shared>> -> memref<10112x128xf32, #tpu.memory_space<vmem_shared>>
      tpu.enqueue_indirect_dma source(%dma_start3A_216 : memref<120x128xf32, #tpu.memory_space<vmem>>) target(%dma_start3A_222 : memref<10112x128xf32, #tpu.memory_space<vmem_shared>>) offsets(%dma_start3A_219 : memref<120xi32, #tpu.memory_space<vmem>>) semaphore(%arg14 : memref<!tpu.dma_semaphore, #tpu.memory_space<semaphore_mem>>) {add = true}
      %add3A_223 = arith.constant 3 : i32
      %add3A_224 = arith.addi %add3A_183, %add3A_223 : i32
      %lt3A = arith.cmpi slt, %add3A_224, %select_n3A : i32
      %convert_element_type3A_225 = arith.extui %lt3A : i1 to i32
      %cond3A_226 = arith.constant 0 : i32
      %cond3A_227 = arith.cmpi ne, %convert_element_type3A_225, %cond3A_226 : i32
      scf.if %cond3A_227 {
        %add3A_346 = arith.constant 3 : i32
        %add3A_347 = arith.addi %add3A_183, %add3A_346 : i32
        %dma_start3A_348 = arith.constant 0 : i32
        %dma_start3A_349 = arith.constant 0 : i32
        %dma_start3A_350 = tpu.memref_slice %arg7[%dma_start3A_348, %dma_start3A_349] : memref<8x128xi32, #tpu.memory_space<vmem>> -> memref<1x128xi32, #tpu.memory_space<vmem>>
        %dma_start3A_351 = tpu.memref_squeeze %dma_start3A_350 : memref<1x128xi32, #tpu.memory_space<vmem>> -> memref<128xi32, #tpu.memory_space<vmem>>
        %dma_start3A_352 = arith.constant 0 : i32
        %dma_start3A_353 = tpu.memref_slice %arg3[%add3A, %add3A_347, %dma_start3A_352] : memref<32x114x128xi32, #tpu.memory_space<hbm>> -> memref<1x1x128xi32, #tpu.memory_space<hbm>>
        %dma_start3A_354 = tpu.memref_squeeze %dma_start3A_353 : memref<1x1x128xi32, #tpu.memory_space<hbm>> -> memref<128xi32, #tpu.memory_space<hbm>>
        %dma_start3A_355 = arith.constant 0 : i32
        %dma_start3A_356 = tpu.memref_slice %arg7[%dma_start3A_348, %dma_start3A_355] : memref<8x128xi32, #tpu.memory_space<vmem>> -> memref<1x128xi32, #tpu.memory_space<vmem>>
        %dma_start3A_357 = tpu.memref_squeeze %dma_start3A_356 : memref<1x128xi32, #tpu.memory_space<vmem>> -> memref<128xi32, #tpu.memory_space<vmem>>
        %dma_start3A_358 = arith.constant 0 : i32
        %dma_start3A_359 = tpu.memref_slice %arg3[%add3A, %add3A_347, %dma_start3A_358] : memref<32x114x128xi32, #tpu.memory_space<hbm>> -> memref<1x1x128xi32, #tpu.memory_space<hbm>>
        %dma_start3A_360 = tpu.memref_squeeze %dma_start3A_359 : memref<1x1x128xi32, #tpu.memory_space<hbm>> -> memref<128xi32, #tpu.memory_space<hbm>>
        tpu.enqueue_dma source(%dma_start3A_360 : memref<128xi32, #tpu.memory_space<hbm>>) target(%dma_start3A_357 : memref<128xi32, #tpu.memory_space<vmem>>) target_semaphore(%arg20 : memref<!tpu.dma_semaphore, #tpu.memory_space<semaphore_mem>>)
      } else {
      }
      %add3A_228 = arith.constant 2 : i32
      %add3A_229 = arith.addi %add3A_183, %add3A_228 : i32
      %lt3A_230 = arith.cmpi slt, %add3A_229, %select_n3A : i32
      %convert_element_type3A_231 = arith.extui %lt3A_230 : i1 to i32
      %cond3A_232 = arith.constant 0 : i32
      %cond3A_233 = arith.cmpi ne, %convert_element_type3A_231, %cond3A_232 : i32
      scf.if %cond3A_233 {
        %add3A_346 = arith.constant 2 : i32
        %add3A_347 = arith.addi %add3A_183, %add3A_346 : i32
        %dma_start3A_348 = arith.constant 2 : i32
        %dma_start3A_349 = arith.constant 0 : i32
        %dma_start3A_350 = tpu.memref_slice %arg8[%dma_start3A_348, %dma_start3A_349] : memref<8x128xi32, #tpu.memory_space<vmem>> -> memref<1x128xi32, #tpu.memory_space<vmem>>
        %dma_start3A_351 = tpu.memref_squeeze %dma_start3A_350 : memref<1x128xi32, #tpu.memory_space<vmem>> -> memref<128xi32, #tpu.memory_space<vmem>>
        %dma_start3A_352 = arith.constant 0 : i32
        %dma_start3A_353 = tpu.memref_slice %arg4[%add3A, %add3A_347, %dma_start3A_352] : memref<32x114x128xi32, #tpu.memory_space<hbm>> -> memref<1x1x128xi32, #tpu.memory_space<hbm>>
        %dma_start3A_354 = tpu.memref_squeeze %dma_start3A_353 : memref<1x1x128xi32, #tpu.memory_space<hbm>> -> memref<128xi32, #tpu.memory_space<hbm>>
        %dma_start3A_355 = arith.constant 0 : i32
        %dma_start3A_356 = tpu.memref_slice %arg8[%dma_start3A_348, %dma_start3A_355] : memref<8x128xi32, #tpu.memory_space<vmem>> -> memref<1x128xi32, #tpu.memory_space<vmem>>
        %dma_start3A_357 = tpu.memref_squeeze %dma_start3A_356 : memref<1x128xi32, #tpu.memory_space<vmem>> -> memref<128xi32, #tpu.memory_space<vmem>>
        %dma_start3A_358 = arith.constant 0 : i32
        %dma_start3A_359 = tpu.memref_slice %arg4[%add3A, %add3A_347, %dma_start3A_358] : memref<32x114x128xi32, #tpu.memory_space<hbm>> -> memref<1x1x128xi32, #tpu.memory_space<hbm>>
        %dma_start3A_360 = tpu.memref_squeeze %dma_start3A_359 : memref<1x1x128xi32, #tpu.memory_space<hbm>> -> memref<128xi32, #tpu.memory_space<hbm>>
        tpu.enqueue_dma source(%dma_start3A_360 : memref<128xi32, #tpu.memory_space<hbm>>) target(%dma_start3A_357 : memref<128xi32, #tpu.memory_space<vmem>>) target_semaphore(%arg19 : memref<!tpu.dma_semaphore, #tpu.memory_space<semaphore_mem>>)
        %add3A_361 = arith.constant 2 : i32
        %add3A_362 = arith.addi %add3A_183, %add3A_361 : i32
        %dma_wait3A_363 = arith.constant 2 : i32
        %dma_wait3A_364 = arith.constant 0 : i32
        %dma_wait3A_365 = tpu.memref_slice %arg7[%dma_wait3A_363, %dma_wait3A_364] : memref<8x128xi32, #tpu.memory_space<vmem>> -> memref<1x128xi32, #tpu.memory_space<vmem>>
        %dma_wait3A_366 = tpu.memref_squeeze %dma_wait3A_365 : memref<1x128xi32, #tpu.memory_space<vmem>> -> memref<128xi32, #tpu.memory_space<vmem>>
        %dma_wait3A_367 = arith.constant 0 : i32
        %dma_wait3A_368 = tpu.memref_slice %arg3[%add3A, %add3A_362, %dma_wait3A_367] : memref<32x114x128xi32, #tpu.memory_space<hbm>> -> memref<1x1x128xi32, #tpu.memory_space<hbm>>
        %dma_wait3A_369 = tpu.memref_squeeze %dma_wait3A_368 : memref<1x1x128xi32, #tpu.memory_space<hbm>> -> memref<128xi32, #tpu.memory_space<hbm>>
        %dma_wait3A_370 = arith.constant 0 : i32
        %dma_wait3A_371 = tpu.memref_slice %arg7[%dma_wait3A_363, %dma_wait3A_370] : memref<8x128xi32, #tpu.memory_space<vmem>> -> memref<1x128xi32, #tpu.memory_space<vmem>>
        %dma_wait3A_372 = tpu.memref_squeeze %dma_wait3A_371 : memref<1x128xi32, #tpu.memory_space<vmem>> -> memref<128xi32, #tpu.memory_space<vmem>>
        %dma_wait3A_373 = arith.constant 0 : i32
        %dma_wait3A_374 = tpu.memref_slice %arg3[%add3A, %add3A_362, %dma_wait3A_373] : memref<32x114x128xi32, #tpu.memory_space<hbm>> -> memref<1x1x128xi32, #tpu.memory_space<hbm>>
        %dma_wait3A_375 = tpu.memref_squeeze %dma_wait3A_374 : memref<1x1x128xi32, #tpu.memory_space<hbm>> -> memref<128xi32, #tpu.memory_space<hbm>>
        tpu.wait_dma2 semaphore(%arg22 : memref<!tpu.dma_semaphore, #tpu.memory_space<semaphore_mem>>) src(%dma_wait3A_375 : memref<128xi32, #tpu.memory_space<hbm>>) dst(%dma_wait3A_372 : memref<128xi32, #tpu.memory_space<vmem>>)
        %add3A_376 = arith.constant 2 : i32
        %add3A_377 = arith.addi %add3A_183, %add3A_376 : i32
        %dma_start3A_378 = arith.constant 2 : i32
        %dma_start3A_379 = arith.constant 2 : i32
        %dma_start3A_380 = arith.constant 0 : i32
        %dma_start3A_381 = arith.constant 0 : i32
        %dma_start3A_382 = tpu.memref_slice %arg9[%dma_start3A_379, %dma_start3A_380, %dma_start3A_381] : memref<3x120x128xf32, #tpu.memory_space<vmem>> -> memref<1x120x128xf32, #tpu.memory_space<vmem>>
        %dma_start3A_383 = tpu.memref_squeeze %dma_start3A_382 : memref<1x120x128xf32, #tpu.memory_space<vmem>> -> memref<120x128xf32, #tpu.memory_space<vmem>>
        %dma_start3A_384 = arith.constant 0 : i32
        %dma_start3A_385 = tpu.memref_slice %arg7[%dma_start3A_378, %dma_start3A_384] : memref<8x128xi32, #tpu.memory_space<vmem>> -> memref<1x120xi32, #tpu.memory_space<vmem>>
        %dma_start3A_386 = tpu.memref_squeeze %dma_start3A_385 : memref<1x120xi32, #tpu.memory_space<vmem>> -> memref<120xi32, #tpu.memory_space<vmem>>
        %dma_start3A_387 = arith.constant 0 : i32
        %dma_start3A_388 = arith.constant 0 : i32
        %dma_start3A_389 = tpu.memref_slice %arg2[%dma_start3A_387, %dma_start3A_388] : memref<10000x128xf32, #tpu.memory_space<hbm>> -> memref<10000x128xf32, #tpu.memory_space<hbm>>
        tpu.enqueue_indirect_dma source(%dma_start3A_389 : memref<10000x128xf32, #tpu.memory_space<hbm>>) target(%dma_start3A_383 : memref<120x128xf32, #tpu.memory_space<vmem>>) offsets(%dma_start3A_386 : memref<120xi32, #tpu.memory_space<vmem>>) semaphore(%arg13 : memref<!tpu.dma_semaphore, #tpu.memory_space<semaphore_mem>>)
      } else {
      }
      %add3A_234 = arith.constant 1 : i32
      %add3A_235 = arith.addi %mul3A_181, %add3A_234 : i32
      %ge3A_236 = arith.constant 1 : i32
      %ge3A_237 = arith.cmpi sge, %add3A_235, %ge3A_236 : i32
      %convert_element_type3A_238 = arith.extui %ge3A_237 : i1 to i32
      %cond3A_239 = arith.constant 0 : i32
      %cond3A_240 = arith.cmpi ne, %convert_element_type3A_238, %cond3A_239 : i32
      scf.if %cond3A_240 {
        %dma_wait3A_346 = arith.constant 0 : i32
        %dma_wait3A_347 = arith.constant 0 : i32
        %dma_wait3A_348 = arith.constant 0 : i32
        %dma_wait3A_349 = arith.constant 0 : i32
        %dma_wait3A_350 = tpu.memref_slice %arg9[%dma_wait3A_346, %dma_wait3A_348, %dma_wait3A_349] : memref<3x120x128xf32, #tpu.memory_space<vmem>> -> memref<1x120x128xf32, #tpu.memory_space<vmem>>
        %dma_wait3A_351 = tpu.memref_squeeze %dma_wait3A_350 : memref<1x120x128xf32, #tpu.memory_space<vmem>> -> memref<120x128xf32, #tpu.memory_space<vmem>>
        %dma_wait3A_352 = arith.constant 0 : i32
        %dma_wait3A_353 = tpu.memref_slice %arg8[%dma_wait3A_347, %dma_wait3A_352] : memref<8x128xi32, #tpu.memory_space<vmem>> -> memref<1x120xi32, #tpu.memory_space<vmem>>
        %dma_wait3A_354 = tpu.memref_squeeze %dma_wait3A_353 : memref<1x120xi32, #tpu.memory_space<vmem>> -> memref<120xi32, #tpu.memory_space<vmem>>
        %dma_wait3A_355 = arith.constant 0 : i32
        %dma_wait3A_356 = arith.constant 0 : i32
        %dma_wait3A_357 = tpu.memref_slice %arg10[%dma_wait3A_355, %dma_wait3A_356] : memref<10112x128xf32, #tpu.memory_space<vmem_shared>> -> memref<10112x128xf32, #tpu.memory_space<vmem_shared>>
        tpu.wait_indirect_dma semaphore(%arg14 : memref<!tpu.dma_semaphore, #tpu.memory_space<semaphore_mem>>) src(%dma_wait3A_351 : memref<120x128xf32, #tpu.memory_space<vmem>>) dst(%dma_wait3A_357 : memref<10112x128xf32, #tpu.memory_space<vmem_shared>>)
      } else {
      }
      %dma_wait3A_241 = arith.constant 1 : i32
      %dma_wait3A_242 = arith.constant 1 : i32
      %dma_wait3A_243 = arith.constant 0 : i32
      %dma_wait3A_244 = arith.constant 0 : i32
      %dma_wait3A_245 = tpu.memref_slice %arg9[%dma_wait3A_242, %dma_wait3A_243, %dma_wait3A_244] : memref<3x120x128xf32, #tpu.memory_space<vmem>> -> memref<1x120x128xf32, #tpu.memory_space<vmem>>
      %dma_wait3A_246 = tpu.memref_squeeze %dma_wait3A_245 : memref<1x120x128xf32, #tpu.memory_space<vmem>> -> memref<120x128xf32, #tpu.memory_space<vmem>>
      %dma_wait3A_247 = arith.constant 0 : i32
      %dma_wait3A_248 = tpu.memref_slice %arg7[%dma_wait3A_241, %dma_wait3A_247] : memref<8x128xi32, #tpu.memory_space<vmem>> -> memref<1x120xi32, #tpu.memory_space<vmem>>
      %dma_wait3A_249 = tpu.memref_squeeze %dma_wait3A_248 : memref<1x120xi32, #tpu.memory_space<vmem>> -> memref<120xi32, #tpu.memory_space<vmem>>
      %dma_wait3A_250 = arith.constant 0 : i32
      %dma_wait3A_251 = arith.constant 0 : i32
      %dma_wait3A_252 = tpu.memref_slice %arg2[%dma_wait3A_250, %dma_wait3A_251] : memref<10000x128xf32, #tpu.memory_space<hbm>> -> memref<10000x128xf32, #tpu.memory_space<hbm>>
      tpu.wait_indirect_dma semaphore(%arg12 : memref<!tpu.dma_semaphore, #tpu.memory_space<semaphore_mem>>) src(%dma_wait3A_252 : memref<10000x128xf32, #tpu.memory_space<hbm>>) dst(%dma_wait3A_246 : memref<120x128xf32, #tpu.memory_space<vmem>>)
      %dma_wait3A_253 = arith.constant 1 : i32
      %dma_wait3A_254 = arith.constant 0 : i32
      %dma_wait3A_255 = tpu.memref_slice %arg8[%dma_wait3A_253, %dma_wait3A_254] : memref<8x128xi32, #tpu.memory_space<vmem>> -> memref<1x128xi32, #tpu.memory_space<vmem>>
      %dma_wait3A_256 = tpu.memref_squeeze %dma_wait3A_255 : memref<1x128xi32, #tpu.memory_space<vmem>> -> memref<128xi32, #tpu.memory_space<vmem>>
      %dma_wait3A_257 = arith.constant 0 : i32
      %dma_wait3A_258 = tpu.memref_slice %arg4[%add3A, %add3A_235, %dma_wait3A_257] : memref<32x114x128xi32, #tpu.memory_space<hbm>> -> memref<1x1x128xi32, #tpu.memory_space<hbm>>
      %dma_wait3A_259 = tpu.memref_squeeze %dma_wait3A_258 : memref<1x1x128xi32, #tpu.memory_space<hbm>> -> memref<128xi32, #tpu.memory_space<hbm>>
      %dma_wait3A_260 = arith.constant 0 : i32
      %dma_wait3A_261 = tpu.memref_slice %arg8[%dma_wait3A_253, %dma_wait3A_260] : memref<8x128xi32, #tpu.memory_space<vmem>> -> memref<1x128xi32, #tpu.memory_space<vmem>>
      %dma_wait3A_262 = tpu.memref_squeeze %dma_wait3A_261 : memref<1x128xi32, #tpu.memory_space<vmem>> -> memref<128xi32, #tpu.memory_space<vmem>>
      %dma_wait3A_263 = arith.constant 0 : i32
      %dma_wait3A_264 = tpu.memref_slice %arg4[%add3A, %add3A_235, %dma_wait3A_263] : memref<32x114x128xi32, #tpu.memory_space<hbm>> -> memref<1x1x128xi32, #tpu.memory_space<hbm>>
      %dma_wait3A_265 = tpu.memref_squeeze %dma_wait3A_264 : memref<1x1x128xi32, #tpu.memory_space<hbm>> -> memref<128xi32, #tpu.memory_space<hbm>>
      tpu.wait_dma2 semaphore(%arg18 : memref<!tpu.dma_semaphore, #tpu.memory_space<semaphore_mem>>) src(%dma_wait3A_265 : memref<128xi32, #tpu.memory_space<hbm>>) dst(%dma_wait3A_262 : memref<128xi32, #tpu.memory_space<vmem>>)
      %dma_start3A_266 = arith.constant 1 : i32
      %dma_start3A_267 = arith.constant 1 : i32
      %dma_start3A_268 = arith.constant 0 : i32
      %dma_start3A_269 = arith.constant 0 : i32
      %dma_start3A_270 = tpu.memref_slice %arg9[%dma_start3A_266, %dma_start3A_268, %dma_start3A_269] : memref<3x120x128xf32, #tpu.memory_space<vmem>> -> memref<1x120x128xf32, #tpu.memory_space<vmem>>
      %dma_start3A_271 = tpu.memref_squeeze %dma_start3A_270 : memref<1x120x128xf32, #tpu.memory_space<vmem>> -> memref<120x128xf32, #tpu.memory_space<vmem>>
      %dma_start3A_272 = arith.constant 0 : i32
      %dma_start3A_273 = tpu.memref_slice %arg8[%dma_start3A_267, %dma_start3A_272] : memref<8x128xi32, #tpu.memory_space<vmem>> -> memref<1x120xi32, #tpu.memory_space<vmem>>
      %dma_start3A_274 = tpu.memref_squeeze %dma_start3A_273 : memref<1x120xi32, #tpu.memory_space<vmem>> -> memref<120xi32, #tpu.memory_space<vmem>>
      %dma_start3A_275 = arith.constant 0 : i32
      %dma_start3A_276 = arith.constant 0 : i32
      %dma_start3A_277 = tpu.memref_slice %arg10[%dma_start3A_275, %dma_start3A_276] : memref<10112x128xf32, #tpu.memory_space<vmem_shared>> -> memref<10112x128xf32, #tpu.memory_space<vmem_shared>>
      tpu.enqueue_indirect_dma source(%dma_start3A_271 : memref<120x128xf32, #tpu.memory_space<vmem>>) target(%dma_start3A_277 : memref<10112x128xf32, #tpu.memory_space<vmem_shared>>) offsets(%dma_start3A_274 : memref<120xi32, #tpu.memory_space<vmem>>) semaphore(%arg15 : memref<!tpu.dma_semaphore, #tpu.memory_space<semaphore_mem>>) {add = true}
      %add3A_278 = arith.constant 3 : i32
      %add3A_279 = arith.addi %add3A_235, %add3A_278 : i32
      %lt3A_280 = arith.cmpi slt, %add3A_279, %select_n3A : i32
      %convert_element_type3A_281 = arith.extui %lt3A_280 : i1 to i32
      %cond3A_282 = arith.constant 0 : i32
      %cond3A_283 = arith.cmpi ne, %convert_element_type3A_281, %cond3A_282 : i32
      scf.if %cond3A_283 {
        %add3A_346 = arith.constant 3 : i32
        %add3A_347 = arith.addi %add3A_235, %add3A_346 : i32
        %dma_start3A_348 = arith.constant 1 : i32
        %dma_start3A_349 = arith.constant 0 : i32
        %dma_start3A_350 = tpu.memref_slice %arg7[%dma_start3A_348, %dma_start3A_349] : memref<8x128xi32, #tpu.memory_space<vmem>> -> memref<1x128xi32, #tpu.memory_space<vmem>>
        %dma_start3A_351 = tpu.memref_squeeze %dma_start3A_350 : memref<1x128xi32, #tpu.memory_space<vmem>> -> memref<128xi32, #tpu.memory_space<vmem>>
        %dma_start3A_352 = arith.constant 0 : i32
        %dma_start3A_353 = tpu.memref_slice %arg3[%add3A, %add3A_347, %dma_start3A_352] : memref<32x114x128xi32, #tpu.memory_space<hbm>> -> memref<1x1x128xi32, #tpu.memory_space<hbm>>
        %dma_start3A_354 = tpu.memref_squeeze %dma_start3A_353 : memref<1x1x128xi32, #tpu.memory_space<hbm>> -> memref<128xi32, #tpu.memory_space<hbm>>
        %dma_start3A_355 = arith.constant 0 : i32
        %dma_start3A_356 = tpu.memref_slice %arg7[%dma_start3A_348, %dma_start3A_355] : memref<8x128xi32, #tpu.memory_space<vmem>> -> memref<1x128xi32, #tpu.memory_space<vmem>>
        %dma_start3A_357 = tpu.memref_squeeze %dma_start3A_356 : memref<1x128xi32, #tpu.memory_space<vmem>> -> memref<128xi32, #tpu.memory_space<vmem>>
        %dma_start3A_358 = arith.constant 0 : i32
        %dma_start3A_359 = tpu.memref_slice %arg3[%add3A, %add3A_347, %dma_start3A_358] : memref<32x114x128xi32, #tpu.memory_space<hbm>> -> memref<1x1x128xi32, #tpu.memory_space<hbm>>
        %dma_start3A_360 = tpu.memref_squeeze %dma_start3A_359 : memref<1x1x128xi32, #tpu.memory_space<hbm>> -> memref<128xi32, #tpu.memory_space<hbm>>
        tpu.enqueue_dma source(%dma_start3A_360 : memref<128xi32, #tpu.memory_space<hbm>>) target(%dma_start3A_357 : memref<128xi32, #tpu.memory_space<vmem>>) target_semaphore(%arg21 : memref<!tpu.dma_semaphore, #tpu.memory_space<semaphore_mem>>)
      } else {
      }
      %add3A_284 = arith.constant 2 : i32
      %add3A_285 = arith.addi %add3A_235, %add3A_284 : i32
      %lt3A_286 = arith.cmpi slt, %add3A_285, %select_n3A : i32
      %convert_element_type3A_287 = arith.extui %lt3A_286 : i1 to i32
      %cond3A_288 = arith.constant 0 : i32
      %cond3A_289 = arith.cmpi ne, %convert_element_type3A_287, %cond3A_288 : i32
      scf.if %cond3A_289 {
        %add3A_346 = arith.constant 2 : i32
        %add3A_347 = arith.addi %add3A_235, %add3A_346 : i32
        %dma_start3A_348 = arith.constant 0 : i32
        %dma_start3A_349 = arith.constant 0 : i32
        %dma_start3A_350 = tpu.memref_slice %arg8[%dma_start3A_348, %dma_start3A_349] : memref<8x128xi32, #tpu.memory_space<vmem>> -> memref<1x128xi32, #tpu.memory_space<vmem>>
        %dma_start3A_351 = tpu.memref_squeeze %dma_start3A_350 : memref<1x128xi32, #tpu.memory_space<vmem>> -> memref<128xi32, #tpu.memory_space<vmem>>
        %dma_start3A_352 = arith.constant 0 : i32
        %dma_start3A_353 = tpu.memref_slice %arg4[%add3A, %add3A_347, %dma_start3A_352] : memref<32x114x128xi32, #tpu.memory_space<hbm>> -> memref<1x1x128xi32, #tpu.memory_space<hbm>>
        %dma_start3A_354 = tpu.memref_squeeze %dma_start3A_353 : memref<1x1x128xi32, #tpu.memory_space<hbm>> -> memref<128xi32, #tpu.memory_space<hbm>>
        %dma_start3A_355 = arith.constant 0 : i32
        %dma_start3A_356 = tpu.memref_slice %arg8[%dma_start3A_348, %dma_start3A_355] : memref<8x128xi32, #tpu.memory_space<vmem>> -> memref<1x128xi32, #tpu.memory_space<vmem>>
        %dma_start3A_357 = tpu.memref_squeeze %dma_start3A_356 : memref<1x128xi32, #tpu.memory_space<vmem>> -> memref<128xi32, #tpu.memory_space<vmem>>
        %dma_start3A_358 = arith.constant 0 : i32
        %dma_start3A_359 = tpu.memref_slice %arg4[%add3A, %add3A_347, %dma_start3A_358] : memref<32x114x128xi32, #tpu.memory_space<hbm>> -> memref<1x1x128xi32, #tpu.memory_space<hbm>>
        %dma_start3A_360 = tpu.memref_squeeze %dma_start3A_359 : memref<1x1x128xi32, #tpu.memory_space<hbm>> -> memref<128xi32, #tpu.memory_space<hbm>>
        tpu.enqueue_dma source(%dma_start3A_360 : memref<128xi32, #tpu.memory_space<hbm>>) target(%dma_start3A_357 : memref<128xi32, #tpu.memory_space<vmem>>) target_semaphore(%arg17 : memref<!tpu.dma_semaphore, #tpu.memory_space<semaphore_mem>>)
        %add3A_361 = arith.constant 2 : i32
        %add3A_362 = arith.addi %add3A_235, %add3A_361 : i32
        %dma_wait3A_363 = arith.constant 0 : i32
        %dma_wait3A_364 = arith.constant 0 : i32
        %dma_wait3A_365 = tpu.memref_slice %arg7[%dma_wait3A_363, %dma_wait3A_364] : memref<8x128xi32, #tpu.memory_space<vmem>> -> memref<1x128xi32, #tpu.memory_space<vmem>>
        %dma_wait3A_366 = tpu.memref_squeeze %dma_wait3A_365 : memref<1x128xi32, #tpu.memory_space<vmem>> -> memref<128xi32, #tpu.memory_space<vmem>>
        %dma_wait3A_367 = arith.constant 0 : i32
        %dma_wait3A_368 = tpu.memref_slice %arg3[%add3A, %add3A_362, %dma_wait3A_367] : memref<32x114x128xi32, #tpu.memory_space<hbm>> -> memref<1x1x128xi32, #tpu.memory_space<hbm>>
        %dma_wait3A_369 = tpu.memref_squeeze %dma_wait3A_368 : memref<1x1x128xi32, #tpu.memory_space<hbm>> -> memref<128xi32, #tpu.memory_space<hbm>>
        %dma_wait3A_370 = arith.constant 0 : i32
        %dma_wait3A_371 = tpu.memref_slice %arg7[%dma_wait3A_363, %dma_wait3A_370] : memref<8x128xi32, #tpu.memory_space<vmem>> -> memref<1x128xi32, #tpu.memory_space<vmem>>
        %dma_wait3A_372 = tpu.memref_squeeze %dma_wait3A_371 : memref<1x128xi32, #tpu.memory_space<vmem>> -> memref<128xi32, #tpu.memory_space<vmem>>
        %dma_wait3A_373 = arith.constant 0 : i32
        %dma_wait3A_374 = tpu.memref_slice %arg3[%add3A, %add3A_362, %dma_wait3A_373] : memref<32x114x128xi32, #tpu.memory_space<hbm>> -> memref<1x1x128xi32, #tpu.memory_space<hbm>>
        %dma_wait3A_375 = tpu.memref_squeeze %dma_wait3A_374 : memref<1x1x128xi32, #tpu.memory_space<hbm>> -> memref<128xi32, #tpu.memory_space<hbm>>
        tpu.wait_dma2 semaphore(%arg20 : memref<!tpu.dma_semaphore, #tpu.memory_space<semaphore_mem>>) src(%dma_wait3A_375 : memref<128xi32, #tpu.memory_space<hbm>>) dst(%dma_wait3A_372 : memref<128xi32, #tpu.memory_space<vmem>>)
        %add3A_376 = arith.constant 2 : i32
        %add3A_377 = arith.addi %add3A_235, %add3A_376 : i32
        %dma_start3A_378 = arith.constant 0 : i32
        %dma_start3A_379 = arith.constant 0 : i32
        %dma_start3A_380 = arith.constant 0 : i32
        %dma_start3A_381 = arith.constant 0 : i32
        %dma_start3A_382 = tpu.memref_slice %arg9[%dma_start3A_379, %dma_start3A_380, %dma_start3A_381] : memref<3x120x128xf32, #tpu.memory_space<vmem>> -> memref<1x120x128xf32, #tpu.memory_space<vmem>>
        %dma_start3A_383 = tpu.memref_squeeze %dma_start3A_382 : memref<1x120x128xf32, #tpu.memory_space<vmem>> -> memref<120x128xf32, #tpu.memory_space<vmem>>
        %dma_start3A_384 = arith.constant 0 : i32
        %dma_start3A_385 = tpu.memref_slice %arg7[%dma_start3A_378, %dma_start3A_384] : memref<8x128xi32, #tpu.memory_space<vmem>> -> memref<1x120xi32, #tpu.memory_space<vmem>>
        %dma_start3A_386 = tpu.memref_squeeze %dma_start3A_385 : memref<1x120xi32, #tpu.memory_space<vmem>> -> memref<120xi32, #tpu.memory_space<vmem>>
        %dma_start3A_387 = arith.constant 0 : i32
        %dma_start3A_388 = arith.constant 0 : i32
        %dma_start3A_389 = tpu.memref_slice %arg2[%dma_start3A_387, %dma_start3A_388] : memref<10000x128xf32, #tpu.memory_space<hbm>> -> memref<10000x128xf32, #tpu.memory_space<hbm>>
        tpu.enqueue_indirect_dma source(%dma_start3A_389 : memref<10000x128xf32, #tpu.memory_space<hbm>>) target(%dma_start3A_383 : memref<120x128xf32, #tpu.memory_space<vmem>>) offsets(%dma_start3A_386 : memref<120xi32, #tpu.memory_space<vmem>>) semaphore(%arg11 : memref<!tpu.dma_semaphore, #tpu.memory_space<semaphore_mem>>)
      } else {
      }
      %add3A_290 = arith.constant 2 : i32
      %add3A_291 = arith.addi %mul3A_181, %add3A_290 : i32
      %ge3A_292 = arith.constant 1 : i32
      %ge3A_293 = arith.cmpi sge, %add3A_291, %ge3A_292 : i32
      %convert_element_type3A_294 = arith.extui %ge3A_293 : i1 to i32
      %cond3A_295 = arith.constant 0 : i32
      %cond3A_296 = arith.cmpi ne, %convert_element_type3A_294, %cond3A_295 : i32
      scf.if %cond3A_296 {
        %dma_wait3A_346 = arith.constant 1 : i32
        %dma_wait3A_347 = arith.constant 1 : i32
        %dma_wait3A_348 = arith.constant 0 : i32
        %dma_wait3A_349 = arith.constant 0 : i32
        %dma_wait3A_350 = tpu.memref_slice %arg9[%dma_wait3A_346, %dma_wait3A_348, %dma_wait3A_349] : memref<3x120x128xf32, #tpu.memory_space<vmem>> -> memref<1x120x128xf32, #tpu.memory_space<vmem>>
        %dma_wait3A_351 = tpu.memref_squeeze %dma_wait3A_350 : memref<1x120x128xf32, #tpu.memory_space<vmem>> -> memref<120x128xf32, #tpu.memory_space<vmem>>
        %dma_wait3A_352 = arith.constant 0 : i32
        %dma_wait3A_353 = tpu.memref_slice %arg8[%dma_wait3A_347, %dma_wait3A_352] : memref<8x128xi32, #tpu.memory_space<vmem>> -> memref<1x120xi32, #tpu.memory_space<vmem>>
        %dma_wait3A_354 = tpu.memref_squeeze %dma_wait3A_353 : memref<1x120xi32, #tpu.memory_space<vmem>> -> memref<120xi32, #tpu.memory_space<vmem>>
        %dma_wait3A_355 = arith.constant 0 : i32
        %dma_wait3A_356 = arith.constant 0 : i32
        %dma_wait3A_357 = tpu.memref_slice %arg10[%dma_wait3A_355, %dma_wait3A_356] : memref<10112x128xf32, #tpu.memory_space<vmem_shared>> -> memref<10112x128xf32, #tpu.memory_space<vmem_shared>>
        tpu.wait_indirect_dma semaphore(%arg15 : memref<!tpu.dma_semaphore, #tpu.memory_space<semaphore_mem>>) src(%dma_wait3A_351 : memref<120x128xf32, #tpu.memory_space<vmem>>) dst(%dma_wait3A_357 : memref<10112x128xf32, #tpu.memory_space<vmem_shared>>)
      } else {
      }
      %dma_wait3A_297 = arith.constant 2 : i32
      %dma_wait3A_298 = arith.constant 2 : i32
      %dma_wait3A_299 = arith.constant 0 : i32
      %dma_wait3A_300 = arith.constant 0 : i32
      %dma_wait3A_301 = tpu.memref_slice %arg9[%dma_wait3A_298, %dma_wait3A_299, %dma_wait3A_300] : memref<3x120x128xf32, #tpu.memory_space<vmem>> -> memref<1x120x128xf32, #tpu.memory_space<vmem>>
      %dma_wait3A_302 = tpu.memref_squeeze %dma_wait3A_301 : memref<1x120x128xf32, #tpu.memory_space<vmem>> -> memref<120x128xf32, #tpu.memory_space<vmem>>
      %dma_wait3A_303 = arith.constant 0 : i32
      %dma_wait3A_304 = tpu.memref_slice %arg7[%dma_wait3A_297, %dma_wait3A_303] : memref<8x128xi32, #tpu.memory_space<vmem>> -> memref<1x120xi32, #tpu.memory_space<vmem>>
      %dma_wait3A_305 = tpu.memref_squeeze %dma_wait3A_304 : memref<1x120xi32, #tpu.memory_space<vmem>> -> memref<120xi32, #tpu.memory_space<vmem>>
      %dma_wait3A_306 = arith.constant 0 : i32
      %dma_wait3A_307 = arith.constant 0 : i32
      %dma_wait3A_308 = tpu.memref_slice %arg2[%dma_wait3A_306, %dma_wait3A_307] : memref<10000x128xf32, #tpu.memory_space<hbm>> -> memref<10000x128xf32, #tpu.memory_space<hbm>>
      tpu.wait_indirect_dma semaphore(%arg13 : memref<!tpu.dma_semaphore, #tpu.memory_space<semaphore_mem>>) src(%dma_wait3A_308 : memref<10000x128xf32, #tpu.memory_space<hbm>>) dst(%dma_wait3A_302 : memref<120x128xf32, #tpu.memory_space<vmem>>)
      %dma_wait3A_309 = arith.constant 2 : i32
      %dma_wait3A_310 = arith.constant 0 : i32
      %dma_wait3A_311 = tpu.memref_slice %arg8[%dma_wait3A_309, %dma_wait3A_310] : memref<8x128xi32, #tpu.memory_space<vmem>> -> memref<1x128xi32, #tpu.memory_space<vmem>>
      %dma_wait3A_312 = tpu.memref_squeeze %dma_wait3A_311 : memref<1x128xi32, #tpu.memory_space<vmem>> -> memref<128xi32, #tpu.memory_space<vmem>>
      %dma_wait3A_313 = arith.constant 0 : i32
      %dma_wait3A_314 = tpu.memref_slice %arg4[%add3A, %add3A_291, %dma_wait3A_313] : memref<32x114x128xi32, #tpu.memory_space<hbm>> -> memref<1x1x128xi32, #tpu.memory_space<hbm>>
      %dma_wait3A_315 = tpu.memref_squeeze %dma_wait3A_314 : memref<1x1x128xi32, #tpu.memory_space<hbm>> -> memref<128xi32, #tpu.memory_space<hbm>>
      %dma_wait3A_316 = arith.constant 0 : i32
      %dma_wait3A_317 = tpu.memref_slice %arg8[%dma_wait3A_309, %dma_wait3A_316] : memref<8x128xi32, #tpu.memory_space<vmem>> -> memref<1x128xi32, #tpu.memory_space<vmem>>
      %dma_wait3A_318 = tpu.memref_squeeze %dma_wait3A_317 : memref<1x128xi32, #tpu.memory_space<vmem>> -> memref<128xi32, #tpu.memory_space<vmem>>
      %dma_wait3A_319 = arith.constant 0 : i32
      %dma_wait3A_320 = tpu.memref_slice %arg4[%add3A, %add3A_291, %dma_wait3A_319] : memref<32x114x128xi32, #tpu.memory_space<hbm>> -> memref<1x1x128xi32, #tpu.memory_space<hbm>>
      %dma_wait3A_321 = tpu.memref_squeeze %dma_wait3A_320 : memref<1x1x128xi32, #tpu.memory_space<hbm>> -> memref<128xi32, #tpu.memory_space<hbm>>
      tpu.wait_dma2 semaphore(%arg19 : memref<!tpu.dma_semaphore, #tpu.memory_space<semaphore_mem>>) src(%dma_wait3A_321 : memref<128xi32, #tpu.memory_space<hbm>>) dst(%dma_wait3A_318 : memref<128xi32, #tpu.memory_space<vmem>>)
      %dma_start3A_322 = arith.constant 2 : i32
      %dma_start3A_323 = arith.constant 2 : i32
      %dma_start3A_324 = arith.constant 0 : i32
      %dma_start3A_325 = arith.constant 0 : i32
      %dma_start3A_326 = tpu.memref_slice %arg9[%dma_start3A_322, %dma_start3A_324, %dma_start3A_325] : memref<3x120x128xf32, #tpu.memory_space<vmem>> -> memref<1x120x128xf32, #tpu.memory_space<vmem>>
      %dma_start3A_327 = tpu.memref_squeeze %dma_start3A_326 : memref<1x120x128xf32, #tpu.memory_space<vmem>> -> memref<120x128xf32, #tpu.memory_space<vmem>>
      %dma_start3A_328 = arith.constant 0 : i32
      %dma_start3A_329 = tpu.memref_slice %arg8[%dma_start3A_323, %dma_start3A_328] : memref<8x128xi32, #tpu.memory_space<vmem>> -> memref<1x120xi32, #tpu.memory_space<vmem>>
      %dma_start3A_330 = tpu.memref_squeeze %dma_start3A_329 : memref<1x120xi32, #tpu.memory_space<vmem>> -> memref<120xi32, #tpu.memory_space<vmem>>
      %dma_start3A_331 = arith.constant 0 : i32
      %dma_start3A_332 = arith.constant 0 : i32
      %dma_start3A_333 = tpu.memref_slice %arg10[%dma_start3A_331, %dma_start3A_332] : memref<10112x128xf32, #tpu.memory_space<vmem_shared>> -> memref<10112x128xf32, #tpu.memory_space<vmem_shared>>
      tpu.enqueue_indirect_dma source(%dma_start3A_327 : memref<120x128xf32, #tpu.memory_space<vmem>>) target(%dma_start3A_333 : memref<10112x128xf32, #tpu.memory_space<vmem_shared>>) offsets(%dma_start3A_330 : memref<120xi32, #tpu.memory_space<vmem>>) semaphore(%arg16 : memref<!tpu.dma_semaphore, #tpu.memory_space<semaphore_mem>>) {add = true}
      %add3A_334 = arith.constant 3 : i32
      %add3A_335 = arith.addi %add3A_291, %add3A_334 : i32
      %lt3A_336 = arith.cmpi slt, %add3A_335, %select_n3A : i32
      %convert_element_type3A_337 = arith.extui %lt3A_336 : i1 to i32
      %cond3A_338 = arith.constant 0 : i32
      %cond3A_339 = arith.cmpi ne, %convert_element_type3A_337, %cond3A_338 : i32
      scf.if %cond3A_339 {
        %add3A_346 = arith.constant 3 : i32
        %add3A_347 = arith.addi %add3A_291, %add3A_346 : i32
        %dma_start3A_348 = arith.constant 2 : i32
        %dma_start3A_349 = arith.constant 0 : i32
        %dma_start3A_350 = tpu.memref_slice %arg7[%dma_start3A_348, %dma_start3A_349] : memref<8x128xi32, #tpu.memory_space<vmem>> -> memref<1x128xi32, #tpu.memory_space<vmem>>
        %dma_start3A_351 = tpu.memref_squeeze %dma_start3A_350 : memref<1x128xi32, #tpu.memory_space<vmem>> -> memref<128xi32, #tpu.memory_space<vmem>>
        %dma_start3A_352 = arith.constant 0 : i32
        %dma_start3A_353 = tpu.memref_slice %arg3[%add3A, %add3A_347, %dma_start3A_352] : memref<32x114x128xi32, #tpu.memory_space<hbm>> -> memref<1x1x128xi32, #tpu.memory_space<hbm>>
        %dma_start3A_354 = tpu.memref_squeeze %dma_start3A_353 : memref<1x1x128xi32, #tpu.memory_space<hbm>> -> memref<128xi32, #tpu.memory_space<hbm>>
        %dma_start3A_355 = arith.constant 0 : i32
        %dma_start3A_356 = tpu.memref_slice %arg7[%dma_start3A_348, %dma_start3A_355] : memref<8x128xi32, #tpu.memory_space<vmem>> -> memref<1x128xi32, #tpu.memory_space<vmem>>
        %dma_start3A_357 = tpu.memref_squeeze %dma_start3A_356 : memref<1x128xi32, #tpu.memory_space<vmem>> -> memref<128xi32, #tpu.memory_space<vmem>>
        %dma_start3A_358 = arith.constant 0 : i32
        %dma_start3A_359 = tpu.memref_slice %arg3[%add3A, %add3A_347, %dma_start3A_358] : memref<32x114x128xi32, #tpu.memory_space<hbm>> -> memref<1x1x128xi32, #tpu.memory_space<hbm>>
        %dma_start3A_360 = tpu.memref_squeeze %dma_start3A_359 : memref<1x1x128xi32, #tpu.memory_space<hbm>> -> memref<128xi32, #tpu.memory_space<hbm>>
        tpu.enqueue_dma source(%dma_start3A_360 : memref<128xi32, #tpu.memory_space<hbm>>) target(%dma_start3A_357 : memref<128xi32, #tpu.memory_space<vmem>>) target_semaphore(%arg22 : memref<!tpu.dma_semaphore, #tpu.memory_space<semaphore_mem>>)
      } else {
      }
      %add3A_340 = arith.constant 2 : i32
      %add3A_341 = arith.addi %add3A_291, %add3A_340 : i32
      %lt3A_342 = arith.cmpi slt, %add3A_341, %select_n3A : i32
      %convert_element_type3A_343 = arith.extui %lt3A_342 : i1 to i32
      %cond3A_344 = arith.constant 0 : i32
      %cond3A_345 = arith.cmpi ne, %convert_element_type3A_343, %cond3A_344 : i32
      scf.if %cond3A_345 {
        %add3A_346 = arith.constant 2 : i32
        %add3A_347 = arith.addi %add3A_291, %add3A_346 : i32
        %dma_start3A_348 = arith.constant 1 : i32
        %dma_start3A_349 = arith.constant 0 : i32
        %dma_start3A_350 = tpu.memref_slice %arg8[%dma_start3A_348, %dma_start3A_349] : memref<8x128xi32, #tpu.memory_space<vmem>> -> memref<1x128xi32, #tpu.memory_space<vmem>>
        %dma_start3A_351 = tpu.memref_squeeze %dma_start3A_350 : memref<1x128xi32, #tpu.memory_space<vmem>> -> memref<128xi32, #tpu.memory_space<vmem>>
        %dma_start3A_352 = arith.constant 0 : i32
        %dma_start3A_353 = tpu.memref_slice %arg4[%add3A, %add3A_347, %dma_start3A_352] : memref<32x114x128xi32, #tpu.memory_space<hbm>> -> memref<1x1x128xi32, #tpu.memory_space<hbm>>
        %dma_start3A_354 = tpu.memref_squeeze %dma_start3A_353 : memref<1x1x128xi32, #tpu.memory_space<hbm>> -> memref<128xi32, #tpu.memory_space<hbm>>
        %dma_start3A_355 = arith.constant 0 : i32
        %dma_start3A_356 = tpu.memref_slice %arg8[%dma_start3A_348, %dma_start3A_355] : memref<8x128xi32, #tpu.memory_space<vmem>> -> memref<1x128xi32, #tpu.memory_space<vmem>>
        %dma_start3A_357 = tpu.memref_squeeze %dma_start3A_356 : memref<1x128xi32, #tpu.memory_space<vmem>> -> memref<128xi32, #tpu.memory_space<vmem>>
        %dma_start3A_358 = arith.constant 0 : i32
        %dma_start3A_359 = tpu.memref_slice %arg4[%add3A, %add3A_347, %dma_start3A_358] : memref<32x114x128xi32, #tpu.memory_space<hbm>> -> memref<1x1x128xi32, #tpu.memory_space<hbm>>
        %dma_start3A_360 = tpu.memref_squeeze %dma_start3A_359 : memref<1x1x128xi32, #tpu.memory_space<hbm>> -> memref<128xi32, #tpu.memory_space<hbm>>
        tpu.enqueue_dma source(%dma_start3A_360 : memref<128xi32, #tpu.memory_space<hbm>>) target(%dma_start3A_357 : memref<128xi32, #tpu.memory_space<vmem>>) target_semaphore(%arg18 : memref<!tpu.dma_semaphore, #tpu.memory_space<semaphore_mem>>)
        %add3A_361 = arith.constant 2 : i32
        %add3A_362 = arith.addi %add3A_291, %add3A_361 : i32
        %dma_wait3A_363 = arith.constant 1 : i32
        %dma_wait3A_364 = arith.constant 0 : i32
        %dma_wait3A_365 = tpu.memref_slice %arg7[%dma_wait3A_363, %dma_wait3A_364] : memref<8x128xi32, #tpu.memory_space<vmem>> -> memref<1x128xi32, #tpu.memory_space<vmem>>
        %dma_wait3A_366 = tpu.memref_squeeze %dma_wait3A_365 : memref<1x128xi32, #tpu.memory_space<vmem>> -> memref<128xi32, #tpu.memory_space<vmem>>
        %dma_wait3A_367 = arith.constant 0 : i32
        %dma_wait3A_368 = tpu.memref_slice %arg3[%add3A, %add3A_362, %dma_wait3A_367] : memref<32x114x128xi32, #tpu.memory_space<hbm>> -> memref<1x1x128xi32, #tpu.memory_space<hbm>>
        %dma_wait3A_369 = tpu.memref_squeeze %dma_wait3A_368 : memref<1x1x128xi32, #tpu.memory_space<hbm>> -> memref<128xi32, #tpu.memory_space<hbm>>
        %dma_wait3A_370 = arith.constant 0 : i32
        %dma_wait3A_371 = tpu.memref_slice %arg7[%dma_wait3A_363, %dma_wait3A_370] : memref<8x128xi32, #tpu.memory_space<vmem>> -> memref<1x128xi32, #tpu.memory_space<vmem>>
        %dma_wait3A_372 = tpu.memref_squeeze %dma_wait3A_371 : memref<1x128xi32, #tpu.memory_space<vmem>> -> memref<128xi32, #tpu.memory_space<vmem>>
        %dma_wait3A_373 = arith.constant 0 : i32
        %dma_wait3A_374 = tpu.memref_slice %arg3[%add3A, %add3A_362, %dma_wait3A_373] : memref<32x114x128xi32, #tpu.memory_space<hbm>> -> memref<1x1x128xi32, #tpu.memory_space<hbm>>
        %dma_wait3A_375 = tpu.memref_squeeze %dma_wait3A_374 : memref<1x1x128xi32, #tpu.memory_space<hbm>> -> memref<128xi32, #tpu.memory_space<hbm>>
        tpu.wait_dma2 semaphore(%arg21 : memref<!tpu.dma_semaphore, #tpu.memory_space<semaphore_mem>>) src(%dma_wait3A_375 : memref<128xi32, #tpu.memory_space<hbm>>) dst(%dma_wait3A_372 : memref<128xi32, #tpu.memory_space<vmem>>)
        %add3A_376 = arith.constant 2 : i32
        %add3A_377 = arith.addi %add3A_291, %add3A_376 : i32
        %dma_start3A_378 = arith.constant 1 : i32
        %dma_start3A_379 = arith.constant 1 : i32
        %dma_start3A_380 = arith.constant 0 : i32
        %dma_start3A_381 = arith.constant 0 : i32
        %dma_start3A_382 = tpu.memref_slice %arg9[%dma_start3A_379, %dma_start3A_380, %dma_start3A_381] : memref<3x120x128xf32, #tpu.memory_space<vmem>> -> memref<1x120x128xf32, #tpu.memory_space<vmem>>
        %dma_start3A_383 = tpu.memref_squeeze %dma_start3A_382 : memref<1x120x128xf32, #tpu.memory_space<vmem>> -> memref<120x128xf32, #tpu.memory_space<vmem>>
        %dma_start3A_384 = arith.constant 0 : i32
        %dma_start3A_385 = tpu.memref_slice %arg7[%dma_start3A_378, %dma_start3A_384] : memref<8x128xi32, #tpu.memory_space<vmem>> -> memref<1x120xi32, #tpu.memory_space<vmem>>
        %dma_start3A_386 = tpu.memref_squeeze %dma_start3A_385 : memref<1x120xi32, #tpu.memory_space<vmem>> -> memref<120xi32, #tpu.memory_space<vmem>>
        %dma_start3A_387 = arith.constant 0 : i32
        %dma_start3A_388 = arith.constant 0 : i32
        %dma_start3A_389 = tpu.memref_slice %arg2[%dma_start3A_387, %dma_start3A_388] : memref<10000x128xf32, #tpu.memory_space<hbm>> -> memref<10000x128xf32, #tpu.memory_space<hbm>>
        tpu.enqueue_indirect_dma source(%dma_start3A_389 : memref<10000x128xf32, #tpu.memory_space<hbm>>) target(%dma_start3A_383 : memref<120x128xf32, #tpu.memory_space<vmem>>) offsets(%dma_start3A_386 : memref<120xi32, #tpu.memory_space<vmem>>) semaphore(%arg12 : memref<!tpu.dma_semaphore, #tpu.memory_space<semaphore_mem>>)
      } else {
      }
    }
    %dma_wait3A_162 = arith.constant 2 : i32
    %dma_wait3A_163 = arith.constant 2 : i32
    %dma_wait3A_164 = arith.constant 0 : i32
    %dma_wait3A_165 = arith.constant 0 : i32
    %dma_wait3A_166 = tpu.memref_slice %arg9[%dma_wait3A_162, %dma_wait3A_164, %dma_wait3A_165] : memref<3x120x128xf32, #tpu.memory_space<vmem>> -> memref<1x120x128xf32, #tpu.memory_space<vmem>>
    %dma_wait3A_167 = tpu.memref_squeeze %dma_wait3A_166 : memref<1x120x128xf32, #tpu.memory_space<vmem>> -> memref<120x128xf32, #tpu.memory_space<vmem>>
    %dma_wait3A_168 = arith.constant 0 : i32
    %dma_wait3A_169 = tpu.memref_slice %arg8[%dma_wait3A_163, %dma_wait3A_168] : memref<8x128xi32, #tpu.memory_space<vmem>> -> memref<1x120xi32, #tpu.memory_space<vmem>>
    %dma_wait3A_170 = tpu.memref_squeeze %dma_wait3A_169 : memref<1x120xi32, #tpu.memory_space<vmem>> -> memref<120xi32, #tpu.memory_space<vmem>>
    %dma_wait3A_171 = arith.constant 0 : i32
    %dma_wait3A_172 = arith.constant 0 : i32
    %dma_wait3A_173 = tpu.memref_slice %arg10[%dma_wait3A_171, %dma_wait3A_172] : memref<10112x128xf32, #tpu.memory_space<vmem_shared>> -> memref<10112x128xf32, #tpu.memory_space<vmem_shared>>
    tpu.wait_indirect_dma semaphore(%arg16 : memref<!tpu.dma_semaphore, #tpu.memory_space<semaphore_mem>>) src(%dma_wait3A_167 : memref<120x128xf32, #tpu.memory_space<vmem>>) dst(%dma_wait3A_173 : memref<10112x128xf32, #tpu.memory_space<vmem_shared>>)
    %barrier3A_174 = arith.constant 0 : index
    tpu.barrier barrier_id(%barrier3A_174)
    %mul3A_175 = arith.constant 632 : i32
    %mul3A_176 = arith.muli %arg1, %mul3A_175 : i32
    %mul3A_177 = arith.constant 632 : i32
    %mul3A_178 = arith.muli %arg1, %mul3A_177 : i32
    "tpu.region"() ({
      %run_scoped3A = tpu.sem_alloc : memref<!tpu.dma_semaphore, #tpu.memory_space<semaphore_mem>>
      %dma_start3A_179 = arith.constant 0 : i32
      %dma_start3A_180 = tpu.memref_slice %arg6[%arg0, %mul3A_178, %dma_start3A_179] : memref<2x10112x128xf32, #tpu.memory_space<hbm>> -> memref<1x632x128xf32, #tpu.memory_space<hbm>>
      %dma_start3A_181 = tpu.memref_squeeze %dma_start3A_180 : memref<1x632x128xf32, #tpu.memory_space<hbm>> -> memref<632x128xf32, #tpu.memory_space<hbm>>
      %dma_start3A_182 = arith.constant 0 : i32
      %dma_start3A_183 = tpu.memref_slice %arg10[%mul3A_176, %dma_start3A_182] : memref<10112x128xf32, #tpu.memory_space<vmem_shared>> -> memref<632x128xf32, #tpu.memory_space<vmem_shared>>
      tpu.enqueue_dma source(%dma_start3A_183 : memref<632x128xf32, #tpu.memory_space<vmem_shared>>) target(%dma_start3A_181 : memref<632x128xf32, #tpu.memory_space<hbm>>) target_semaphore(%run_scoped3A : memref<!tpu.dma_semaphore, #tpu.memory_space<semaphore_mem>>)
      %dma_wait3A_184 = arith.constant 0 : i32
      %dma_wait3A_185 = tpu.memref_slice %arg6[%arg0, %mul3A_178, %dma_wait3A_184] : memref<2x10112x128xf32, #tpu.memory_space<hbm>> -> memref<1x632x128xf32, #tpu.memory_space<hbm>>
      %dma_wait3A_186 = tpu.memref_squeeze %dma_wait3A_185 : memref<1x632x128xf32, #tpu.memory_space<hbm>> -> memref<632x128xf32, #tpu.memory_space<hbm>>
      %dma_wait3A_187 = arith.constant 0 : i32
      %dma_wait3A_188 = tpu.memref_slice %arg10[%mul3A_176, %dma_wait3A_187] : memref<10112x128xf32, #tpu.memory_space<vmem_shared>> -> memref<632x128xf32, #tpu.memory_space<vmem_shared>>
      tpu.wait_dma2 semaphore(%run_scoped3A : memref<!tpu.dma_semaphore, #tpu.memory_space<semaphore_mem>>) src(%dma_wait3A_188 : memref<632x128xf32, #tpu.memory_space<vmem_shared>>) dst(%dma_wait3A_186 : memref<632x128xf32, #tpu.memory_space<hbm>>)
      tpu.yield
    }) : () -> ()
    return
  }
}

#map = affine_map<(d0, d1) -> (0, 0)>
#map1 = affine_map<(d0, d1) -> (0, 0, 0)>
module attributes {stable_mosaic.version = 14 : i64} {
  func.func @segsum(%arg0: i32, %arg1: i32, %arg2: memref<10000x128xf32, #tpu.memory_space<hbm>>, %arg3: memref<32x114x128xi32, #tpu.memory_space<hbm>>, %arg4: memref<32x114x128xi32, #tpu.memory_space<hbm>>, %arg5: memref<10112x128xf32, #tpu.memory_space<hbm>>, %arg6: memref<2x10112x128xf32, #tpu.memory_space<hbm>>, %arg7: memref<8x128xi32, #tpu.memory_space<vmem>>, %arg8: memref<8x128xi32, #tpu.memory_space<vmem>>, %arg9: memref<3x120x128xf32, #tpu.memory_space<vmem>>, %arg10: memref<10112x128xf32, #tpu.memory_space<vmem_shared>>, %arg11: memref<!tpu.dma_semaphore, #tpu.memory_space<semaphore_mem>>, %arg12: memref<!tpu.dma_semaphore, #tpu.memory_space<semaphore_mem>>, %arg13: memref<!tpu.dma_semaphore, #tpu.memory_space<semaphore_mem>>, %arg14: memref<!tpu.dma_semaphore, #tpu.memory_space<semaphore_mem>>, %arg15: memref<!tpu.dma_semaphore, #tpu.memory_space<semaphore_mem>>, %arg16: memref<!tpu.dma_semaphore, #tpu.memory_space<semaphore_mem>>, %arg17: memref<!tpu.dma_semaphore, #tpu.memory_space<semaphore_mem>>, %arg18: memref<!tpu.dma_semaphore, #tpu.memory_space<semaphore_mem>>, %arg19: memref<!tpu.dma_semaphore, #tpu.memory_space<semaphore_mem>>, %arg20: memref<!tpu.dma_semaphore, #tpu.memory_space<semaphore_mem>>, %arg21: memref<!tpu.dma_semaphore, #tpu.memory_space<semaphore_mem>>, %arg22: memref<!tpu.dma_semaphore, #tpu.memory_space<semaphore_mem>>, %arg23: memref<!tpu.dma_semaphore, #tpu.memory_space<semaphore_mem>>) attributes {dimension_semantics = [#tpu.dimension_semantics<core_parallel>, #tpu.dimension_semantics<subcore_parallel>], iteration_bounds = array<i64: 2, 16>, scalar_prefetch = 0 : i64, scratch_operands = 17 : i64, tpu.core_type = #tpu.core_type<sc_vector_subcore>, window_params = [{transform_indices = #map}, {transform_indices = #map1}, {transform_indices = #map1}, {transform_indices = #map}, {transform_indices = #map1}]} {
    %mul3A = arith.constant 2 : i32
    %mul3A_0 = arith.muli %arg1, %mul3A : i32
    %add3A = arith.addi %mul3A_0, %arg0 : i32
    %eq3A = arith.constant 0 : i32
    %eq3A_1 = arith.cmpi eq, %arg0, %eq3A : i32
    %jit3A = arith.constant 114 : i32
    %jit3A_2 = arith.constant 54 : i32
    %select_n3A = arith.select %eq3A_1, %jit3A, %jit3A_2 : i32
    %mul3A_3 = arith.constant 632 : i32
    %mul3A_4 = arith.muli %arg1, %mul3A_3 : i32
    %mul3A_5 = arith.constant 632 : i32
    %mul3A_6 = arith.muli %arg1, %mul3A_5 : i32
    %dma_start3A = arith.constant 0 : i32
    %dma_start3A_7 = tpu.memref_slice %arg10[%mul3A_6, %dma_start3A] : memref<10112x128xf32, #tpu.memory_space<vmem_shared>> -> memref<632x128xf32, #tpu.memory_space<vmem_shared>>
    %dma_start3A_8 = arith.constant 0 : i32
    %dma_start3A_9 = tpu.memref_slice %arg5[%mul3A_4, %dma_start3A_8] : memref<10112x128xf32, #tpu.memory_space<hbm>> -> memref<632x128xf32, #tpu.memory_space<hbm>>
    tpu.enqueue_dma source(%dma_start3A_9 : memref<632x128xf32, #tpu.memory_space<hbm>>) target(%dma_start3A_7 : memref<632x128xf32, #tpu.memory_space<vmem_shared>>) target_semaphore(%arg23 : memref<!tpu.dma_semaphore, #tpu.memory_space<semaphore_mem>>)
    %dma_start3A_10 = arith.constant 0 : i32
    %dma_start3A_11 = arith.constant 0 : i32
    %dma_start3A_12 = arith.constant 0 : i32
    %dma_start3A_13 = tpu.memref_slice %arg7[%dma_start3A_11, %dma_start3A_12] : memref<8x128xi32, #tpu.memory_space<vmem>> -> memref<1x128xi32, #tpu.memory_space<vmem>>
    %dma_start3A_14 = tpu.memref_squeeze %dma_start3A_13 : memref<1x128xi32, #tpu.memory_space<vmem>> -> memref<128xi32, #tpu.memory_space<vmem>>
    %dma_start3A_15 = arith.constant 0 : i32
    %dma_start3A_16 = tpu.memref_slice %arg3[%add3A, %dma_start3A_10, %dma_start3A_15] : memref<32x114x128xi32, #tpu.memory_space<hbm>> -> memref<1x1x128xi32, #tpu.memory_space<hbm>>
    %dma_start3A_17 = tpu.memref_squeeze %dma_start3A_16 : memref<1x1x128xi32, #tpu.memory_space<hbm>> -> memref<128xi32, #tpu.memory_space<hbm>>
    %dma_start3A_18 = arith.constant 0 : i32
    %dma_start3A_19 = tpu.memref_slice %arg7[%dma_start3A_11, %dma_start3A_18] : memref<8x128xi32, #tpu.memory_space<vmem>> -> memref<1x128xi32, #tpu.memory_space<vmem>>
    %dma_start3A_20 = tpu.memref_squeeze %dma_start3A_19 : memref<1x128xi32, #tpu.memory_space<vmem>> -> memref<128xi32, #tpu.memory_space<vmem>>
    %dma_start3A_21 = arith.constant 0 : i32
    %dma_start3A_22 = tpu.memref_slice %arg3[%add3A, %dma_start3A_10, %dma_start3A_21] : memref<32x114x128xi32, #tpu.memory_space<hbm>> -> memref<1x1x128xi32, #tpu.memory_space<hbm>>
    %dma_start3A_23 = tpu.memref_squeeze %dma_start3A_22 : memref<1x1x128xi32, #tpu.memory_space<hbm>> -> memref<128xi32, #tpu.memory_space<hbm>>
    tpu.enqueue_dma source(%dma_start3A_23 : memref<128xi32, #tpu.memory_space<hbm>>) target(%dma_start3A_20 : memref<128xi32, #tpu.memory_space<vmem>>) target_semaphore(%arg20 : memref<!tpu.dma_semaphore, #tpu.memory_space<semaphore_mem>>)
    %dma_start3A_24 = arith.constant 1 : i32
    %dma_start3A_25 = arith.constant 1 : i32
    %dma_start3A_26 = arith.constant 0 : i32
    %dma_start3A_27 = tpu.memref_slice %arg7[%dma_start3A_25, %dma_start3A_26] : memref<8x128xi32, #tpu.memory_space<vmem>> -> memref<1x128xi32, #tpu.memory_space<vmem>>
    %dma_start3A_28 = tpu.memref_squeeze %dma_start3A_27 : memref<1x128xi32, #tpu.memory_space<vmem>> -> memref<128xi32, #tpu.memory_space<vmem>>
    %dma_start3A_29 = arith.constant 0 : i32
    %dma_start3A_30 = tpu.memref_slice %arg3[%add3A, %dma_start3A_24, %dma_start3A_29] : memref<32x114x128xi32, #tpu.memory_space<hbm>> -> memref<1x1x128xi32, #tpu.memory_space<hbm>>
    %dma_start3A_31 = tpu.memref_squeeze %dma_start3A_30 : memref<1x1x128xi32, #tpu.memory_space<hbm>> -> memref<128xi32, #tpu.memory_space<hbm>>
    %dma_start3A_32 = arith.constant 0 : i32
    %dma_start3A_33 = tpu.memref_slice %arg7[%dma_start3A_25, %dma_start3A_32] : memref<8x128xi32, #tpu.memory_space<vmem>> -> memref<1x128xi32, #tpu.memory_space<vmem>>
    %dma_start3A_34 = tpu.memref_squeeze %dma_start3A_33 : memref<1x128xi32, #tpu.memory_space<vmem>> -> memref<128xi32, #tpu.memory_space<vmem>>
    %dma_start3A_35 = arith.constant 0 : i32
    %dma_start3A_36 = tpu.memref_slice %arg3[%add3A, %dma_start3A_24, %dma_start3A_35] : memref<32x114x128xi32, #tpu.memory_space<hbm>> -> memref<1x1x128xi32, #tpu.memory_space<hbm>>
    %dma_start3A_37 = tpu.memref_squeeze %dma_start3A_36 : memref<1x1x128xi32, #tpu.memory_space<hbm>> -> memref<128xi32, #tpu.memory_space<hbm>>
    tpu.enqueue_dma source(%dma_start3A_37 : memref<128xi32, #tpu.memory_space<hbm>>) target(%dma_start3A_34 : memref<128xi32, #tpu.memory_space<vmem>>) target_semaphore(%arg21 : memref<!tpu.dma_semaphore, #tpu.memory_space<semaphore_mem>>)
    %dma_start3A_38 = arith.constant 2 : i32
    %dma_start3A_39 = arith.constant 2 : i32
    %dma_start3A_40 = arith.constant 0 : i32
    %dma_start3A_41 = tpu.memref_slice %arg7[%dma_start3A_39, %dma_start3A_40] : memref<8x128xi32, #tpu.memory_space<vmem>> -> memref<1x128xi32, #tpu.memory_space<vmem>>
    %dma_start3A_42 = tpu.memref_squeeze %dma_start3A_41 : memref<1x128xi32, #tpu.memory_space<vmem>> -> memref<128xi32, #tpu.memory_space<vmem>>
    %dma_start3A_43 = arith.constant 0 : i32
    %dma_start3A_44 = tpu.memref_slice %arg3[%add3A, %dma_start3A_38, %dma_start3A_43] : memref<32x114x128xi32, #tpu.memory_space<hbm>> -> memref<1x1x128xi32, #tpu.memory_space<hbm>>
    %dma_start3A_45 = tpu.memref_squeeze %dma_start3A_44 : memref<1x1x128xi32, #tpu.memory_space<hbm>> -> memref<128xi32, #tpu.memory_space<hbm>>
    %dma_start3A_46 = arith.constant 0 : i32
    %dma_start3A_47 = tpu.memref_slice %arg7[%dma_start3A_39, %dma_start3A_46] : memref<8x128xi32, #tpu.memory_space<vmem>> -> memref<1x128xi32, #tpu.memory_space<vmem>>
    %dma_start3A_48 = tpu.memref_squeeze %dma_start3A_47 : memref<1x128xi32, #tpu.memory_space<vmem>> -> memref<128xi32, #tpu.memory_space<vmem>>
    %dma_start3A_49 = arith.constant 0 : i32
    %dma_start3A_50 = tpu.memref_slice %arg3[%add3A, %dma_start3A_38, %dma_start3A_49] : memref<32x114x128xi32, #tpu.memory_space<hbm>> -> memref<1x1x128xi32, #tpu.memory_space<hbm>>
    %dma_start3A_51 = tpu.memref_squeeze %dma_start3A_50 : memref<1x1x128xi32, #tpu.memory_space<hbm>> -> memref<128xi32, #tpu.memory_space<hbm>>
    tpu.enqueue_dma source(%dma_start3A_51 : memref<128xi32, #tpu.memory_space<hbm>>) target(%dma_start3A_48 : memref<128xi32, #tpu.memory_space<vmem>>) target_semaphore(%arg22 : memref<!tpu.dma_semaphore, #tpu.memory_space<semaphore_mem>>)
    %dma_start3A_52 = arith.constant 0 : i32
    %dma_start3A_53 = arith.constant 0 : i32
    %dma_start3A_54 = arith.constant 0 : i32
    %dma_start3A_55 = tpu.memref_slice %arg8[%dma_start3A_53, %dma_start3A_54] : memref<8x128xi32, #tpu.memory_space<vmem>> -> memref<1x128xi32, #tpu.memory_space<vmem>>
    %dma_start3A_56 = tpu.memref_squeeze %dma_start3A_55 : memref<1x128xi32, #tpu.memory_space<vmem>> -> memref<128xi32, #tpu.memory_space<vmem>>
    %dma_start3A_57 = arith.constant 0 : i32
    %dma_start3A_58 = tpu.memref_slice %arg4[%add3A, %dma_start3A_52, %dma_start3A_57] : memref<32x114x128xi32, #tpu.memory_space<hbm>> -> memref<1x1x128xi32, #tpu.memory_space<hbm>>
    %dma_start3A_59 = tpu.memref_squeeze %dma_start3A_58 : memref<1x1x128xi32, #tpu.memory_space<hbm>> -> memref<128xi32, #tpu.memory_space<hbm>>
    %dma_start3A_60 = arith.constant 0 : i32
    %dma_start3A_61 = tpu.memref_slice %arg8[%dma_start3A_53, %dma_start3A_60] : memref<8x128xi32, #tpu.memory_space<vmem>> -> memref<1x128xi32, #tpu.memory_space<vmem>>
    %dma_start3A_62 = tpu.memref_squeeze %dma_start3A_61 : memref<1x128xi32, #tpu.memory_space<vmem>> -> memref<128xi32, #tpu.memory_space<vmem>>
    %dma_start3A_63 = arith.constant 0 : i32
    %dma_start3A_64 = tpu.memref_slice %arg4[%add3A, %dma_start3A_52, %dma_start3A_63] : memref<32x114x128xi32, #tpu.memory_space<hbm>> -> memref<1x1x128xi32, #tpu.memory_space<hbm>>
    %dma_start3A_65 = tpu.memref_squeeze %dma_start3A_64 : memref<1x1x128xi32, #tpu.memory_space<hbm>> -> memref<128xi32, #tpu.memory_space<hbm>>
    tpu.enqueue_dma source(%dma_start3A_65 : memref<128xi32, #tpu.memory_space<hbm>>) target(%dma_start3A_62 : memref<128xi32, #tpu.memory_space<vmem>>) target_semaphore(%arg17 : memref<!tpu.dma_semaphore, #tpu.memory_space<semaphore_mem>>)
    %dma_start3A_66 = arith.constant 1 : i32
    %dma_start3A_67 = arith.constant 1 : i32
    %dma_start3A_68 = arith.constant 0 : i32
    %dma_start3A_69 = tpu.memref_slice %arg8[%dma_start3A_67, %dma_start3A_68] : memref<8x128xi32, #tpu.memory_space<vmem>> -> memref<1x128xi32, #tpu.memory_space<vmem>>
    %dma_start3A_70 = tpu.memref_squeeze %dma_start3A_69 : memref<1x128xi32, #tpu.memory_space<vmem>> -> memref<128xi32, #tpu.memory_space<vmem>>
    %dma_start3A_71 = arith.constant 0 : i32
    %dma_start3A_72 = tpu.memref_slice %arg4[%add3A, %dma_start3A_66, %dma_start3A_71] : memref<32x114x128xi32, #tpu.memory_space<hbm>> -> memref<1x1x128xi32, #tpu.memory_space<hbm>>
    %dma_start3A_73 = tpu.memref_squeeze %dma_start3A_72 : memref<1x1x128xi32, #tpu.memory_space<hbm>> -> memref<128xi32, #tpu.memory_space<hbm>>
    %dma_start3A_74 = arith.constant 0 : i32
    %dma_start3A_75 = tpu.memref_slice %arg8[%dma_start3A_67, %dma_start3A_74] : memref<8x128xi32, #tpu.memory_space<vmem>> -> memref<1x128xi32, #tpu.memory_space<vmem>>
    %dma_start3A_76 = tpu.memref_squeeze %dma_start3A_75 : memref<1x128xi32, #tpu.memory_space<vmem>> -> memref<128xi32, #tpu.memory_space<vmem>>
    %dma_start3A_77 = arith.constant 0 : i32
    %dma_start3A_78 = tpu.memref_slice %arg4[%add3A, %dma_start3A_66, %dma_start3A_77] : memref<32x114x128xi32, #tpu.memory_space<hbm>> -> memref<1x1x128xi32, #tpu.memory_space<hbm>>
    %dma_start3A_79 = tpu.memref_squeeze %dma_start3A_78 : memref<1x1x128xi32, #tpu.memory_space<hbm>> -> memref<128xi32, #tpu.memory_space<hbm>>
    tpu.enqueue_dma source(%dma_start3A_79 : memref<128xi32, #tpu.memory_space<hbm>>) target(%dma_start3A_76 : memref<128xi32, #tpu.memory_space<vmem>>) target_semaphore(%arg18 : memref<!tpu.dma_semaphore, #tpu.memory_space<semaphore_mem>>)
    %dma_wait3A = arith.constant 0 : i32
    %dma_wait3A_80 = arith.constant 0 : i32
    %dma_wait3A_81 = arith.constant 0 : i32
    %dma_wait3A_82 = tpu.memref_slice %arg7[%dma_wait3A_80, %dma_wait3A_81] : memref<8x128xi32, #tpu.memory_space<vmem>> -> memref<1x128xi32, #tpu.memory_space<vmem>>
    %dma_wait3A_83 = tpu.memref_squeeze %dma_wait3A_82 : memref<1x128xi32, #tpu.memory_space<vmem>> -> memref<128xi32, #tpu.memory_space<vmem>>
    %dma_wait3A_84 = arith.constant 0 : i32
    %dma_wait3A_85 = tpu.memref_slice %arg3[%add3A, %dma_wait3A, %dma_wait3A_84] : memref<32x114x128xi32, #tpu.memory_space<hbm>> -> memref<1x1x128xi32, #tpu.memory_space<hbm>>
    %dma_wait3A_86 = tpu.memref_squeeze %dma_wait3A_85 : memref<1x1x128xi32, #tpu.memory_space<hbm>> -> memref<128xi32, #tpu.memory_space<hbm>>
    %dma_wait3A_87 = arith.constant 0 : i32
    %dma_wait3A_88 = tpu.memref_slice %arg7[%dma_wait3A_80, %dma_wait3A_87] : memref<8x128xi32, #tpu.memory_space<vmem>> -> memref<1x128xi32, #tpu.memory_space<vmem>>
    %dma_wait3A_89 = tpu.memref_squeeze %dma_wait3A_88 : memref<1x128xi32, #tpu.memory_space<vmem>> -> memref<128xi32, #tpu.memory_space<vmem>>
    %dma_wait3A_90 = arith.constant 0 : i32
    %dma_wait3A_91 = tpu.memref_slice %arg3[%add3A, %dma_wait3A, %dma_wait3A_90] : memref<32x114x128xi32, #tpu.memory_space<hbm>> -> memref<1x1x128xi32, #tpu.memory_space<hbm>>
    %dma_wait3A_92 = tpu.memref_squeeze %dma_wait3A_91 : memref<1x1x128xi32, #tpu.memory_space<hbm>> -> memref<128xi32, #tpu.memory_space<hbm>>
    tpu.wait_dma2 semaphore(%arg20 : memref<!tpu.dma_semaphore, #tpu.memory_space<semaphore_mem>>) src(%dma_wait3A_92 : memref<128xi32, #tpu.memory_space<hbm>>) dst(%dma_wait3A_89 : memref<128xi32, #tpu.memory_space<vmem>>)
    %dma_start3A_93 = arith.constant 0 : i32
    %dma_start3A_94 = arith.constant 0 : i32
    %dma_start3A_95 = arith.constant 0 : i32
    %dma_start3A_96 = arith.constant 0 : i32
    %dma_start3A_97 = tpu.memref_slice %arg9[%dma_start3A_94, %dma_start3A_95, %dma_start3A_96] : memref<3x120x128xf32, #tpu.memory_space<vmem>> -> memref<1x120x128xf32, #tpu.memory_space<vmem>>
    %dma_start3A_98 = tpu.memref_squeeze %dma_start3A_97 : memref<1x120x128xf32, #tpu.memory_space<vmem>> -> memref<120x128xf32, #tpu.memory_space<vmem>>
    %dma_start3A_99 = arith.constant 0 : i32
    %dma_start3A_100 = tpu.memref_slice %arg7[%dma_start3A_93, %dma_start3A_99] : memref<8x128xi32, #tpu.memory_space<vmem>> -> memref<1x120xi32, #tpu.memory_space<vmem>>
    %dma_start3A_101 = tpu.memref_squeeze %dma_start3A_100 : memref<1x120xi32, #tpu.memory_space<vmem>> -> memref<120xi32, #tpu.memory_space<vmem>>
    %dma_start3A_102 = arith.constant 0 : i32
    %dma_start3A_103 = arith.constant 0 : i32
    %dma_start3A_104 = tpu.memref_slice %arg2[%dma_start3A_102, %dma_start3A_103] : memref<10000x128xf32, #tpu.memory_space<hbm>> -> memref<10000x128xf32, #tpu.memory_space<hbm>>
    tpu.enqueue_indirect_dma source(%dma_start3A_104 : memref<10000x128xf32, #tpu.memory_space<hbm>>) target(%dma_start3A_98 : memref<120x128xf32, #tpu.memory_space<vmem>>) offsets(%dma_start3A_101 : memref<120xi32, #tpu.memory_space<vmem>>) semaphore(%arg11 : memref<!tpu.dma_semaphore, #tpu.memory_space<semaphore_mem>>)
    %dma_wait3A_105 = arith.constant 1 : i32
    %dma_wait3A_106 = arith.constant 1 : i32
    %dma_wait3A_107 = arith.constant 0 : i32
    %dma_wait3A_108 = tpu.memref_slice %arg7[%dma_wait3A_106, %dma_wait3A_107] : memref<8x128xi32, #tpu.memory_space<vmem>> -> memref<1x128xi32, #tpu.memory_space<vmem>>
    %dma_wait3A_109 = tpu.memref_squeeze %dma_wait3A_108 : memref<1x128xi32, #tpu.memory_space<vmem>> -> memref<128xi32, #tpu.memory_space<vmem>>
    %dma_wait3A_110 = arith.constant 0 : i32
    %dma_wait3A_111 = tpu.memref_slice %arg3[%add3A, %dma_wait3A_105, %dma_wait3A_110] : memref<32x114x128xi32, #tpu.memory_space<hbm>> -> memref<1x1x128xi32, #tpu.memory_space<hbm>>
    %dma_wait3A_112 = tpu.memref_squeeze %dma_wait3A_111 : memref<1x1x128xi32, #tpu.memory_space<hbm>> -> memref<128xi32, #tpu.memory_space<hbm>>
    %dma_wait3A_113 = arith.constant 0 : i32
    %dma_wait3A_114 = tpu.memref_slice %arg7[%dma_wait3A_106, %dma_wait3A_113] : memref<8x128xi32, #tpu.memory_space<vmem>> -> memref<1x128xi32, #tpu.memory_space<vmem>>
    %dma_wait3A_115 = tpu.memref_squeeze %dma_wait3A_114 : memref<1x128xi32, #tpu.memory_space<vmem>> -> memref<128xi32, #tpu.memory_space<vmem>>
    %dma_wait3A_116 = arith.constant 0 : i32
    %dma_wait3A_117 = tpu.memref_slice %arg3[%add3A, %dma_wait3A_105, %dma_wait3A_116] : memref<32x114x128xi32, #tpu.memory_space<hbm>> -> memref<1x1x128xi32, #tpu.memory_space<hbm>>
    %dma_wait3A_118 = tpu.memref_squeeze %dma_wait3A_117 : memref<1x1x128xi32, #tpu.memory_space<hbm>> -> memref<128xi32, #tpu.memory_space<hbm>>
    tpu.wait_dma2 semaphore(%arg21 : memref<!tpu.dma_semaphore, #tpu.memory_space<semaphore_mem>>) src(%dma_wait3A_118 : memref<128xi32, #tpu.memory_space<hbm>>) dst(%dma_wait3A_115 : memref<128xi32, #tpu.memory_space<vmem>>)
    %dma_start3A_119 = arith.constant 1 : i32
    %dma_start3A_120 = arith.constant 1 : i32
    %dma_start3A_121 = arith.constant 0 : i32
    %dma_start3A_122 = arith.constant 0 : i32
    %dma_start3A_123 = tpu.memref_slice %arg9[%dma_start3A_120, %dma_start3A_121, %dma_start3A_122] : memref<3x120x128xf32, #tpu.memory_space<vmem>> -> memref<1x120x128xf32, #tpu.memory_space<vmem>>
    %dma_start3A_124 = tpu.memref_squeeze %dma_start3A_123 : memref<1x120x128xf32, #tpu.memory_space<vmem>> -> memref<120x128xf32, #tpu.memory_space<vmem>>
    %dma_start3A_125 = arith.constant 0 : i32
    %dma_start3A_126 = tpu.memref_slice %arg7[%dma_start3A_119, %dma_start3A_125] : memref<8x128xi32, #tpu.memory_space<vmem>> -> memref<1x120xi32, #tpu.memory_space<vmem>>
    %dma_start3A_127 = tpu.memref_squeeze %dma_start3A_126 : memref<1x120xi32, #tpu.memory_space<vmem>> -> memref<120xi32, #tpu.memory_space<vmem>>
    %dma_start3A_128 = arith.constant 0 : i32
    %dma_start3A_129 = arith.constant 0 : i32
    %dma_start3A_130 = tpu.memref_slice %arg2[%dma_start3A_128, %dma_start3A_129] : memref<10000x128xf32, #tpu.memory_space<hbm>> -> memref<10000x128xf32, #tpu.memory_space<hbm>>
    tpu.enqueue_indirect_dma source(%dma_start3A_130 : memref<10000x128xf32, #tpu.memory_space<hbm>>) target(%dma_start3A_124 : memref<120x128xf32, #tpu.memory_space<vmem>>) offsets(%dma_start3A_127 : memref<120xi32, #tpu.memory_space<vmem>>) semaphore(%arg12 : memref<!tpu.dma_semaphore, #tpu.memory_space<semaphore_mem>>)
    %dma_wait3A_131 = arith.constant 0 : i32
    %dma_wait3A_132 = tpu.memref_slice %arg10[%mul3A_6, %dma_wait3A_131] : memref<10112x128xf32, #tpu.memory_space<vmem_shared>> -> memref<632x128xf32, #tpu.memory_space<vmem_shared>>
    %dma_wait3A_133 = arith.constant 0 : i32
    %dma_wait3A_134 = tpu.memref_slice %arg5[%mul3A_4, %dma_wait3A_133] : memref<10112x128xf32, #tpu.memory_space<hbm>> -> memref<632x128xf32, #tpu.memory_space<hbm>>
    tpu.wait_dma2 semaphore(%arg23 : memref<!tpu.dma_semaphore, #tpu.memory_space<semaphore_mem>>) src(%dma_wait3A_134 : memref<632x128xf32, #tpu.memory_space<hbm>>) dst(%dma_wait3A_132 : memref<632x128xf32, #tpu.memory_space<vmem_shared>>)
    %barrier3A = arith.constant 0 : index
    tpu.barrier barrier_id(%barrier3A)
    %jit3A_135 = arith.constant 3 : i32
    %div3A = arith.divsi %select_n3A, %jit3A_135 : i32
    %sign3A = arith.constant 0 : i32
    %sign3A_136 = arith.cmpi sgt, %select_n3A, %sign3A : i32
    %sign3A_137 = arith.extui %sign3A_136 : i1 to i32
    %sign3A_138 = arith.constant 0 : i32
    %sign3A_139 = arith.cmpi slt, %select_n3A, %sign3A_138 : i32
    %sign3A_140 = arith.extui %sign3A_139 : i1 to i32
    %sign3A_141 = arith.subi %sign3A_137, %sign3A_140 : i32
    %sign3A_142 = arith.constant 0 : i32
    %sign3A_143 = arith.cmpi sgt, %jit3A_135, %sign3A_142 : i32
    %sign3A_144 = arith.extui %sign3A_143 : i1 to i32
    %sign3A_145 = arith.constant 0 : i32
    %sign3A_146 = arith.cmpi slt, %jit3A_135, %sign3A_145 : i32
    %sign3A_147 = arith.extui %sign3A_146 : i1 to i32
    %sign3A_148 = arith.subi %sign3A_144, %sign3A_147 : i32
    %ne3A = arith.cmpi ne, %sign3A_141, %sign3A_148 : i32
    %rem3A = arith.remsi %select_n3A, %jit3A_135 : i32
    %ne3A_149 = arith.constant 0 : i32
    %ne3A_150 = arith.cmpi ne, %rem3A, %ne3A_149 : i32
    %and3A = arith.andi %ne3A, %ne3A_150 : i1
    %sub3A = arith.constant 1 : i32
    %sub3A_151 = arith.subi %div3A, %sub3A : i32
    %select_n3A_152 = arith.select %and3A, %sub3A_151, %div3A : i32
    %while3A = arith.constant 0 : i32
    %while3A_153 = arith.constant 0 : i32
    %while3A_154 = arith.subi %select_n3A_152, %while3A_153 : i32
    %while3A_155 = arith.addi %while3A_153, %while3A_154 : i32
    %while3A_156 = arith.constant 1 : i32
    %while3A_157 = arith.divsi %while3A_154, %while3A_156 : i32
    %while3A_158 = arith.muli %while3A_157, %while3A_156 : i32
    %while3A_159 = arith.addi %while3A_153, %while3A_158 : i32
    %while3A_160 = arith.constant 1 : i32
    scf.for %while3A_179 = %while3A_153 to %while3A_159 step %while3A_160  : i32 {
      %mul3A_180 = arith.constant 3 : i32
      %mul3A_181 = arith.muli %while3A_179, %mul3A_180 : i32
      %add3A_182 = arith.constant 0 : i32
      %add3A_183 = arith.addi %mul3A_181, %add3A_182 : i32
      %ge3A = arith.constant 1 : i32
      %ge3A_184 = arith.cmpi sge, %add3A_183, %ge3A : i32
      %convert_element_type3A = arith.extui %ge3A_184 : i1 to i32
      %cond3A = arith.constant 0 : i32
      %cond3A_185 = arith.cmpi ne, %convert_element_type3A, %cond3A : i32
      scf.if %cond3A_185 {
        %dma_wait3A_346 = arith.constant 2 : i32
        %dma_wait3A_347 = arith.constant 2 : i32
        %dma_wait3A_348 = arith.constant 0 : i32
        %dma_wait3A_349 = arith.constant 0 : i32
        %dma_wait3A_350 = tpu.memref_slice %arg9[%dma_wait3A_346, %dma_wait3A_348, %dma_wait3A_349] : memref<3x120x128xf32, #tpu.memory_space<vmem>> -> memref<1x120x128xf32, #tpu.memory_space<vmem>>
        %dma_wait3A_351 = tpu.memref_squeeze %dma_wait3A_350 : memref<1x120x128xf32, #tpu.memory_space<vmem>> -> memref<120x128xf32, #tpu.memory_space<vmem>>
        %dma_wait3A_352 = arith.constant 0 : i32
        %dma_wait3A_353 = tpu.memref_slice %arg8[%dma_wait3A_347, %dma_wait3A_352] : memref<8x128xi32, #tpu.memory_space<vmem>> -> memref<1x120xi32, #tpu.memory_space<vmem>>
        %dma_wait3A_354 = tpu.memref_squeeze %dma_wait3A_353 : memref<1x120xi32, #tpu.memory_space<vmem>> -> memref<120xi32, #tpu.memory_space<vmem>>
        %dma_wait3A_355 = arith.constant 0 : i32
        %dma_wait3A_356 = arith.constant 0 : i32
        %dma_wait3A_357 = tpu.memref_slice %arg10[%dma_wait3A_355, %dma_wait3A_356] : memref<10112x128xf32, #tpu.memory_space<vmem_shared>> -> memref<10112x128xf32, #tpu.memory_space<vmem_shared>>
        tpu.wait_indirect_dma semaphore(%arg16 : memref<!tpu.dma_semaphore, #tpu.memory_space<semaphore_mem>>) src(%dma_wait3A_351 : memref<120x128xf32, #tpu.memory_space<vmem>>) dst(%dma_wait3A_357 : memref<10112x128xf32, #tpu.memory_space<vmem_shared>>)
      } else {
      }
      %dma_wait3A_186 = arith.constant 0 : i32
      %dma_wait3A_187 = arith.constant 0 : i32
      %dma_wait3A_188 = arith.constant 0 : i32
      %dma_wait3A_189 = arith.constant 0 : i32
      %dma_wait3A_190 = tpu.memref_slice %arg9[%dma_wait3A_187, %dma_wait3A_188, %dma_wait3A_189] : memref<3x120x128xf32, #tpu.memory_space<vmem>> -> memref<1x120x128xf32, #tpu.memory_space<vmem>>
      %dma_wait3A_191 = tpu.memref_squeeze %dma_wait3A_190 : memref<1x120x128xf32, #tpu.memory_space<vmem>> -> memref<120x128xf32, #tpu.memory_space<vmem>>
      %dma_wait3A_192 = arith.constant 0 : i32
      %dma_wait3A_193 = tpu.memref_slice %arg7[%dma_wait3A_186, %dma_wait3A_192] : memref<8x128xi32, #tpu.memory_space<vmem>> -> memref<1x120xi32, #tpu.memory_space<vmem>>
      %dma_wait3A_194 = tpu.memref_squeeze %dma_wait3A_193 : memref<1x120xi32, #tpu.memory_space<vmem>> -> memref<120xi32, #tpu.memory_space<vmem>>
      %dma_wait3A_195 = arith.constant 0 : i32
      %dma_wait3A_196 = arith.constant 0 : i32
      %dma_wait3A_197 = tpu.memref_slice %arg2[%dma_wait3A_195, %dma_wait3A_196] : memref<10000x128xf32, #tpu.memory_space<hbm>> -> memref<10000x128xf32, #tpu.memory_space<hbm>>
      tpu.wait_indirect_dma semaphore(%arg11 : memref<!tpu.dma_semaphore, #tpu.memory_space<semaphore_mem>>) src(%dma_wait3A_197 : memref<10000x128xf32, #tpu.memory_space<hbm>>) dst(%dma_wait3A_191 : memref<120x128xf32, #tpu.memory_space<vmem>>)
      %dma_wait3A_198 = arith.constant 0 : i32
      %dma_wait3A_199 = arith.constant 0 : i32
      %dma_wait3A_200 = tpu.memref_slice %arg8[%dma_wait3A_198, %dma_wait3A_199] : memref<8x128xi32, #tpu.memory_space<vmem>> -> memref<1x128xi32, #tpu.memory_space<vmem>>
      %dma_wait3A_201 = tpu.memref_squeeze %dma_wait3A_200 : memref<1x128xi32, #tpu.memory_space<vmem>> -> memref<128xi32, #tpu.memory_space<vmem>>
      %dma_wait3A_202 = arith.constant 0 : i32
      %dma_wait3A_203 = tpu.memref_slice %arg4[%add3A, %add3A_183, %dma_wait3A_202] : memref<32x114x128xi32, #tpu.memory_space<hbm>> -> memref<1x1x128xi32, #tpu.memory_space<hbm>>
      %dma_wait3A_204 = tpu.memref_squeeze %dma_wait3A_203 : memref<1x1x128xi32, #tpu.memory_space<hbm>> -> memref<128xi32, #tpu.memory_space<hbm>>
      %dma_wait3A_205 = arith.constant 0 : i32
      %dma_wait3A_206 = tpu.memref_slice %arg8[%dma_wait3A_198, %dma_wait3A_205] : memref<8x128xi32, #tpu.memory_space<vmem>> -> memref<1x128xi32, #tpu.memory_space<vmem>>
      %dma_wait3A_207 = tpu.memref_squeeze %dma_wait3A_206 : memref<1x128xi32, #tpu.memory_space<vmem>> -> memref<128xi32, #tpu.memory_space<vmem>>
      %dma_wait3A_208 = arith.constant 0 : i32
      %dma_wait3A_209 = tpu.memref_slice %arg4[%add3A, %add3A_183, %dma_wait3A_208] : memref<32x114x128xi32, #tpu.memory_space<hbm>> -> memref<1x1x128xi32, #tpu.memory_space<hbm>>
      %dma_wait3A_210 = tpu.memref_squeeze %dma_wait3A_209 : memref<1x1x128xi32, #tpu.memory_space<hbm>> -> memref<128xi32, #tpu.memory_space<hbm>>
      tpu.wait_dma2 semaphore(%arg17 : memref<!tpu.dma_semaphore, #tpu.memory_space<semaphore_mem>>) src(%dma_wait3A_210 : memref<128xi32, #tpu.memory_space<hbm>>) dst(%dma_wait3A_207 : memref<128xi32, #tpu.memory_space<vmem>>)
      %dma_start3A_211 = arith.constant 0 : i32
      %dma_start3A_212 = arith.constant 0 : i32
      %dma_start3A_213 = arith.constant 0 : i32
      %dma_start3A_214 = arith.constant 0 : i32
      %dma_start3A_215 = tpu.memref_slice %arg9[%dma_start3A_211, %dma_start3A_213, %dma_start3A_214] : memref<3x120x128xf32, #tpu.memory_space<vmem>> -> memref<1x120x128xf32, #tpu.memory_space<vmem>>
      %dma_start3A_216 = tpu.memref_squeeze %dma_start3A_215 : memref<1x120x128xf32, #tpu.memory_space<vmem>> -> memref<120x128xf32, #tpu.memory_space<vmem>>
      %dma_start3A_217 = arith.constant 0 : i32
      %dma_start3A_218 = tpu.memref_slice %arg8[%dma_start3A_212, %dma_start3A_217] : memref<8x128xi32, #tpu.memory_space<vmem>> -> memref<1x120xi32, #tpu.memory_space<vmem>>
      %dma_start3A_219 = tpu.memref_squeeze %dma_start3A_218 : memref<1x120xi32, #tpu.memory_space<vmem>> -> memref<120xi32, #tpu.memory_space<vmem>>
      %dma_start3A_220 = arith.constant 0 : i32
      %dma_start3A_221 = arith.constant 0 : i32
      %dma_start3A_222 = tpu.memref_slice %arg10[%dma_start3A_220, %dma_start3A_221] : memref<10112x128xf32, #tpu.memory_space<vmem_shared>> -> memref<10112x128xf32, #tpu.memory_space<vmem_shared>>
      tpu.enqueue_indirect_dma source(%dma_start3A_216 : memref<120x128xf32, #tpu.memory_space<vmem>>) target(%dma_start3A_222 : memref<10112x128xf32, #tpu.memory_space<vmem_shared>>) offsets(%dma_start3A_219 : memref<120xi32, #tpu.memory_space<vmem>>) semaphore(%arg14 : memref<!tpu.dma_semaphore, #tpu.memory_space<semaphore_mem>>) {add = true}
      %add3A_223 = arith.constant 3 : i32
      %add3A_224 = arith.addi %add3A_183, %add3A_223 : i32
      %lt3A = arith.cmpi slt, %add3A_224, %select_n3A : i32
      %convert_element_type3A_225 = arith.extui %lt3A : i1 to i32
      %cond3A_226 = arith.constant 0 : i32
      %cond3A_227 = arith.cmpi ne, %convert_element_type3A_225, %cond3A_226 : i32
      scf.if %cond3A_227 {
        %add3A_346 = arith.constant 3 : i32
        %add3A_347 = arith.addi %add3A_183, %add3A_346 : i32
        %dma_start3A_348 = arith.constant 0 : i32
        %dma_start3A_349 = arith.constant 0 : i32
        %dma_start3A_350 = tpu.memref_slice %arg7[%dma_start3A_348, %dma_start3A_349] : memref<8x128xi32, #tpu.memory_space<vmem>> -> memref<1x128xi32, #tpu.memory_space<vmem>>
        %dma_start3A_351 = tpu.memref_squeeze %dma_start3A_350 : memref<1x128xi32, #tpu.memory_space<vmem>> -> memref<128xi32, #tpu.memory_space<vmem>>
        %dma_start3A_352 = arith.constant 0 : i32
        %dma_start3A_353 = tpu.memref_slice %arg3[%add3A, %add3A_347, %dma_start3A_352] : memref<32x114x128xi32, #tpu.memory_space<hbm>> -> memref<1x1x128xi32, #tpu.memory_space<hbm>>
        %dma_start3A_354 = tpu.memref_squeeze %dma_start3A_353 : memref<1x1x128xi32, #tpu.memory_space<hbm>> -> memref<128xi32, #tpu.memory_space<hbm>>
        %dma_start3A_355 = arith.constant 0 : i32
        %dma_start3A_356 = tpu.memref_slice %arg7[%dma_start3A_348, %dma_start3A_355] : memref<8x128xi32, #tpu.memory_space<vmem>> -> memref<1x128xi32, #tpu.memory_space<vmem>>
        %dma_start3A_357 = tpu.memref_squeeze %dma_start3A_356 : memref<1x128xi32, #tpu.memory_space<vmem>> -> memref<128xi32, #tpu.memory_space<vmem>>
        %dma_start3A_358 = arith.constant 0 : i32
        %dma_start3A_359 = tpu.memref_slice %arg3[%add3A, %add3A_347, %dma_start3A_358] : memref<32x114x128xi32, #tpu.memory_space<hbm>> -> memref<1x1x128xi32, #tpu.memory_space<hbm>>
        %dma_start3A_360 = tpu.memref_squeeze %dma_start3A_359 : memref<1x1x128xi32, #tpu.memory_space<hbm>> -> memref<128xi32, #tpu.memory_space<hbm>>
        tpu.enqueue_dma source(%dma_start3A_360 : memref<128xi32, #tpu.memory_space<hbm>>) target(%dma_start3A_357 : memref<128xi32, #tpu.memory_space<vmem>>) target_semaphore(%arg20 : memref<!tpu.dma_semaphore, #tpu.memory_space<semaphore_mem>>)
      } else {
      }
      %add3A_228 = arith.constant 2 : i32
      %add3A_229 = arith.addi %add3A_183, %add3A_228 : i32
      %lt3A_230 = arith.cmpi slt, %add3A_229, %select_n3A : i32
      %convert_element_type3A_231 = arith.extui %lt3A_230 : i1 to i32
      %cond3A_232 = arith.constant 0 : i32
      %cond3A_233 = arith.cmpi ne, %convert_element_type3A_231, %cond3A_232 : i32
      scf.if %cond3A_233 {
        %add3A_346 = arith.constant 2 : i32
        %add3A_347 = arith.addi %add3A_183, %add3A_346 : i32
        %dma_start3A_348 = arith.constant 2 : i32
        %dma_start3A_349 = arith.constant 0 : i32
        %dma_start3A_350 = tpu.memref_slice %arg8[%dma_start3A_348, %dma_start3A_349] : memref<8x128xi32, #tpu.memory_space<vmem>> -> memref<1x128xi32, #tpu.memory_space<vmem>>
        %dma_start3A_351 = tpu.memref_squeeze %dma_start3A_350 : memref<1x128xi32, #tpu.memory_space<vmem>> -> memref<128xi32, #tpu.memory_space<vmem>>
        %dma_start3A_352 = arith.constant 0 : i32
        %dma_start3A_353 = tpu.memref_slice %arg4[%add3A, %add3A_347, %dma_start3A_352] : memref<32x114x128xi32, #tpu.memory_space<hbm>> -> memref<1x1x128xi32, #tpu.memory_space<hbm>>
        %dma_start3A_354 = tpu.memref_squeeze %dma_start3A_353 : memref<1x1x128xi32, #tpu.memory_space<hbm>> -> memref<128xi32, #tpu.memory_space<hbm>>
        %dma_start3A_355 = arith.constant 0 : i32
        %dma_start3A_356 = tpu.memref_slice %arg8[%dma_start3A_348, %dma_start3A_355] : memref<8x128xi32, #tpu.memory_space<vmem>> -> memref<1x128xi32, #tpu.memory_space<vmem>>
        %dma_start3A_357 = tpu.memref_squeeze %dma_start3A_356 : memref<1x128xi32, #tpu.memory_space<vmem>> -> memref<128xi32, #tpu.memory_space<vmem>>
        %dma_start3A_358 = arith.constant 0 : i32
        %dma_start3A_359 = tpu.memref_slice %arg4[%add3A, %add3A_347, %dma_start3A_358] : memref<32x114x128xi32, #tpu.memory_space<hbm>> -> memref<1x1x128xi32, #tpu.memory_space<hbm>>
        %dma_start3A_360 = tpu.memref_squeeze %dma_start3A_359 : memref<1x1x128xi32, #tpu.memory_space<hbm>> -> memref<128xi32, #tpu.memory_space<hbm>>
        tpu.enqueue_dma source(%dma_start3A_360 : memref<128xi32, #tpu.memory_space<hbm>>) target(%dma_start3A_357 : memref<128xi32, #tpu.memory_space<vmem>>) target_semaphore(%arg19 : memref<!tpu.dma_semaphore, #tpu.memory_space<semaphore_mem>>)
        %add3A_361 = arith.constant 2 : i32
        %add3A_362 = arith.addi %add3A_183, %add3A_361 : i32
        %dma_wait3A_363 = arith.constant 2 : i32
        %dma_wait3A_364 = arith.constant 0 : i32
        %dma_wait3A_365 = tpu.memref_slice %arg7[%dma_wait3A_363, %dma_wait3A_364] : memref<8x128xi32, #tpu.memory_space<vmem>> -> memref<1x128xi32, #tpu.memory_space<vmem>>
        %dma_wait3A_366 = tpu.memref_squeeze %dma_wait3A_365 : memref<1x128xi32, #tpu.memory_space<vmem>> -> memref<128xi32, #tpu.memory_space<vmem>>
        %dma_wait3A_367 = arith.constant 0 : i32
        %dma_wait3A_368 = tpu.memref_slice %arg3[%add3A, %add3A_362, %dma_wait3A_367] : memref<32x114x128xi32, #tpu.memory_space<hbm>> -> memref<1x1x128xi32, #tpu.memory_space<hbm>>
        %dma_wait3A_369 = tpu.memref_squeeze %dma_wait3A_368 : memref<1x1x128xi32, #tpu.memory_space<hbm>> -> memref<128xi32, #tpu.memory_space<hbm>>
        %dma_wait3A_370 = arith.constant 0 : i32
        %dma_wait3A_371 = tpu.memref_slice %arg7[%dma_wait3A_363, %dma_wait3A_370] : memref<8x128xi32, #tpu.memory_space<vmem>> -> memref<1x128xi32, #tpu.memory_space<vmem>>
        %dma_wait3A_372 = tpu.memref_squeeze %dma_wait3A_371 : memref<1x128xi32, #tpu.memory_space<vmem>> -> memref<128xi32, #tpu.memory_space<vmem>>
        %dma_wait3A_373 = arith.constant 0 : i32
        %dma_wait3A_374 = tpu.memref_slice %arg3[%add3A, %add3A_362, %dma_wait3A_373] : memref<32x114x128xi32, #tpu.memory_space<hbm>> -> memref<1x1x128xi32, #tpu.memory_space<hbm>>
        %dma_wait3A_375 = tpu.memref_squeeze %dma_wait3A_374 : memref<1x1x128xi32, #tpu.memory_space<hbm>> -> memref<128xi32, #tpu.memory_space<hbm>>
        tpu.wait_dma2 semaphore(%arg22 : memref<!tpu.dma_semaphore, #tpu.memory_space<semaphore_mem>>) src(%dma_wait3A_375 : memref<128xi32, #tpu.memory_space<hbm>>) dst(%dma_wait3A_372 : memref<128xi32, #tpu.memory_space<vmem>>)
        %add3A_376 = arith.constant 2 : i32
        %add3A_377 = arith.addi %add3A_183, %add3A_376 : i32
        %dma_start3A_378 = arith.constant 2 : i32
        %dma_start3A_379 = arith.constant 2 : i32
        %dma_start3A_380 = arith.constant 0 : i32
        %dma_start3A_381 = arith.constant 0 : i32
        %dma_start3A_382 = tpu.memref_slice %arg9[%dma_start3A_379, %dma_start3A_380, %dma_start3A_381] : memref<3x120x128xf32, #tpu.memory_space<vmem>> -> memref<1x120x128xf32, #tpu.memory_space<vmem>>
        %dma_start3A_383 = tpu.memref_squeeze %dma_start3A_382 : memref<1x120x128xf32, #tpu.memory_space<vmem>> -> memref<120x128xf32, #tpu.memory_space<vmem>>
        %dma_start3A_384 = arith.constant 0 : i32
        %dma_start3A_385 = tpu.memref_slice %arg7[%dma_start3A_378, %dma_start3A_384] : memref<8x128xi32, #tpu.memory_space<vmem>> -> memref<1x120xi32, #tpu.memory_space<vmem>>
        %dma_start3A_386 = tpu.memref_squeeze %dma_start3A_385 : memref<1x120xi32, #tpu.memory_space<vmem>> -> memref<120xi32, #tpu.memory_space<vmem>>
        %dma_start3A_387 = arith.constant 0 : i32
        %dma_start3A_388 = arith.constant 0 : i32
        %dma_start3A_389 = tpu.memref_slice %arg2[%dma_start3A_387, %dma_start3A_388] : memref<10000x128xf32, #tpu.memory_space<hbm>> -> memref<10000x128xf32, #tpu.memory_space<hbm>>
        tpu.enqueue_indirect_dma source(%dma_start3A_389 : memref<10000x128xf32, #tpu.memory_space<hbm>>) target(%dma_start3A_383 : memref<120x128xf32, #tpu.memory_space<vmem>>) offsets(%dma_start3A_386 : memref<120xi32, #tpu.memory_space<vmem>>) semaphore(%arg13 : memref<!tpu.dma_semaphore, #tpu.memory_space<semaphore_mem>>)
      } else {
      }
      %add3A_234 = arith.constant 1 : i32
      %add3A_235 = arith.addi %mul3A_181, %add3A_234 : i32
      %ge3A_236 = arith.constant 1 : i32
      %ge3A_237 = arith.cmpi sge, %add3A_235, %ge3A_236 : i32
      %convert_element_type3A_238 = arith.extui %ge3A_237 : i1 to i32
      %cond3A_239 = arith.constant 0 : i32
      %cond3A_240 = arith.cmpi ne, %convert_element_type3A_238, %cond3A_239 : i32
      scf.if %cond3A_240 {
        %dma_wait3A_346 = arith.constant 0 : i32
        %dma_wait3A_347 = arith.constant 0 : i32
        %dma_wait3A_348 = arith.constant 0 : i32
        %dma_wait3A_349 = arith.constant 0 : i32
        %dma_wait3A_350 = tpu.memref_slice %arg9[%dma_wait3A_346, %dma_wait3A_348, %dma_wait3A_349] : memref<3x120x128xf32, #tpu.memory_space<vmem>> -> memref<1x120x128xf32, #tpu.memory_space<vmem>>
        %dma_wait3A_351 = tpu.memref_squeeze %dma_wait3A_350 : memref<1x120x128xf32, #tpu.memory_space<vmem>> -> memref<120x128xf32, #tpu.memory_space<vmem>>
        %dma_wait3A_352 = arith.constant 0 : i32
        %dma_wait3A_353 = tpu.memref_slice %arg8[%dma_wait3A_347, %dma_wait3A_352] : memref<8x128xi32, #tpu.memory_space<vmem>> -> memref<1x120xi32, #tpu.memory_space<vmem>>
        %dma_wait3A_354 = tpu.memref_squeeze %dma_wait3A_353 : memref<1x120xi32, #tpu.memory_space<vmem>> -> memref<120xi32, #tpu.memory_space<vmem>>
        %dma_wait3A_355 = arith.constant 0 : i32
        %dma_wait3A_356 = arith.constant 0 : i32
        %dma_wait3A_357 = tpu.memref_slice %arg10[%dma_wait3A_355, %dma_wait3A_356] : memref<10112x128xf32, #tpu.memory_space<vmem_shared>> -> memref<10112x128xf32, #tpu.memory_space<vmem_shared>>
        tpu.wait_indirect_dma semaphore(%arg14 : memref<!tpu.dma_semaphore, #tpu.memory_space<semaphore_mem>>) src(%dma_wait3A_351 : memref<120x128xf32, #tpu.memory_space<vmem>>) dst(%dma_wait3A_357 : memref<10112x128xf32, #tpu.memory_space<vmem_shared>>)
      } else {
      }
      %dma_wait3A_241 = arith.constant 1 : i32
      %dma_wait3A_242 = arith.constant 1 : i32
      %dma_wait3A_243 = arith.constant 0 : i32
      %dma_wait3A_244 = arith.constant 0 : i32
      %dma_wait3A_245 = tpu.memref_slice %arg9[%dma_wait3A_242, %dma_wait3A_243, %dma_wait3A_244] : memref<3x120x128xf32, #tpu.memory_space<vmem>> -> memref<1x120x128xf32, #tpu.memory_space<vmem>>
      %dma_wait3A_246 = tpu.memref_squeeze %dma_wait3A_245 : memref<1x120x128xf32, #tpu.memory_space<vmem>> -> memref<120x128xf32, #tpu.memory_space<vmem>>
      %dma_wait3A_247 = arith.constant 0 : i32
      %dma_wait3A_248 = tpu.memref_slice %arg7[%dma_wait3A_241, %dma_wait3A_247] : memref<8x128xi32, #tpu.memory_space<vmem>> -> memref<1x120xi32, #tpu.memory_space<vmem>>
      %dma_wait3A_249 = tpu.memref_squeeze %dma_wait3A_248 : memref<1x120xi32, #tpu.memory_space<vmem>> -> memref<120xi32, #tpu.memory_space<vmem>>
      %dma_wait3A_250 = arith.constant 0 : i32
      %dma_wait3A_251 = arith.constant 0 : i32
      %dma_wait3A_252 = tpu.memref_slice %arg2[%dma_wait3A_250, %dma_wait3A_251] : memref<10000x128xf32, #tpu.memory_space<hbm>> -> memref<10000x128xf32, #tpu.memory_space<hbm>>
      tpu.wait_indirect_dma semaphore(%arg12 : memref<!tpu.dma_semaphore, #tpu.memory_space<semaphore_mem>>) src(%dma_wait3A_252 : memref<10000x128xf32, #tpu.memory_space<hbm>>) dst(%dma_wait3A_246 : memref<120x128xf32, #tpu.memory_space<vmem>>)
      %dma_wait3A_253 = arith.constant 1 : i32
      %dma_wait3A_254 = arith.constant 0 : i32
      %dma_wait3A_255 = tpu.memref_slice %arg8[%dma_wait3A_253, %dma_wait3A_254] : memref<8x128xi32, #tpu.memory_space<vmem>> -> memref<1x128xi32, #tpu.memory_space<vmem>>
      %dma_wait3A_256 = tpu.memref_squeeze %dma_wait3A_255 : memref<1x128xi32, #tpu.memory_space<vmem>> -> memref<128xi32, #tpu.memory_space<vmem>>
      %dma_wait3A_257 = arith.constant 0 : i32
      %dma_wait3A_258 = tpu.memref_slice %arg4[%add3A, %add3A_235, %dma_wait3A_257] : memref<32x114x128xi32, #tpu.memory_space<hbm>> -> memref<1x1x128xi32, #tpu.memory_space<hbm>>
      %dma_wait3A_259 = tpu.memref_squeeze %dma_wait3A_258 : memref<1x1x128xi32, #tpu.memory_space<hbm>> -> memref<128xi32, #tpu.memory_space<hbm>>
      %dma_wait3A_260 = arith.constant 0 : i32
      %dma_wait3A_261 = tpu.memref_slice %arg8[%dma_wait3A_253, %dma_wait3A_260] : memref<8x128xi32, #tpu.memory_space<vmem>> -> memref<1x128xi32, #tpu.memory_space<vmem>>
      %dma_wait3A_262 = tpu.memref_squeeze %dma_wait3A_261 : memref<1x128xi32, #tpu.memory_space<vmem>> -> memref<128xi32, #tpu.memory_space<vmem>>
      %dma_wait3A_263 = arith.constant 0 : i32
      %dma_wait3A_264 = tpu.memref_slice %arg4[%add3A, %add3A_235, %dma_wait3A_263] : memref<32x114x128xi32, #tpu.memory_space<hbm>> -> memref<1x1x128xi32, #tpu.memory_space<hbm>>
      %dma_wait3A_265 = tpu.memref_squeeze %dma_wait3A_264 : memref<1x1x128xi32, #tpu.memory_space<hbm>> -> memref<128xi32, #tpu.memory_space<hbm>>
      tpu.wait_dma2 semaphore(%arg18 : memref<!tpu.dma_semaphore, #tpu.memory_space<semaphore_mem>>) src(%dma_wait3A_265 : memref<128xi32, #tpu.memory_space<hbm>>) dst(%dma_wait3A_262 : memref<128xi32, #tpu.memory_space<vmem>>)
      %dma_start3A_266 = arith.constant 1 : i32
      %dma_start3A_267 = arith.constant 1 : i32
      %dma_start3A_268 = arith.constant 0 : i32
      %dma_start3A_269 = arith.constant 0 : i32
      %dma_start3A_270 = tpu.memref_slice %arg9[%dma_start3A_266, %dma_start3A_268, %dma_start3A_269] : memref<3x120x128xf32, #tpu.memory_space<vmem>> -> memref<1x120x128xf32, #tpu.memory_space<vmem>>
      %dma_start3A_271 = tpu.memref_squeeze %dma_start3A_270 : memref<1x120x128xf32, #tpu.memory_space<vmem>> -> memref<120x128xf32, #tpu.memory_space<vmem>>
      %dma_start3A_272 = arith.constant 0 : i32
      %dma_start3A_273 = tpu.memref_slice %arg8[%dma_start3A_267, %dma_start3A_272] : memref<8x128xi32, #tpu.memory_space<vmem>> -> memref<1x120xi32, #tpu.memory_space<vmem>>
      %dma_start3A_274 = tpu.memref_squeeze %dma_start3A_273 : memref<1x120xi32, #tpu.memory_space<vmem>> -> memref<120xi32, #tpu.memory_space<vmem>>
      %dma_start3A_275 = arith.constant 0 : i32
      %dma_start3A_276 = arith.constant 0 : i32
      %dma_start3A_277 = tpu.memref_slice %arg10[%dma_start3A_275, %dma_start3A_276] : memref<10112x128xf32, #tpu.memory_space<vmem_shared>> -> memref<10112x128xf32, #tpu.memory_space<vmem_shared>>
      tpu.enqueue_indirect_dma source(%dma_start3A_271 : memref<120x128xf32, #tpu.memory_space<vmem>>) target(%dma_start3A_277 : memref<10112x128xf32, #tpu.memory_space<vmem_shared>>) offsets(%dma_start3A_274 : memref<120xi32, #tpu.memory_space<vmem>>) semaphore(%arg15 : memref<!tpu.dma_semaphore, #tpu.memory_space<semaphore_mem>>) {add = true}
      %add3A_278 = arith.constant 3 : i32
      %add3A_279 = arith.addi %add3A_235, %add3A_278 : i32
      %lt3A_280 = arith.cmpi slt, %add3A_279, %select_n3A : i32
      %convert_element_type3A_281 = arith.extui %lt3A_280 : i1 to i32
      %cond3A_282 = arith.constant 0 : i32
      %cond3A_283 = arith.cmpi ne, %convert_element_type3A_281, %cond3A_282 : i32
      scf.if %cond3A_283 {
        %add3A_346 = arith.constant 3 : i32
        %add3A_347 = arith.addi %add3A_235, %add3A_346 : i32
        %dma_start3A_348 = arith.constant 1 : i32
        %dma_start3A_349 = arith.constant 0 : i32
        %dma_start3A_350 = tpu.memref_slice %arg7[%dma_start3A_348, %dma_start3A_349] : memref<8x128xi32, #tpu.memory_space<vmem>> -> memref<1x128xi32, #tpu.memory_space<vmem>>
        %dma_start3A_351 = tpu.memref_squeeze %dma_start3A_350 : memref<1x128xi32, #tpu.memory_space<vmem>> -> memref<128xi32, #tpu.memory_space<vmem>>
        %dma_start3A_352 = arith.constant 0 : i32
        %dma_start3A_353 = tpu.memref_slice %arg3[%add3A, %add3A_347, %dma_start3A_352] : memref<32x114x128xi32, #tpu.memory_space<hbm>> -> memref<1x1x128xi32, #tpu.memory_space<hbm>>
        %dma_start3A_354 = tpu.memref_squeeze %dma_start3A_353 : memref<1x1x128xi32, #tpu.memory_space<hbm>> -> memref<128xi32, #tpu.memory_space<hbm>>
        %dma_start3A_355 = arith.constant 0 : i32
        %dma_start3A_356 = tpu.memref_slice %arg7[%dma_start3A_348, %dma_start3A_355] : memref<8x128xi32, #tpu.memory_space<vmem>> -> memref<1x128xi32, #tpu.memory_space<vmem>>
        %dma_start3A_357 = tpu.memref_squeeze %dma_start3A_356 : memref<1x128xi32, #tpu.memory_space<vmem>> -> memref<128xi32, #tpu.memory_space<vmem>>
        %dma_start3A_358 = arith.constant 0 : i32
        %dma_start3A_359 = tpu.memref_slice %arg3[%add3A, %add3A_347, %dma_start3A_358] : memref<32x114x128xi32, #tpu.memory_space<hbm>> -> memref<1x1x128xi32, #tpu.memory_space<hbm>>
        %dma_start3A_360 = tpu.memref_squeeze %dma_start3A_359 : memref<1x1x128xi32, #tpu.memory_space<hbm>> -> memref<128xi32, #tpu.memory_space<hbm>>
        tpu.enqueue_dma source(%dma_start3A_360 : memref<128xi32, #tpu.memory_space<hbm>>) target(%dma_start3A_357 : memref<128xi32, #tpu.memory_space<vmem>>) target_semaphore(%arg21 : memref<!tpu.dma_semaphore, #tpu.memory_space<semaphore_mem>>)
      } else {
      }
      %add3A_284 = arith.constant 2 : i32
      %add3A_285 = arith.addi %add3A_235, %add3A_284 : i32
      %lt3A_286 = arith.cmpi slt, %add3A_285, %select_n3A : i32
      %convert_element_type3A_287 = arith.extui %lt3A_286 : i1 to i32
      %cond3A_288 = arith.constant 0 : i32
      %cond3A_289 = arith.cmpi ne, %convert_element_type3A_287, %cond3A_288 : i32
      scf.if %cond3A_289 {
        %add3A_346 = arith.constant 2 : i32
        %add3A_347 = arith.addi %add3A_235, %add3A_346 : i32
        %dma_start3A_348 = arith.constant 0 : i32
        %dma_start3A_349 = arith.constant 0 : i32
        %dma_start3A_350 = tpu.memref_slice %arg8[%dma_start3A_348, %dma_start3A_349] : memref<8x128xi32, #tpu.memory_space<vmem>> -> memref<1x128xi32, #tpu.memory_space<vmem>>
        %dma_start3A_351 = tpu.memref_squeeze %dma_start3A_350 : memref<1x128xi32, #tpu.memory_space<vmem>> -> memref<128xi32, #tpu.memory_space<vmem>>
        %dma_start3A_352 = arith.constant 0 : i32
        %dma_start3A_353 = tpu.memref_slice %arg4[%add3A, %add3A_347, %dma_start3A_352] : memref<32x114x128xi32, #tpu.memory_space<hbm>> -> memref<1x1x128xi32, #tpu.memory_space<hbm>>
        %dma_start3A_354 = tpu.memref_squeeze %dma_start3A_353 : memref<1x1x128xi32, #tpu.memory_space<hbm>> -> memref<128xi32, #tpu.memory_space<hbm>>
        %dma_start3A_355 = arith.constant 0 : i32
        %dma_start3A_356 = tpu.memref_slice %arg8[%dma_start3A_348, %dma_start3A_355] : memref<8x128xi32, #tpu.memory_space<vmem>> -> memref<1x128xi32, #tpu.memory_space<vmem>>
        %dma_start3A_357 = tpu.memref_squeeze %dma_start3A_356 : memref<1x128xi32, #tpu.memory_space<vmem>> -> memref<128xi32, #tpu.memory_space<vmem>>
        %dma_start3A_358 = arith.constant 0 : i32
        %dma_start3A_359 = tpu.memref_slice %arg4[%add3A, %add3A_347, %dma_start3A_358] : memref<32x114x128xi32, #tpu.memory_space<hbm>> -> memref<1x1x128xi32, #tpu.memory_space<hbm>>
        %dma_start3A_360 = tpu.memref_squeeze %dma_start3A_359 : memref<1x1x128xi32, #tpu.memory_space<hbm>> -> memref<128xi32, #tpu.memory_space<hbm>>
        tpu.enqueue_dma source(%dma_start3A_360 : memref<128xi32, #tpu.memory_space<hbm>>) target(%dma_start3A_357 : memref<128xi32, #tpu.memory_space<vmem>>) target_semaphore(%arg17 : memref<!tpu.dma_semaphore, #tpu.memory_space<semaphore_mem>>)
        %add3A_361 = arith.constant 2 : i32
        %add3A_362 = arith.addi %add3A_235, %add3A_361 : i32
        %dma_wait3A_363 = arith.constant 0 : i32
        %dma_wait3A_364 = arith.constant 0 : i32
        %dma_wait3A_365 = tpu.memref_slice %arg7[%dma_wait3A_363, %dma_wait3A_364] : memref<8x128xi32, #tpu.memory_space<vmem>> -> memref<1x128xi32, #tpu.memory_space<vmem>>
        %dma_wait3A_366 = tpu.memref_squeeze %dma_wait3A_365 : memref<1x128xi32, #tpu.memory_space<vmem>> -> memref<128xi32, #tpu.memory_space<vmem>>
        %dma_wait3A_367 = arith.constant 0 : i32
        %dma_wait3A_368 = tpu.memref_slice %arg3[%add3A, %add3A_362, %dma_wait3A_367] : memref<32x114x128xi32, #tpu.memory_space<hbm>> -> memref<1x1x128xi32, #tpu.memory_space<hbm>>
        %dma_wait3A_369 = tpu.memref_squeeze %dma_wait3A_368 : memref<1x1x128xi32, #tpu.memory_space<hbm>> -> memref<128xi32, #tpu.memory_space<hbm>>
        %dma_wait3A_370 = arith.constant 0 : i32
        %dma_wait3A_371 = tpu.memref_slice %arg7[%dma_wait3A_363, %dma_wait3A_370] : memref<8x128xi32, #tpu.memory_space<vmem>> -> memref<1x128xi32, #tpu.memory_space<vmem>>
        %dma_wait3A_372 = tpu.memref_squeeze %dma_wait3A_371 : memref<1x128xi32, #tpu.memory_space<vmem>> -> memref<128xi32, #tpu.memory_space<vmem>>
        %dma_wait3A_373 = arith.constant 0 : i32
        %dma_wait3A_374 = tpu.memref_slice %arg3[%add3A, %add3A_362, %dma_wait3A_373] : memref<32x114x128xi32, #tpu.memory_space<hbm>> -> memref<1x1x128xi32, #tpu.memory_space<hbm>>
        %dma_wait3A_375 = tpu.memref_squeeze %dma_wait3A_374 : memref<1x1x128xi32, #tpu.memory_space<hbm>> -> memref<128xi32, #tpu.memory_space<hbm>>
        tpu.wait_dma2 semaphore(%arg20 : memref<!tpu.dma_semaphore, #tpu.memory_space<semaphore_mem>>) src(%dma_wait3A_375 : memref<128xi32, #tpu.memory_space<hbm>>) dst(%dma_wait3A_372 : memref<128xi32, #tpu.memory_space<vmem>>)
        %add3A_376 = arith.constant 2 : i32
        %add3A_377 = arith.addi %add3A_235, %add3A_376 : i32
        %dma_start3A_378 = arith.constant 0 : i32
        %dma_start3A_379 = arith.constant 0 : i32
        %dma_start3A_380 = arith.constant 0 : i32
        %dma_start3A_381 = arith.constant 0 : i32
        %dma_start3A_382 = tpu.memref_slice %arg9[%dma_start3A_379, %dma_start3A_380, %dma_start3A_381] : memref<3x120x128xf32, #tpu.memory_space<vmem>> -> memref<1x120x128xf32, #tpu.memory_space<vmem>>
        %dma_start3A_383 = tpu.memref_squeeze %dma_start3A_382 : memref<1x120x128xf32, #tpu.memory_space<vmem>> -> memref<120x128xf32, #tpu.memory_space<vmem>>
        %dma_start3A_384 = arith.constant 0 : i32
        %dma_start3A_385 = tpu.memref_slice %arg7[%dma_start3A_378, %dma_start3A_384] : memref<8x128xi32, #tpu.memory_space<vmem>> -> memref<1x120xi32, #tpu.memory_space<vmem>>
        %dma_start3A_386 = tpu.memref_squeeze %dma_start3A_385 : memref<1x120xi32, #tpu.memory_space<vmem>> -> memref<120xi32, #tpu.memory_space<vmem>>
        %dma_start3A_387 = arith.constant 0 : i32
        %dma_start3A_388 = arith.constant 0 : i32
        %dma_start3A_389 = tpu.memref_slice %arg2[%dma_start3A_387, %dma_start3A_388] : memref<10000x128xf32, #tpu.memory_space<hbm>> -> memref<10000x128xf32, #tpu.memory_space<hbm>>
        tpu.enqueue_indirect_dma source(%dma_start3A_389 : memref<10000x128xf32, #tpu.memory_space<hbm>>) target(%dma_start3A_383 : memref<120x128xf32, #tpu.memory_space<vmem>>) offsets(%dma_start3A_386 : memref<120xi32, #tpu.memory_space<vmem>>) semaphore(%arg11 : memref<!tpu.dma_semaphore, #tpu.memory_space<semaphore_mem>>)
      } else {
      }
      %add3A_290 = arith.constant 2 : i32
      %add3A_291 = arith.addi %mul3A_181, %add3A_290 : i32
      %ge3A_292 = arith.constant 1 : i32
      %ge3A_293 = arith.cmpi sge, %add3A_291, %ge3A_292 : i32
      %convert_element_type3A_294 = arith.extui %ge3A_293 : i1 to i32
      %cond3A_295 = arith.constant 0 : i32
      %cond3A_296 = arith.cmpi ne, %convert_element_type3A_294, %cond3A_295 : i32
      scf.if %cond3A_296 {
        %dma_wait3A_346 = arith.constant 1 : i32
        %dma_wait3A_347 = arith.constant 1 : i32
        %dma_wait3A_348 = arith.constant 0 : i32
        %dma_wait3A_349 = arith.constant 0 : i32
        %dma_wait3A_350 = tpu.memref_slice %arg9[%dma_wait3A_346, %dma_wait3A_348, %dma_wait3A_349] : memref<3x120x128xf32, #tpu.memory_space<vmem>> -> memref<1x120x128xf32, #tpu.memory_space<vmem>>
        %dma_wait3A_351 = tpu.memref_squeeze %dma_wait3A_350 : memref<1x120x128xf32, #tpu.memory_space<vmem>> -> memref<120x128xf32, #tpu.memory_space<vmem>>
        %dma_wait3A_352 = arith.constant 0 : i32
        %dma_wait3A_353 = tpu.memref_slice %arg8[%dma_wait3A_347, %dma_wait3A_352] : memref<8x128xi32, #tpu.memory_space<vmem>> -> memref<1x120xi32, #tpu.memory_space<vmem>>
        %dma_wait3A_354 = tpu.memref_squeeze %dma_wait3A_353 : memref<1x120xi32, #tpu.memory_space<vmem>> -> memref<120xi32, #tpu.memory_space<vmem>>
        %dma_wait3A_355 = arith.constant 0 : i32
        %dma_wait3A_356 = arith.constant 0 : i32
        %dma_wait3A_357 = tpu.memref_slice %arg10[%dma_wait3A_355, %dma_wait3A_356] : memref<10112x128xf32, #tpu.memory_space<vmem_shared>> -> memref<10112x128xf32, #tpu.memory_space<vmem_shared>>
        tpu.wait_indirect_dma semaphore(%arg15 : memref<!tpu.dma_semaphore, #tpu.memory_space<semaphore_mem>>) src(%dma_wait3A_351 : memref<120x128xf32, #tpu.memory_space<vmem>>) dst(%dma_wait3A_357 : memref<10112x128xf32, #tpu.memory_space<vmem_shared>>)
      } else {
      }
      %dma_wait3A_297 = arith.constant 2 : i32
      %dma_wait3A_298 = arith.constant 2 : i32
      %dma_wait3A_299 = arith.constant 0 : i32
      %dma_wait3A_300 = arith.constant 0 : i32
      %dma_wait3A_301 = tpu.memref_slice %arg9[%dma_wait3A_298, %dma_wait3A_299, %dma_wait3A_300] : memref<3x120x128xf32, #tpu.memory_space<vmem>> -> memref<1x120x128xf32, #tpu.memory_space<vmem>>
      %dma_wait3A_302 = tpu.memref_squeeze %dma_wait3A_301 : memref<1x120x128xf32, #tpu.memory_space<vmem>> -> memref<120x128xf32, #tpu.memory_space<vmem>>
      %dma_wait3A_303 = arith.constant 0 : i32
      %dma_wait3A_304 = tpu.memref_slice %arg7[%dma_wait3A_297, %dma_wait3A_303] : memref<8x128xi32, #tpu.memory_space<vmem>> -> memref<1x120xi32, #tpu.memory_space<vmem>>
      %dma_wait3A_305 = tpu.memref_squeeze %dma_wait3A_304 : memref<1x120xi32, #tpu.memory_space<vmem>> -> memref<120xi32, #tpu.memory_space<vmem>>
      %dma_wait3A_306 = arith.constant 0 : i32
      %dma_wait3A_307 = arith.constant 0 : i32
      %dma_wait3A_308 = tpu.memref_slice %arg2[%dma_wait3A_306, %dma_wait3A_307] : memref<10000x128xf32, #tpu.memory_space<hbm>> -> memref<10000x128xf32, #tpu.memory_space<hbm>>
      tpu.wait_indirect_dma semaphore(%arg13 : memref<!tpu.dma_semaphore, #tpu.memory_space<semaphore_mem>>) src(%dma_wait3A_308 : memref<10000x128xf32, #tpu.memory_space<hbm>>) dst(%dma_wait3A_302 : memref<120x128xf32, #tpu.memory_space<vmem>>)
      %dma_wait3A_309 = arith.constant 2 : i32
      %dma_wait3A_310 = arith.constant 0 : i32
      %dma_wait3A_311 = tpu.memref_slice %arg8[%dma_wait3A_309, %dma_wait3A_310] : memref<8x128xi32, #tpu.memory_space<vmem>> -> memref<1x128xi32, #tpu.memory_space<vmem>>
      %dma_wait3A_312 = tpu.memref_squeeze %dma_wait3A_311 : memref<1x128xi32, #tpu.memory_space<vmem>> -> memref<128xi32, #tpu.memory_space<vmem>>
      %dma_wait3A_313 = arith.constant 0 : i32
      %dma_wait3A_314 = tpu.memref_slice %arg4[%add3A, %add3A_291, %dma_wait3A_313] : memref<32x114x128xi32, #tpu.memory_space<hbm>> -> memref<1x1x128xi32, #tpu.memory_space<hbm>>
      %dma_wait3A_315 = tpu.memref_squeeze %dma_wait3A_314 : memref<1x1x128xi32, #tpu.memory_space<hbm>> -> memref<128xi32, #tpu.memory_space<hbm>>
      %dma_wait3A_316 = arith.constant 0 : i32
      %dma_wait3A_317 = tpu.memref_slice %arg8[%dma_wait3A_309, %dma_wait3A_316] : memref<8x128xi32, #tpu.memory_space<vmem>> -> memref<1x128xi32, #tpu.memory_space<vmem>>
      %dma_wait3A_318 = tpu.memref_squeeze %dma_wait3A_317 : memref<1x128xi32, #tpu.memory_space<vmem>> -> memref<128xi32, #tpu.memory_space<vmem>>
      %dma_wait3A_319 = arith.constant 0 : i32
      %dma_wait3A_320 = tpu.memref_slice %arg4[%add3A, %add3A_291, %dma_wait3A_319] : memref<32x114x128xi32, #tpu.memory_space<hbm>> -> memref<1x1x128xi32, #tpu.memory_space<hbm>>
      %dma_wait3A_321 = tpu.memref_squeeze %dma_wait3A_320 : memref<1x1x128xi32, #tpu.memory_space<hbm>> -> memref<128xi32, #tpu.memory_space<hbm>>
      tpu.wait_dma2 semaphore(%arg19 : memref<!tpu.dma_semaphore, #tpu.memory_space<semaphore_mem>>) src(%dma_wait3A_321 : memref<128xi32, #tpu.memory_space<hbm>>) dst(%dma_wait3A_318 : memref<128xi32, #tpu.memory_space<vmem>>)
      %dma_start3A_322 = arith.constant 2 : i32
      %dma_start3A_323 = arith.constant 2 : i32
      %dma_start3A_324 = arith.constant 0 : i32
      %dma_start3A_325 = arith.constant 0 : i32
      %dma_start3A_326 = tpu.memref_slice %arg9[%dma_start3A_322, %dma_start3A_324, %dma_start3A_325] : memref<3x120x128xf32, #tpu.memory_space<vmem>> -> memref<1x120x128xf32, #tpu.memory_space<vmem>>
      %dma_start3A_327 = tpu.memref_squeeze %dma_start3A_326 : memref<1x120x128xf32, #tpu.memory_space<vmem>> -> memref<120x128xf32, #tpu.memory_space<vmem>>
      %dma_start3A_328 = arith.constant 0 : i32
      %dma_start3A_329 = tpu.memref_slice %arg8[%dma_start3A_323, %dma_start3A_328] : memref<8x128xi32, #tpu.memory_space<vmem>> -> memref<1x120xi32, #tpu.memory_space<vmem>>
      %dma_start3A_330 = tpu.memref_squeeze %dma_start3A_329 : memref<1x120xi32, #tpu.memory_space<vmem>> -> memref<120xi32, #tpu.memory_space<vmem>>
      %dma_start3A_331 = arith.constant 0 : i32
      %dma_start3A_332 = arith.constant 0 : i32
      %dma_start3A_333 = tpu.memref_slice %arg10[%dma_start3A_331, %dma_start3A_332] : memref<10112x128xf32, #tpu.memory_space<vmem_shared>> -> memref<10112x128xf32, #tpu.memory_space<vmem_shared>>
      tpu.enqueue_indirect_dma source(%dma_start3A_327 : memref<120x128xf32, #tpu.memory_space<vmem>>) target(%dma_start3A_333 : memref<10112x128xf32, #tpu.memory_space<vmem_shared>>) offsets(%dma_start3A_330 : memref<120xi32, #tpu.memory_space<vmem>>) semaphore(%arg16 : memref<!tpu.dma_semaphore, #tpu.memory_space<semaphore_mem>>) {add = true}
      %add3A_334 = arith.constant 3 : i32
      %add3A_335 = arith.addi %add3A_291, %add3A_334 : i32
      %lt3A_336 = arith.cmpi slt, %add3A_335, %select_n3A : i32
      %convert_element_type3A_337 = arith.extui %lt3A_336 : i1 to i32
      %cond3A_338 = arith.constant 0 : i32
      %cond3A_339 = arith.cmpi ne, %convert_element_type3A_337, %cond3A_338 : i32
      scf.if %cond3A_339 {
        %add3A_346 = arith.constant 3 : i32
        %add3A_347 = arith.addi %add3A_291, %add3A_346 : i32
        %dma_start3A_348 = arith.constant 2 : i32
        %dma_start3A_349 = arith.constant 0 : i32
        %dma_start3A_350 = tpu.memref_slice %arg7[%dma_start3A_348, %dma_start3A_349] : memref<8x128xi32, #tpu.memory_space<vmem>> -> memref<1x128xi32, #tpu.memory_space<vmem>>
        %dma_start3A_351 = tpu.memref_squeeze %dma_start3A_350 : memref<1x128xi32, #tpu.memory_space<vmem>> -> memref<128xi32, #tpu.memory_space<vmem>>
        %dma_start3A_352 = arith.constant 0 : i32
        %dma_start3A_353 = tpu.memref_slice %arg3[%add3A, %add3A_347, %dma_start3A_352] : memref<32x114x128xi32, #tpu.memory_space<hbm>> -> memref<1x1x128xi32, #tpu.memory_space<hbm>>
        %dma_start3A_354 = tpu.memref_squeeze %dma_start3A_353 : memref<1x1x128xi32, #tpu.memory_space<hbm>> -> memref<128xi32, #tpu.memory_space<hbm>>
        %dma_start3A_355 = arith.constant 0 : i32
        %dma_start3A_356 = tpu.memref_slice %arg7[%dma_start3A_348, %dma_start3A_355] : memref<8x128xi32, #tpu.memory_space<vmem>> -> memref<1x128xi32, #tpu.memory_space<vmem>>
        %dma_start3A_357 = tpu.memref_squeeze %dma_start3A_356 : memref<1x128xi32, #tpu.memory_space<vmem>> -> memref<128xi32, #tpu.memory_space<vmem>>
        %dma_start3A_358 = arith.constant 0 : i32
        %dma_start3A_359 = tpu.memref_slice %arg3[%add3A, %add3A_347, %dma_start3A_358] : memref<32x114x128xi32, #tpu.memory_space<hbm>> -> memref<1x1x128xi32, #tpu.memory_space<hbm>>
        %dma_start3A_360 = tpu.memref_squeeze %dma_start3A_359 : memref<1x1x128xi32, #tpu.memory_space<hbm>> -> memref<128xi32, #tpu.memory_space<hbm>>
        tpu.enqueue_dma source(%dma_start3A_360 : memref<128xi32, #tpu.memory_space<hbm>>) target(%dma_start3A_357 : memref<128xi32, #tpu.memory_space<vmem>>) target_semaphore(%arg22 : memref<!tpu.dma_semaphore, #tpu.memory_space<semaphore_mem>>)
      } else {
      }
      %add3A_340 = arith.constant 2 : i32
      %add3A_341 = arith.addi %add3A_291, %add3A_340 : i32
      %lt3A_342 = arith.cmpi slt, %add3A_341, %select_n3A : i32
      %convert_element_type3A_343 = arith.extui %lt3A_342 : i1 to i32
      %cond3A_344 = arith.constant 0 : i32
      %cond3A_345 = arith.cmpi ne, %convert_element_type3A_343, %cond3A_344 : i32
      scf.if %cond3A_345 {
        %add3A_346 = arith.constant 2 : i32
        %add3A_347 = arith.addi %add3A_291, %add3A_346 : i32
        %dma_start3A_348 = arith.constant 1 : i32
        %dma_start3A_349 = arith.constant 0 : i32
        %dma_start3A_350 = tpu.memref_slice %arg8[%dma_start3A_348, %dma_start3A_349] : memref<8x128xi32, #tpu.memory_space<vmem>> -> memref<1x128xi32, #tpu.memory_space<vmem>>
        %dma_start3A_351 = tpu.memref_squeeze %dma_start3A_350 : memref<1x128xi32, #tpu.memory_space<vmem>> -> memref<128xi32, #tpu.memory_space<vmem>>
        %dma_start3A_352 = arith.constant 0 : i32
        %dma_start3A_353 = tpu.memref_slice %arg4[%add3A, %add3A_347, %dma_start3A_352] : memref<32x114x128xi32, #tpu.memory_space<hbm>> -> memref<1x1x128xi32, #tpu.memory_space<hbm>>
        %dma_start3A_354 = tpu.memref_squeeze %dma_start3A_353 : memref<1x1x128xi32, #tpu.memory_space<hbm>> -> memref<128xi32, #tpu.memory_space<hbm>>
        %dma_start3A_355 = arith.constant 0 : i32
        %dma_start3A_356 = tpu.memref_slice %arg8[%dma_start3A_348, %dma_start3A_355] : memref<8x128xi32, #tpu.memory_space<vmem>> -> memref<1x128xi32, #tpu.memory_space<vmem>>
        %dma_start3A_357 = tpu.memref_squeeze %dma_start3A_356 : memref<1x128xi32, #tpu.memory_space<vmem>> -> memref<128xi32, #tpu.memory_space<vmem>>
        %dma_start3A_358 = arith.constant 0 : i32
        %dma_start3A_359 = tpu.memref_slice %arg4[%add3A, %add3A_347, %dma_start3A_358] : memref<32x114x128xi32, #tpu.memory_space<hbm>> -> memref<1x1x128xi32, #tpu.memory_space<hbm>>
        %dma_start3A_360 = tpu.memref_squeeze %dma_start3A_359 : memref<1x1x128xi32, #tpu.memory_space<hbm>> -> memref<128xi32, #tpu.memory_space<hbm>>
        tpu.enqueue_dma source(%dma_start3A_360 : memref<128xi32, #tpu.memory_space<hbm>>) target(%dma_start3A_357 : memref<128xi32, #tpu.memory_space<vmem>>) target_semaphore(%arg18 : memref<!tpu.dma_semaphore, #tpu.memory_space<semaphore_mem>>)
        %add3A_361 = arith.constant 2 : i32
        %add3A_362 = arith.addi %add3A_291, %add3A_361 : i32
        %dma_wait3A_363 = arith.constant 1 : i32
        %dma_wait3A_364 = arith.constant 0 : i32
        %dma_wait3A_365 = tpu.memref_slice %arg7[%dma_wait3A_363, %dma_wait3A_364] : memref<8x128xi32, #tpu.memory_space<vmem>> -> memref<1x128xi32, #tpu.memory_space<vmem>>
        %dma_wait3A_366 = tpu.memref_squeeze %dma_wait3A_365 : memref<1x128xi32, #tpu.memory_space<vmem>> -> memref<128xi32, #tpu.memory_space<vmem>>
        %dma_wait3A_367 = arith.constant 0 : i32
        %dma_wait3A_368 = tpu.memref_slice %arg3[%add3A, %add3A_362, %dma_wait3A_367] : memref<32x114x128xi32, #tpu.memory_space<hbm>> -> memref<1x1x128xi32, #tpu.memory_space<hbm>>
        %dma_wait3A_369 = tpu.memref_squeeze %dma_wait3A_368 : memref<1x1x128xi32, #tpu.memory_space<hbm>> -> memref<128xi32, #tpu.memory_space<hbm>>
        %dma_wait3A_370 = arith.constant 0 : i32
        %dma_wait3A_371 = tpu.memref_slice %arg7[%dma_wait3A_363, %dma_wait3A_370] : memref<8x128xi32, #tpu.memory_space<vmem>> -> memref<1x128xi32, #tpu.memory_space<vmem>>
        %dma_wait3A_372 = tpu.memref_squeeze %dma_wait3A_371 : memref<1x128xi32, #tpu.memory_space<vmem>> -> memref<128xi32, #tpu.memory_space<vmem>>
        %dma_wait3A_373 = arith.constant 0 : i32
        %dma_wait3A_374 = tpu.memref_slice %arg3[%add3A, %add3A_362, %dma_wait3A_373] : memref<32x114x128xi32, #tpu.memory_space<hbm>> -> memref<1x1x128xi32, #tpu.memory_space<hbm>>
        %dma_wait3A_375 = tpu.memref_squeeze %dma_wait3A_374 : memref<1x1x128xi32, #tpu.memory_space<hbm>> -> memref<128xi32, #tpu.memory_space<hbm>>
        tpu.wait_dma2 semaphore(%arg21 : memref<!tpu.dma_semaphore, #tpu.memory_space<semaphore_mem>>) src(%dma_wait3A_375 : memref<128xi32, #tpu.memory_space<hbm>>) dst(%dma_wait3A_372 : memref<128xi32, #tpu.memory_space<vmem>>)
        %add3A_376 = arith.constant 2 : i32
        %add3A_377 = arith.addi %add3A_291, %add3A_376 : i32
        %dma_start3A_378 = arith.constant 1 : i32
        %dma_start3A_379 = arith.constant 1 : i32
        %dma_start3A_380 = arith.constant 0 : i32
        %dma_start3A_381 = arith.constant 0 : i32
        %dma_start3A_382 = tpu.memref_slice %arg9[%dma_start3A_379, %dma_start3A_380, %dma_start3A_381] : memref<3x120x128xf32, #tpu.memory_space<vmem>> -> memref<1x120x128xf32, #tpu.memory_space<vmem>>
        %dma_start3A_383 = tpu.memref_squeeze %dma_start3A_382 : memref<1x120x128xf32, #tpu.memory_space<vmem>> -> memref<120x128xf32, #tpu.memory_space<vmem>>
        %dma_start3A_384 = arith.constant 0 : i32
        %dma_start3A_385 = tpu.memref_slice %arg7[%dma_start3A_378, %dma_start3A_384] : memref<8x128xi32, #tpu.memory_space<vmem>> -> memref<1x120xi32, #tpu.memory_space<vmem>>
        %dma_start3A_386 = tpu.memref_squeeze %dma_start3A_385 : memref<1x120xi32, #tpu.memory_space<vmem>> -> memref<120xi32, #tpu.memory_space<vmem>>
        %dma_start3A_387 = arith.constant 0 : i32
        %dma_start3A_388 = arith.constant 0 : i32
        %dma_start3A_389 = tpu.memref_slice %arg2[%dma_start3A_387, %dma_start3A_388] : memref<10000x128xf32, #tpu.memory_space<hbm>> -> memref<10000x128xf32, #tpu.memory_space<hbm>>
        tpu.enqueue_indirect_dma source(%dma_start3A_389 : memref<10000x128xf32, #tpu.memory_space<hbm>>) target(%dma_start3A_383 : memref<120x128xf32, #tpu.memory_space<vmem>>) offsets(%dma_start3A_386 : memref<120xi32, #tpu.memory_space<vmem>>) semaphore(%arg12 : memref<!tpu.dma_semaphore, #tpu.memory_space<semaphore_mem>>)
      } else {
      }
    }
    %while3A_161 = arith.constant 1 : i32
    scf.for %while3A_179 = %while3A_159 to %while3A_155 step %while3A_161  : i32 {
      %mul3A_180 = arith.constant 3 : i32
      %mul3A_181 = arith.muli %while3A_179, %mul3A_180 : i32
      %add3A_182 = arith.constant 0 : i32
      %add3A_183 = arith.addi %mul3A_181, %add3A_182 : i32
      %ge3A = arith.constant 1 : i32
      %ge3A_184 = arith.cmpi sge, %add3A_183, %ge3A : i32
      %convert_element_type3A = arith.extui %ge3A_184 : i1 to i32
      %cond3A = arith.constant 0 : i32
      %cond3A_185 = arith.cmpi ne, %convert_element_type3A, %cond3A : i32
      scf.if %cond3A_185 {
        %dma_wait3A_346 = arith.constant 2 : i32
        %dma_wait3A_347 = arith.constant 2 : i32
        %dma_wait3A_348 = arith.constant 0 : i32
        %dma_wait3A_349 = arith.constant 0 : i32
        %dma_wait3A_350 = tpu.memref_slice %arg9[%dma_wait3A_346, %dma_wait3A_348, %dma_wait3A_349] : memref<3x120x128xf32, #tpu.memory_space<vmem>> -> memref<1x120x128xf32, #tpu.memory_space<vmem>>
        %dma_wait3A_351 = tpu.memref_squeeze %dma_wait3A_350 : memref<1x120x128xf32, #tpu.memory_space<vmem>> -> memref<120x128xf32, #tpu.memory_space<vmem>>
        %dma_wait3A_352 = arith.constant 0 : i32
        %dma_wait3A_353 = tpu.memref_slice %arg8[%dma_wait3A_347, %dma_wait3A_352] : memref<8x128xi32, #tpu.memory_space<vmem>> -> memref<1x120xi32, #tpu.memory_space<vmem>>
        %dma_wait3A_354 = tpu.memref_squeeze %dma_wait3A_353 : memref<1x120xi32, #tpu.memory_space<vmem>> -> memref<120xi32, #tpu.memory_space<vmem>>
        %dma_wait3A_355 = arith.constant 0 : i32
        %dma_wait3A_356 = arith.constant 0 : i32
        %dma_wait3A_357 = tpu.memref_slice %arg10[%dma_wait3A_355, %dma_wait3A_356] : memref<10112x128xf32, #tpu.memory_space<vmem_shared>> -> memref<10112x128xf32, #tpu.memory_space<vmem_shared>>
        tpu.wait_indirect_dma semaphore(%arg16 : memref<!tpu.dma_semaphore, #tpu.memory_space<semaphore_mem>>) src(%dma_wait3A_351 : memref<120x128xf32, #tpu.memory_space<vmem>>) dst(%dma_wait3A_357 : memref<10112x128xf32, #tpu.memory_space<vmem_shared>>)
      } else {
      }
      %dma_wait3A_186 = arith.constant 0 : i32
      %dma_wait3A_187 = arith.constant 0 : i32
      %dma_wait3A_188 = arith.constant 0 : i32
      %dma_wait3A_189 = arith.constant 0 : i32
      %dma_wait3A_190 = tpu.memref_slice %arg9[%dma_wait3A_187, %dma_wait3A_188, %dma_wait3A_189] : memref<3x120x128xf32, #tpu.memory_space<vmem>> -> memref<1x120x128xf32, #tpu.memory_space<vmem>>
      %dma_wait3A_191 = tpu.memref_squeeze %dma_wait3A_190 : memref<1x120x128xf32, #tpu.memory_space<vmem>> -> memref<120x128xf32, #tpu.memory_space<vmem>>
      %dma_wait3A_192 = arith.constant 0 : i32
      %dma_wait3A_193 = tpu.memref_slice %arg7[%dma_wait3A_186, %dma_wait3A_192] : memref<8x128xi32, #tpu.memory_space<vmem>> -> memref<1x120xi32, #tpu.memory_space<vmem>>
      %dma_wait3A_194 = tpu.memref_squeeze %dma_wait3A_193 : memref<1x120xi32, #tpu.memory_space<vmem>> -> memref<120xi32, #tpu.memory_space<vmem>>
      %dma_wait3A_195 = arith.constant 0 : i32
      %dma_wait3A_196 = arith.constant 0 : i32
      %dma_wait3A_197 = tpu.memref_slice %arg2[%dma_wait3A_195, %dma_wait3A_196] : memref<10000x128xf32, #tpu.memory_space<hbm>> -> memref<10000x128xf32, #tpu.memory_space<hbm>>
      tpu.wait_indirect_dma semaphore(%arg11 : memref<!tpu.dma_semaphore, #tpu.memory_space<semaphore_mem>>) src(%dma_wait3A_197 : memref<10000x128xf32, #tpu.memory_space<hbm>>) dst(%dma_wait3A_191 : memref<120x128xf32, #tpu.memory_space<vmem>>)
      %dma_wait3A_198 = arith.constant 0 : i32
      %dma_wait3A_199 = arith.constant 0 : i32
      %dma_wait3A_200 = tpu.memref_slice %arg8[%dma_wait3A_198, %dma_wait3A_199] : memref<8x128xi32, #tpu.memory_space<vmem>> -> memref<1x128xi32, #tpu.memory_space<vmem>>
      %dma_wait3A_201 = tpu.memref_squeeze %dma_wait3A_200 : memref<1x128xi32, #tpu.memory_space<vmem>> -> memref<128xi32, #tpu.memory_space<vmem>>
      %dma_wait3A_202 = arith.constant 0 : i32
      %dma_wait3A_203 = tpu.memref_slice %arg4[%add3A, %add3A_183, %dma_wait3A_202] : memref<32x114x128xi32, #tpu.memory_space<hbm>> -> memref<1x1x128xi32, #tpu.memory_space<hbm>>
      %dma_wait3A_204 = tpu.memref_squeeze %dma_wait3A_203 : memref<1x1x128xi32, #tpu.memory_space<hbm>> -> memref<128xi32, #tpu.memory_space<hbm>>
      %dma_wait3A_205 = arith.constant 0 : i32
      %dma_wait3A_206 = tpu.memref_slice %arg8[%dma_wait3A_198, %dma_wait3A_205] : memref<8x128xi32, #tpu.memory_space<vmem>> -> memref<1x128xi32, #tpu.memory_space<vmem>>
      %dma_wait3A_207 = tpu.memref_squeeze %dma_wait3A_206 : memref<1x128xi32, #tpu.memory_space<vmem>> -> memref<128xi32, #tpu.memory_space<vmem>>
      %dma_wait3A_208 = arith.constant 0 : i32
      %dma_wait3A_209 = tpu.memref_slice %arg4[%add3A, %add3A_183, %dma_wait3A_208] : memref<32x114x128xi32, #tpu.memory_space<hbm>> -> memref<1x1x128xi32, #tpu.memory_space<hbm>>
      %dma_wait3A_210 = tpu.memref_squeeze %dma_wait3A_209 : memref<1x1x128xi32, #tpu.memory_space<hbm>> -> memref<128xi32, #tpu.memory_space<hbm>>
      tpu.wait_dma2 semaphore(%arg17 : memref<!tpu.dma_semaphore, #tpu.memory_space<semaphore_mem>>) src(%dma_wait3A_210 : memref<128xi32, #tpu.memory_space<hbm>>) dst(%dma_wait3A_207 : memref<128xi32, #tpu.memory_space<vmem>>)
      %dma_start3A_211 = arith.constant 0 : i32
      %dma_start3A_212 = arith.constant 0 : i32
      %dma_start3A_213 = arith.constant 0 : i32
      %dma_start3A_214 = arith.constant 0 : i32
      %dma_start3A_215 = tpu.memref_slice %arg9[%dma_start3A_211, %dma_start3A_213, %dma_start3A_214] : memref<3x120x128xf32, #tpu.memory_space<vmem>> -> memref<1x120x128xf32, #tpu.memory_space<vmem>>
      %dma_start3A_216 = tpu.memref_squeeze %dma_start3A_215 : memref<1x120x128xf32, #tpu.memory_space<vmem>> -> memref<120x128xf32, #tpu.memory_space<vmem>>
      %dma_start3A_217 = arith.constant 0 : i32
      %dma_start3A_218 = tpu.memref_slice %arg8[%dma_start3A_212, %dma_start3A_217] : memref<8x128xi32, #tpu.memory_space<vmem>> -> memref<1x120xi32, #tpu.memory_space<vmem>>
      %dma_start3A_219 = tpu.memref_squeeze %dma_start3A_218 : memref<1x120xi32, #tpu.memory_space<vmem>> -> memref<120xi32, #tpu.memory_space<vmem>>
      %dma_start3A_220 = arith.constant 0 : i32
      %dma_start3A_221 = arith.constant 0 : i32
      %dma_start3A_222 = tpu.memref_slice %arg10[%dma_start3A_220, %dma_start3A_221] : memref<10112x128xf32, #tpu.memory_space<vmem_shared>> -> memref<10112x128xf32, #tpu.memory_space<vmem_shared>>
      tpu.enqueue_indirect_dma source(%dma_start3A_216 : memref<120x128xf32, #tpu.memory_space<vmem>>) target(%dma_start3A_222 : memref<10112x128xf32, #tpu.memory_space<vmem_shared>>) offsets(%dma_start3A_219 : memref<120xi32, #tpu.memory_space<vmem>>) semaphore(%arg14 : memref<!tpu.dma_semaphore, #tpu.memory_space<semaphore_mem>>) {add = true}
      %add3A_223 = arith.constant 3 : i32
      %add3A_224 = arith.addi %add3A_183, %add3A_223 : i32
      %lt3A = arith.cmpi slt, %add3A_224, %select_n3A : i32
      %convert_element_type3A_225 = arith.extui %lt3A : i1 to i32
      %cond3A_226 = arith.constant 0 : i32
      %cond3A_227 = arith.cmpi ne, %convert_element_type3A_225, %cond3A_226 : i32
      scf.if %cond3A_227 {
        %add3A_346 = arith.constant 3 : i32
        %add3A_347 = arith.addi %add3A_183, %add3A_346 : i32
        %dma_start3A_348 = arith.constant 0 : i32
        %dma_start3A_349 = arith.constant 0 : i32
        %dma_start3A_350 = tpu.memref_slice %arg7[%dma_start3A_348, %dma_start3A_349] : memref<8x128xi32, #tpu.memory_space<vmem>> -> memref<1x128xi32, #tpu.memory_space<vmem>>
        %dma_start3A_351 = tpu.memref_squeeze %dma_start3A_350 : memref<1x128xi32, #tpu.memory_space<vmem>> -> memref<128xi32, #tpu.memory_space<vmem>>
        %dma_start3A_352 = arith.constant 0 : i32
        %dma_start3A_353 = tpu.memref_slice %arg3[%add3A, %add3A_347, %dma_start3A_352] : memref<32x114x128xi32, #tpu.memory_space<hbm>> -> memref<1x1x128xi32, #tpu.memory_space<hbm>>
        %dma_start3A_354 = tpu.memref_squeeze %dma_start3A_353 : memref<1x1x128xi32, #tpu.memory_space<hbm>> -> memref<128xi32, #tpu.memory_space<hbm>>
        %dma_start3A_355 = arith.constant 0 : i32
        %dma_start3A_356 = tpu.memref_slice %arg7[%dma_start3A_348, %dma_start3A_355] : memref<8x128xi32, #tpu.memory_space<vmem>> -> memref<1x128xi32, #tpu.memory_space<vmem>>
        %dma_start3A_357 = tpu.memref_squeeze %dma_start3A_356 : memref<1x128xi32, #tpu.memory_space<vmem>> -> memref<128xi32, #tpu.memory_space<vmem>>
        %dma_start3A_358 = arith.constant 0 : i32
        %dma_start3A_359 = tpu.memref_slice %arg3[%add3A, %add3A_347, %dma_start3A_358] : memref<32x114x128xi32, #tpu.memory_space<hbm>> -> memref<1x1x128xi32, #tpu.memory_space<hbm>>
        %dma_start3A_360 = tpu.memref_squeeze %dma_start3A_359 : memref<1x1x128xi32, #tpu.memory_space<hbm>> -> memref<128xi32, #tpu.memory_space<hbm>>
        tpu.enqueue_dma source(%dma_start3A_360 : memref<128xi32, #tpu.memory_space<hbm>>) target(%dma_start3A_357 : memref<128xi32, #tpu.memory_space<vmem>>) target_semaphore(%arg20 : memref<!tpu.dma_semaphore, #tpu.memory_space<semaphore_mem>>)
      } else {
      }
      %add3A_228 = arith.constant 2 : i32
      %add3A_229 = arith.addi %add3A_183, %add3A_228 : i32
      %lt3A_230 = arith.cmpi slt, %add3A_229, %select_n3A : i32
      %convert_element_type3A_231 = arith.extui %lt3A_230 : i1 to i32
      %cond3A_232 = arith.constant 0 : i32
      %cond3A_233 = arith.cmpi ne, %convert_element_type3A_231, %cond3A_232 : i32
      scf.if %cond3A_233 {
        %add3A_346 = arith.constant 2 : i32
        %add3A_347 = arith.addi %add3A_183, %add3A_346 : i32
        %dma_start3A_348 = arith.constant 2 : i32
        %dma_start3A_349 = arith.constant 0 : i32
        %dma_start3A_350 = tpu.memref_slice %arg8[%dma_start3A_348, %dma_start3A_349] : memref<8x128xi32, #tpu.memory_space<vmem>> -> memref<1x128xi32, #tpu.memory_space<vmem>>
        %dma_start3A_351 = tpu.memref_squeeze %dma_start3A_350 : memref<1x128xi32, #tpu.memory_space<vmem>> -> memref<128xi32, #tpu.memory_space<vmem>>
        %dma_start3A_352 = arith.constant 0 : i32
        %dma_start3A_353 = tpu.memref_slice %arg4[%add3A, %add3A_347, %dma_start3A_352] : memref<32x114x128xi32, #tpu.memory_space<hbm>> -> memref<1x1x128xi32, #tpu.memory_space<hbm>>
        %dma_start3A_354 = tpu.memref_squeeze %dma_start3A_353 : memref<1x1x128xi32, #tpu.memory_space<hbm>> -> memref<128xi32, #tpu.memory_space<hbm>>
        %dma_start3A_355 = arith.constant 0 : i32
        %dma_start3A_356 = tpu.memref_slice %arg8[%dma_start3A_348, %dma_start3A_355] : memref<8x128xi32, #tpu.memory_space<vmem>> -> memref<1x128xi32, #tpu.memory_space<vmem>>
        %dma_start3A_357 = tpu.memref_squeeze %dma_start3A_356 : memref<1x128xi32, #tpu.memory_space<vmem>> -> memref<128xi32, #tpu.memory_space<vmem>>
        %dma_start3A_358 = arith.constant 0 : i32
        %dma_start3A_359 = tpu.memref_slice %arg4[%add3A, %add3A_347, %dma_start3A_358] : memref<32x114x128xi32, #tpu.memory_space<hbm>> -> memref<1x1x128xi32, #tpu.memory_space<hbm>>
        %dma_start3A_360 = tpu.memref_squeeze %dma_start3A_359 : memref<1x1x128xi32, #tpu.memory_space<hbm>> -> memref<128xi32, #tpu.memory_space<hbm>>
        tpu.enqueue_dma source(%dma_start3A_360 : memref<128xi32, #tpu.memory_space<hbm>>) target(%dma_start3A_357 : memref<128xi32, #tpu.memory_space<vmem>>) target_semaphore(%arg19 : memref<!tpu.dma_semaphore, #tpu.memory_space<semaphore_mem>>)
        %add3A_361 = arith.constant 2 : i32
        %add3A_362 = arith.addi %add3A_183, %add3A_361 : i32
        %dma_wait3A_363 = arith.constant 2 : i32
        %dma_wait3A_364 = arith.constant 0 : i32
        %dma_wait3A_365 = tpu.memref_slice %arg7[%dma_wait3A_363, %dma_wait3A_364] : memref<8x128xi32, #tpu.memory_space<vmem>> -> memref<1x128xi32, #tpu.memory_space<vmem>>
        %dma_wait3A_366 = tpu.memref_squeeze %dma_wait3A_365 : memref<1x128xi32, #tpu.memory_space<vmem>> -> memref<128xi32, #tpu.memory_space<vmem>>
        %dma_wait3A_367 = arith.constant 0 : i32
        %dma_wait3A_368 = tpu.memref_slice %arg3[%add3A, %add3A_362, %dma_wait3A_367] : memref<32x114x128xi32, #tpu.memory_space<hbm>> -> memref<1x1x128xi32, #tpu.memory_space<hbm>>
        %dma_wait3A_369 = tpu.memref_squeeze %dma_wait3A_368 : memref<1x1x128xi32, #tpu.memory_space<hbm>> -> memref<128xi32, #tpu.memory_space<hbm>>
        %dma_wait3A_370 = arith.constant 0 : i32
        %dma_wait3A_371 = tpu.memref_slice %arg7[%dma_wait3A_363, %dma_wait3A_370] : memref<8x128xi32, #tpu.memory_space<vmem>> -> memref<1x128xi32, #tpu.memory_space<vmem>>
        %dma_wait3A_372 = tpu.memref_squeeze %dma_wait3A_371 : memref<1x128xi32, #tpu.memory_space<vmem>> -> memref<128xi32, #tpu.memory_space<vmem>>
        %dma_wait3A_373 = arith.constant 0 : i32
        %dma_wait3A_374 = tpu.memref_slice %arg3[%add3A, %add3A_362, %dma_wait3A_373] : memref<32x114x128xi32, #tpu.memory_space<hbm>> -> memref<1x1x128xi32, #tpu.memory_space<hbm>>
        %dma_wait3A_375 = tpu.memref_squeeze %dma_wait3A_374 : memref<1x1x128xi32, #tpu.memory_space<hbm>> -> memref<128xi32, #tpu.memory_space<hbm>>
        tpu.wait_dma2 semaphore(%arg22 : memref<!tpu.dma_semaphore, #tpu.memory_space<semaphore_mem>>) src(%dma_wait3A_375 : memref<128xi32, #tpu.memory_space<hbm>>) dst(%dma_wait3A_372 : memref<128xi32, #tpu.memory_space<vmem>>)
        %add3A_376 = arith.constant 2 : i32
        %add3A_377 = arith.addi %add3A_183, %add3A_376 : i32
        %dma_start3A_378 = arith.constant 2 : i32
        %dma_start3A_379 = arith.constant 2 : i32
        %dma_start3A_380 = arith.constant 0 : i32
        %dma_start3A_381 = arith.constant 0 : i32
        %dma_start3A_382 = tpu.memref_slice %arg9[%dma_start3A_379, %dma_start3A_380, %dma_start3A_381] : memref<3x120x128xf32, #tpu.memory_space<vmem>> -> memref<1x120x128xf32, #tpu.memory_space<vmem>>
        %dma_start3A_383 = tpu.memref_squeeze %dma_start3A_382 : memref<1x120x128xf32, #tpu.memory_space<vmem>> -> memref<120x128xf32, #tpu.memory_space<vmem>>
        %dma_start3A_384 = arith.constant 0 : i32
        %dma_start3A_385 = tpu.memref_slice %arg7[%dma_start3A_378, %dma_start3A_384] : memref<8x128xi32, #tpu.memory_space<vmem>> -> memref<1x120xi32, #tpu.memory_space<vmem>>
        %dma_start3A_386 = tpu.memref_squeeze %dma_start3A_385 : memref<1x120xi32, #tpu.memory_space<vmem>> -> memref<120xi32, #tpu.memory_space<vmem>>
        %dma_start3A_387 = arith.constant 0 : i32
        %dma_start3A_388 = arith.constant 0 : i32
        %dma_start3A_389 = tpu.memref_slice %arg2[%dma_start3A_387, %dma_start3A_388] : memref<10000x128xf32, #tpu.memory_space<hbm>> -> memref<10000x128xf32, #tpu.memory_space<hbm>>
        tpu.enqueue_indirect_dma source(%dma_start3A_389 : memref<10000x128xf32, #tpu.memory_space<hbm>>) target(%dma_start3A_383 : memref<120x128xf32, #tpu.memory_space<vmem>>) offsets(%dma_start3A_386 : memref<120xi32, #tpu.memory_space<vmem>>) semaphore(%arg13 : memref<!tpu.dma_semaphore, #tpu.memory_space<semaphore_mem>>)
      } else {
      }
      %add3A_234 = arith.constant 1 : i32
      %add3A_235 = arith.addi %mul3A_181, %add3A_234 : i32
      %ge3A_236 = arith.constant 1 : i32
      %ge3A_237 = arith.cmpi sge, %add3A_235, %ge3A_236 : i32
      %convert_element_type3A_238 = arith.extui %ge3A_237 : i1 to i32
      %cond3A_239 = arith.constant 0 : i32
      %cond3A_240 = arith.cmpi ne, %convert_element_type3A_238, %cond3A_239 : i32
      scf.if %cond3A_240 {
        %dma_wait3A_346 = arith.constant 0 : i32
        %dma_wait3A_347 = arith.constant 0 : i32
        %dma_wait3A_348 = arith.constant 0 : i32
        %dma_wait3A_349 = arith.constant 0 : i32
        %dma_wait3A_350 = tpu.memref_slice %arg9[%dma_wait3A_346, %dma_wait3A_348, %dma_wait3A_349] : memref<3x120x128xf32, #tpu.memory_space<vmem>> -> memref<1x120x128xf32, #tpu.memory_space<vmem>>
        %dma_wait3A_351 = tpu.memref_squeeze %dma_wait3A_350 : memref<1x120x128xf32, #tpu.memory_space<vmem>> -> memref<120x128xf32, #tpu.memory_space<vmem>>
        %dma_wait3A_352 = arith.constant 0 : i32
        %dma_wait3A_353 = tpu.memref_slice %arg8[%dma_wait3A_347, %dma_wait3A_352] : memref<8x128xi32, #tpu.memory_space<vmem>> -> memref<1x120xi32, #tpu.memory_space<vmem>>
        %dma_wait3A_354 = tpu.memref_squeeze %dma_wait3A_353 : memref<1x120xi32, #tpu.memory_space<vmem>> -> memref<120xi32, #tpu.memory_space<vmem>>
        %dma_wait3A_355 = arith.constant 0 : i32
        %dma_wait3A_356 = arith.constant 0 : i32
        %dma_wait3A_357 = tpu.memref_slice %arg10[%dma_wait3A_355, %dma_wait3A_356] : memref<10112x128xf32, #tpu.memory_space<vmem_shared>> -> memref<10112x128xf32, #tpu.memory_space<vmem_shared>>
        tpu.wait_indirect_dma semaphore(%arg14 : memref<!tpu.dma_semaphore, #tpu.memory_space<semaphore_mem>>) src(%dma_wait3A_351 : memref<120x128xf32, #tpu.memory_space<vmem>>) dst(%dma_wait3A_357 : memref<10112x128xf32, #tpu.memory_space<vmem_shared>>)
      } else {
      }
      %dma_wait3A_241 = arith.constant 1 : i32
      %dma_wait3A_242 = arith.constant 1 : i32
      %dma_wait3A_243 = arith.constant 0 : i32
      %dma_wait3A_244 = arith.constant 0 : i32
      %dma_wait3A_245 = tpu.memref_slice %arg9[%dma_wait3A_242, %dma_wait3A_243, %dma_wait3A_244] : memref<3x120x128xf32, #tpu.memory_space<vmem>> -> memref<1x120x128xf32, #tpu.memory_space<vmem>>
      %dma_wait3A_246 = tpu.memref_squeeze %dma_wait3A_245 : memref<1x120x128xf32, #tpu.memory_space<vmem>> -> memref<120x128xf32, #tpu.memory_space<vmem>>
      %dma_wait3A_247 = arith.constant 0 : i32
      %dma_wait3A_248 = tpu.memref_slice %arg7[%dma_wait3A_241, %dma_wait3A_247] : memref<8x128xi32, #tpu.memory_space<vmem>> -> memref<1x120xi32, #tpu.memory_space<vmem>>
      %dma_wait3A_249 = tpu.memref_squeeze %dma_wait3A_248 : memref<1x120xi32, #tpu.memory_space<vmem>> -> memref<120xi32, #tpu.memory_space<vmem>>
      %dma_wait3A_250 = arith.constant 0 : i32
      %dma_wait3A_251 = arith.constant 0 : i32
      %dma_wait3A_252 = tpu.memref_slice %arg2[%dma_wait3A_250, %dma_wait3A_251] : memref<10000x128xf32, #tpu.memory_space<hbm>> -> memref<10000x128xf32, #tpu.memory_space<hbm>>
      tpu.wait_indirect_dma semaphore(%arg12 : memref<!tpu.dma_semaphore, #tpu.memory_space<semaphore_mem>>) src(%dma_wait3A_252 : memref<10000x128xf32, #tpu.memory_space<hbm>>) dst(%dma_wait3A_246 : memref<120x128xf32, #tpu.memory_space<vmem>>)
      %dma_wait3A_253 = arith.constant 1 : i32
      %dma_wait3A_254 = arith.constant 0 : i32
      %dma_wait3A_255 = tpu.memref_slice %arg8[%dma_wait3A_253, %dma_wait3A_254] : memref<8x128xi32, #tpu.memory_space<vmem>> -> memref<1x128xi32, #tpu.memory_space<vmem>>
      %dma_wait3A_256 = tpu.memref_squeeze %dma_wait3A_255 : memref<1x128xi32, #tpu.memory_space<vmem>> -> memref<128xi32, #tpu.memory_space<vmem>>
      %dma_wait3A_257 = arith.constant 0 : i32
      %dma_wait3A_258 = tpu.memref_slice %arg4[%add3A, %add3A_235, %dma_wait3A_257] : memref<32x114x128xi32, #tpu.memory_space<hbm>> -> memref<1x1x128xi32, #tpu.memory_space<hbm>>
      %dma_wait3A_259 = tpu.memref_squeeze %dma_wait3A_258 : memref<1x1x128xi32, #tpu.memory_space<hbm>> -> memref<128xi32, #tpu.memory_space<hbm>>
      %dma_wait3A_260 = arith.constant 0 : i32
      %dma_wait3A_261 = tpu.memref_slice %arg8[%dma_wait3A_253, %dma_wait3A_260] : memref<8x128xi32, #tpu.memory_space<vmem>> -> memref<1x128xi32, #tpu.memory_space<vmem>>
      %dma_wait3A_262 = tpu.memref_squeeze %dma_wait3A_261 : memref<1x128xi32, #tpu.memory_space<vmem>> -> memref<128xi32, #tpu.memory_space<vmem>>
      %dma_wait3A_263 = arith.constant 0 : i32
      %dma_wait3A_264 = tpu.memref_slice %arg4[%add3A, %add3A_235, %dma_wait3A_263] : memref<32x114x128xi32, #tpu.memory_space<hbm>> -> memref<1x1x128xi32, #tpu.memory_space<hbm>>
      %dma_wait3A_265 = tpu.memref_squeeze %dma_wait3A_264 : memref<1x1x128xi32, #tpu.memory_space<hbm>> -> memref<128xi32, #tpu.memory_space<hbm>>
      tpu.wait_dma2 semaphore(%arg18 : memref<!tpu.dma_semaphore, #tpu.memory_space<semaphore_mem>>) src(%dma_wait3A_265 : memref<128xi32, #tpu.memory_space<hbm>>) dst(%dma_wait3A_262 : memref<128xi32, #tpu.memory_space<vmem>>)
      %dma_start3A_266 = arith.constant 1 : i32
      %dma_start3A_267 = arith.constant 1 : i32
      %dma_start3A_268 = arith.constant 0 : i32
      %dma_start3A_269 = arith.constant 0 : i32
      %dma_start3A_270 = tpu.memref_slice %arg9[%dma_start3A_266, %dma_start3A_268, %dma_start3A_269] : memref<3x120x128xf32, #tpu.memory_space<vmem>> -> memref<1x120x128xf32, #tpu.memory_space<vmem>>
      %dma_start3A_271 = tpu.memref_squeeze %dma_start3A_270 : memref<1x120x128xf32, #tpu.memory_space<vmem>> -> memref<120x128xf32, #tpu.memory_space<vmem>>
      %dma_start3A_272 = arith.constant 0 : i32
      %dma_start3A_273 = tpu.memref_slice %arg8[%dma_start3A_267, %dma_start3A_272] : memref<8x128xi32, #tpu.memory_space<vmem>> -> memref<1x120xi32, #tpu.memory_space<vmem>>
      %dma_start3A_274 = tpu.memref_squeeze %dma_start3A_273 : memref<1x120xi32, #tpu.memory_space<vmem>> -> memref<120xi32, #tpu.memory_space<vmem>>
      %dma_start3A_275 = arith.constant 0 : i32
      %dma_start3A_276 = arith.constant 0 : i32
      %dma_start3A_277 = tpu.memref_slice %arg10[%dma_start3A_275, %dma_start3A_276] : memref<10112x128xf32, #tpu.memory_space<vmem_shared>> -> memref<10112x128xf32, #tpu.memory_space<vmem_shared>>
      tpu.enqueue_indirect_dma source(%dma_start3A_271 : memref<120x128xf32, #tpu.memory_space<vmem>>) target(%dma_start3A_277 : memref<10112x128xf32, #tpu.memory_space<vmem_shared>>) offsets(%dma_start3A_274 : memref<120xi32, #tpu.memory_space<vmem>>) semaphore(%arg15 : memref<!tpu.dma_semaphore, #tpu.memory_space<semaphore_mem>>) {add = true}
      %add3A_278 = arith.constant 3 : i32
      %add3A_279 = arith.addi %add3A_235, %add3A_278 : i32
      %lt3A_280 = arith.cmpi slt, %add3A_279, %select_n3A : i32
      %convert_element_type3A_281 = arith.extui %lt3A_280 : i1 to i32
      %cond3A_282 = arith.constant 0 : i32
      %cond3A_283 = arith.cmpi ne, %convert_element_type3A_281, %cond3A_282 : i32
      scf.if %cond3A_283 {
        %add3A_346 = arith.constant 3 : i32
        %add3A_347 = arith.addi %add3A_235, %add3A_346 : i32
        %dma_start3A_348 = arith.constant 1 : i32
        %dma_start3A_349 = arith.constant 0 : i32
        %dma_start3A_350 = tpu.memref_slice %arg7[%dma_start3A_348, %dma_start3A_349] : memref<8x128xi32, #tpu.memory_space<vmem>> -> memref<1x128xi32, #tpu.memory_space<vmem>>
        %dma_start3A_351 = tpu.memref_squeeze %dma_start3A_350 : memref<1x128xi32, #tpu.memory_space<vmem>> -> memref<128xi32, #tpu.memory_space<vmem>>
        %dma_start3A_352 = arith.constant 0 : i32
        %dma_start3A_353 = tpu.memref_slice %arg3[%add3A, %add3A_347, %dma_start3A_352] : memref<32x114x128xi32, #tpu.memory_space<hbm>> -> memref<1x1x128xi32, #tpu.memory_space<hbm>>
        %dma_start3A_354 = tpu.memref_squeeze %dma_start3A_353 : memref<1x1x128xi32, #tpu.memory_space<hbm>> -> memref<128xi32, #tpu.memory_space<hbm>>
        %dma_start3A_355 = arith.constant 0 : i32
        %dma_start3A_356 = tpu.memref_slice %arg7[%dma_start3A_348, %dma_start3A_355] : memref<8x128xi32, #tpu.memory_space<vmem>> -> memref<1x128xi32, #tpu.memory_space<vmem>>
        %dma_start3A_357 = tpu.memref_squeeze %dma_start3A_356 : memref<1x128xi32, #tpu.memory_space<vmem>> -> memref<128xi32, #tpu.memory_space<vmem>>
        %dma_start3A_358 = arith.constant 0 : i32
        %dma_start3A_359 = tpu.memref_slice %arg3[%add3A, %add3A_347, %dma_start3A_358] : memref<32x114x128xi32, #tpu.memory_space<hbm>> -> memref<1x1x128xi32, #tpu.memory_space<hbm>>
        %dma_start3A_360 = tpu.memref_squeeze %dma_start3A_359 : memref<1x1x128xi32, #tpu.memory_space<hbm>> -> memref<128xi32, #tpu.memory_space<hbm>>
        tpu.enqueue_dma source(%dma_start3A_360 : memref<128xi32, #tpu.memory_space<hbm>>) target(%dma_start3A_357 : memref<128xi32, #tpu.memory_space<vmem>>) target_semaphore(%arg21 : memref<!tpu.dma_semaphore, #tpu.memory_space<semaphore_mem>>)
      } else {
      }
      %add3A_284 = arith.constant 2 : i32
      %add3A_285 = arith.addi %add3A_235, %add3A_284 : i32
      %lt3A_286 = arith.cmpi slt, %add3A_285, %select_n3A : i32
      %convert_element_type3A_287 = arith.extui %lt3A_286 : i1 to i32
      %cond3A_288 = arith.constant 0 : i32
      %cond3A_289 = arith.cmpi ne, %convert_element_type3A_287, %cond3A_288 : i32
      scf.if %cond3A_289 {
        %add3A_346 = arith.constant 2 : i32
        %add3A_347 = arith.addi %add3A_235, %add3A_346 : i32
        %dma_start3A_348 = arith.constant 0 : i32
        %dma_start3A_349 = arith.constant 0 : i32
        %dma_start3A_350 = tpu.memref_slice %arg8[%dma_start3A_348, %dma_start3A_349] : memref<8x128xi32, #tpu.memory_space<vmem>> -> memref<1x128xi32, #tpu.memory_space<vmem>>
        %dma_start3A_351 = tpu.memref_squeeze %dma_start3A_350 : memref<1x128xi32, #tpu.memory_space<vmem>> -> memref<128xi32, #tpu.memory_space<vmem>>
        %dma_start3A_352 = arith.constant 0 : i32
        %dma_start3A_353 = tpu.memref_slice %arg4[%add3A, %add3A_347, %dma_start3A_352] : memref<32x114x128xi32, #tpu.memory_space<hbm>> -> memref<1x1x128xi32, #tpu.memory_space<hbm>>
        %dma_start3A_354 = tpu.memref_squeeze %dma_start3A_353 : memref<1x1x128xi32, #tpu.memory_space<hbm>> -> memref<128xi32, #tpu.memory_space<hbm>>
        %dma_start3A_355 = arith.constant 0 : i32
        %dma_start3A_356 = tpu.memref_slice %arg8[%dma_start3A_348, %dma_start3A_355] : memref<8x128xi32, #tpu.memory_space<vmem>> -> memref<1x128xi32, #tpu.memory_space<vmem>>
        %dma_start3A_357 = tpu.memref_squeeze %dma_start3A_356 : memref<1x128xi32, #tpu.memory_space<vmem>> -> memref<128xi32, #tpu.memory_space<vmem>>
        %dma_start3A_358 = arith.constant 0 : i32
        %dma_start3A_359 = tpu.memref_slice %arg4[%add3A, %add3A_347, %dma_start3A_358] : memref<32x114x128xi32, #tpu.memory_space<hbm>> -> memref<1x1x128xi32, #tpu.memory_space<hbm>>
        %dma_start3A_360 = tpu.memref_squeeze %dma_start3A_359 : memref<1x1x128xi32, #tpu.memory_space<hbm>> -> memref<128xi32, #tpu.memory_space<hbm>>
        tpu.enqueue_dma source(%dma_start3A_360 : memref<128xi32, #tpu.memory_space<hbm>>) target(%dma_start3A_357 : memref<128xi32, #tpu.memory_space<vmem>>) target_semaphore(%arg17 : memref<!tpu.dma_semaphore, #tpu.memory_space<semaphore_mem>>)
        %add3A_361 = arith.constant 2 : i32
        %add3A_362 = arith.addi %add3A_235, %add3A_361 : i32
        %dma_wait3A_363 = arith.constant 0 : i32
        %dma_wait3A_364 = arith.constant 0 : i32
        %dma_wait3A_365 = tpu.memref_slice %arg7[%dma_wait3A_363, %dma_wait3A_364] : memref<8x128xi32, #tpu.memory_space<vmem>> -> memref<1x128xi32, #tpu.memory_space<vmem>>
        %dma_wait3A_366 = tpu.memref_squeeze %dma_wait3A_365 : memref<1x128xi32, #tpu.memory_space<vmem>> -> memref<128xi32, #tpu.memory_space<vmem>>
        %dma_wait3A_367 = arith.constant 0 : i32
        %dma_wait3A_368 = tpu.memref_slice %arg3[%add3A, %add3A_362, %dma_wait3A_367] : memref<32x114x128xi32, #tpu.memory_space<hbm>> -> memref<1x1x128xi32, #tpu.memory_space<hbm>>
        %dma_wait3A_369 = tpu.memref_squeeze %dma_wait3A_368 : memref<1x1x128xi32, #tpu.memory_space<hbm>> -> memref<128xi32, #tpu.memory_space<hbm>>
        %dma_wait3A_370 = arith.constant 0 : i32
        %dma_wait3A_371 = tpu.memref_slice %arg7[%dma_wait3A_363, %dma_wait3A_370] : memref<8x128xi32, #tpu.memory_space<vmem>> -> memref<1x128xi32, #tpu.memory_space<vmem>>
        %dma_wait3A_372 = tpu.memref_squeeze %dma_wait3A_371 : memref<1x128xi32, #tpu.memory_space<vmem>> -> memref<128xi32, #tpu.memory_space<vmem>>
        %dma_wait3A_373 = arith.constant 0 : i32
        %dma_wait3A_374 = tpu.memref_slice %arg3[%add3A, %add3A_362, %dma_wait3A_373] : memref<32x114x128xi32, #tpu.memory_space<hbm>> -> memref<1x1x128xi32, #tpu.memory_space<hbm>>
        %dma_wait3A_375 = tpu.memref_squeeze %dma_wait3A_374 : memref<1x1x128xi32, #tpu.memory_space<hbm>> -> memref<128xi32, #tpu.memory_space<hbm>>
        tpu.wait_dma2 semaphore(%arg20 : memref<!tpu.dma_semaphore, #tpu.memory_space<semaphore_mem>>) src(%dma_wait3A_375 : memref<128xi32, #tpu.memory_space<hbm>>) dst(%dma_wait3A_372 : memref<128xi32, #tpu.memory_space<vmem>>)
        %add3A_376 = arith.constant 2 : i32
        %add3A_377 = arith.addi %add3A_235, %add3A_376 : i32
        %dma_start3A_378 = arith.constant 0 : i32
        %dma_start3A_379 = arith.constant 0 : i32
        %dma_start3A_380 = arith.constant 0 : i32
        %dma_start3A_381 = arith.constant 0 : i32
        %dma_start3A_382 = tpu.memref_slice %arg9[%dma_start3A_379, %dma_start3A_380, %dma_start3A_381] : memref<3x120x128xf32, #tpu.memory_space<vmem>> -> memref<1x120x128xf32, #tpu.memory_space<vmem>>
        %dma_start3A_383 = tpu.memref_squeeze %dma_start3A_382 : memref<1x120x128xf32, #tpu.memory_space<vmem>> -> memref<120x128xf32, #tpu.memory_space<vmem>>
        %dma_start3A_384 = arith.constant 0 : i32
        %dma_start3A_385 = tpu.memref_slice %arg7[%dma_start3A_378, %dma_start3A_384] : memref<8x128xi32, #tpu.memory_space<vmem>> -> memref<1x120xi32, #tpu.memory_space<vmem>>
        %dma_start3A_386 = tpu.memref_squeeze %dma_start3A_385 : memref<1x120xi32, #tpu.memory_space<vmem>> -> memref<120xi32, #tpu.memory_space<vmem>>
        %dma_start3A_387 = arith.constant 0 : i32
        %dma_start3A_388 = arith.constant 0 : i32
        %dma_start3A_389 = tpu.memref_slice %arg2[%dma_start3A_387, %dma_start3A_388] : memref<10000x128xf32, #tpu.memory_space<hbm>> -> memref<10000x128xf32, #tpu.memory_space<hbm>>
        tpu.enqueue_indirect_dma source(%dma_start3A_389 : memref<10000x128xf32, #tpu.memory_space<hbm>>) target(%dma_start3A_383 : memref<120x128xf32, #tpu.memory_space<vmem>>) offsets(%dma_start3A_386 : memref<120xi32, #tpu.memory_space<vmem>>) semaphore(%arg11 : memref<!tpu.dma_semaphore, #tpu.memory_space<semaphore_mem>>)
      } else {
      }
      %add3A_290 = arith.constant 2 : i32
      %add3A_291 = arith.addi %mul3A_181, %add3A_290 : i32
      %ge3A_292 = arith.constant 1 : i32
      %ge3A_293 = arith.cmpi sge, %add3A_291, %ge3A_292 : i32
      %convert_element_type3A_294 = arith.extui %ge3A_293 : i1 to i32
      %cond3A_295 = arith.constant 0 : i32
      %cond3A_296 = arith.cmpi ne, %convert_element_type3A_294, %cond3A_295 : i32
      scf.if %cond3A_296 {
        %dma_wait3A_346 = arith.constant 1 : i32
        %dma_wait3A_347 = arith.constant 1 : i32
        %dma_wait3A_348 = arith.constant 0 : i32
        %dma_wait3A_349 = arith.constant 0 : i32
        %dma_wait3A_350 = tpu.memref_slice %arg9[%dma_wait3A_346, %dma_wait3A_348, %dma_wait3A_349] : memref<3x120x128xf32, #tpu.memory_space<vmem>> -> memref<1x120x128xf32, #tpu.memory_space<vmem>>
        %dma_wait3A_351 = tpu.memref_squeeze %dma_wait3A_350 : memref<1x120x128xf32, #tpu.memory_space<vmem>> -> memref<120x128xf32, #tpu.memory_space<vmem>>
        %dma_wait3A_352 = arith.constant 0 : i32
        %dma_wait3A_353 = tpu.memref_slice %arg8[%dma_wait3A_347, %dma_wait3A_352] : memref<8x128xi32, #tpu.memory_space<vmem>> -> memref<1x120xi32, #tpu.memory_space<vmem>>
        %dma_wait3A_354 = tpu.memref_squeeze %dma_wait3A_353 : memref<1x120xi32, #tpu.memory_space<vmem>> -> memref<120xi32, #tpu.memory_space<vmem>>
        %dma_wait3A_355 = arith.constant 0 : i32
        %dma_wait3A_356 = arith.constant 0 : i32
        %dma_wait3A_357 = tpu.memref_slice %arg10[%dma_wait3A_355, %dma_wait3A_356] : memref<10112x128xf32, #tpu.memory_space<vmem_shared>> -> memref<10112x128xf32, #tpu.memory_space<vmem_shared>>
        tpu.wait_indirect_dma semaphore(%arg15 : memref<!tpu.dma_semaphore, #tpu.memory_space<semaphore_mem>>) src(%dma_wait3A_351 : memref<120x128xf32, #tpu.memory_space<vmem>>) dst(%dma_wait3A_357 : memref<10112x128xf32, #tpu.memory_space<vmem_shared>>)
      } else {
      }
      %dma_wait3A_297 = arith.constant 2 : i32
      %dma_wait3A_298 = arith.constant 2 : i32
      %dma_wait3A_299 = arith.constant 0 : i32
      %dma_wait3A_300 = arith.constant 0 : i32
      %dma_wait3A_301 = tpu.memref_slice %arg9[%dma_wait3A_298, %dma_wait3A_299, %dma_wait3A_300] : memref<3x120x128xf32, #tpu.memory_space<vmem>> -> memref<1x120x128xf32, #tpu.memory_space<vmem>>
      %dma_wait3A_302 = tpu.memref_squeeze %dma_wait3A_301 : memref<1x120x128xf32, #tpu.memory_space<vmem>> -> memref<120x128xf32, #tpu.memory_space<vmem>>
      %dma_wait3A_303 = arith.constant 0 : i32
      %dma_wait3A_304 = tpu.memref_slice %arg7[%dma_wait3A_297, %dma_wait3A_303] : memref<8x128xi32, #tpu.memory_space<vmem>> -> memref<1x120xi32, #tpu.memory_space<vmem>>
      %dma_wait3A_305 = tpu.memref_squeeze %dma_wait3A_304 : memref<1x120xi32, #tpu.memory_space<vmem>> -> memref<120xi32, #tpu.memory_space<vmem>>
      %dma_wait3A_306 = arith.constant 0 : i32
      %dma_wait3A_307 = arith.constant 0 : i32
      %dma_wait3A_308 = tpu.memref_slice %arg2[%dma_wait3A_306, %dma_wait3A_307] : memref<10000x128xf32, #tpu.memory_space<hbm>> -> memref<10000x128xf32, #tpu.memory_space<hbm>>
      tpu.wait_indirect_dma semaphore(%arg13 : memref<!tpu.dma_semaphore, #tpu.memory_space<semaphore_mem>>) src(%dma_wait3A_308 : memref<10000x128xf32, #tpu.memory_space<hbm>>) dst(%dma_wait3A_302 : memref<120x128xf32, #tpu.memory_space<vmem>>)
      %dma_wait3A_309 = arith.constant 2 : i32
      %dma_wait3A_310 = arith.constant 0 : i32
      %dma_wait3A_311 = tpu.memref_slice %arg8[%dma_wait3A_309, %dma_wait3A_310] : memref<8x128xi32, #tpu.memory_space<vmem>> -> memref<1x128xi32, #tpu.memory_space<vmem>>
      %dma_wait3A_312 = tpu.memref_squeeze %dma_wait3A_311 : memref<1x128xi32, #tpu.memory_space<vmem>> -> memref<128xi32, #tpu.memory_space<vmem>>
      %dma_wait3A_313 = arith.constant 0 : i32
      %dma_wait3A_314 = tpu.memref_slice %arg4[%add3A, %add3A_291, %dma_wait3A_313] : memref<32x114x128xi32, #tpu.memory_space<hbm>> -> memref<1x1x128xi32, #tpu.memory_space<hbm>>
      %dma_wait3A_315 = tpu.memref_squeeze %dma_wait3A_314 : memref<1x1x128xi32, #tpu.memory_space<hbm>> -> memref<128xi32, #tpu.memory_space<hbm>>
      %dma_wait3A_316 = arith.constant 0 : i32
      %dma_wait3A_317 = tpu.memref_slice %arg8[%dma_wait3A_309, %dma_wait3A_316] : memref<8x128xi32, #tpu.memory_space<vmem>> -> memref<1x128xi32, #tpu.memory_space<vmem>>
      %dma_wait3A_318 = tpu.memref_squeeze %dma_wait3A_317 : memref<1x128xi32, #tpu.memory_space<vmem>> -> memref<128xi32, #tpu.memory_space<vmem>>
      %dma_wait3A_319 = arith.constant 0 : i32
      %dma_wait3A_320 = tpu.memref_slice %arg4[%add3A, %add3A_291, %dma_wait3A_319] : memref<32x114x128xi32, #tpu.memory_space<hbm>> -> memref<1x1x128xi32, #tpu.memory_space<hbm>>
      %dma_wait3A_321 = tpu.memref_squeeze %dma_wait3A_320 : memref<1x1x128xi32, #tpu.memory_space<hbm>> -> memref<128xi32, #tpu.memory_space<hbm>>
      tpu.wait_dma2 semaphore(%arg19 : memref<!tpu.dma_semaphore, #tpu.memory_space<semaphore_mem>>) src(%dma_wait3A_321 : memref<128xi32, #tpu.memory_space<hbm>>) dst(%dma_wait3A_318 : memref<128xi32, #tpu.memory_space<vmem>>)
      %dma_start3A_322 = arith.constant 2 : i32
      %dma_start3A_323 = arith.constant 2 : i32
      %dma_start3A_324 = arith.constant 0 : i32
      %dma_start3A_325 = arith.constant 0 : i32
      %dma_start3A_326 = tpu.memref_slice %arg9[%dma_start3A_322, %dma_start3A_324, %dma_start3A_325] : memref<3x120x128xf32, #tpu.memory_space<vmem>> -> memref<1x120x128xf32, #tpu.memory_space<vmem>>
      %dma_start3A_327 = tpu.memref_squeeze %dma_start3A_326 : memref<1x120x128xf32, #tpu.memory_space<vmem>> -> memref<120x128xf32, #tpu.memory_space<vmem>>
      %dma_start3A_328 = arith.constant 0 : i32
      %dma_start3A_329 = tpu.memref_slice %arg8[%dma_start3A_323, %dma_start3A_328] : memref<8x128xi32, #tpu.memory_space<vmem>> -> memref<1x120xi32, #tpu.memory_space<vmem>>
      %dma_start3A_330 = tpu.memref_squeeze %dma_start3A_329 : memref<1x120xi32, #tpu.memory_space<vmem>> -> memref<120xi32, #tpu.memory_space<vmem>>
      %dma_start3A_331 = arith.constant 0 : i32
      %dma_start3A_332 = arith.constant 0 : i32
      %dma_start3A_333 = tpu.memref_slice %arg10[%dma_start3A_331, %dma_start3A_332] : memref<10112x128xf32, #tpu.memory_space<vmem_shared>> -> memref<10112x128xf32, #tpu.memory_space<vmem_shared>>
      tpu.enqueue_indirect_dma source(%dma_start3A_327 : memref<120x128xf32, #tpu.memory_space<vmem>>) target(%dma_start3A_333 : memref<10112x128xf32, #tpu.memory_space<vmem_shared>>) offsets(%dma_start3A_330 : memref<120xi32, #tpu.memory_space<vmem>>) semaphore(%arg16 : memref<!tpu.dma_semaphore, #tpu.memory_space<semaphore_mem>>) {add = true}
      %add3A_334 = arith.constant 3 : i32
      %add3A_335 = arith.addi %add3A_291, %add3A_334 : i32
      %lt3A_336 = arith.cmpi slt, %add3A_335, %select_n3A : i32
      %convert_element_type3A_337 = arith.extui %lt3A_336 : i1 to i32
      %cond3A_338 = arith.constant 0 : i32
      %cond3A_339 = arith.cmpi ne, %convert_element_type3A_337, %cond3A_338 : i32
      scf.if %cond3A_339 {
        %add3A_346 = arith.constant 3 : i32
        %add3A_347 = arith.addi %add3A_291, %add3A_346 : i32
        %dma_start3A_348 = arith.constant 2 : i32
        %dma_start3A_349 = arith.constant 0 : i32
        %dma_start3A_350 = tpu.memref_slice %arg7[%dma_start3A_348, %dma_start3A_349] : memref<8x128xi32, #tpu.memory_space<vmem>> -> memref<1x128xi32, #tpu.memory_space<vmem>>
        %dma_start3A_351 = tpu.memref_squeeze %dma_start3A_350 : memref<1x128xi32, #tpu.memory_space<vmem>> -> memref<128xi32, #tpu.memory_space<vmem>>
        %dma_start3A_352 = arith.constant 0 : i32
        %dma_start3A_353 = tpu.memref_slice %arg3[%add3A, %add3A_347, %dma_start3A_352] : memref<32x114x128xi32, #tpu.memory_space<hbm>> -> memref<1x1x128xi32, #tpu.memory_space<hbm>>
        %dma_start3A_354 = tpu.memref_squeeze %dma_start3A_353 : memref<1x1x128xi32, #tpu.memory_space<hbm>> -> memref<128xi32, #tpu.memory_space<hbm>>
        %dma_start3A_355 = arith.constant 0 : i32
        %dma_start3A_356 = tpu.memref_slice %arg7[%dma_start3A_348, %dma_start3A_355] : memref<8x128xi32, #tpu.memory_space<vmem>> -> memref<1x128xi32, #tpu.memory_space<vmem>>
        %dma_start3A_357 = tpu.memref_squeeze %dma_start3A_356 : memref<1x128xi32, #tpu.memory_space<vmem>> -> memref<128xi32, #tpu.memory_space<vmem>>
        %dma_start3A_358 = arith.constant 0 : i32
        %dma_start3A_359 = tpu.memref_slice %arg3[%add3A, %add3A_347, %dma_start3A_358] : memref<32x114x128xi32, #tpu.memory_space<hbm>> -> memref<1x1x128xi32, #tpu.memory_space<hbm>>
        %dma_start3A_360 = tpu.memref_squeeze %dma_start3A_359 : memref<1x1x128xi32, #tpu.memory_space<hbm>> -> memref<128xi32, #tpu.memory_space<hbm>>
        tpu.enqueue_dma source(%dma_start3A_360 : memref<128xi32, #tpu.memory_space<hbm>>) target(%dma_start3A_357 : memref<128xi32, #tpu.memory_space<vmem>>) target_semaphore(%arg22 : memref<!tpu.dma_semaphore, #tpu.memory_space<semaphore_mem>>)
      } else {
      }
      %add3A_340 = arith.constant 2 : i32
      %add3A_341 = arith.addi %add3A_291, %add3A_340 : i32
      %lt3A_342 = arith.cmpi slt, %add3A_341, %select_n3A : i32
      %convert_element_type3A_343 = arith.extui %lt3A_342 : i1 to i32
      %cond3A_344 = arith.constant 0 : i32
      %cond3A_345 = arith.cmpi ne, %convert_element_type3A_343, %cond3A_344 : i32
      scf.if %cond3A_345 {
        %add3A_346 = arith.constant 2 : i32
        %add3A_347 = arith.addi %add3A_291, %add3A_346 : i32
        %dma_start3A_348 = arith.constant 1 : i32
        %dma_start3A_349 = arith.constant 0 : i32
        %dma_start3A_350 = tpu.memref_slice %arg8[%dma_start3A_348, %dma_start3A_349] : memref<8x128xi32, #tpu.memory_space<vmem>> -> memref<1x128xi32, #tpu.memory_space<vmem>>
        %dma_start3A_351 = tpu.memref_squeeze %dma_start3A_350 : memref<1x128xi32, #tpu.memory_space<vmem>> -> memref<128xi32, #tpu.memory_space<vmem>>
        %dma_start3A_352 = arith.constant 0 : i32
        %dma_start3A_353 = tpu.memref_slice %arg4[%add3A, %add3A_347, %dma_start3A_352] : memref<32x114x128xi32, #tpu.memory_space<hbm>> -> memref<1x1x128xi32, #tpu.memory_space<hbm>>
        %dma_start3A_354 = tpu.memref_squeeze %dma_start3A_353 : memref<1x1x128xi32, #tpu.memory_space<hbm>> -> memref<128xi32, #tpu.memory_space<hbm>>
        %dma_start3A_355 = arith.constant 0 : i32
        %dma_start3A_356 = tpu.memref_slice %arg8[%dma_start3A_348, %dma_start3A_355] : memref<8x128xi32, #tpu.memory_space<vmem>> -> memref<1x128xi32, #tpu.memory_space<vmem>>
        %dma_start3A_357 = tpu.memref_squeeze %dma_start3A_356 : memref<1x128xi32, #tpu.memory_space<vmem>> -> memref<128xi32, #tpu.memory_space<vmem>>
        %dma_start3A_358 = arith.constant 0 : i32
        %dma_start3A_359 = tpu.memref_slice %arg4[%add3A, %add3A_347, %dma_start3A_358] : memref<32x114x128xi32, #tpu.memory_space<hbm>> -> memref<1x1x128xi32, #tpu.memory_space<hbm>>
        %dma_start3A_360 = tpu.memref_squeeze %dma_start3A_359 : memref<1x1x128xi32, #tpu.memory_space<hbm>> -> memref<128xi32, #tpu.memory_space<hbm>>
        tpu.enqueue_dma source(%dma_start3A_360 : memref<128xi32, #tpu.memory_space<hbm>>) target(%dma_start3A_357 : memref<128xi32, #tpu.memory_space<vmem>>) target_semaphore(%arg18 : memref<!tpu.dma_semaphore, #tpu.memory_space<semaphore_mem>>)
        %add3A_361 = arith.constant 2 : i32
        %add3A_362 = arith.addi %add3A_291, %add3A_361 : i32
        %dma_wait3A_363 = arith.constant 1 : i32
        %dma_wait3A_364 = arith.constant 0 : i32
        %dma_wait3A_365 = tpu.memref_slice %arg7[%dma_wait3A_363, %dma_wait3A_364] : memref<8x128xi32, #tpu.memory_space<vmem>> -> memref<1x128xi32, #tpu.memory_space<vmem>>
        %dma_wait3A_366 = tpu.memref_squeeze %dma_wait3A_365 : memref<1x128xi32, #tpu.memory_space<vmem>> -> memref<128xi32, #tpu.memory_space<vmem>>
        %dma_wait3A_367 = arith.constant 0 : i32
        %dma_wait3A_368 = tpu.memref_slice %arg3[%add3A, %add3A_362, %dma_wait3A_367] : memref<32x114x128xi32, #tpu.memory_space<hbm>> -> memref<1x1x128xi32, #tpu.memory_space<hbm>>
        %dma_wait3A_369 = tpu.memref_squeeze %dma_wait3A_368 : memref<1x1x128xi32, #tpu.memory_space<hbm>> -> memref<128xi32, #tpu.memory_space<hbm>>
        %dma_wait3A_370 = arith.constant 0 : i32
        %dma_wait3A_371 = tpu.memref_slice %arg7[%dma_wait3A_363, %dma_wait3A_370] : memref<8x128xi32, #tpu.memory_space<vmem>> -> memref<1x128xi32, #tpu.memory_space<vmem>>
        %dma_wait3A_372 = tpu.memref_squeeze %dma_wait3A_371 : memref<1x128xi32, #tpu.memory_space<vmem>> -> memref<128xi32, #tpu.memory_space<vmem>>
        %dma_wait3A_373 = arith.constant 0 : i32
        %dma_wait3A_374 = tpu.memref_slice %arg3[%add3A, %add3A_362, %dma_wait3A_373] : memref<32x114x128xi32, #tpu.memory_space<hbm>> -> memref<1x1x128xi32, #tpu.memory_space<hbm>>
        %dma_wait3A_375 = tpu.memref_squeeze %dma_wait3A_374 : memref<1x1x128xi32, #tpu.memory_space<hbm>> -> memref<128xi32, #tpu.memory_space<hbm>>
        tpu.wait_dma2 semaphore(%arg21 : memref<!tpu.dma_semaphore, #tpu.memory_space<semaphore_mem>>) src(%dma_wait3A_375 : memref<128xi32, #tpu.memory_space<hbm>>) dst(%dma_wait3A_372 : memref<128xi32, #tpu.memory_space<vmem>>)
        %add3A_376 = arith.constant 2 : i32
        %add3A_377 = arith.addi %add3A_291, %add3A_376 : i32
        %dma_start3A_378 = arith.constant 1 : i32
        %dma_start3A_379 = arith.constant 1 : i32
        %dma_start3A_380 = arith.constant 0 : i32
        %dma_start3A_381 = arith.constant 0 : i32
        %dma_start3A_382 = tpu.memref_slice %arg9[%dma_start3A_379, %dma_start3A_380, %dma_start3A_381] : memref<3x120x128xf32, #tpu.memory_space<vmem>> -> memref<1x120x128xf32, #tpu.memory_space<vmem>>
        %dma_start3A_383 = tpu.memref_squeeze %dma_start3A_382 : memref<1x120x128xf32, #tpu.memory_space<vmem>> -> memref<120x128xf32, #tpu.memory_space<vmem>>
        %dma_start3A_384 = arith.constant 0 : i32
        %dma_start3A_385 = tpu.memref_slice %arg7[%dma_start3A_378, %dma_start3A_384] : memref<8x128xi32, #tpu.memory_space<vmem>> -> memref<1x120xi32, #tpu.memory_space<vmem>>
        %dma_start3A_386 = tpu.memref_squeeze %dma_start3A_385 : memref<1x120xi32, #tpu.memory_space<vmem>> -> memref<120xi32, #tpu.memory_space<vmem>>
        %dma_start3A_387 = arith.constant 0 : i32
        %dma_start3A_388 = arith.constant 0 : i32
        %dma_start3A_389 = tpu.memref_slice %arg2[%dma_start3A_387, %dma_start3A_388] : memref<10000x128xf32, #tpu.memory_space<hbm>> -> memref<10000x128xf32, #tpu.memory_space<hbm>>
        tpu.enqueue_indirect_dma source(%dma_start3A_389 : memref<10000x128xf32, #tpu.memory_space<hbm>>) target(%dma_start3A_383 : memref<120x128xf32, #tpu.memory_space<vmem>>) offsets(%dma_start3A_386 : memref<120xi32, #tpu.memory_space<vmem>>) semaphore(%arg12 : memref<!tpu.dma_semaphore, #tpu.memory_space<semaphore_mem>>)
      } else {
      }
    }
    %dma_wait3A_162 = arith.constant 2 : i32
    %dma_wait3A_163 = arith.constant 2 : i32
    %dma_wait3A_164 = arith.constant 0 : i32
    %dma_wait3A_165 = arith.constant 0 : i32
    %dma_wait3A_166 = tpu.memref_slice %arg9[%dma_wait3A_162, %dma_wait3A_164, %dma_wait3A_165] : memref<3x120x128xf32, #tpu.memory_space<vmem>> -> memref<1x120x128xf32, #tpu.memory_space<vmem>>
    %dma_wait3A_167 = tpu.memref_squeeze %dma_wait3A_166 : memref<1x120x128xf32, #tpu.memory_space<vmem>> -> memref<120x128xf32, #tpu.memory_space<vmem>>
    %dma_wait3A_168 = arith.constant 0 : i32
    %dma_wait3A_169 = tpu.memref_slice %arg8[%dma_wait3A_163, %dma_wait3A_168] : memref<8x128xi32, #tpu.memory_space<vmem>> -> memref<1x120xi32, #tpu.memory_space<vmem>>
    %dma_wait3A_170 = tpu.memref_squeeze %dma_wait3A_169 : memref<1x120xi32, #tpu.memory_space<vmem>> -> memref<120xi32, #tpu.memory_space<vmem>>
    %dma_wait3A_171 = arith.constant 0 : i32
    %dma_wait3A_172 = arith.constant 0 : i32
    %dma_wait3A_173 = tpu.memref_slice %arg10[%dma_wait3A_171, %dma_wait3A_172] : memref<10112x128xf32, #tpu.memory_space<vmem_shared>> -> memref<10112x128xf32, #tpu.memory_space<vmem_shared>>
    tpu.wait_indirect_dma semaphore(%arg16 : memref<!tpu.dma_semaphore, #tpu.memory_space<semaphore_mem>>) src(%dma_wait3A_167 : memref<120x128xf32, #tpu.memory_space<vmem>>) dst(%dma_wait3A_173 : memref<10112x128xf32, #tpu.memory_space<vmem_shared>>)
    %barrier3A_174 = arith.constant 0 : index
    tpu.barrier barrier_id(%barrier3A_174)
    %mul3A_175 = arith.constant 632 : i32
    %mul3A_176 = arith.muli %arg1, %mul3A_175 : i32
    %mul3A_177 = arith.constant 632 : i32
    %mul3A_178 = arith.muli %arg1, %mul3A_177 : i32
    "tpu.region"() ({
      %run_scoped3A = tpu.sem_alloc : memref<!tpu.dma_semaphore, #tpu.memory_space<semaphore_mem>>
      %dma_start3A_179 = arith.constant 0 : i32
      %dma_start3A_180 = tpu.memref_slice %arg6[%arg0, %mul3A_178, %dma_start3A_179] : memref<2x10112x128xf32, #tpu.memory_space<hbm>> -> memref<1x632x128xf32, #tpu.memory_space<hbm>>
      %dma_start3A_181 = tpu.memref_squeeze %dma_start3A_180 : memref<1x632x128xf32, #tpu.memory_space<hbm>> -> memref<632x128xf32, #tpu.memory_space<hbm>>
      %dma_start3A_182 = arith.constant 0 : i32
      %dma_start3A_183 = tpu.memref_slice %arg10[%mul3A_176, %dma_start3A_182] : memref<10112x128xf32, #tpu.memory_space<vmem_shared>> -> memref<632x128xf32, #tpu.memory_space<vmem_shared>>
      tpu.enqueue_dma source(%dma_start3A_183 : memref<632x128xf32, #tpu.memory_space<vmem_shared>>) target(%dma_start3A_181 : memref<632x128xf32, #tpu.memory_space<hbm>>) target_semaphore(%run_scoped3A : memref<!tpu.dma_semaphore, #tpu.memory_space<semaphore_mem>>)
      %dma_wait3A_184 = arith.constant 0 : i32
      %dma_wait3A_185 = tpu.memref_slice %arg6[%arg0, %mul3A_178, %dma_wait3A_184] : memref<2x10112x128xf32, #tpu.memory_space<hbm>> -> memref<1x632x128xf32, #tpu.memory_space<hbm>>
      %dma_wait3A_186 = tpu.memref_squeeze %dma_wait3A_185 : memref<1x632x128xf32, #tpu.memory_space<hbm>> -> memref<632x128xf32, #tpu.memory_space<hbm>>
      %dma_wait3A_187 = arith.constant 0 : i32
      %dma_wait3A_188 = tpu.memref_slice %arg10[%mul3A_176, %dma_wait3A_187] : memref<10112x128xf32, #tpu.memory_space<vmem_shared>> -> memref<632x128xf32, #tpu.memory_space<vmem_shared>>
      tpu.wait_dma2 semaphore(%run_scoped3A : memref<!tpu.dma_semaphore, #tpu.memory_space<semaphore_mem>>) src(%dma_wait3A_188 : memref<632x128xf32, #tpu.memory_space<vmem_shared>>) dst(%dma_wait3A_186 : memref<632x128xf32, #tpu.memory_space<hbm>>)
      tpu.yield
    }) : () -> ()
    return
  }
}

#map = affine_map<(d0, d1) -> (0, 0)>
#map1 = affine_map<(d0, d1) -> (0, 0, 0)>
module attributes {stable_mosaic.version = 14 : i64} {
  func.func @segsum(%arg0: i32, %arg1: i32, %arg2: memref<10000x128xf32, #tpu.memory_space<hbm>>, %arg3: memref<32x114x128xi32, #tpu.memory_space<hbm>>, %arg4: memref<32x114x128xi32, #tpu.memory_space<hbm>>, %arg5: memref<10112x128xf32, #tpu.memory_space<hbm>>, %arg6: memref<2x10112x128xf32, #tpu.memory_space<hbm>>, %arg7: memref<8x128xi32, #tpu.memory_space<vmem>>, %arg8: memref<8x128xi32, #tpu.memory_space<vmem>>, %arg9: memref<3x120x128xf32, #tpu.memory_space<vmem>>, %arg10: memref<10112x128xf32, #tpu.memory_space<vmem_shared>>, %arg11: memref<!tpu.dma_semaphore, #tpu.memory_space<semaphore_mem>>, %arg12: memref<!tpu.dma_semaphore, #tpu.memory_space<semaphore_mem>>, %arg13: memref<!tpu.dma_semaphore, #tpu.memory_space<semaphore_mem>>, %arg14: memref<!tpu.dma_semaphore, #tpu.memory_space<semaphore_mem>>, %arg15: memref<!tpu.dma_semaphore, #tpu.memory_space<semaphore_mem>>, %arg16: memref<!tpu.dma_semaphore, #tpu.memory_space<semaphore_mem>>, %arg17: memref<!tpu.dma_semaphore, #tpu.memory_space<semaphore_mem>>, %arg18: memref<!tpu.dma_semaphore, #tpu.memory_space<semaphore_mem>>, %arg19: memref<!tpu.dma_semaphore, #tpu.memory_space<semaphore_mem>>, %arg20: memref<!tpu.dma_semaphore, #tpu.memory_space<semaphore_mem>>, %arg21: memref<!tpu.dma_semaphore, #tpu.memory_space<semaphore_mem>>, %arg22: memref<!tpu.dma_semaphore, #tpu.memory_space<semaphore_mem>>, %arg23: memref<!tpu.dma_semaphore, #tpu.memory_space<semaphore_mem>>) attributes {dimension_semantics = [#tpu.dimension_semantics<core_parallel>, #tpu.dimension_semantics<subcore_parallel>], iteration_bounds = array<i64: 2, 16>, scalar_prefetch = 0 : i64, scratch_operands = 17 : i64, tpu.core_type = #tpu.core_type<sc_vector_subcore>, window_params = [{transform_indices = #map}, {transform_indices = #map1}, {transform_indices = #map1}, {transform_indices = #map}, {transform_indices = #map1}]} {
    %mul3A = arith.constant 2 : i32
    %mul3A_0 = arith.muli %arg1, %mul3A : i32
    %add3A = arith.addi %mul3A_0, %arg0 : i32
    %eq3A = arith.constant 0 : i32
    %eq3A_1 = arith.cmpi eq, %arg0, %eq3A : i32
    %jit3A = arith.constant 114 : i32
    %jit3A_2 = arith.constant 54 : i32
    %select_n3A = arith.select %eq3A_1, %jit3A, %jit3A_2 : i32
    %mul3A_3 = arith.constant 632 : i32
    %mul3A_4 = arith.muli %arg1, %mul3A_3 : i32
    %mul3A_5 = arith.constant 632 : i32
    %mul3A_6 = arith.muli %arg1, %mul3A_5 : i32
    %dma_start3A = arith.constant 0 : i32
    %dma_start3A_7 = tpu.memref_slice %arg10[%mul3A_6, %dma_start3A] : memref<10112x128xf32, #tpu.memory_space<vmem_shared>> -> memref<632x128xf32, #tpu.memory_space<vmem_shared>>
    %dma_start3A_8 = arith.constant 0 : i32
    %dma_start3A_9 = tpu.memref_slice %arg5[%mul3A_4, %dma_start3A_8] : memref<10112x128xf32, #tpu.memory_space<hbm>> -> memref<632x128xf32, #tpu.memory_space<hbm>>
    tpu.enqueue_dma source(%dma_start3A_9 : memref<632x128xf32, #tpu.memory_space<hbm>>) target(%dma_start3A_7 : memref<632x128xf32, #tpu.memory_space<vmem_shared>>) target_semaphore(%arg23 : memref<!tpu.dma_semaphore, #tpu.memory_space<semaphore_mem>>)
    %dma_start3A_10 = arith.constant 0 : i32
    %dma_start3A_11 = arith.constant 0 : i32
    %dma_start3A_12 = arith.constant 0 : i32
    %dma_start3A_13 = tpu.memref_slice %arg7[%dma_start3A_11, %dma_start3A_12] : memref<8x128xi32, #tpu.memory_space<vmem>> -> memref<1x128xi32, #tpu.memory_space<vmem>>
    %dma_start3A_14 = tpu.memref_squeeze %dma_start3A_13 : memref<1x128xi32, #tpu.memory_space<vmem>> -> memref<128xi32, #tpu.memory_space<vmem>>
    %dma_start3A_15 = arith.constant 0 : i32
    %dma_start3A_16 = tpu.memref_slice %arg3[%add3A, %dma_start3A_10, %dma_start3A_15] : memref<32x114x128xi32, #tpu.memory_space<hbm>> -> memref<1x1x128xi32, #tpu.memory_space<hbm>>
    %dma_start3A_17 = tpu.memref_squeeze %dma_start3A_16 : memref<1x1x128xi32, #tpu.memory_space<hbm>> -> memref<128xi32, #tpu.memory_space<hbm>>
    %dma_start3A_18 = arith.constant 0 : i32
    %dma_start3A_19 = tpu.memref_slice %arg7[%dma_start3A_11, %dma_start3A_18] : memref<8x128xi32, #tpu.memory_space<vmem>> -> memref<1x128xi32, #tpu.memory_space<vmem>>
    %dma_start3A_20 = tpu.memref_squeeze %dma_start3A_19 : memref<1x128xi32, #tpu.memory_space<vmem>> -> memref<128xi32, #tpu.memory_space<vmem>>
    %dma_start3A_21 = arith.constant 0 : i32
    %dma_start3A_22 = tpu.memref_slice %arg3[%add3A, %dma_start3A_10, %dma_start3A_21] : memref<32x114x128xi32, #tpu.memory_space<hbm>> -> memref<1x1x128xi32, #tpu.memory_space<hbm>>
    %dma_start3A_23 = tpu.memref_squeeze %dma_start3A_22 : memref<1x1x128xi32, #tpu.memory_space<hbm>> -> memref<128xi32, #tpu.memory_space<hbm>>
    tpu.enqueue_dma source(%dma_start3A_23 : memref<128xi32, #tpu.memory_space<hbm>>) target(%dma_start3A_20 : memref<128xi32, #tpu.memory_space<vmem>>) target_semaphore(%arg20 : memref<!tpu.dma_semaphore, #tpu.memory_space<semaphore_mem>>)
    %dma_start3A_24 = arith.constant 1 : i32
    %dma_start3A_25 = arith.constant 1 : i32
    %dma_start3A_26 = arith.constant 0 : i32
    %dma_start3A_27 = tpu.memref_slice %arg7[%dma_start3A_25, %dma_start3A_26] : memref<8x128xi32, #tpu.memory_space<vmem>> -> memref<1x128xi32, #tpu.memory_space<vmem>>
    %dma_start3A_28 = tpu.memref_squeeze %dma_start3A_27 : memref<1x128xi32, #tpu.memory_space<vmem>> -> memref<128xi32, #tpu.memory_space<vmem>>
    %dma_start3A_29 = arith.constant 0 : i32
    %dma_start3A_30 = tpu.memref_slice %arg3[%add3A, %dma_start3A_24, %dma_start3A_29] : memref<32x114x128xi32, #tpu.memory_space<hbm>> -> memref<1x1x128xi32, #tpu.memory_space<hbm>>
    %dma_start3A_31 = tpu.memref_squeeze %dma_start3A_30 : memref<1x1x128xi32, #tpu.memory_space<hbm>> -> memref<128xi32, #tpu.memory_space<hbm>>
    %dma_start3A_32 = arith.constant 0 : i32
    %dma_start3A_33 = tpu.memref_slice %arg7[%dma_start3A_25, %dma_start3A_32] : memref<8x128xi32, #tpu.memory_space<vmem>> -> memref<1x128xi32, #tpu.memory_space<vmem>>
    %dma_start3A_34 = tpu.memref_squeeze %dma_start3A_33 : memref<1x128xi32, #tpu.memory_space<vmem>> -> memref<128xi32, #tpu.memory_space<vmem>>
    %dma_start3A_35 = arith.constant 0 : i32
    %dma_start3A_36 = tpu.memref_slice %arg3[%add3A, %dma_start3A_24, %dma_start3A_35] : memref<32x114x128xi32, #tpu.memory_space<hbm>> -> memref<1x1x128xi32, #tpu.memory_space<hbm>>
    %dma_start3A_37 = tpu.memref_squeeze %dma_start3A_36 : memref<1x1x128xi32, #tpu.memory_space<hbm>> -> memref<128xi32, #tpu.memory_space<hbm>>
    tpu.enqueue_dma source(%dma_start3A_37 : memref<128xi32, #tpu.memory_space<hbm>>) target(%dma_start3A_34 : memref<128xi32, #tpu.memory_space<vmem>>) target_semaphore(%arg21 : memref<!tpu.dma_semaphore, #tpu.memory_space<semaphore_mem>>)
    %dma_start3A_38 = arith.constant 2 : i32
    %dma_start3A_39 = arith.constant 2 : i32
    %dma_start3A_40 = arith.constant 0 : i32
    %dma_start3A_41 = tpu.memref_slice %arg7[%dma_start3A_39, %dma_start3A_40] : memref<8x128xi32, #tpu.memory_space<vmem>> -> memref<1x128xi32, #tpu.memory_space<vmem>>
    %dma_start3A_42 = tpu.memref_squeeze %dma_start3A_41 : memref<1x128xi32, #tpu.memory_space<vmem>> -> memref<128xi32, #tpu.memory_space<vmem>>
    %dma_start3A_43 = arith.constant 0 : i32
    %dma_start3A_44 = tpu.memref_slice %arg3[%add3A, %dma_start3A_38, %dma_start3A_43] : memref<32x114x128xi32, #tpu.memory_space<hbm>> -> memref<1x1x128xi32, #tpu.memory_space<hbm>>
    %dma_start3A_45 = tpu.memref_squeeze %dma_start3A_44 : memref<1x1x128xi32, #tpu.memory_space<hbm>> -> memref<128xi32, #tpu.memory_space<hbm>>
    %dma_start3A_46 = arith.constant 0 : i32
    %dma_start3A_47 = tpu.memref_slice %arg7[%dma_start3A_39, %dma_start3A_46] : memref<8x128xi32, #tpu.memory_space<vmem>> -> memref<1x128xi32, #tpu.memory_space<vmem>>
    %dma_start3A_48 = tpu.memref_squeeze %dma_start3A_47 : memref<1x128xi32, #tpu.memory_space<vmem>> -> memref<128xi32, #tpu.memory_space<vmem>>
    %dma_start3A_49 = arith.constant 0 : i32
    %dma_start3A_50 = tpu.memref_slice %arg3[%add3A, %dma_start3A_38, %dma_start3A_49] : memref<32x114x128xi32, #tpu.memory_space<hbm>> -> memref<1x1x128xi32, #tpu.memory_space<hbm>>
    %dma_start3A_51 = tpu.memref_squeeze %dma_start3A_50 : memref<1x1x128xi32, #tpu.memory_space<hbm>> -> memref<128xi32, #tpu.memory_space<hbm>>
    tpu.enqueue_dma source(%dma_start3A_51 : memref<128xi32, #tpu.memory_space<hbm>>) target(%dma_start3A_48 : memref<128xi32, #tpu.memory_space<vmem>>) target_semaphore(%arg22 : memref<!tpu.dma_semaphore, #tpu.memory_space<semaphore_mem>>)
    %dma_start3A_52 = arith.constant 0 : i32
    %dma_start3A_53 = arith.constant 0 : i32
    %dma_start3A_54 = arith.constant 0 : i32
    %dma_start3A_55 = tpu.memref_slice %arg8[%dma_start3A_53, %dma_start3A_54] : memref<8x128xi32, #tpu.memory_space<vmem>> -> memref<1x128xi32, #tpu.memory_space<vmem>>
    %dma_start3A_56 = tpu.memref_squeeze %dma_start3A_55 : memref<1x128xi32, #tpu.memory_space<vmem>> -> memref<128xi32, #tpu.memory_space<vmem>>
    %dma_start3A_57 = arith.constant 0 : i32
    %dma_start3A_58 = tpu.memref_slice %arg4[%add3A, %dma_start3A_52, %dma_start3A_57] : memref<32x114x128xi32, #tpu.memory_space<hbm>> -> memref<1x1x128xi32, #tpu.memory_space<hbm>>
    %dma_start3A_59 = tpu.memref_squeeze %dma_start3A_58 : memref<1x1x128xi32, #tpu.memory_space<hbm>> -> memref<128xi32, #tpu.memory_space<hbm>>
    %dma_start3A_60 = arith.constant 0 : i32
    %dma_start3A_61 = tpu.memref_slice %arg8[%dma_start3A_53, %dma_start3A_60] : memref<8x128xi32, #tpu.memory_space<vmem>> -> memref<1x128xi32, #tpu.memory_space<vmem>>
    %dma_start3A_62 = tpu.memref_squeeze %dma_start3A_61 : memref<1x128xi32, #tpu.memory_space<vmem>> -> memref<128xi32, #tpu.memory_space<vmem>>
    %dma_start3A_63 = arith.constant 0 : i32
    %dma_start3A_64 = tpu.memref_slice %arg4[%add3A, %dma_start3A_52, %dma_start3A_63] : memref<32x114x128xi32, #tpu.memory_space<hbm>> -> memref<1x1x128xi32, #tpu.memory_space<hbm>>
    %dma_start3A_65 = tpu.memref_squeeze %dma_start3A_64 : memref<1x1x128xi32, #tpu.memory_space<hbm>> -> memref<128xi32, #tpu.memory_space<hbm>>
    tpu.enqueue_dma source(%dma_start3A_65 : memref<128xi32, #tpu.memory_space<hbm>>) target(%dma_start3A_62 : memref<128xi32, #tpu.memory_space<vmem>>) target_semaphore(%arg17 : memref<!tpu.dma_semaphore, #tpu.memory_space<semaphore_mem>>)
    %dma_start3A_66 = arith.constant 1 : i32
    %dma_start3A_67 = arith.constant 1 : i32
    %dma_start3A_68 = arith.constant 0 : i32
    %dma_start3A_69 = tpu.memref_slice %arg8[%dma_start3A_67, %dma_start3A_68] : memref<8x128xi32, #tpu.memory_space<vmem>> -> memref<1x128xi32, #tpu.memory_space<vmem>>
    %dma_start3A_70 = tpu.memref_squeeze %dma_start3A_69 : memref<1x128xi32, #tpu.memory_space<vmem>> -> memref<128xi32, #tpu.memory_space<vmem>>
    %dma_start3A_71 = arith.constant 0 : i32
    %dma_start3A_72 = tpu.memref_slice %arg4[%add3A, %dma_start3A_66, %dma_start3A_71] : memref<32x114x128xi32, #tpu.memory_space<hbm>> -> memref<1x1x128xi32, #tpu.memory_space<hbm>>
    %dma_start3A_73 = tpu.memref_squeeze %dma_start3A_72 : memref<1x1x128xi32, #tpu.memory_space<hbm>> -> memref<128xi32, #tpu.memory_space<hbm>>
    %dma_start3A_74 = arith.constant 0 : i32
    %dma_start3A_75 = tpu.memref_slice %arg8[%dma_start3A_67, %dma_start3A_74] : memref<8x128xi32, #tpu.memory_space<vmem>> -> memref<1x128xi32, #tpu.memory_space<vmem>>
    %dma_start3A_76 = tpu.memref_squeeze %dma_start3A_75 : memref<1x128xi32, #tpu.memory_space<vmem>> -> memref<128xi32, #tpu.memory_space<vmem>>
    %dma_start3A_77 = arith.constant 0 : i32
    %dma_start3A_78 = tpu.memref_slice %arg4[%add3A, %dma_start3A_66, %dma_start3A_77] : memref<32x114x128xi32, #tpu.memory_space<hbm>> -> memref<1x1x128xi32, #tpu.memory_space<hbm>>
    %dma_start3A_79 = tpu.memref_squeeze %dma_start3A_78 : memref<1x1x128xi32, #tpu.memory_space<hbm>> -> memref<128xi32, #tpu.memory_space<hbm>>
    tpu.enqueue_dma source(%dma_start3A_79 : memref<128xi32, #tpu.memory_space<hbm>>) target(%dma_start3A_76 : memref<128xi32, #tpu.memory_space<vmem>>) target_semaphore(%arg18 : memref<!tpu.dma_semaphore, #tpu.memory_space<semaphore_mem>>)
    %dma_wait3A = arith.constant 0 : i32
    %dma_wait3A_80 = arith.constant 0 : i32
    %dma_wait3A_81 = arith.constant 0 : i32
    %dma_wait3A_82 = tpu.memref_slice %arg7[%dma_wait3A_80, %dma_wait3A_81] : memref<8x128xi32, #tpu.memory_space<vmem>> -> memref<1x128xi32, #tpu.memory_space<vmem>>
    %dma_wait3A_83 = tpu.memref_squeeze %dma_wait3A_82 : memref<1x128xi32, #tpu.memory_space<vmem>> -> memref<128xi32, #tpu.memory_space<vmem>>
    %dma_wait3A_84 = arith.constant 0 : i32
    %dma_wait3A_85 = tpu.memref_slice %arg3[%add3A, %dma_wait3A, %dma_wait3A_84] : memref<32x114x128xi32, #tpu.memory_space<hbm>> -> memref<1x1x128xi32, #tpu.memory_space<hbm>>
    %dma_wait3A_86 = tpu.memref_squeeze %dma_wait3A_85 : memref<1x1x128xi32, #tpu.memory_space<hbm>> -> memref<128xi32, #tpu.memory_space<hbm>>
    %dma_wait3A_87 = arith.constant 0 : i32
    %dma_wait3A_88 = tpu.memref_slice %arg7[%dma_wait3A_80, %dma_wait3A_87] : memref<8x128xi32, #tpu.memory_space<vmem>> -> memref<1x128xi32, #tpu.memory_space<vmem>>
    %dma_wait3A_89 = tpu.memref_squeeze %dma_wait3A_88 : memref<1x128xi32, #tpu.memory_space<vmem>> -> memref<128xi32, #tpu.memory_space<vmem>>
    %dma_wait3A_90 = arith.constant 0 : i32
    %dma_wait3A_91 = tpu.memref_slice %arg3[%add3A, %dma_wait3A, %dma_wait3A_90] : memref<32x114x128xi32, #tpu.memory_space<hbm>> -> memref<1x1x128xi32, #tpu.memory_space<hbm>>
    %dma_wait3A_92 = tpu.memref_squeeze %dma_wait3A_91 : memref<1x1x128xi32, #tpu.memory_space<hbm>> -> memref<128xi32, #tpu.memory_space<hbm>>
    tpu.wait_dma2 semaphore(%arg20 : memref<!tpu.dma_semaphore, #tpu.memory_space<semaphore_mem>>) src(%dma_wait3A_92 : memref<128xi32, #tpu.memory_space<hbm>>) dst(%dma_wait3A_89 : memref<128xi32, #tpu.memory_space<vmem>>)
    %dma_start3A_93 = arith.constant 0 : i32
    %dma_start3A_94 = arith.constant 0 : i32
    %dma_start3A_95 = arith.constant 0 : i32
    %dma_start3A_96 = arith.constant 0 : i32
    %dma_start3A_97 = tpu.memref_slice %arg9[%dma_start3A_94, %dma_start3A_95, %dma_start3A_96] : memref<3x120x128xf32, #tpu.memory_space<vmem>> -> memref<1x120x128xf32, #tpu.memory_space<vmem>>
    %dma_start3A_98 = tpu.memref_squeeze %dma_start3A_97 : memref<1x120x128xf32, #tpu.memory_space<vmem>> -> memref<120x128xf32, #tpu.memory_space<vmem>>
    %dma_start3A_99 = arith.constant 0 : i32
    %dma_start3A_100 = tpu.memref_slice %arg7[%dma_start3A_93, %dma_start3A_99] : memref<8x128xi32, #tpu.memory_space<vmem>> -> memref<1x120xi32, #tpu.memory_space<vmem>>
    %dma_start3A_101 = tpu.memref_squeeze %dma_start3A_100 : memref<1x120xi32, #tpu.memory_space<vmem>> -> memref<120xi32, #tpu.memory_space<vmem>>
    %dma_start3A_102 = arith.constant 0 : i32
    %dma_start3A_103 = arith.constant 0 : i32
    %dma_start3A_104 = tpu.memref_slice %arg2[%dma_start3A_102, %dma_start3A_103] : memref<10000x128xf32, #tpu.memory_space<hbm>> -> memref<10000x128xf32, #tpu.memory_space<hbm>>
    tpu.enqueue_indirect_dma source(%dma_start3A_104 : memref<10000x128xf32, #tpu.memory_space<hbm>>) target(%dma_start3A_98 : memref<120x128xf32, #tpu.memory_space<vmem>>) offsets(%dma_start3A_101 : memref<120xi32, #tpu.memory_space<vmem>>) semaphore(%arg11 : memref<!tpu.dma_semaphore, #tpu.memory_space<semaphore_mem>>)
    %dma_wait3A_105 = arith.constant 1 : i32
    %dma_wait3A_106 = arith.constant 1 : i32
    %dma_wait3A_107 = arith.constant 0 : i32
    %dma_wait3A_108 = tpu.memref_slice %arg7[%dma_wait3A_106, %dma_wait3A_107] : memref<8x128xi32, #tpu.memory_space<vmem>> -> memref<1x128xi32, #tpu.memory_space<vmem>>
    %dma_wait3A_109 = tpu.memref_squeeze %dma_wait3A_108 : memref<1x128xi32, #tpu.memory_space<vmem>> -> memref<128xi32, #tpu.memory_space<vmem>>
    %dma_wait3A_110 = arith.constant 0 : i32
    %dma_wait3A_111 = tpu.memref_slice %arg3[%add3A, %dma_wait3A_105, %dma_wait3A_110] : memref<32x114x128xi32, #tpu.memory_space<hbm>> -> memref<1x1x128xi32, #tpu.memory_space<hbm>>
    %dma_wait3A_112 = tpu.memref_squeeze %dma_wait3A_111 : memref<1x1x128xi32, #tpu.memory_space<hbm>> -> memref<128xi32, #tpu.memory_space<hbm>>
    %dma_wait3A_113 = arith.constant 0 : i32
    %dma_wait3A_114 = tpu.memref_slice %arg7[%dma_wait3A_106, %dma_wait3A_113] : memref<8x128xi32, #tpu.memory_space<vmem>> -> memref<1x128xi32, #tpu.memory_space<vmem>>
    %dma_wait3A_115 = tpu.memref_squeeze %dma_wait3A_114 : memref<1x128xi32, #tpu.memory_space<vmem>> -> memref<128xi32, #tpu.memory_space<vmem>>
    %dma_wait3A_116 = arith.constant 0 : i32
    %dma_wait3A_117 = tpu.memref_slice %arg3[%add3A, %dma_wait3A_105, %dma_wait3A_116] : memref<32x114x128xi32, #tpu.memory_space<hbm>> -> memref<1x1x128xi32, #tpu.memory_space<hbm>>
    %dma_wait3A_118 = tpu.memref_squeeze %dma_wait3A_117 : memref<1x1x128xi32, #tpu.memory_space<hbm>> -> memref<128xi32, #tpu.memory_space<hbm>>
    tpu.wait_dma2 semaphore(%arg21 : memref<!tpu.dma_semaphore, #tpu.memory_space<semaphore_mem>>) src(%dma_wait3A_118 : memref<128xi32, #tpu.memory_space<hbm>>) dst(%dma_wait3A_115 : memref<128xi32, #tpu.memory_space<vmem>>)
    %dma_start3A_119 = arith.constant 1 : i32
    %dma_start3A_120 = arith.constant 1 : i32
    %dma_start3A_121 = arith.constant 0 : i32
    %dma_start3A_122 = arith.constant 0 : i32
    %dma_start3A_123 = tpu.memref_slice %arg9[%dma_start3A_120, %dma_start3A_121, %dma_start3A_122] : memref<3x120x128xf32, #tpu.memory_space<vmem>> -> memref<1x120x128xf32, #tpu.memory_space<vmem>>
    %dma_start3A_124 = tpu.memref_squeeze %dma_start3A_123 : memref<1x120x128xf32, #tpu.memory_space<vmem>> -> memref<120x128xf32, #tpu.memory_space<vmem>>
    %dma_start3A_125 = arith.constant 0 : i32
    %dma_start3A_126 = tpu.memref_slice %arg7[%dma_start3A_119, %dma_start3A_125] : memref<8x128xi32, #tpu.memory_space<vmem>> -> memref<1x120xi32, #tpu.memory_space<vmem>>
    %dma_start3A_127 = tpu.memref_squeeze %dma_start3A_126 : memref<1x120xi32, #tpu.memory_space<vmem>> -> memref<120xi32, #tpu.memory_space<vmem>>
    %dma_start3A_128 = arith.constant 0 : i32
    %dma_start3A_129 = arith.constant 0 : i32
    %dma_start3A_130 = tpu.memref_slice %arg2[%dma_start3A_128, %dma_start3A_129] : memref<10000x128xf32, #tpu.memory_space<hbm>> -> memref<10000x128xf32, #tpu.memory_space<hbm>>
    tpu.enqueue_indirect_dma source(%dma_start3A_130 : memref<10000x128xf32, #tpu.memory_space<hbm>>) target(%dma_start3A_124 : memref<120x128xf32, #tpu.memory_space<vmem>>) offsets(%dma_start3A_127 : memref<120xi32, #tpu.memory_space<vmem>>) semaphore(%arg12 : memref<!tpu.dma_semaphore, #tpu.memory_space<semaphore_mem>>)
    %dma_wait3A_131 = arith.constant 0 : i32
    %dma_wait3A_132 = tpu.memref_slice %arg10[%mul3A_6, %dma_wait3A_131] : memref<10112x128xf32, #tpu.memory_space<vmem_shared>> -> memref<632x128xf32, #tpu.memory_space<vmem_shared>>
    %dma_wait3A_133 = arith.constant 0 : i32
    %dma_wait3A_134 = tpu.memref_slice %arg5[%mul3A_4, %dma_wait3A_133] : memref<10112x128xf32, #tpu.memory_space<hbm>> -> memref<632x128xf32, #tpu.memory_space<hbm>>
    tpu.wait_dma2 semaphore(%arg23 : memref<!tpu.dma_semaphore, #tpu.memory_space<semaphore_mem>>) src(%dma_wait3A_134 : memref<632x128xf32, #tpu.memory_space<hbm>>) dst(%dma_wait3A_132 : memref<632x128xf32, #tpu.memory_space<vmem_shared>>)
    %barrier3A = arith.constant 0 : index
    tpu.barrier barrier_id(%barrier3A)
    %jit3A_135 = arith.constant 3 : i32
    %div3A = arith.divsi %select_n3A, %jit3A_135 : i32
    %sign3A = arith.constant 0 : i32
    %sign3A_136 = arith.cmpi sgt, %select_n3A, %sign3A : i32
    %sign3A_137 = arith.extui %sign3A_136 : i1 to i32
    %sign3A_138 = arith.constant 0 : i32
    %sign3A_139 = arith.cmpi slt, %select_n3A, %sign3A_138 : i32
    %sign3A_140 = arith.extui %sign3A_139 : i1 to i32
    %sign3A_141 = arith.subi %sign3A_137, %sign3A_140 : i32
    %sign3A_142 = arith.constant 0 : i32
    %sign3A_143 = arith.cmpi sgt, %jit3A_135, %sign3A_142 : i32
    %sign3A_144 = arith.extui %sign3A_143 : i1 to i32
    %sign3A_145 = arith.constant 0 : i32
    %sign3A_146 = arith.cmpi slt, %jit3A_135, %sign3A_145 : i32
    %sign3A_147 = arith.extui %sign3A_146 : i1 to i32
    %sign3A_148 = arith.subi %sign3A_144, %sign3A_147 : i32
    %ne3A = arith.cmpi ne, %sign3A_141, %sign3A_148 : i32
    %rem3A = arith.remsi %select_n3A, %jit3A_135 : i32
    %ne3A_149 = arith.constant 0 : i32
    %ne3A_150 = arith.cmpi ne, %rem3A, %ne3A_149 : i32
    %and3A = arith.andi %ne3A, %ne3A_150 : i1
    %sub3A = arith.constant 1 : i32
    %sub3A_151 = arith.subi %div3A, %sub3A : i32
    %select_n3A_152 = arith.select %and3A, %sub3A_151, %div3A : i32
    %while3A = arith.constant 0 : i32
    %while3A_153 = arith.constant 0 : i32
    %while3A_154 = arith.subi %select_n3A_152, %while3A_153 : i32
    %while3A_155 = arith.addi %while3A_153, %while3A_154 : i32
    %while3A_156 = arith.constant 1 : i32
    %while3A_157 = arith.divsi %while3A_154, %while3A_156 : i32
    %while3A_158 = arith.muli %while3A_157, %while3A_156 : i32
    %while3A_159 = arith.addi %while3A_153, %while3A_158 : i32
    %while3A_160 = arith.constant 1 : i32
    scf.for %while3A_179 = %while3A_153 to %while3A_159 step %while3A_160  : i32 {
      %mul3A_180 = arith.constant 3 : i32
      %mul3A_181 = arith.muli %while3A_179, %mul3A_180 : i32
      %add3A_182 = arith.constant 0 : i32
      %add3A_183 = arith.addi %mul3A_181, %add3A_182 : i32
      %ge3A = arith.constant 1 : i32
      %ge3A_184 = arith.cmpi sge, %add3A_183, %ge3A : i32
      %convert_element_type3A = arith.extui %ge3A_184 : i1 to i32
      %cond3A = arith.constant 0 : i32
      %cond3A_185 = arith.cmpi ne, %convert_element_type3A, %cond3A : i32
      scf.if %cond3A_185 {
        %dma_wait3A_346 = arith.constant 2 : i32
        %dma_wait3A_347 = arith.constant 2 : i32
        %dma_wait3A_348 = arith.constant 0 : i32
        %dma_wait3A_349 = arith.constant 0 : i32
        %dma_wait3A_350 = tpu.memref_slice %arg9[%dma_wait3A_346, %dma_wait3A_348, %dma_wait3A_349] : memref<3x120x128xf32, #tpu.memory_space<vmem>> -> memref<1x120x128xf32, #tpu.memory_space<vmem>>
        %dma_wait3A_351 = tpu.memref_squeeze %dma_wait3A_350 : memref<1x120x128xf32, #tpu.memory_space<vmem>> -> memref<120x128xf32, #tpu.memory_space<vmem>>
        %dma_wait3A_352 = arith.constant 0 : i32
        %dma_wait3A_353 = tpu.memref_slice %arg8[%dma_wait3A_347, %dma_wait3A_352] : memref<8x128xi32, #tpu.memory_space<vmem>> -> memref<1x120xi32, #tpu.memory_space<vmem>>
        %dma_wait3A_354 = tpu.memref_squeeze %dma_wait3A_353 : memref<1x120xi32, #tpu.memory_space<vmem>> -> memref<120xi32, #tpu.memory_space<vmem>>
        %dma_wait3A_355 = arith.constant 0 : i32
        %dma_wait3A_356 = arith.constant 0 : i32
        %dma_wait3A_357 = tpu.memref_slice %arg10[%dma_wait3A_355, %dma_wait3A_356] : memref<10112x128xf32, #tpu.memory_space<vmem_shared>> -> memref<10112x128xf32, #tpu.memory_space<vmem_shared>>
        tpu.wait_indirect_dma semaphore(%arg16 : memref<!tpu.dma_semaphore, #tpu.memory_space<semaphore_mem>>) src(%dma_wait3A_351 : memref<120x128xf32, #tpu.memory_space<vmem>>) dst(%dma_wait3A_357 : memref<10112x128xf32, #tpu.memory_space<vmem_shared>>)
      } else {
      }
      %dma_wait3A_186 = arith.constant 0 : i32
      %dma_wait3A_187 = arith.constant 0 : i32
      %dma_wait3A_188 = arith.constant 0 : i32
      %dma_wait3A_189 = arith.constant 0 : i32
      %dma_wait3A_190 = tpu.memref_slice %arg9[%dma_wait3A_187, %dma_wait3A_188, %dma_wait3A_189] : memref<3x120x128xf32, #tpu.memory_space<vmem>> -> memref<1x120x128xf32, #tpu.memory_space<vmem>>
      %dma_wait3A_191 = tpu.memref_squeeze %dma_wait3A_190 : memref<1x120x128xf32, #tpu.memory_space<vmem>> -> memref<120x128xf32, #tpu.memory_space<vmem>>
      %dma_wait3A_192 = arith.constant 0 : i32
      %dma_wait3A_193 = tpu.memref_slice %arg7[%dma_wait3A_186, %dma_wait3A_192] : memref<8x128xi32, #tpu.memory_space<vmem>> -> memref<1x120xi32, #tpu.memory_space<vmem>>
      %dma_wait3A_194 = tpu.memref_squeeze %dma_wait3A_193 : memref<1x120xi32, #tpu.memory_space<vmem>> -> memref<120xi32, #tpu.memory_space<vmem>>
      %dma_wait3A_195 = arith.constant 0 : i32
      %dma_wait3A_196 = arith.constant 0 : i32
      %dma_wait3A_197 = tpu.memref_slice %arg2[%dma_wait3A_195, %dma_wait3A_196] : memref<10000x128xf32, #tpu.memory_space<hbm>> -> memref<10000x128xf32, #tpu.memory_space<hbm>>
      tpu.wait_indirect_dma semaphore(%arg11 : memref<!tpu.dma_semaphore, #tpu.memory_space<semaphore_mem>>) src(%dma_wait3A_197 : memref<10000x128xf32, #tpu.memory_space<hbm>>) dst(%dma_wait3A_191 : memref<120x128xf32, #tpu.memory_space<vmem>>)
      %dma_wait3A_198 = arith.constant 0 : i32
      %dma_wait3A_199 = arith.constant 0 : i32
      %dma_wait3A_200 = tpu.memref_slice %arg8[%dma_wait3A_198, %dma_wait3A_199] : memref<8x128xi32, #tpu.memory_space<vmem>> -> memref<1x128xi32, #tpu.memory_space<vmem>>
      %dma_wait3A_201 = tpu.memref_squeeze %dma_wait3A_200 : memref<1x128xi32, #tpu.memory_space<vmem>> -> memref<128xi32, #tpu.memory_space<vmem>>
      %dma_wait3A_202 = arith.constant 0 : i32
      %dma_wait3A_203 = tpu.memref_slice %arg4[%add3A, %add3A_183, %dma_wait3A_202] : memref<32x114x128xi32, #tpu.memory_space<hbm>> -> memref<1x1x128xi32, #tpu.memory_space<hbm>>
      %dma_wait3A_204 = tpu.memref_squeeze %dma_wait3A_203 : memref<1x1x128xi32, #tpu.memory_space<hbm>> -> memref<128xi32, #tpu.memory_space<hbm>>
      %dma_wait3A_205 = arith.constant 0 : i32
      %dma_wait3A_206 = tpu.memref_slice %arg8[%dma_wait3A_198, %dma_wait3A_205] : memref<8x128xi32, #tpu.memory_space<vmem>> -> memref<1x128xi32, #tpu.memory_space<vmem>>
      %dma_wait3A_207 = tpu.memref_squeeze %dma_wait3A_206 : memref<1x128xi32, #tpu.memory_space<vmem>> -> memref<128xi32, #tpu.memory_space<vmem>>
      %dma_wait3A_208 = arith.constant 0 : i32
      %dma_wait3A_209 = tpu.memref_slice %arg4[%add3A, %add3A_183, %dma_wait3A_208] : memref<32x114x128xi32, #tpu.memory_space<hbm>> -> memref<1x1x128xi32, #tpu.memory_space<hbm>>
      %dma_wait3A_210 = tpu.memref_squeeze %dma_wait3A_209 : memref<1x1x128xi32, #tpu.memory_space<hbm>> -> memref<128xi32, #tpu.memory_space<hbm>>
      tpu.wait_dma2 semaphore(%arg17 : memref<!tpu.dma_semaphore, #tpu.memory_space<semaphore_mem>>) src(%dma_wait3A_210 : memref<128xi32, #tpu.memory_space<hbm>>) dst(%dma_wait3A_207 : memref<128xi32, #tpu.memory_space<vmem>>)
      %dma_start3A_211 = arith.constant 0 : i32
      %dma_start3A_212 = arith.constant 0 : i32
      %dma_start3A_213 = arith.constant 0 : i32
      %dma_start3A_214 = arith.constant 0 : i32
      %dma_start3A_215 = tpu.memref_slice %arg9[%dma_start3A_211, %dma_start3A_213, %dma_start3A_214] : memref<3x120x128xf32, #tpu.memory_space<vmem>> -> memref<1x120x128xf32, #tpu.memory_space<vmem>>
      %dma_start3A_216 = tpu.memref_squeeze %dma_start3A_215 : memref<1x120x128xf32, #tpu.memory_space<vmem>> -> memref<120x128xf32, #tpu.memory_space<vmem>>
      %dma_start3A_217 = arith.constant 0 : i32
      %dma_start3A_218 = tpu.memref_slice %arg8[%dma_start3A_212, %dma_start3A_217] : memref<8x128xi32, #tpu.memory_space<vmem>> -> memref<1x120xi32, #tpu.memory_space<vmem>>
      %dma_start3A_219 = tpu.memref_squeeze %dma_start3A_218 : memref<1x120xi32, #tpu.memory_space<vmem>> -> memref<120xi32, #tpu.memory_space<vmem>>
      %dma_start3A_220 = arith.constant 0 : i32
      %dma_start3A_221 = arith.constant 0 : i32
      %dma_start3A_222 = tpu.memref_slice %arg10[%dma_start3A_220, %dma_start3A_221] : memref<10112x128xf32, #tpu.memory_space<vmem_shared>> -> memref<10112x128xf32, #tpu.memory_space<vmem_shared>>
      tpu.enqueue_indirect_dma source(%dma_start3A_216 : memref<120x128xf32, #tpu.memory_space<vmem>>) target(%dma_start3A_222 : memref<10112x128xf32, #tpu.memory_space<vmem_shared>>) offsets(%dma_start3A_219 : memref<120xi32, #tpu.memory_space<vmem>>) semaphore(%arg14 : memref<!tpu.dma_semaphore, #tpu.memory_space<semaphore_mem>>) {add = true}
      %add3A_223 = arith.constant 3 : i32
      %add3A_224 = arith.addi %add3A_183, %add3A_223 : i32
      %lt3A = arith.cmpi slt, %add3A_224, %select_n3A : i32
      %convert_element_type3A_225 = arith.extui %lt3A : i1 to i32
      %cond3A_226 = arith.constant 0 : i32
      %cond3A_227 = arith.cmpi ne, %convert_element_type3A_225, %cond3A_226 : i32
      scf.if %cond3A_227 {
        %add3A_346 = arith.constant 3 : i32
        %add3A_347 = arith.addi %add3A_183, %add3A_346 : i32
        %dma_start3A_348 = arith.constant 0 : i32
        %dma_start3A_349 = arith.constant 0 : i32
        %dma_start3A_350 = tpu.memref_slice %arg7[%dma_start3A_348, %dma_start3A_349] : memref<8x128xi32, #tpu.memory_space<vmem>> -> memref<1x128xi32, #tpu.memory_space<vmem>>
        %dma_start3A_351 = tpu.memref_squeeze %dma_start3A_350 : memref<1x128xi32, #tpu.memory_space<vmem>> -> memref<128xi32, #tpu.memory_space<vmem>>
        %dma_start3A_352 = arith.constant 0 : i32
        %dma_start3A_353 = tpu.memref_slice %arg3[%add3A, %add3A_347, %dma_start3A_352] : memref<32x114x128xi32, #tpu.memory_space<hbm>> -> memref<1x1x128xi32, #tpu.memory_space<hbm>>
        %dma_start3A_354 = tpu.memref_squeeze %dma_start3A_353 : memref<1x1x128xi32, #tpu.memory_space<hbm>> -> memref<128xi32, #tpu.memory_space<hbm>>
        %dma_start3A_355 = arith.constant 0 : i32
        %dma_start3A_356 = tpu.memref_slice %arg7[%dma_start3A_348, %dma_start3A_355] : memref<8x128xi32, #tpu.memory_space<vmem>> -> memref<1x128xi32, #tpu.memory_space<vmem>>
        %dma_start3A_357 = tpu.memref_squeeze %dma_start3A_356 : memref<1x128xi32, #tpu.memory_space<vmem>> -> memref<128xi32, #tpu.memory_space<vmem>>
        %dma_start3A_358 = arith.constant 0 : i32
        %dma_start3A_359 = tpu.memref_slice %arg3[%add3A, %add3A_347, %dma_start3A_358] : memref<32x114x128xi32, #tpu.memory_space<hbm>> -> memref<1x1x128xi32, #tpu.memory_space<hbm>>
        %dma_start3A_360 = tpu.memref_squeeze %dma_start3A_359 : memref<1x1x128xi32, #tpu.memory_space<hbm>> -> memref<128xi32, #tpu.memory_space<hbm>>
        tpu.enqueue_dma source(%dma_start3A_360 : memref<128xi32, #tpu.memory_space<hbm>>) target(%dma_start3A_357 : memref<128xi32, #tpu.memory_space<vmem>>) target_semaphore(%arg20 : memref<!tpu.dma_semaphore, #tpu.memory_space<semaphore_mem>>)
      } else {
      }
      %add3A_228 = arith.constant 2 : i32
      %add3A_229 = arith.addi %add3A_183, %add3A_228 : i32
      %lt3A_230 = arith.cmpi slt, %add3A_229, %select_n3A : i32
      %convert_element_type3A_231 = arith.extui %lt3A_230 : i1 to i32
      %cond3A_232 = arith.constant 0 : i32
      %cond3A_233 = arith.cmpi ne, %convert_element_type3A_231, %cond3A_232 : i32
      scf.if %cond3A_233 {
        %add3A_346 = arith.constant 2 : i32
        %add3A_347 = arith.addi %add3A_183, %add3A_346 : i32
        %dma_start3A_348 = arith.constant 2 : i32
        %dma_start3A_349 = arith.constant 0 : i32
        %dma_start3A_350 = tpu.memref_slice %arg8[%dma_start3A_348, %dma_start3A_349] : memref<8x128xi32, #tpu.memory_space<vmem>> -> memref<1x128xi32, #tpu.memory_space<vmem>>
        %dma_start3A_351 = tpu.memref_squeeze %dma_start3A_350 : memref<1x128xi32, #tpu.memory_space<vmem>> -> memref<128xi32, #tpu.memory_space<vmem>>
        %dma_start3A_352 = arith.constant 0 : i32
        %dma_start3A_353 = tpu.memref_slice %arg4[%add3A, %add3A_347, %dma_start3A_352] : memref<32x114x128xi32, #tpu.memory_space<hbm>> -> memref<1x1x128xi32, #tpu.memory_space<hbm>>
        %dma_start3A_354 = tpu.memref_squeeze %dma_start3A_353 : memref<1x1x128xi32, #tpu.memory_space<hbm>> -> memref<128xi32, #tpu.memory_space<hbm>>
        %dma_start3A_355 = arith.constant 0 : i32
        %dma_start3A_356 = tpu.memref_slice %arg8[%dma_start3A_348, %dma_start3A_355] : memref<8x128xi32, #tpu.memory_space<vmem>> -> memref<1x128xi32, #tpu.memory_space<vmem>>
        %dma_start3A_357 = tpu.memref_squeeze %dma_start3A_356 : memref<1x128xi32, #tpu.memory_space<vmem>> -> memref<128xi32, #tpu.memory_space<vmem>>
        %dma_start3A_358 = arith.constant 0 : i32
        %dma_start3A_359 = tpu.memref_slice %arg4[%add3A, %add3A_347, %dma_start3A_358] : memref<32x114x128xi32, #tpu.memory_space<hbm>> -> memref<1x1x128xi32, #tpu.memory_space<hbm>>
        %dma_start3A_360 = tpu.memref_squeeze %dma_start3A_359 : memref<1x1x128xi32, #tpu.memory_space<hbm>> -> memref<128xi32, #tpu.memory_space<hbm>>
        tpu.enqueue_dma source(%dma_start3A_360 : memref<128xi32, #tpu.memory_space<hbm>>) target(%dma_start3A_357 : memref<128xi32, #tpu.memory_space<vmem>>) target_semaphore(%arg19 : memref<!tpu.dma_semaphore, #tpu.memory_space<semaphore_mem>>)
        %add3A_361 = arith.constant 2 : i32
        %add3A_362 = arith.addi %add3A_183, %add3A_361 : i32
        %dma_wait3A_363 = arith.constant 2 : i32
        %dma_wait3A_364 = arith.constant 0 : i32
        %dma_wait3A_365 = tpu.memref_slice %arg7[%dma_wait3A_363, %dma_wait3A_364] : memref<8x128xi32, #tpu.memory_space<vmem>> -> memref<1x128xi32, #tpu.memory_space<vmem>>
        %dma_wait3A_366 = tpu.memref_squeeze %dma_wait3A_365 : memref<1x128xi32, #tpu.memory_space<vmem>> -> memref<128xi32, #tpu.memory_space<vmem>>
        %dma_wait3A_367 = arith.constant 0 : i32
        %dma_wait3A_368 = tpu.memref_slice %arg3[%add3A, %add3A_362, %dma_wait3A_367] : memref<32x114x128xi32, #tpu.memory_space<hbm>> -> memref<1x1x128xi32, #tpu.memory_space<hbm>>
        %dma_wait3A_369 = tpu.memref_squeeze %dma_wait3A_368 : memref<1x1x128xi32, #tpu.memory_space<hbm>> -> memref<128xi32, #tpu.memory_space<hbm>>
        %dma_wait3A_370 = arith.constant 0 : i32
        %dma_wait3A_371 = tpu.memref_slice %arg7[%dma_wait3A_363, %dma_wait3A_370] : memref<8x128xi32, #tpu.memory_space<vmem>> -> memref<1x128xi32, #tpu.memory_space<vmem>>
        %dma_wait3A_372 = tpu.memref_squeeze %dma_wait3A_371 : memref<1x128xi32, #tpu.memory_space<vmem>> -> memref<128xi32, #tpu.memory_space<vmem>>
        %dma_wait3A_373 = arith.constant 0 : i32
        %dma_wait3A_374 = tpu.memref_slice %arg3[%add3A, %add3A_362, %dma_wait3A_373] : memref<32x114x128xi32, #tpu.memory_space<hbm>> -> memref<1x1x128xi32, #tpu.memory_space<hbm>>
        %dma_wait3A_375 = tpu.memref_squeeze %dma_wait3A_374 : memref<1x1x128xi32, #tpu.memory_space<hbm>> -> memref<128xi32, #tpu.memory_space<hbm>>
        tpu.wait_dma2 semaphore(%arg22 : memref<!tpu.dma_semaphore, #tpu.memory_space<semaphore_mem>>) src(%dma_wait3A_375 : memref<128xi32, #tpu.memory_space<hbm>>) dst(%dma_wait3A_372 : memref<128xi32, #tpu.memory_space<vmem>>)
        %add3A_376 = arith.constant 2 : i32
        %add3A_377 = arith.addi %add3A_183, %add3A_376 : i32
        %dma_start3A_378 = arith.constant 2 : i32
        %dma_start3A_379 = arith.constant 2 : i32
        %dma_start3A_380 = arith.constant 0 : i32
        %dma_start3A_381 = arith.constant 0 : i32
        %dma_start3A_382 = tpu.memref_slice %arg9[%dma_start3A_379, %dma_start3A_380, %dma_start3A_381] : memref<3x120x128xf32, #tpu.memory_space<vmem>> -> memref<1x120x128xf32, #tpu.memory_space<vmem>>
        %dma_start3A_383 = tpu.memref_squeeze %dma_start3A_382 : memref<1x120x128xf32, #tpu.memory_space<vmem>> -> memref<120x128xf32, #tpu.memory_space<vmem>>
        %dma_start3A_384 = arith.constant 0 : i32
        %dma_start3A_385 = tpu.memref_slice %arg7[%dma_start3A_378, %dma_start3A_384] : memref<8x128xi32, #tpu.memory_space<vmem>> -> memref<1x120xi32, #tpu.memory_space<vmem>>
        %dma_start3A_386 = tpu.memref_squeeze %dma_start3A_385 : memref<1x120xi32, #tpu.memory_space<vmem>> -> memref<120xi32, #tpu.memory_space<vmem>>
        %dma_start3A_387 = arith.constant 0 : i32
        %dma_start3A_388 = arith.constant 0 : i32
        %dma_start3A_389 = tpu.memref_slice %arg2[%dma_start3A_387, %dma_start3A_388] : memref<10000x128xf32, #tpu.memory_space<hbm>> -> memref<10000x128xf32, #tpu.memory_space<hbm>>
        tpu.enqueue_indirect_dma source(%dma_start3A_389 : memref<10000x128xf32, #tpu.memory_space<hbm>>) target(%dma_start3A_383 : memref<120x128xf32, #tpu.memory_space<vmem>>) offsets(%dma_start3A_386 : memref<120xi32, #tpu.memory_space<vmem>>) semaphore(%arg13 : memref<!tpu.dma_semaphore, #tpu.memory_space<semaphore_mem>>)
      } else {
      }
      %add3A_234 = arith.constant 1 : i32
      %add3A_235 = arith.addi %mul3A_181, %add3A_234 : i32
      %ge3A_236 = arith.constant 1 : i32
      %ge3A_237 = arith.cmpi sge, %add3A_235, %ge3A_236 : i32
      %convert_element_type3A_238 = arith.extui %ge3A_237 : i1 to i32
      %cond3A_239 = arith.constant 0 : i32
      %cond3A_240 = arith.cmpi ne, %convert_element_type3A_238, %cond3A_239 : i32
      scf.if %cond3A_240 {
        %dma_wait3A_346 = arith.constant 0 : i32
        %dma_wait3A_347 = arith.constant 0 : i32
        %dma_wait3A_348 = arith.constant 0 : i32
        %dma_wait3A_349 = arith.constant 0 : i32
        %dma_wait3A_350 = tpu.memref_slice %arg9[%dma_wait3A_346, %dma_wait3A_348, %dma_wait3A_349] : memref<3x120x128xf32, #tpu.memory_space<vmem>> -> memref<1x120x128xf32, #tpu.memory_space<vmem>>
        %dma_wait3A_351 = tpu.memref_squeeze %dma_wait3A_350 : memref<1x120x128xf32, #tpu.memory_space<vmem>> -> memref<120x128xf32, #tpu.memory_space<vmem>>
        %dma_wait3A_352 = arith.constant 0 : i32
        %dma_wait3A_353 = tpu.memref_slice %arg8[%dma_wait3A_347, %dma_wait3A_352] : memref<8x128xi32, #tpu.memory_space<vmem>> -> memref<1x120xi32, #tpu.memory_space<vmem>>
        %dma_wait3A_354 = tpu.memref_squeeze %dma_wait3A_353 : memref<1x120xi32, #tpu.memory_space<vmem>> -> memref<120xi32, #tpu.memory_space<vmem>>
        %dma_wait3A_355 = arith.constant 0 : i32
        %dma_wait3A_356 = arith.constant 0 : i32
        %dma_wait3A_357 = tpu.memref_slice %arg10[%dma_wait3A_355, %dma_wait3A_356] : memref<10112x128xf32, #tpu.memory_space<vmem_shared>> -> memref<10112x128xf32, #tpu.memory_space<vmem_shared>>
        tpu.wait_indirect_dma semaphore(%arg14 : memref<!tpu.dma_semaphore, #tpu.memory_space<semaphore_mem>>) src(%dma_wait3A_351 : memref<120x128xf32, #tpu.memory_space<vmem>>) dst(%dma_wait3A_357 : memref<10112x128xf32, #tpu.memory_space<vmem_shared>>)
      } else {
      }
      %dma_wait3A_241 = arith.constant 1 : i32
      %dma_wait3A_242 = arith.constant 1 : i32
      %dma_wait3A_243 = arith.constant 0 : i32
      %dma_wait3A_244 = arith.constant 0 : i32
      %dma_wait3A_245 = tpu.memref_slice %arg9[%dma_wait3A_242, %dma_wait3A_243, %dma_wait3A_244] : memref<3x120x128xf32, #tpu.memory_space<vmem>> -> memref<1x120x128xf32, #tpu.memory_space<vmem>>
      %dma_wait3A_246 = tpu.memref_squeeze %dma_wait3A_245 : memref<1x120x128xf32, #tpu.memory_space<vmem>> -> memref<120x128xf32, #tpu.memory_space<vmem>>
      %dma_wait3A_247 = arith.constant 0 : i32
      %dma_wait3A_248 = tpu.memref_slice %arg7[%dma_wait3A_241, %dma_wait3A_247] : memref<8x128xi32, #tpu.memory_space<vmem>> -> memref<1x120xi32, #tpu.memory_space<vmem>>
      %dma_wait3A_249 = tpu.memref_squeeze %dma_wait3A_248 : memref<1x120xi32, #tpu.memory_space<vmem>> -> memref<120xi32, #tpu.memory_space<vmem>>
      %dma_wait3A_250 = arith.constant 0 : i32
      %dma_wait3A_251 = arith.constant 0 : i32
      %dma_wait3A_252 = tpu.memref_slice %arg2[%dma_wait3A_250, %dma_wait3A_251] : memref<10000x128xf32, #tpu.memory_space<hbm>> -> memref<10000x128xf32, #tpu.memory_space<hbm>>
      tpu.wait_indirect_dma semaphore(%arg12 : memref<!tpu.dma_semaphore, #tpu.memory_space<semaphore_mem>>) src(%dma_wait3A_252 : memref<10000x128xf32, #tpu.memory_space<hbm>>) dst(%dma_wait3A_246 : memref<120x128xf32, #tpu.memory_space<vmem>>)
      %dma_wait3A_253 = arith.constant 1 : i32
      %dma_wait3A_254 = arith.constant 0 : i32
      %dma_wait3A_255 = tpu.memref_slice %arg8[%dma_wait3A_253, %dma_wait3A_254] : memref<8x128xi32, #tpu.memory_space<vmem>> -> memref<1x128xi32, #tpu.memory_space<vmem>>
      %dma_wait3A_256 = tpu.memref_squeeze %dma_wait3A_255 : memref<1x128xi32, #tpu.memory_space<vmem>> -> memref<128xi32, #tpu.memory_space<vmem>>
      %dma_wait3A_257 = arith.constant 0 : i32
      %dma_wait3A_258 = tpu.memref_slice %arg4[%add3A, %add3A_235, %dma_wait3A_257] : memref<32x114x128xi32, #tpu.memory_space<hbm>> -> memref<1x1x128xi32, #tpu.memory_space<hbm>>
      %dma_wait3A_259 = tpu.memref_squeeze %dma_wait3A_258 : memref<1x1x128xi32, #tpu.memory_space<hbm>> -> memref<128xi32, #tpu.memory_space<hbm>>
      %dma_wait3A_260 = arith.constant 0 : i32
      %dma_wait3A_261 = tpu.memref_slice %arg8[%dma_wait3A_253, %dma_wait3A_260] : memref<8x128xi32, #tpu.memory_space<vmem>> -> memref<1x128xi32, #tpu.memory_space<vmem>>
      %dma_wait3A_262 = tpu.memref_squeeze %dma_wait3A_261 : memref<1x128xi32, #tpu.memory_space<vmem>> -> memref<128xi32, #tpu.memory_space<vmem>>
      %dma_wait3A_263 = arith.constant 0 : i32
      %dma_wait3A_264 = tpu.memref_slice %arg4[%add3A, %add3A_235, %dma_wait3A_263] : memref<32x114x128xi32, #tpu.memory_space<hbm>> -> memref<1x1x128xi32, #tpu.memory_space<hbm>>
      %dma_wait3A_265 = tpu.memref_squeeze %dma_wait3A_264 : memref<1x1x128xi32, #tpu.memory_space<hbm>> -> memref<128xi32, #tpu.memory_space<hbm>>
      tpu.wait_dma2 semaphore(%arg18 : memref<!tpu.dma_semaphore, #tpu.memory_space<semaphore_mem>>) src(%dma_wait3A_265 : memref<128xi32, #tpu.memory_space<hbm>>) dst(%dma_wait3A_262 : memref<128xi32, #tpu.memory_space<vmem>>)
      %dma_start3A_266 = arith.constant 1 : i32
      %dma_start3A_267 = arith.constant 1 : i32
      %dma_start3A_268 = arith.constant 0 : i32
      %dma_start3A_269 = arith.constant 0 : i32
      %dma_start3A_270 = tpu.memref_slice %arg9[%dma_start3A_266, %dma_start3A_268, %dma_start3A_269] : memref<3x120x128xf32, #tpu.memory_space<vmem>> -> memref<1x120x128xf32, #tpu.memory_space<vmem>>
      %dma_start3A_271 = tpu.memref_squeeze %dma_start3A_270 : memref<1x120x128xf32, #tpu.memory_space<vmem>> -> memref<120x128xf32, #tpu.memory_space<vmem>>
      %dma_start3A_272 = arith.constant 0 : i32
      %dma_start3A_273 = tpu.memref_slice %arg8[%dma_start3A_267, %dma_start3A_272] : memref<8x128xi32, #tpu.memory_space<vmem>> -> memref<1x120xi32, #tpu.memory_space<vmem>>
      %dma_start3A_274 = tpu.memref_squeeze %dma_start3A_273 : memref<1x120xi32, #tpu.memory_space<vmem>> -> memref<120xi32, #tpu.memory_space<vmem>>
      %dma_start3A_275 = arith.constant 0 : i32
      %dma_start3A_276 = arith.constant 0 : i32
      %dma_start3A_277 = tpu.memref_slice %arg10[%dma_start3A_275, %dma_start3A_276] : memref<10112x128xf32, #tpu.memory_space<vmem_shared>> -> memref<10112x128xf32, #tpu.memory_space<vmem_shared>>
      tpu.enqueue_indirect_dma source(%dma_start3A_271 : memref<120x128xf32, #tpu.memory_space<vmem>>) target(%dma_start3A_277 : memref<10112x128xf32, #tpu.memory_space<vmem_shared>>) offsets(%dma_start3A_274 : memref<120xi32, #tpu.memory_space<vmem>>) semaphore(%arg15 : memref<!tpu.dma_semaphore, #tpu.memory_space<semaphore_mem>>) {add = true}
      %add3A_278 = arith.constant 3 : i32
      %add3A_279 = arith.addi %add3A_235, %add3A_278 : i32
      %lt3A_280 = arith.cmpi slt, %add3A_279, %select_n3A : i32
      %convert_element_type3A_281 = arith.extui %lt3A_280 : i1 to i32
      %cond3A_282 = arith.constant 0 : i32
      %cond3A_283 = arith.cmpi ne, %convert_element_type3A_281, %cond3A_282 : i32
      scf.if %cond3A_283 {
        %add3A_346 = arith.constant 3 : i32
        %add3A_347 = arith.addi %add3A_235, %add3A_346 : i32
        %dma_start3A_348 = arith.constant 1 : i32
        %dma_start3A_349 = arith.constant 0 : i32
        %dma_start3A_350 = tpu.memref_slice %arg7[%dma_start3A_348, %dma_start3A_349] : memref<8x128xi32, #tpu.memory_space<vmem>> -> memref<1x128xi32, #tpu.memory_space<vmem>>
        %dma_start3A_351 = tpu.memref_squeeze %dma_start3A_350 : memref<1x128xi32, #tpu.memory_space<vmem>> -> memref<128xi32, #tpu.memory_space<vmem>>
        %dma_start3A_352 = arith.constant 0 : i32
        %dma_start3A_353 = tpu.memref_slice %arg3[%add3A, %add3A_347, %dma_start3A_352] : memref<32x114x128xi32, #tpu.memory_space<hbm>> -> memref<1x1x128xi32, #tpu.memory_space<hbm>>
        %dma_start3A_354 = tpu.memref_squeeze %dma_start3A_353 : memref<1x1x128xi32, #tpu.memory_space<hbm>> -> memref<128xi32, #tpu.memory_space<hbm>>
        %dma_start3A_355 = arith.constant 0 : i32
        %dma_start3A_356 = tpu.memref_slice %arg7[%dma_start3A_348, %dma_start3A_355] : memref<8x128xi32, #tpu.memory_space<vmem>> -> memref<1x128xi32, #tpu.memory_space<vmem>>
        %dma_start3A_357 = tpu.memref_squeeze %dma_start3A_356 : memref<1x128xi32, #tpu.memory_space<vmem>> -> memref<128xi32, #tpu.memory_space<vmem>>
        %dma_start3A_358 = arith.constant 0 : i32
        %dma_start3A_359 = tpu.memref_slice %arg3[%add3A, %add3A_347, %dma_start3A_358] : memref<32x114x128xi32, #tpu.memory_space<hbm>> -> memref<1x1x128xi32, #tpu.memory_space<hbm>>
        %dma_start3A_360 = tpu.memref_squeeze %dma_start3A_359 : memref<1x1x128xi32, #tpu.memory_space<hbm>> -> memref<128xi32, #tpu.memory_space<hbm>>
        tpu.enqueue_dma source(%dma_start3A_360 : memref<128xi32, #tpu.memory_space<hbm>>) target(%dma_start3A_357 : memref<128xi32, #tpu.memory_space<vmem>>) target_semaphore(%arg21 : memref<!tpu.dma_semaphore, #tpu.memory_space<semaphore_mem>>)
      } else {
      }
      %add3A_284 = arith.constant 2 : i32
      %add3A_285 = arith.addi %add3A_235, %add3A_284 : i32
      %lt3A_286 = arith.cmpi slt, %add3A_285, %select_n3A : i32
      %convert_element_type3A_287 = arith.extui %lt3A_286 : i1 to i32
      %cond3A_288 = arith.constant 0 : i32
      %cond3A_289 = arith.cmpi ne, %convert_element_type3A_287, %cond3A_288 : i32
      scf.if %cond3A_289 {
        %add3A_346 = arith.constant 2 : i32
        %add3A_347 = arith.addi %add3A_235, %add3A_346 : i32
        %dma_start3A_348 = arith.constant 0 : i32
        %dma_start3A_349 = arith.constant 0 : i32
        %dma_start3A_350 = tpu.memref_slice %arg8[%dma_start3A_348, %dma_start3A_349] : memref<8x128xi32, #tpu.memory_space<vmem>> -> memref<1x128xi32, #tpu.memory_space<vmem>>
        %dma_start3A_351 = tpu.memref_squeeze %dma_start3A_350 : memref<1x128xi32, #tpu.memory_space<vmem>> -> memref<128xi32, #tpu.memory_space<vmem>>
        %dma_start3A_352 = arith.constant 0 : i32
        %dma_start3A_353 = tpu.memref_slice %arg4[%add3A, %add3A_347, %dma_start3A_352] : memref<32x114x128xi32, #tpu.memory_space<hbm>> -> memref<1x1x128xi32, #tpu.memory_space<hbm>>
        %dma_start3A_354 = tpu.memref_squeeze %dma_start3A_353 : memref<1x1x128xi32, #tpu.memory_space<hbm>> -> memref<128xi32, #tpu.memory_space<hbm>>
        %dma_start3A_355 = arith.constant 0 : i32
        %dma_start3A_356 = tpu.memref_slice %arg8[%dma_start3A_348, %dma_start3A_355] : memref<8x128xi32, #tpu.memory_space<vmem>> -> memref<1x128xi32, #tpu.memory_space<vmem>>
        %dma_start3A_357 = tpu.memref_squeeze %dma_start3A_356 : memref<1x128xi32, #tpu.memory_space<vmem>> -> memref<128xi32, #tpu.memory_space<vmem>>
        %dma_start3A_358 = arith.constant 0 : i32
        %dma_start3A_359 = tpu.memref_slice %arg4[%add3A, %add3A_347, %dma_start3A_358] : memref<32x114x128xi32, #tpu.memory_space<hbm>> -> memref<1x1x128xi32, #tpu.memory_space<hbm>>
        %dma_start3A_360 = tpu.memref_squeeze %dma_start3A_359 : memref<1x1x128xi32, #tpu.memory_space<hbm>> -> memref<128xi32, #tpu.memory_space<hbm>>
        tpu.enqueue_dma source(%dma_start3A_360 : memref<128xi32, #tpu.memory_space<hbm>>) target(%dma_start3A_357 : memref<128xi32, #tpu.memory_space<vmem>>) target_semaphore(%arg17 : memref<!tpu.dma_semaphore, #tpu.memory_space<semaphore_mem>>)
        %add3A_361 = arith.constant 2 : i32
        %add3A_362 = arith.addi %add3A_235, %add3A_361 : i32
        %dma_wait3A_363 = arith.constant 0 : i32
        %dma_wait3A_364 = arith.constant 0 : i32
        %dma_wait3A_365 = tpu.memref_slice %arg7[%dma_wait3A_363, %dma_wait3A_364] : memref<8x128xi32, #tpu.memory_space<vmem>> -> memref<1x128xi32, #tpu.memory_space<vmem>>
        %dma_wait3A_366 = tpu.memref_squeeze %dma_wait3A_365 : memref<1x128xi32, #tpu.memory_space<vmem>> -> memref<128xi32, #tpu.memory_space<vmem>>
        %dma_wait3A_367 = arith.constant 0 : i32
        %dma_wait3A_368 = tpu.memref_slice %arg3[%add3A, %add3A_362, %dma_wait3A_367] : memref<32x114x128xi32, #tpu.memory_space<hbm>> -> memref<1x1x128xi32, #tpu.memory_space<hbm>>
        %dma_wait3A_369 = tpu.memref_squeeze %dma_wait3A_368 : memref<1x1x128xi32, #tpu.memory_space<hbm>> -> memref<128xi32, #tpu.memory_space<hbm>>
        %dma_wait3A_370 = arith.constant 0 : i32
        %dma_wait3A_371 = tpu.memref_slice %arg7[%dma_wait3A_363, %dma_wait3A_370] : memref<8x128xi32, #tpu.memory_space<vmem>> -> memref<1x128xi32, #tpu.memory_space<vmem>>
        %dma_wait3A_372 = tpu.memref_squeeze %dma_wait3A_371 : memref<1x128xi32, #tpu.memory_space<vmem>> -> memref<128xi32, #tpu.memory_space<vmem>>
        %dma_wait3A_373 = arith.constant 0 : i32
        %dma_wait3A_374 = tpu.memref_slice %arg3[%add3A, %add3A_362, %dma_wait3A_373] : memref<32x114x128xi32, #tpu.memory_space<hbm>> -> memref<1x1x128xi32, #tpu.memory_space<hbm>>
        %dma_wait3A_375 = tpu.memref_squeeze %dma_wait3A_374 : memref<1x1x128xi32, #tpu.memory_space<hbm>> -> memref<128xi32, #tpu.memory_space<hbm>>
        tpu.wait_dma2 semaphore(%arg20 : memref<!tpu.dma_semaphore, #tpu.memory_space<semaphore_mem>>) src(%dma_wait3A_375 : memref<128xi32, #tpu.memory_space<hbm>>) dst(%dma_wait3A_372 : memref<128xi32, #tpu.memory_space<vmem>>)
        %add3A_376 = arith.constant 2 : i32
        %add3A_377 = arith.addi %add3A_235, %add3A_376 : i32
        %dma_start3A_378 = arith.constant 0 : i32
        %dma_start3A_379 = arith.constant 0 : i32
        %dma_start3A_380 = arith.constant 0 : i32
        %dma_start3A_381 = arith.constant 0 : i32
        %dma_start3A_382 = tpu.memref_slice %arg9[%dma_start3A_379, %dma_start3A_380, %dma_start3A_381] : memref<3x120x128xf32, #tpu.memory_space<vmem>> -> memref<1x120x128xf32, #tpu.memory_space<vmem>>
        %dma_start3A_383 = tpu.memref_squeeze %dma_start3A_382 : memref<1x120x128xf32, #tpu.memory_space<vmem>> -> memref<120x128xf32, #tpu.memory_space<vmem>>
        %dma_start3A_384 = arith.constant 0 : i32
        %dma_start3A_385 = tpu.memref_slice %arg7[%dma_start3A_378, %dma_start3A_384] : memref<8x128xi32, #tpu.memory_space<vmem>> -> memref<1x120xi32, #tpu.memory_space<vmem>>
        %dma_start3A_386 = tpu.memref_squeeze %dma_start3A_385 : memref<1x120xi32, #tpu.memory_space<vmem>> -> memref<120xi32, #tpu.memory_space<vmem>>
        %dma_start3A_387 = arith.constant 0 : i32
        %dma_start3A_388 = arith.constant 0 : i32
        %dma_start3A_389 = tpu.memref_slice %arg2[%dma_start3A_387, %dma_start3A_388] : memref<10000x128xf32, #tpu.memory_space<hbm>> -> memref<10000x128xf32, #tpu.memory_space<hbm>>
        tpu.enqueue_indirect_dma source(%dma_start3A_389 : memref<10000x128xf32, #tpu.memory_space<hbm>>) target(%dma_start3A_383 : memref<120x128xf32, #tpu.memory_space<vmem>>) offsets(%dma_start3A_386 : memref<120xi32, #tpu.memory_space<vmem>>) semaphore(%arg11 : memref<!tpu.dma_semaphore, #tpu.memory_space<semaphore_mem>>)
      } else {
      }
      %add3A_290 = arith.constant 2 : i32
      %add3A_291 = arith.addi %mul3A_181, %add3A_290 : i32
      %ge3A_292 = arith.constant 1 : i32
      %ge3A_293 = arith.cmpi sge, %add3A_291, %ge3A_292 : i32
      %convert_element_type3A_294 = arith.extui %ge3A_293 : i1 to i32
      %cond3A_295 = arith.constant 0 : i32
      %cond3A_296 = arith.cmpi ne, %convert_element_type3A_294, %cond3A_295 : i32
      scf.if %cond3A_296 {
        %dma_wait3A_346 = arith.constant 1 : i32
        %dma_wait3A_347 = arith.constant 1 : i32
        %dma_wait3A_348 = arith.constant 0 : i32
        %dma_wait3A_349 = arith.constant 0 : i32
        %dma_wait3A_350 = tpu.memref_slice %arg9[%dma_wait3A_346, %dma_wait3A_348, %dma_wait3A_349] : memref<3x120x128xf32, #tpu.memory_space<vmem>> -> memref<1x120x128xf32, #tpu.memory_space<vmem>>
        %dma_wait3A_351 = tpu.memref_squeeze %dma_wait3A_350 : memref<1x120x128xf32, #tpu.memory_space<vmem>> -> memref<120x128xf32, #tpu.memory_space<vmem>>
        %dma_wait3A_352 = arith.constant 0 : i32
        %dma_wait3A_353 = tpu.memref_slice %arg8[%dma_wait3A_347, %dma_wait3A_352] : memref<8x128xi32, #tpu.memory_space<vmem>> -> memref<1x120xi32, #tpu.memory_space<vmem>>
        %dma_wait3A_354 = tpu.memref_squeeze %dma_wait3A_353 : memref<1x120xi32, #tpu.memory_space<vmem>> -> memref<120xi32, #tpu.memory_space<vmem>>
        %dma_wait3A_355 = arith.constant 0 : i32
        %dma_wait3A_356 = arith.constant 0 : i32
        %dma_wait3A_357 = tpu.memref_slice %arg10[%dma_wait3A_355, %dma_wait3A_356] : memref<10112x128xf32, #tpu.memory_space<vmem_shared>> -> memref<10112x128xf32, #tpu.memory_space<vmem_shared>>
        tpu.wait_indirect_dma semaphore(%arg15 : memref<!tpu.dma_semaphore, #tpu.memory_space<semaphore_mem>>) src(%dma_wait3A_351 : memref<120x128xf32, #tpu.memory_space<vmem>>) dst(%dma_wait3A_357 : memref<10112x128xf32, #tpu.memory_space<vmem_shared>>)
      } else {
      }
      %dma_wait3A_297 = arith.constant 2 : i32
      %dma_wait3A_298 = arith.constant 2 : i32
      %dma_wait3A_299 = arith.constant 0 : i32
      %dma_wait3A_300 = arith.constant 0 : i32
      %dma_wait3A_301 = tpu.memref_slice %arg9[%dma_wait3A_298, %dma_wait3A_299, %dma_wait3A_300] : memref<3x120x128xf32, #tpu.memory_space<vmem>> -> memref<1x120x128xf32, #tpu.memory_space<vmem>>
      %dma_wait3A_302 = tpu.memref_squeeze %dma_wait3A_301 : memref<1x120x128xf32, #tpu.memory_space<vmem>> -> memref<120x128xf32, #tpu.memory_space<vmem>>
      %dma_wait3A_303 = arith.constant 0 : i32
      %dma_wait3A_304 = tpu.memref_slice %arg7[%dma_wait3A_297, %dma_wait3A_303] : memref<8x128xi32, #tpu.memory_space<vmem>> -> memref<1x120xi32, #tpu.memory_space<vmem>>
      %dma_wait3A_305 = tpu.memref_squeeze %dma_wait3A_304 : memref<1x120xi32, #tpu.memory_space<vmem>> -> memref<120xi32, #tpu.memory_space<vmem>>
      %dma_wait3A_306 = arith.constant 0 : i32
      %dma_wait3A_307 = arith.constant 0 : i32
      %dma_wait3A_308 = tpu.memref_slice %arg2[%dma_wait3A_306, %dma_wait3A_307] : memref<10000x128xf32, #tpu.memory_space<hbm>> -> memref<10000x128xf32, #tpu.memory_space<hbm>>
      tpu.wait_indirect_dma semaphore(%arg13 : memref<!tpu.dma_semaphore, #tpu.memory_space<semaphore_mem>>) src(%dma_wait3A_308 : memref<10000x128xf32, #tpu.memory_space<hbm>>) dst(%dma_wait3A_302 : memref<120x128xf32, #tpu.memory_space<vmem>>)
      %dma_wait3A_309 = arith.constant 2 : i32
      %dma_wait3A_310 = arith.constant 0 : i32
      %dma_wait3A_311 = tpu.memref_slice %arg8[%dma_wait3A_309, %dma_wait3A_310] : memref<8x128xi32, #tpu.memory_space<vmem>> -> memref<1x128xi32, #tpu.memory_space<vmem>>
      %dma_wait3A_312 = tpu.memref_squeeze %dma_wait3A_311 : memref<1x128xi32, #tpu.memory_space<vmem>> -> memref<128xi32, #tpu.memory_space<vmem>>
      %dma_wait3A_313 = arith.constant 0 : i32
      %dma_wait3A_314 = tpu.memref_slice %arg4[%add3A, %add3A_291, %dma_wait3A_313] : memref<32x114x128xi32, #tpu.memory_space<hbm>> -> memref<1x1x128xi32, #tpu.memory_space<hbm>>
      %dma_wait3A_315 = tpu.memref_squeeze %dma_wait3A_314 : memref<1x1x128xi32, #tpu.memory_space<hbm>> -> memref<128xi32, #tpu.memory_space<hbm>>
      %dma_wait3A_316 = arith.constant 0 : i32
      %dma_wait3A_317 = tpu.memref_slice %arg8[%dma_wait3A_309, %dma_wait3A_316] : memref<8x128xi32, #tpu.memory_space<vmem>> -> memref<1x128xi32, #tpu.memory_space<vmem>>
      %dma_wait3A_318 = tpu.memref_squeeze %dma_wait3A_317 : memref<1x128xi32, #tpu.memory_space<vmem>> -> memref<128xi32, #tpu.memory_space<vmem>>
      %dma_wait3A_319 = arith.constant 0 : i32
      %dma_wait3A_320 = tpu.memref_slice %arg4[%add3A, %add3A_291, %dma_wait3A_319] : memref<32x114x128xi32, #tpu.memory_space<hbm>> -> memref<1x1x128xi32, #tpu.memory_space<hbm>>
      %dma_wait3A_321 = tpu.memref_squeeze %dma_wait3A_320 : memref<1x1x128xi32, #tpu.memory_space<hbm>> -> memref<128xi32, #tpu.memory_space<hbm>>
      tpu.wait_dma2 semaphore(%arg19 : memref<!tpu.dma_semaphore, #tpu.memory_space<semaphore_mem>>) src(%dma_wait3A_321 : memref<128xi32, #tpu.memory_space<hbm>>) dst(%dma_wait3A_318 : memref<128xi32, #tpu.memory_space<vmem>>)
      %dma_start3A_322 = arith.constant 2 : i32
      %dma_start3A_323 = arith.constant 2 : i32
      %dma_start3A_324 = arith.constant 0 : i32
      %dma_start3A_325 = arith.constant 0 : i32
      %dma_start3A_326 = tpu.memref_slice %arg9[%dma_start3A_322, %dma_start3A_324, %dma_start3A_325] : memref<3x120x128xf32, #tpu.memory_space<vmem>> -> memref<1x120x128xf32, #tpu.memory_space<vmem>>
      %dma_start3A_327 = tpu.memref_squeeze %dma_start3A_326 : memref<1x120x128xf32, #tpu.memory_space<vmem>> -> memref<120x128xf32, #tpu.memory_space<vmem>>
      %dma_start3A_328 = arith.constant 0 : i32
      %dma_start3A_329 = tpu.memref_slice %arg8[%dma_start3A_323, %dma_start3A_328] : memref<8x128xi32, #tpu.memory_space<vmem>> -> memref<1x120xi32, #tpu.memory_space<vmem>>
      %dma_start3A_330 = tpu.memref_squeeze %dma_start3A_329 : memref<1x120xi32, #tpu.memory_space<vmem>> -> memref<120xi32, #tpu.memory_space<vmem>>
      %dma_start3A_331 = arith.constant 0 : i32
      %dma_start3A_332 = arith.constant 0 : i32
      %dma_start3A_333 = tpu.memref_slice %arg10[%dma_start3A_331, %dma_start3A_332] : memref<10112x128xf32, #tpu.memory_space<vmem_shared>> -> memref<10112x128xf32, #tpu.memory_space<vmem_shared>>
      tpu.enqueue_indirect_dma source(%dma_start3A_327 : memref<120x128xf32, #tpu.memory_space<vmem>>) target(%dma_start3A_333 : memref<10112x128xf32, #tpu.memory_space<vmem_shared>>) offsets(%dma_start3A_330 : memref<120xi32, #tpu.memory_space<vmem>>) semaphore(%arg16 : memref<!tpu.dma_semaphore, #tpu.memory_space<semaphore_mem>>) {add = true}
      %add3A_334 = arith.constant 3 : i32
      %add3A_335 = arith.addi %add3A_291, %add3A_334 : i32
      %lt3A_336 = arith.cmpi slt, %add3A_335, %select_n3A : i32
      %convert_element_type3A_337 = arith.extui %lt3A_336 : i1 to i32
      %cond3A_338 = arith.constant 0 : i32
      %cond3A_339 = arith.cmpi ne, %convert_element_type3A_337, %cond3A_338 : i32
      scf.if %cond3A_339 {
        %add3A_346 = arith.constant 3 : i32
        %add3A_347 = arith.addi %add3A_291, %add3A_346 : i32
        %dma_start3A_348 = arith.constant 2 : i32
        %dma_start3A_349 = arith.constant 0 : i32
        %dma_start3A_350 = tpu.memref_slice %arg7[%dma_start3A_348, %dma_start3A_349] : memref<8x128xi32, #tpu.memory_space<vmem>> -> memref<1x128xi32, #tpu.memory_space<vmem>>
        %dma_start3A_351 = tpu.memref_squeeze %dma_start3A_350 : memref<1x128xi32, #tpu.memory_space<vmem>> -> memref<128xi32, #tpu.memory_space<vmem>>
        %dma_start3A_352 = arith.constant 0 : i32
        %dma_start3A_353 = tpu.memref_slice %arg3[%add3A, %add3A_347, %dma_start3A_352] : memref<32x114x128xi32, #tpu.memory_space<hbm>> -> memref<1x1x128xi32, #tpu.memory_space<hbm>>
        %dma_start3A_354 = tpu.memref_squeeze %dma_start3A_353 : memref<1x1x128xi32, #tpu.memory_space<hbm>> -> memref<128xi32, #tpu.memory_space<hbm>>
        %dma_start3A_355 = arith.constant 0 : i32
        %dma_start3A_356 = tpu.memref_slice %arg7[%dma_start3A_348, %dma_start3A_355] : memref<8x128xi32, #tpu.memory_space<vmem>> -> memref<1x128xi32, #tpu.memory_space<vmem>>
        %dma_start3A_357 = tpu.memref_squeeze %dma_start3A_356 : memref<1x128xi32, #tpu.memory_space<vmem>> -> memref<128xi32, #tpu.memory_space<vmem>>
        %dma_start3A_358 = arith.constant 0 : i32
        %dma_start3A_359 = tpu.memref_slice %arg3[%add3A, %add3A_347, %dma_start3A_358] : memref<32x114x128xi32, #tpu.memory_space<hbm>> -> memref<1x1x128xi32, #tpu.memory_space<hbm>>
        %dma_start3A_360 = tpu.memref_squeeze %dma_start3A_359 : memref<1x1x128xi32, #tpu.memory_space<hbm>> -> memref<128xi32, #tpu.memory_space<hbm>>
        tpu.enqueue_dma source(%dma_start3A_360 : memref<128xi32, #tpu.memory_space<hbm>>) target(%dma_start3A_357 : memref<128xi32, #tpu.memory_space<vmem>>) target_semaphore(%arg22 : memref<!tpu.dma_semaphore, #tpu.memory_space<semaphore_mem>>)
      } else {
      }
      %add3A_340 = arith.constant 2 : i32
      %add3A_341 = arith.addi %add3A_291, %add3A_340 : i32
      %lt3A_342 = arith.cmpi slt, %add3A_341, %select_n3A : i32
      %convert_element_type3A_343 = arith.extui %lt3A_342 : i1 to i32
      %cond3A_344 = arith.constant 0 : i32
      %cond3A_345 = arith.cmpi ne, %convert_element_type3A_343, %cond3A_344 : i32
      scf.if %cond3A_345 {
        %add3A_346 = arith.constant 2 : i32
        %add3A_347 = arith.addi %add3A_291, %add3A_346 : i32
        %dma_start3A_348 = arith.constant 1 : i32
        %dma_start3A_349 = arith.constant 0 : i32
        %dma_start3A_350 = tpu.memref_slice %arg8[%dma_start3A_348, %dma_start3A_349] : memref<8x128xi32, #tpu.memory_space<vmem>> -> memref<1x128xi32, #tpu.memory_space<vmem>>
        %dma_start3A_351 = tpu.memref_squeeze %dma_start3A_350 : memref<1x128xi32, #tpu.memory_space<vmem>> -> memref<128xi32, #tpu.memory_space<vmem>>
        %dma_start3A_352 = arith.constant 0 : i32
        %dma_start3A_353 = tpu.memref_slice %arg4[%add3A, %add3A_347, %dma_start3A_352] : memref<32x114x128xi32, #tpu.memory_space<hbm>> -> memref<1x1x128xi32, #tpu.memory_space<hbm>>
        %dma_start3A_354 = tpu.memref_squeeze %dma_start3A_353 : memref<1x1x128xi32, #tpu.memory_space<hbm>> -> memref<128xi32, #tpu.memory_space<hbm>>
        %dma_start3A_355 = arith.constant 0 : i32
        %dma_start3A_356 = tpu.memref_slice %arg8[%dma_start3A_348, %dma_start3A_355] : memref<8x128xi32, #tpu.memory_space<vmem>> -> memref<1x128xi32, #tpu.memory_space<vmem>>
        %dma_start3A_357 = tpu.memref_squeeze %dma_start3A_356 : memref<1x128xi32, #tpu.memory_space<vmem>> -> memref<128xi32, #tpu.memory_space<vmem>>
        %dma_start3A_358 = arith.constant 0 : i32
        %dma_start3A_359 = tpu.memref_slice %arg4[%add3A, %add3A_347, %dma_start3A_358] : memref<32x114x128xi32, #tpu.memory_space<hbm>> -> memref<1x1x128xi32, #tpu.memory_space<hbm>>
        %dma_start3A_360 = tpu.memref_squeeze %dma_start3A_359 : memref<1x1x128xi32, #tpu.memory_space<hbm>> -> memref<128xi32, #tpu.memory_space<hbm>>
        tpu.enqueue_dma source(%dma_start3A_360 : memref<128xi32, #tpu.memory_space<hbm>>) target(%dma_start3A_357 : memref<128xi32, #tpu.memory_space<vmem>>) target_semaphore(%arg18 : memref<!tpu.dma_semaphore, #tpu.memory_space<semaphore_mem>>)
        %add3A_361 = arith.constant 2 : i32
        %add3A_362 = arith.addi %add3A_291, %add3A_361 : i32
        %dma_wait3A_363 = arith.constant 1 : i32
        %dma_wait3A_364 = arith.constant 0 : i32
        %dma_wait3A_365 = tpu.memref_slice %arg7[%dma_wait3A_363, %dma_wait3A_364] : memref<8x128xi32, #tpu.memory_space<vmem>> -> memref<1x128xi32, #tpu.memory_space<vmem>>
        %dma_wait3A_366 = tpu.memref_squeeze %dma_wait3A_365 : memref<1x128xi32, #tpu.memory_space<vmem>> -> memref<128xi32, #tpu.memory_space<vmem>>
        %dma_wait3A_367 = arith.constant 0 : i32
        %dma_wait3A_368 = tpu.memref_slice %arg3[%add3A, %add3A_362, %dma_wait3A_367] : memref<32x114x128xi32, #tpu.memory_space<hbm>> -> memref<1x1x128xi32, #tpu.memory_space<hbm>>
        %dma_wait3A_369 = tpu.memref_squeeze %dma_wait3A_368 : memref<1x1x128xi32, #tpu.memory_space<hbm>> -> memref<128xi32, #tpu.memory_space<hbm>>
        %dma_wait3A_370 = arith.constant 0 : i32
        %dma_wait3A_371 = tpu.memref_slice %arg7[%dma_wait3A_363, %dma_wait3A_370] : memref<8x128xi32, #tpu.memory_space<vmem>> -> memref<1x128xi32, #tpu.memory_space<vmem>>
        %dma_wait3A_372 = tpu.memref_squeeze %dma_wait3A_371 : memref<1x128xi32, #tpu.memory_space<vmem>> -> memref<128xi32, #tpu.memory_space<vmem>>
        %dma_wait3A_373 = arith.constant 0 : i32
        %dma_wait3A_374 = tpu.memref_slice %arg3[%add3A, %add3A_362, %dma_wait3A_373] : memref<32x114x128xi32, #tpu.memory_space<hbm>> -> memref<1x1x128xi32, #tpu.memory_space<hbm>>
        %dma_wait3A_375 = tpu.memref_squeeze %dma_wait3A_374 : memref<1x1x128xi32, #tpu.memory_space<hbm>> -> memref<128xi32, #tpu.memory_space<hbm>>
        tpu.wait_dma2 semaphore(%arg21 : memref<!tpu.dma_semaphore, #tpu.memory_space<semaphore_mem>>) src(%dma_wait3A_375 : memref<128xi32, #tpu.memory_space<hbm>>) dst(%dma_wait3A_372 : memref<128xi32, #tpu.memory_space<vmem>>)
        %add3A_376 = arith.constant 2 : i32
        %add3A_377 = arith.addi %add3A_291, %add3A_376 : i32
        %dma_start3A_378 = arith.constant 1 : i32
        %dma_start3A_379 = arith.constant 1 : i32
        %dma_start3A_380 = arith.constant 0 : i32
        %dma_start3A_381 = arith.constant 0 : i32
        %dma_start3A_382 = tpu.memref_slice %arg9[%dma_start3A_379, %dma_start3A_380, %dma_start3A_381] : memref<3x120x128xf32, #tpu.memory_space<vmem>> -> memref<1x120x128xf32, #tpu.memory_space<vmem>>
        %dma_start3A_383 = tpu.memref_squeeze %dma_start3A_382 : memref<1x120x128xf32, #tpu.memory_space<vmem>> -> memref<120x128xf32, #tpu.memory_space<vmem>>
        %dma_start3A_384 = arith.constant 0 : i32
        %dma_start3A_385 = tpu.memref_slice %arg7[%dma_start3A_378, %dma_start3A_384] : memref<8x128xi32, #tpu.memory_space<vmem>> -> memref<1x120xi32, #tpu.memory_space<vmem>>
        %dma_start3A_386 = tpu.memref_squeeze %dma_start3A_385 : memref<1x120xi32, #tpu.memory_space<vmem>> -> memref<120xi32, #tpu.memory_space<vmem>>
        %dma_start3A_387 = arith.constant 0 : i32
        %dma_start3A_388 = arith.constant 0 : i32
        %dma_start3A_389 = tpu.memref_slice %arg2[%dma_start3A_387, %dma_start3A_388] : memref<10000x128xf32, #tpu.memory_space<hbm>> -> memref<10000x128xf32, #tpu.memory_space<hbm>>
        tpu.enqueue_indirect_dma source(%dma_start3A_389 : memref<10000x128xf32, #tpu.memory_space<hbm>>) target(%dma_start3A_383 : memref<120x128xf32, #tpu.memory_space<vmem>>) offsets(%dma_start3A_386 : memref<120xi32, #tpu.memory_space<vmem>>) semaphore(%arg12 : memref<!tpu.dma_semaphore, #tpu.memory_space<semaphore_mem>>)
      } else {
      }
    }
    %while3A_161 = arith.constant 1 : i32
    scf.for %while3A_179 = %while3A_159 to %while3A_155 step %while3A_161  : i32 {
      %mul3A_180 = arith.constant 3 : i32
      %mul3A_181 = arith.muli %while3A_179, %mul3A_180 : i32
      %add3A_182 = arith.constant 0 : i32
      %add3A_183 = arith.addi %mul3A_181, %add3A_182 : i32
      %ge3A = arith.constant 1 : i32
      %ge3A_184 = arith.cmpi sge, %add3A_183, %ge3A : i32
      %convert_element_type3A = arith.extui %ge3A_184 : i1 to i32
      %cond3A = arith.constant 0 : i32
      %cond3A_185 = arith.cmpi ne, %convert_element_type3A, %cond3A : i32
      scf.if %cond3A_185 {
        %dma_wait3A_346 = arith.constant 2 : i32
        %dma_wait3A_347 = arith.constant 2 : i32
        %dma_wait3A_348 = arith.constant 0 : i32
        %dma_wait3A_349 = arith.constant 0 : i32
        %dma_wait3A_350 = tpu.memref_slice %arg9[%dma_wait3A_346, %dma_wait3A_348, %dma_wait3A_349] : memref<3x120x128xf32, #tpu.memory_space<vmem>> -> memref<1x120x128xf32, #tpu.memory_space<vmem>>
        %dma_wait3A_351 = tpu.memref_squeeze %dma_wait3A_350 : memref<1x120x128xf32, #tpu.memory_space<vmem>> -> memref<120x128xf32, #tpu.memory_space<vmem>>
        %dma_wait3A_352 = arith.constant 0 : i32
        %dma_wait3A_353 = tpu.memref_slice %arg8[%dma_wait3A_347, %dma_wait3A_352] : memref<8x128xi32, #tpu.memory_space<vmem>> -> memref<1x120xi32, #tpu.memory_space<vmem>>
        %dma_wait3A_354 = tpu.memref_squeeze %dma_wait3A_353 : memref<1x120xi32, #tpu.memory_space<vmem>> -> memref<120xi32, #tpu.memory_space<vmem>>
        %dma_wait3A_355 = arith.constant 0 : i32
        %dma_wait3A_356 = arith.constant 0 : i32
        %dma_wait3A_357 = tpu.memref_slice %arg10[%dma_wait3A_355, %dma_wait3A_356] : memref<10112x128xf32, #tpu.memory_space<vmem_shared>> -> memref<10112x128xf32, #tpu.memory_space<vmem_shared>>
        tpu.wait_indirect_dma semaphore(%arg16 : memref<!tpu.dma_semaphore, #tpu.memory_space<semaphore_mem>>) src(%dma_wait3A_351 : memref<120x128xf32, #tpu.memory_space<vmem>>) dst(%dma_wait3A_357 : memref<10112x128xf32, #tpu.memory_space<vmem_shared>>)
      } else {
      }
      %dma_wait3A_186 = arith.constant 0 : i32
      %dma_wait3A_187 = arith.constant 0 : i32
      %dma_wait3A_188 = arith.constant 0 : i32
      %dma_wait3A_189 = arith.constant 0 : i32
      %dma_wait3A_190 = tpu.memref_slice %arg9[%dma_wait3A_187, %dma_wait3A_188, %dma_wait3A_189] : memref<3x120x128xf32, #tpu.memory_space<vmem>> -> memref<1x120x128xf32, #tpu.memory_space<vmem>>
      %dma_wait3A_191 = tpu.memref_squeeze %dma_wait3A_190 : memref<1x120x128xf32, #tpu.memory_space<vmem>> -> memref<120x128xf32, #tpu.memory_space<vmem>>
      %dma_wait3A_192 = arith.constant 0 : i32
      %dma_wait3A_193 = tpu.memref_slice %arg7[%dma_wait3A_186, %dma_wait3A_192] : memref<8x128xi32, #tpu.memory_space<vmem>> -> memref<1x120xi32, #tpu.memory_space<vmem>>
      %dma_wait3A_194 = tpu.memref_squeeze %dma_wait3A_193 : memref<1x120xi32, #tpu.memory_space<vmem>> -> memref<120xi32, #tpu.memory_space<vmem>>
      %dma_wait3A_195 = arith.constant 0 : i32
      %dma_wait3A_196 = arith.constant 0 : i32
      %dma_wait3A_197 = tpu.memref_slice %arg2[%dma_wait3A_195, %dma_wait3A_196] : memref<10000x128xf32, #tpu.memory_space<hbm>> -> memref<10000x128xf32, #tpu.memory_space<hbm>>
      tpu.wait_indirect_dma semaphore(%arg11 : memref<!tpu.dma_semaphore, #tpu.memory_space<semaphore_mem>>) src(%dma_wait3A_197 : memref<10000x128xf32, #tpu.memory_space<hbm>>) dst(%dma_wait3A_191 : memref<120x128xf32, #tpu.memory_space<vmem>>)
      %dma_wait3A_198 = arith.constant 0 : i32
      %dma_wait3A_199 = arith.constant 0 : i32
      %dma_wait3A_200 = tpu.memref_slice %arg8[%dma_wait3A_198, %dma_wait3A_199] : memref<8x128xi32, #tpu.memory_space<vmem>> -> memref<1x128xi32, #tpu.memory_space<vmem>>
      %dma_wait3A_201 = tpu.memref_squeeze %dma_wait3A_200 : memref<1x128xi32, #tpu.memory_space<vmem>> -> memref<128xi32, #tpu.memory_space<vmem>>
      %dma_wait3A_202 = arith.constant 0 : i32
      %dma_wait3A_203 = tpu.memref_slice %arg4[%add3A, %add3A_183, %dma_wait3A_202] : memref<32x114x128xi32, #tpu.memory_space<hbm>> -> memref<1x1x128xi32, #tpu.memory_space<hbm>>
      %dma_wait3A_204 = tpu.memref_squeeze %dma_wait3A_203 : memref<1x1x128xi32, #tpu.memory_space<hbm>> -> memref<128xi32, #tpu.memory_space<hbm>>
      %dma_wait3A_205 = arith.constant 0 : i32
      %dma_wait3A_206 = tpu.memref_slice %arg8[%dma_wait3A_198, %dma_wait3A_205] : memref<8x128xi32, #tpu.memory_space<vmem>> -> memref<1x128xi32, #tpu.memory_space<vmem>>
      %dma_wait3A_207 = tpu.memref_squeeze %dma_wait3A_206 : memref<1x128xi32, #tpu.memory_space<vmem>> -> memref<128xi32, #tpu.memory_space<vmem>>
      %dma_wait3A_208 = arith.constant 0 : i32
      %dma_wait3A_209 = tpu.memref_slice %arg4[%add3A, %add3A_183, %dma_wait3A_208] : memref<32x114x128xi32, #tpu.memory_space<hbm>> -> memref<1x1x128xi32, #tpu.memory_space<hbm>>
      %dma_wait3A_210 = tpu.memref_squeeze %dma_wait3A_209 : memref<1x1x128xi32, #tpu.memory_space<hbm>> -> memref<128xi32, #tpu.memory_space<hbm>>
      tpu.wait_dma2 semaphore(%arg17 : memref<!tpu.dma_semaphore, #tpu.memory_space<semaphore_mem>>) src(%dma_wait3A_210 : memref<128xi32, #tpu.memory_space<hbm>>) dst(%dma_wait3A_207 : memref<128xi32, #tpu.memory_space<vmem>>)
      %dma_start3A_211 = arith.constant 0 : i32
      %dma_start3A_212 = arith.constant 0 : i32
      %dma_start3A_213 = arith.constant 0 : i32
      %dma_start3A_214 = arith.constant 0 : i32
      %dma_start3A_215 = tpu.memref_slice %arg9[%dma_start3A_211, %dma_start3A_213, %dma_start3A_214] : memref<3x120x128xf32, #tpu.memory_space<vmem>> -> memref<1x120x128xf32, #tpu.memory_space<vmem>>
      %dma_start3A_216 = tpu.memref_squeeze %dma_start3A_215 : memref<1x120x128xf32, #tpu.memory_space<vmem>> -> memref<120x128xf32, #tpu.memory_space<vmem>>
      %dma_start3A_217 = arith.constant 0 : i32
      %dma_start3A_218 = tpu.memref_slice %arg8[%dma_start3A_212, %dma_start3A_217] : memref<8x128xi32, #tpu.memory_space<vmem>> -> memref<1x120xi32, #tpu.memory_space<vmem>>
      %dma_start3A_219 = tpu.memref_squeeze %dma_start3A_218 : memref<1x120xi32, #tpu.memory_space<vmem>> -> memref<120xi32, #tpu.memory_space<vmem>>
      %dma_start3A_220 = arith.constant 0 : i32
      %dma_start3A_221 = arith.constant 0 : i32
      %dma_start3A_222 = tpu.memref_slice %arg10[%dma_start3A_220, %dma_start3A_221] : memref<10112x128xf32, #tpu.memory_space<vmem_shared>> -> memref<10112x128xf32, #tpu.memory_space<vmem_shared>>
      tpu.enqueue_indirect_dma source(%dma_start3A_216 : memref<120x128xf32, #tpu.memory_space<vmem>>) target(%dma_start3A_222 : memref<10112x128xf32, #tpu.memory_space<vmem_shared>>) offsets(%dma_start3A_219 : memref<120xi32, #tpu.memory_space<vmem>>) semaphore(%arg14 : memref<!tpu.dma_semaphore, #tpu.memory_space<semaphore_mem>>) {add = true}
      %add3A_223 = arith.constant 3 : i32
      %add3A_224 = arith.addi %add3A_183, %add3A_223 : i32
      %lt3A = arith.cmpi slt, %add3A_224, %select_n3A : i32
      %convert_element_type3A_225 = arith.extui %lt3A : i1 to i32
      %cond3A_226 = arith.constant 0 : i32
      %cond3A_227 = arith.cmpi ne, %convert_element_type3A_225, %cond3A_226 : i32
      scf.if %cond3A_227 {
        %add3A_346 = arith.constant 3 : i32
        %add3A_347 = arith.addi %add3A_183, %add3A_346 : i32
        %dma_start3A_348 = arith.constant 0 : i32
        %dma_start3A_349 = arith.constant 0 : i32
        %dma_start3A_350 = tpu.memref_slice %arg7[%dma_start3A_348, %dma_start3A_349] : memref<8x128xi32, #tpu.memory_space<vmem>> -> memref<1x128xi32, #tpu.memory_space<vmem>>
        %dma_start3A_351 = tpu.memref_squeeze %dma_start3A_350 : memref<1x128xi32, #tpu.memory_space<vmem>> -> memref<128xi32, #tpu.memory_space<vmem>>
        %dma_start3A_352 = arith.constant 0 : i32
        %dma_start3A_353 = tpu.memref_slice %arg3[%add3A, %add3A_347, %dma_start3A_352] : memref<32x114x128xi32, #tpu.memory_space<hbm>> -> memref<1x1x128xi32, #tpu.memory_space<hbm>>
        %dma_start3A_354 = tpu.memref_squeeze %dma_start3A_353 : memref<1x1x128xi32, #tpu.memory_space<hbm>> -> memref<128xi32, #tpu.memory_space<hbm>>
        %dma_start3A_355 = arith.constant 0 : i32
        %dma_start3A_356 = tpu.memref_slice %arg7[%dma_start3A_348, %dma_start3A_355] : memref<8x128xi32, #tpu.memory_space<vmem>> -> memref<1x128xi32, #tpu.memory_space<vmem>>
        %dma_start3A_357 = tpu.memref_squeeze %dma_start3A_356 : memref<1x128xi32, #tpu.memory_space<vmem>> -> memref<128xi32, #tpu.memory_space<vmem>>
        %dma_start3A_358 = arith.constant 0 : i32
        %dma_start3A_359 = tpu.memref_slice %arg3[%add3A, %add3A_347, %dma_start3A_358] : memref<32x114x128xi32, #tpu.memory_space<hbm>> -> memref<1x1x128xi32, #tpu.memory_space<hbm>>
        %dma_start3A_360 = tpu.memref_squeeze %dma_start3A_359 : memref<1x1x128xi32, #tpu.memory_space<hbm>> -> memref<128xi32, #tpu.memory_space<hbm>>
        tpu.enqueue_dma source(%dma_start3A_360 : memref<128xi32, #tpu.memory_space<hbm>>) target(%dma_start3A_357 : memref<128xi32, #tpu.memory_space<vmem>>) target_semaphore(%arg20 : memref<!tpu.dma_semaphore, #tpu.memory_space<semaphore_mem>>)
      } else {
      }
      %add3A_228 = arith.constant 2 : i32
      %add3A_229 = arith.addi %add3A_183, %add3A_228 : i32
      %lt3A_230 = arith.cmpi slt, %add3A_229, %select_n3A : i32
      %convert_element_type3A_231 = arith.extui %lt3A_230 : i1 to i32
      %cond3A_232 = arith.constant 0 : i32
      %cond3A_233 = arith.cmpi ne, %convert_element_type3A_231, %cond3A_232 : i32
      scf.if %cond3A_233 {
        %add3A_346 = arith.constant 2 : i32
        %add3A_347 = arith.addi %add3A_183, %add3A_346 : i32
        %dma_start3A_348 = arith.constant 2 : i32
        %dma_start3A_349 = arith.constant 0 : i32
        %dma_start3A_350 = tpu.memref_slice %arg8[%dma_start3A_348, %dma_start3A_349] : memref<8x128xi32, #tpu.memory_space<vmem>> -> memref<1x128xi32, #tpu.memory_space<vmem>>
        %dma_start3A_351 = tpu.memref_squeeze %dma_start3A_350 : memref<1x128xi32, #tpu.memory_space<vmem>> -> memref<128xi32, #tpu.memory_space<vmem>>
        %dma_start3A_352 = arith.constant 0 : i32
        %dma_start3A_353 = tpu.memref_slice %arg4[%add3A, %add3A_347, %dma_start3A_352] : memref<32x114x128xi32, #tpu.memory_space<hbm>> -> memref<1x1x128xi32, #tpu.memory_space<hbm>>
        %dma_start3A_354 = tpu.memref_squeeze %dma_start3A_353 : memref<1x1x128xi32, #tpu.memory_space<hbm>> -> memref<128xi32, #tpu.memory_space<hbm>>
        %dma_start3A_355 = arith.constant 0 : i32
        %dma_start3A_356 = tpu.memref_slice %arg8[%dma_start3A_348, %dma_start3A_355] : memref<8x128xi32, #tpu.memory_space<vmem>> -> memref<1x128xi32, #tpu.memory_space<vmem>>
        %dma_start3A_357 = tpu.memref_squeeze %dma_start3A_356 : memref<1x128xi32, #tpu.memory_space<vmem>> -> memref<128xi32, #tpu.memory_space<vmem>>
        %dma_start3A_358 = arith.constant 0 : i32
        %dma_start3A_359 = tpu.memref_slice %arg4[%add3A, %add3A_347, %dma_start3A_358] : memref<32x114x128xi32, #tpu.memory_space<hbm>> -> memref<1x1x128xi32, #tpu.memory_space<hbm>>
        %dma_start3A_360 = tpu.memref_squeeze %dma_start3A_359 : memref<1x1x128xi32, #tpu.memory_space<hbm>> -> memref<128xi32, #tpu.memory_space<hbm>>
        tpu.enqueue_dma source(%dma_start3A_360 : memref<128xi32, #tpu.memory_space<hbm>>) target(%dma_start3A_357 : memref<128xi32, #tpu.memory_space<vmem>>) target_semaphore(%arg19 : memref<!tpu.dma_semaphore, #tpu.memory_space<semaphore_mem>>)
        %add3A_361 = arith.constant 2 : i32
        %add3A_362 = arith.addi %add3A_183, %add3A_361 : i32
        %dma_wait3A_363 = arith.constant 2 : i32
        %dma_wait3A_364 = arith.constant 0 : i32
        %dma_wait3A_365 = tpu.memref_slice %arg7[%dma_wait3A_363, %dma_wait3A_364] : memref<8x128xi32, #tpu.memory_space<vmem>> -> memref<1x128xi32, #tpu.memory_space<vmem>>
        %dma_wait3A_366 = tpu.memref_squeeze %dma_wait3A_365 : memref<1x128xi32, #tpu.memory_space<vmem>> -> memref<128xi32, #tpu.memory_space<vmem>>
        %dma_wait3A_367 = arith.constant 0 : i32
        %dma_wait3A_368 = tpu.memref_slice %arg3[%add3A, %add3A_362, %dma_wait3A_367] : memref<32x114x128xi32, #tpu.memory_space<hbm>> -> memref<1x1x128xi32, #tpu.memory_space<hbm>>
        %dma_wait3A_369 = tpu.memref_squeeze %dma_wait3A_368 : memref<1x1x128xi32, #tpu.memory_space<hbm>> -> memref<128xi32, #tpu.memory_space<hbm>>
        %dma_wait3A_370 = arith.constant 0 : i32
        %dma_wait3A_371 = tpu.memref_slice %arg7[%dma_wait3A_363, %dma_wait3A_370] : memref<8x128xi32, #tpu.memory_space<vmem>> -> memref<1x128xi32, #tpu.memory_space<vmem>>
        %dma_wait3A_372 = tpu.memref_squeeze %dma_wait3A_371 : memref<1x128xi32, #tpu.memory_space<vmem>> -> memref<128xi32, #tpu.memory_space<vmem>>
        %dma_wait3A_373 = arith.constant 0 : i32
        %dma_wait3A_374 = tpu.memref_slice %arg3[%add3A, %add3A_362, %dma_wait3A_373] : memref<32x114x128xi32, #tpu.memory_space<hbm>> -> memref<1x1x128xi32, #tpu.memory_space<hbm>>
        %dma_wait3A_375 = tpu.memref_squeeze %dma_wait3A_374 : memref<1x1x128xi32, #tpu.memory_space<hbm>> -> memref<128xi32, #tpu.memory_space<hbm>>
        tpu.wait_dma2 semaphore(%arg22 : memref<!tpu.dma_semaphore, #tpu.memory_space<semaphore_mem>>) src(%dma_wait3A_375 : memref<128xi32, #tpu.memory_space<hbm>>) dst(%dma_wait3A_372 : memref<128xi32, #tpu.memory_space<vmem>>)
        %add3A_376 = arith.constant 2 : i32
        %add3A_377 = arith.addi %add3A_183, %add3A_376 : i32
        %dma_start3A_378 = arith.constant 2 : i32
        %dma_start3A_379 = arith.constant 2 : i32
        %dma_start3A_380 = arith.constant 0 : i32
        %dma_start3A_381 = arith.constant 0 : i32
        %dma_start3A_382 = tpu.memref_slice %arg9[%dma_start3A_379, %dma_start3A_380, %dma_start3A_381] : memref<3x120x128xf32, #tpu.memory_space<vmem>> -> memref<1x120x128xf32, #tpu.memory_space<vmem>>
        %dma_start3A_383 = tpu.memref_squeeze %dma_start3A_382 : memref<1x120x128xf32, #tpu.memory_space<vmem>> -> memref<120x128xf32, #tpu.memory_space<vmem>>
        %dma_start3A_384 = arith.constant 0 : i32
        %dma_start3A_385 = tpu.memref_slice %arg7[%dma_start3A_378, %dma_start3A_384] : memref<8x128xi32, #tpu.memory_space<vmem>> -> memref<1x120xi32, #tpu.memory_space<vmem>>
        %dma_start3A_386 = tpu.memref_squeeze %dma_start3A_385 : memref<1x120xi32, #tpu.memory_space<vmem>> -> memref<120xi32, #tpu.memory_space<vmem>>
        %dma_start3A_387 = arith.constant 0 : i32
        %dma_start3A_388 = arith.constant 0 : i32
        %dma_start3A_389 = tpu.memref_slice %arg2[%dma_start3A_387, %dma_start3A_388] : memref<10000x128xf32, #tpu.memory_space<hbm>> -> memref<10000x128xf32, #tpu.memory_space<hbm>>
        tpu.enqueue_indirect_dma source(%dma_start3A_389 : memref<10000x128xf32, #tpu.memory_space<hbm>>) target(%dma_start3A_383 : memref<120x128xf32, #tpu.memory_space<vmem>>) offsets(%dma_start3A_386 : memref<120xi32, #tpu.memory_space<vmem>>) semaphore(%arg13 : memref<!tpu.dma_semaphore, #tpu.memory_space<semaphore_mem>>)
      } else {
      }
      %add3A_234 = arith.constant 1 : i32
      %add3A_235 = arith.addi %mul3A_181, %add3A_234 : i32
      %ge3A_236 = arith.constant 1 : i32
      %ge3A_237 = arith.cmpi sge, %add3A_235, %ge3A_236 : i32
      %convert_element_type3A_238 = arith.extui %ge3A_237 : i1 to i32
      %cond3A_239 = arith.constant 0 : i32
      %cond3A_240 = arith.cmpi ne, %convert_element_type3A_238, %cond3A_239 : i32
      scf.if %cond3A_240 {
        %dma_wait3A_346 = arith.constant 0 : i32
        %dma_wait3A_347 = arith.constant 0 : i32
        %dma_wait3A_348 = arith.constant 0 : i32
        %dma_wait3A_349 = arith.constant 0 : i32
        %dma_wait3A_350 = tpu.memref_slice %arg9[%dma_wait3A_346, %dma_wait3A_348, %dma_wait3A_349] : memref<3x120x128xf32, #tpu.memory_space<vmem>> -> memref<1x120x128xf32, #tpu.memory_space<vmem>>
        %dma_wait3A_351 = tpu.memref_squeeze %dma_wait3A_350 : memref<1x120x128xf32, #tpu.memory_space<vmem>> -> memref<120x128xf32, #tpu.memory_space<vmem>>
        %dma_wait3A_352 = arith.constant 0 : i32
        %dma_wait3A_353 = tpu.memref_slice %arg8[%dma_wait3A_347, %dma_wait3A_352] : memref<8x128xi32, #tpu.memory_space<vmem>> -> memref<1x120xi32, #tpu.memory_space<vmem>>
        %dma_wait3A_354 = tpu.memref_squeeze %dma_wait3A_353 : memref<1x120xi32, #tpu.memory_space<vmem>> -> memref<120xi32, #tpu.memory_space<vmem>>
        %dma_wait3A_355 = arith.constant 0 : i32
        %dma_wait3A_356 = arith.constant 0 : i32
        %dma_wait3A_357 = tpu.memref_slice %arg10[%dma_wait3A_355, %dma_wait3A_356] : memref<10112x128xf32, #tpu.memory_space<vmem_shared>> -> memref<10112x128xf32, #tpu.memory_space<vmem_shared>>
        tpu.wait_indirect_dma semaphore(%arg14 : memref<!tpu.dma_semaphore, #tpu.memory_space<semaphore_mem>>) src(%dma_wait3A_351 : memref<120x128xf32, #tpu.memory_space<vmem>>) dst(%dma_wait3A_357 : memref<10112x128xf32, #tpu.memory_space<vmem_shared>>)
      } else {
      }
      %dma_wait3A_241 = arith.constant 1 : i32
      %dma_wait3A_242 = arith.constant 1 : i32
      %dma_wait3A_243 = arith.constant 0 : i32
      %dma_wait3A_244 = arith.constant 0 : i32
      %dma_wait3A_245 = tpu.memref_slice %arg9[%dma_wait3A_242, %dma_wait3A_243, %dma_wait3A_244] : memref<3x120x128xf32, #tpu.memory_space<vmem>> -> memref<1x120x128xf32, #tpu.memory_space<vmem>>
      %dma_wait3A_246 = tpu.memref_squeeze %dma_wait3A_245 : memref<1x120x128xf32, #tpu.memory_space<vmem>> -> memref<120x128xf32, #tpu.memory_space<vmem>>
      %dma_wait3A_247 = arith.constant 0 : i32
      %dma_wait3A_248 = tpu.memref_slice %arg7[%dma_wait3A_241, %dma_wait3A_247] : memref<8x128xi32, #tpu.memory_space<vmem>> -> memref<1x120xi32, #tpu.memory_space<vmem>>
      %dma_wait3A_249 = tpu.memref_squeeze %dma_wait3A_248 : memref<1x120xi32, #tpu.memory_space<vmem>> -> memref<120xi32, #tpu.memory_space<vmem>>
      %dma_wait3A_250 = arith.constant 0 : i32
      %dma_wait3A_251 = arith.constant 0 : i32
      %dma_wait3A_252 = tpu.memref_slice %arg2[%dma_wait3A_250, %dma_wait3A_251] : memref<10000x128xf32, #tpu.memory_space<hbm>> -> memref<10000x128xf32, #tpu.memory_space<hbm>>
      tpu.wait_indirect_dma semaphore(%arg12 : memref<!tpu.dma_semaphore, #tpu.memory_space<semaphore_mem>>) src(%dma_wait3A_252 : memref<10000x128xf32, #tpu.memory_space<hbm>>) dst(%dma_wait3A_246 : memref<120x128xf32, #tpu.memory_space<vmem>>)
      %dma_wait3A_253 = arith.constant 1 : i32
      %dma_wait3A_254 = arith.constant 0 : i32
      %dma_wait3A_255 = tpu.memref_slice %arg8[%dma_wait3A_253, %dma_wait3A_254] : memref<8x128xi32, #tpu.memory_space<vmem>> -> memref<1x128xi32, #tpu.memory_space<vmem>>
      %dma_wait3A_256 = tpu.memref_squeeze %dma_wait3A_255 : memref<1x128xi32, #tpu.memory_space<vmem>> -> memref<128xi32, #tpu.memory_space<vmem>>
      %dma_wait3A_257 = arith.constant 0 : i32
      %dma_wait3A_258 = tpu.memref_slice %arg4[%add3A, %add3A_235, %dma_wait3A_257] : memref<32x114x128xi32, #tpu.memory_space<hbm>> -> memref<1x1x128xi32, #tpu.memory_space<hbm>>
      %dma_wait3A_259 = tpu.memref_squeeze %dma_wait3A_258 : memref<1x1x128xi32, #tpu.memory_space<hbm>> -> memref<128xi32, #tpu.memory_space<hbm>>
      %dma_wait3A_260 = arith.constant 0 : i32
      %dma_wait3A_261 = tpu.memref_slice %arg8[%dma_wait3A_253, %dma_wait3A_260] : memref<8x128xi32, #tpu.memory_space<vmem>> -> memref<1x128xi32, #tpu.memory_space<vmem>>
      %dma_wait3A_262 = tpu.memref_squeeze %dma_wait3A_261 : memref<1x128xi32, #tpu.memory_space<vmem>> -> memref<128xi32, #tpu.memory_space<vmem>>
      %dma_wait3A_263 = arith.constant 0 : i32
      %dma_wait3A_264 = tpu.memref_slice %arg4[%add3A, %add3A_235, %dma_wait3A_263] : memref<32x114x128xi32, #tpu.memory_space<hbm>> -> memref<1x1x128xi32, #tpu.memory_space<hbm>>
      %dma_wait3A_265 = tpu.memref_squeeze %dma_wait3A_264 : memref<1x1x128xi32, #tpu.memory_space<hbm>> -> memref<128xi32, #tpu.memory_space<hbm>>
      tpu.wait_dma2 semaphore(%arg18 : memref<!tpu.dma_semaphore, #tpu.memory_space<semaphore_mem>>) src(%dma_wait3A_265 : memref<128xi32, #tpu.memory_space<hbm>>) dst(%dma_wait3A_262 : memref<128xi32, #tpu.memory_space<vmem>>)
      %dma_start3A_266 = arith.constant 1 : i32
      %dma_start3A_267 = arith.constant 1 : i32
      %dma_start3A_268 = arith.constant 0 : i32
      %dma_start3A_269 = arith.constant 0 : i32
      %dma_start3A_270 = tpu.memref_slice %arg9[%dma_start3A_266, %dma_start3A_268, %dma_start3A_269] : memref<3x120x128xf32, #tpu.memory_space<vmem>> -> memref<1x120x128xf32, #tpu.memory_space<vmem>>
      %dma_start3A_271 = tpu.memref_squeeze %dma_start3A_270 : memref<1x120x128xf32, #tpu.memory_space<vmem>> -> memref<120x128xf32, #tpu.memory_space<vmem>>
      %dma_start3A_272 = arith.constant 0 : i32
      %dma_start3A_273 = tpu.memref_slice %arg8[%dma_start3A_267, %dma_start3A_272] : memref<8x128xi32, #tpu.memory_space<vmem>> -> memref<1x120xi32, #tpu.memory_space<vmem>>
      %dma_start3A_274 = tpu.memref_squeeze %dma_start3A_273 : memref<1x120xi32, #tpu.memory_space<vmem>> -> memref<120xi32, #tpu.memory_space<vmem>>
      %dma_start3A_275 = arith.constant 0 : i32
      %dma_start3A_276 = arith.constant 0 : i32
      %dma_start3A_277 = tpu.memref_slice %arg10[%dma_start3A_275, %dma_start3A_276] : memref<10112x128xf32, #tpu.memory_space<vmem_shared>> -> memref<10112x128xf32, #tpu.memory_space<vmem_shared>>
      tpu.enqueue_indirect_dma source(%dma_start3A_271 : memref<120x128xf32, #tpu.memory_space<vmem>>) target(%dma_start3A_277 : memref<10112x128xf32, #tpu.memory_space<vmem_shared>>) offsets(%dma_start3A_274 : memref<120xi32, #tpu.memory_space<vmem>>) semaphore(%arg15 : memref<!tpu.dma_semaphore, #tpu.memory_space<semaphore_mem>>) {add = true}
      %add3A_278 = arith.constant 3 : i32
      %add3A_279 = arith.addi %add3A_235, %add3A_278 : i32
      %lt3A_280 = arith.cmpi slt, %add3A_279, %select_n3A : i32
      %convert_element_type3A_281 = arith.extui %lt3A_280 : i1 to i32
      %cond3A_282 = arith.constant 0 : i32
      %cond3A_283 = arith.cmpi ne, %convert_element_type3A_281, %cond3A_282 : i32
      scf.if %cond3A_283 {
        %add3A_346 = arith.constant 3 : i32
        %add3A_347 = arith.addi %add3A_235, %add3A_346 : i32
        %dma_start3A_348 = arith.constant 1 : i32
        %dma_start3A_349 = arith.constant 0 : i32
        %dma_start3A_350 = tpu.memref_slice %arg7[%dma_start3A_348, %dma_start3A_349] : memref<8x128xi32, #tpu.memory_space<vmem>> -> memref<1x128xi32, #tpu.memory_space<vmem>>
        %dma_start3A_351 = tpu.memref_squeeze %dma_start3A_350 : memref<1x128xi32, #tpu.memory_space<vmem>> -> memref<128xi32, #tpu.memory_space<vmem>>
        %dma_start3A_352 = arith.constant 0 : i32
        %dma_start3A_353 = tpu.memref_slice %arg3[%add3A, %add3A_347, %dma_start3A_352] : memref<32x114x128xi32, #tpu.memory_space<hbm>> -> memref<1x1x128xi32, #tpu.memory_space<hbm>>
        %dma_start3A_354 = tpu.memref_squeeze %dma_start3A_353 : memref<1x1x128xi32, #tpu.memory_space<hbm>> -> memref<128xi32, #tpu.memory_space<hbm>>
        %dma_start3A_355 = arith.constant 0 : i32
        %dma_start3A_356 = tpu.memref_slice %arg7[%dma_start3A_348, %dma_start3A_355] : memref<8x128xi32, #tpu.memory_space<vmem>> -> memref<1x128xi32, #tpu.memory_space<vmem>>
        %dma_start3A_357 = tpu.memref_squeeze %dma_start3A_356 : memref<1x128xi32, #tpu.memory_space<vmem>> -> memref<128xi32, #tpu.memory_space<vmem>>
        %dma_start3A_358 = arith.constant 0 : i32
        %dma_start3A_359 = tpu.memref_slice %arg3[%add3A, %add3A_347, %dma_start3A_358] : memref<32x114x128xi32, #tpu.memory_space<hbm>> -> memref<1x1x128xi32, #tpu.memory_space<hbm>>
        %dma_start3A_360 = tpu.memref_squeeze %dma_start3A_359 : memref<1x1x128xi32, #tpu.memory_space<hbm>> -> memref<128xi32, #tpu.memory_space<hbm>>
        tpu.enqueue_dma source(%dma_start3A_360 : memref<128xi32, #tpu.memory_space<hbm>>) target(%dma_start3A_357 : memref<128xi32, #tpu.memory_space<vmem>>) target_semaphore(%arg21 : memref<!tpu.dma_semaphore, #tpu.memory_space<semaphore_mem>>)
      } else {
      }
      %add3A_284 = arith.constant 2 : i32
      %add3A_285 = arith.addi %add3A_235, %add3A_284 : i32
      %lt3A_286 = arith.cmpi slt, %add3A_285, %select_n3A : i32
      %convert_element_type3A_287 = arith.extui %lt3A_286 : i1 to i32
      %cond3A_288 = arith.constant 0 : i32
      %cond3A_289 = arith.cmpi ne, %convert_element_type3A_287, %cond3A_288 : i32
      scf.if %cond3A_289 {
        %add3A_346 = arith.constant 2 : i32
        %add3A_347 = arith.addi %add3A_235, %add3A_346 : i32
        %dma_start3A_348 = arith.constant 0 : i32
        %dma_start3A_349 = arith.constant 0 : i32
        %dma_start3A_350 = tpu.memref_slice %arg8[%dma_start3A_348, %dma_start3A_349] : memref<8x128xi32, #tpu.memory_space<vmem>> -> memref<1x128xi32, #tpu.memory_space<vmem>>
        %dma_start3A_351 = tpu.memref_squeeze %dma_start3A_350 : memref<1x128xi32, #tpu.memory_space<vmem>> -> memref<128xi32, #tpu.memory_space<vmem>>
        %dma_start3A_352 = arith.constant 0 : i32
        %dma_start3A_353 = tpu.memref_slice %arg4[%add3A, %add3A_347, %dma_start3A_352] : memref<32x114x128xi32, #tpu.memory_space<hbm>> -> memref<1x1x128xi32, #tpu.memory_space<hbm>>
        %dma_start3A_354 = tpu.memref_squeeze %dma_start3A_353 : memref<1x1x128xi32, #tpu.memory_space<hbm>> -> memref<128xi32, #tpu.memory_space<hbm>>
        %dma_start3A_355 = arith.constant 0 : i32
        %dma_start3A_356 = tpu.memref_slice %arg8[%dma_start3A_348, %dma_start3A_355] : memref<8x128xi32, #tpu.memory_space<vmem>> -> memref<1x128xi32, #tpu.memory_space<vmem>>
        %dma_start3A_357 = tpu.memref_squeeze %dma_start3A_356 : memref<1x128xi32, #tpu.memory_space<vmem>> -> memref<128xi32, #tpu.memory_space<vmem>>
        %dma_start3A_358 = arith.constant 0 : i32
        %dma_start3A_359 = tpu.memref_slice %arg4[%add3A, %add3A_347, %dma_start3A_358] : memref<32x114x128xi32, #tpu.memory_space<hbm>> -> memref<1x1x128xi32, #tpu.memory_space<hbm>>
        %dma_start3A_360 = tpu.memref_squeeze %dma_start3A_359 : memref<1x1x128xi32, #tpu.memory_space<hbm>> -> memref<128xi32, #tpu.memory_space<hbm>>
        tpu.enqueue_dma source(%dma_start3A_360 : memref<128xi32, #tpu.memory_space<hbm>>) target(%dma_start3A_357 : memref<128xi32, #tpu.memory_space<vmem>>) target_semaphore(%arg17 : memref<!tpu.dma_semaphore, #tpu.memory_space<semaphore_mem>>)
        %add3A_361 = arith.constant 2 : i32
        %add3A_362 = arith.addi %add3A_235, %add3A_361 : i32
        %dma_wait3A_363 = arith.constant 0 : i32
        %dma_wait3A_364 = arith.constant 0 : i32
        %dma_wait3A_365 = tpu.memref_slice %arg7[%dma_wait3A_363, %dma_wait3A_364] : memref<8x128xi32, #tpu.memory_space<vmem>> -> memref<1x128xi32, #tpu.memory_space<vmem>>
        %dma_wait3A_366 = tpu.memref_squeeze %dma_wait3A_365 : memref<1x128xi32, #tpu.memory_space<vmem>> -> memref<128xi32, #tpu.memory_space<vmem>>
        %dma_wait3A_367 = arith.constant 0 : i32
        %dma_wait3A_368 = tpu.memref_slice %arg3[%add3A, %add3A_362, %dma_wait3A_367] : memref<32x114x128xi32, #tpu.memory_space<hbm>> -> memref<1x1x128xi32, #tpu.memory_space<hbm>>
        %dma_wait3A_369 = tpu.memref_squeeze %dma_wait3A_368 : memref<1x1x128xi32, #tpu.memory_space<hbm>> -> memref<128xi32, #tpu.memory_space<hbm>>
        %dma_wait3A_370 = arith.constant 0 : i32
        %dma_wait3A_371 = tpu.memref_slice %arg7[%dma_wait3A_363, %dma_wait3A_370] : memref<8x128xi32, #tpu.memory_space<vmem>> -> memref<1x128xi32, #tpu.memory_space<vmem>>
        %dma_wait3A_372 = tpu.memref_squeeze %dma_wait3A_371 : memref<1x128xi32, #tpu.memory_space<vmem>> -> memref<128xi32, #tpu.memory_space<vmem>>
        %dma_wait3A_373 = arith.constant 0 : i32
        %dma_wait3A_374 = tpu.memref_slice %arg3[%add3A, %add3A_362, %dma_wait3A_373] : memref<32x114x128xi32, #tpu.memory_space<hbm>> -> memref<1x1x128xi32, #tpu.memory_space<hbm>>
        %dma_wait3A_375 = tpu.memref_squeeze %dma_wait3A_374 : memref<1x1x128xi32, #tpu.memory_space<hbm>> -> memref<128xi32, #tpu.memory_space<hbm>>
        tpu.wait_dma2 semaphore(%arg20 : memref<!tpu.dma_semaphore, #tpu.memory_space<semaphore_mem>>) src(%dma_wait3A_375 : memref<128xi32, #tpu.memory_space<hbm>>) dst(%dma_wait3A_372 : memref<128xi32, #tpu.memory_space<vmem>>)
        %add3A_376 = arith.constant 2 : i32
        %add3A_377 = arith.addi %add3A_235, %add3A_376 : i32
        %dma_start3A_378 = arith.constant 0 : i32
        %dma_start3A_379 = arith.constant 0 : i32
        %dma_start3A_380 = arith.constant 0 : i32
        %dma_start3A_381 = arith.constant 0 : i32
        %dma_start3A_382 = tpu.memref_slice %arg9[%dma_start3A_379, %dma_start3A_380, %dma_start3A_381] : memref<3x120x128xf32, #tpu.memory_space<vmem>> -> memref<1x120x128xf32, #tpu.memory_space<vmem>>
        %dma_start3A_383 = tpu.memref_squeeze %dma_start3A_382 : memref<1x120x128xf32, #tpu.memory_space<vmem>> -> memref<120x128xf32, #tpu.memory_space<vmem>>
        %dma_start3A_384 = arith.constant 0 : i32
        %dma_start3A_385 = tpu.memref_slice %arg7[%dma_start3A_378, %dma_start3A_384] : memref<8x128xi32, #tpu.memory_space<vmem>> -> memref<1x120xi32, #tpu.memory_space<vmem>>
        %dma_start3A_386 = tpu.memref_squeeze %dma_start3A_385 : memref<1x120xi32, #tpu.memory_space<vmem>> -> memref<120xi32, #tpu.memory_space<vmem>>
        %dma_start3A_387 = arith.constant 0 : i32
        %dma_start3A_388 = arith.constant 0 : i32
        %dma_start3A_389 = tpu.memref_slice %arg2[%dma_start3A_387, %dma_start3A_388] : memref<10000x128xf32, #tpu.memory_space<hbm>> -> memref<10000x128xf32, #tpu.memory_space<hbm>>
        tpu.enqueue_indirect_dma source(%dma_start3A_389 : memref<10000x128xf32, #tpu.memory_space<hbm>>) target(%dma_start3A_383 : memref<120x128xf32, #tpu.memory_space<vmem>>) offsets(%dma_start3A_386 : memref<120xi32, #tpu.memory_space<vmem>>) semaphore(%arg11 : memref<!tpu.dma_semaphore, #tpu.memory_space<semaphore_mem>>)
      } else {
      }
      %add3A_290 = arith.constant 2 : i32
      %add3A_291 = arith.addi %mul3A_181, %add3A_290 : i32
      %ge3A_292 = arith.constant 1 : i32
      %ge3A_293 = arith.cmpi sge, %add3A_291, %ge3A_292 : i32
      %convert_element_type3A_294 = arith.extui %ge3A_293 : i1 to i32
      %cond3A_295 = arith.constant 0 : i32
      %cond3A_296 = arith.cmpi ne, %convert_element_type3A_294, %cond3A_295 : i32
      scf.if %cond3A_296 {
        %dma_wait3A_346 = arith.constant 1 : i32
        %dma_wait3A_347 = arith.constant 1 : i32
        %dma_wait3A_348 = arith.constant 0 : i32
        %dma_wait3A_349 = arith.constant 0 : i32
        %dma_wait3A_350 = tpu.memref_slice %arg9[%dma_wait3A_346, %dma_wait3A_348, %dma_wait3A_349] : memref<3x120x128xf32, #tpu.memory_space<vmem>> -> memref<1x120x128xf32, #tpu.memory_space<vmem>>
        %dma_wait3A_351 = tpu.memref_squeeze %dma_wait3A_350 : memref<1x120x128xf32, #tpu.memory_space<vmem>> -> memref<120x128xf32, #tpu.memory_space<vmem>>
        %dma_wait3A_352 = arith.constant 0 : i32
        %dma_wait3A_353 = tpu.memref_slice %arg8[%dma_wait3A_347, %dma_wait3A_352] : memref<8x128xi32, #tpu.memory_space<vmem>> -> memref<1x120xi32, #tpu.memory_space<vmem>>
        %dma_wait3A_354 = tpu.memref_squeeze %dma_wait3A_353 : memref<1x120xi32, #tpu.memory_space<vmem>> -> memref<120xi32, #tpu.memory_space<vmem>>
        %dma_wait3A_355 = arith.constant 0 : i32
        %dma_wait3A_356 = arith.constant 0 : i32
        %dma_wait3A_357 = tpu.memref_slice %arg10[%dma_wait3A_355, %dma_wait3A_356] : memref<10112x128xf32, #tpu.memory_space<vmem_shared>> -> memref<10112x128xf32, #tpu.memory_space<vmem_shared>>
        tpu.wait_indirect_dma semaphore(%arg15 : memref<!tpu.dma_semaphore, #tpu.memory_space<semaphore_mem>>) src(%dma_wait3A_351 : memref<120x128xf32, #tpu.memory_space<vmem>>) dst(%dma_wait3A_357 : memref<10112x128xf32, #tpu.memory_space<vmem_shared>>)
      } else {
      }
      %dma_wait3A_297 = arith.constant 2 : i32
      %dma_wait3A_298 = arith.constant 2 : i32
      %dma_wait3A_299 = arith.constant 0 : i32
      %dma_wait3A_300 = arith.constant 0 : i32
      %dma_wait3A_301 = tpu.memref_slice %arg9[%dma_wait3A_298, %dma_wait3A_299, %dma_wait3A_300] : memref<3x120x128xf32, #tpu.memory_space<vmem>> -> memref<1x120x128xf32, #tpu.memory_space<vmem>>
      %dma_wait3A_302 = tpu.memref_squeeze %dma_wait3A_301 : memref<1x120x128xf32, #tpu.memory_space<vmem>> -> memref<120x128xf32, #tpu.memory_space<vmem>>
      %dma_wait3A_303 = arith.constant 0 : i32
      %dma_wait3A_304 = tpu.memref_slice %arg7[%dma_wait3A_297, %dma_wait3A_303] : memref<8x128xi32, #tpu.memory_space<vmem>> -> memref<1x120xi32, #tpu.memory_space<vmem>>
      %dma_wait3A_305 = tpu.memref_squeeze %dma_wait3A_304 : memref<1x120xi32, #tpu.memory_space<vmem>> -> memref<120xi32, #tpu.memory_space<vmem>>
      %dma_wait3A_306 = arith.constant 0 : i32
      %dma_wait3A_307 = arith.constant 0 : i32
      %dma_wait3A_308 = tpu.memref_slice %arg2[%dma_wait3A_306, %dma_wait3A_307] : memref<10000x128xf32, #tpu.memory_space<hbm>> -> memref<10000x128xf32, #tpu.memory_space<hbm>>
      tpu.wait_indirect_dma semaphore(%arg13 : memref<!tpu.dma_semaphore, #tpu.memory_space<semaphore_mem>>) src(%dma_wait3A_308 : memref<10000x128xf32, #tpu.memory_space<hbm>>) dst(%dma_wait3A_302 : memref<120x128xf32, #tpu.memory_space<vmem>>)
      %dma_wait3A_309 = arith.constant 2 : i32
      %dma_wait3A_310 = arith.constant 0 : i32
      %dma_wait3A_311 = tpu.memref_slice %arg8[%dma_wait3A_309, %dma_wait3A_310] : memref<8x128xi32, #tpu.memory_space<vmem>> -> memref<1x128xi32, #tpu.memory_space<vmem>>
      %dma_wait3A_312 = tpu.memref_squeeze %dma_wait3A_311 : memref<1x128xi32, #tpu.memory_space<vmem>> -> memref<128xi32, #tpu.memory_space<vmem>>
      %dma_wait3A_313 = arith.constant 0 : i32
      %dma_wait3A_314 = tpu.memref_slice %arg4[%add3A, %add3A_291, %dma_wait3A_313] : memref<32x114x128xi32, #tpu.memory_space<hbm>> -> memref<1x1x128xi32, #tpu.memory_space<hbm>>
      %dma_wait3A_315 = tpu.memref_squeeze %dma_wait3A_314 : memref<1x1x128xi32, #tpu.memory_space<hbm>> -> memref<128xi32, #tpu.memory_space<hbm>>
      %dma_wait3A_316 = arith.constant 0 : i32
      %dma_wait3A_317 = tpu.memref_slice %arg8[%dma_wait3A_309, %dma_wait3A_316] : memref<8x128xi32, #tpu.memory_space<vmem>> -> memref<1x128xi32, #tpu.memory_space<vmem>>
      %dma_wait3A_318 = tpu.memref_squeeze %dma_wait3A_317 : memref<1x128xi32, #tpu.memory_space<vmem>> -> memref<128xi32, #tpu.memory_space<vmem>>
      %dma_wait3A_319 = arith.constant 0 : i32
      %dma_wait3A_320 = tpu.memref_slice %arg4[%add3A, %add3A_291, %dma_wait3A_319] : memref<32x114x128xi32, #tpu.memory_space<hbm>> -> memref<1x1x128xi32, #tpu.memory_space<hbm>>
      %dma_wait3A_321 = tpu.memref_squeeze %dma_wait3A_320 : memref<1x1x128xi32, #tpu.memory_space<hbm>> -> memref<128xi32, #tpu.memory_space<hbm>>
      tpu.wait_dma2 semaphore(%arg19 : memref<!tpu.dma_semaphore, #tpu.memory_space<semaphore_mem>>) src(%dma_wait3A_321 : memref<128xi32, #tpu.memory_space<hbm>>) dst(%dma_wait3A_318 : memref<128xi32, #tpu.memory_space<vmem>>)
      %dma_start3A_322 = arith.constant 2 : i32
      %dma_start3A_323 = arith.constant 2 : i32
      %dma_start3A_324 = arith.constant 0 : i32
      %dma_start3A_325 = arith.constant 0 : i32
      %dma_start3A_326 = tpu.memref_slice %arg9[%dma_start3A_322, %dma_start3A_324, %dma_start3A_325] : memref<3x120x128xf32, #tpu.memory_space<vmem>> -> memref<1x120x128xf32, #tpu.memory_space<vmem>>
      %dma_start3A_327 = tpu.memref_squeeze %dma_start3A_326 : memref<1x120x128xf32, #tpu.memory_space<vmem>> -> memref<120x128xf32, #tpu.memory_space<vmem>>
      %dma_start3A_328 = arith.constant 0 : i32
      %dma_start3A_329 = tpu.memref_slice %arg8[%dma_start3A_323, %dma_start3A_328] : memref<8x128xi32, #tpu.memory_space<vmem>> -> memref<1x120xi32, #tpu.memory_space<vmem>>
      %dma_start3A_330 = tpu.memref_squeeze %dma_start3A_329 : memref<1x120xi32, #tpu.memory_space<vmem>> -> memref<120xi32, #tpu.memory_space<vmem>>
      %dma_start3A_331 = arith.constant 0 : i32
      %dma_start3A_332 = arith.constant 0 : i32
      %dma_start3A_333 = tpu.memref_slice %arg10[%dma_start3A_331, %dma_start3A_332] : memref<10112x128xf32, #tpu.memory_space<vmem_shared>> -> memref<10112x128xf32, #tpu.memory_space<vmem_shared>>
      tpu.enqueue_indirect_dma source(%dma_start3A_327 : memref<120x128xf32, #tpu.memory_space<vmem>>) target(%dma_start3A_333 : memref<10112x128xf32, #tpu.memory_space<vmem_shared>>) offsets(%dma_start3A_330 : memref<120xi32, #tpu.memory_space<vmem>>) semaphore(%arg16 : memref<!tpu.dma_semaphore, #tpu.memory_space<semaphore_mem>>) {add = true}
      %add3A_334 = arith.constant 3 : i32
      %add3A_335 = arith.addi %add3A_291, %add3A_334 : i32
      %lt3A_336 = arith.cmpi slt, %add3A_335, %select_n3A : i32
      %convert_element_type3A_337 = arith.extui %lt3A_336 : i1 to i32
      %cond3A_338 = arith.constant 0 : i32
      %cond3A_339 = arith.cmpi ne, %convert_element_type3A_337, %cond3A_338 : i32
      scf.if %cond3A_339 {
        %add3A_346 = arith.constant 3 : i32
        %add3A_347 = arith.addi %add3A_291, %add3A_346 : i32
        %dma_start3A_348 = arith.constant 2 : i32
        %dma_start3A_349 = arith.constant 0 : i32
        %dma_start3A_350 = tpu.memref_slice %arg7[%dma_start3A_348, %dma_start3A_349] : memref<8x128xi32, #tpu.memory_space<vmem>> -> memref<1x128xi32, #tpu.memory_space<vmem>>
        %dma_start3A_351 = tpu.memref_squeeze %dma_start3A_350 : memref<1x128xi32, #tpu.memory_space<vmem>> -> memref<128xi32, #tpu.memory_space<vmem>>
        %dma_start3A_352 = arith.constant 0 : i32
        %dma_start3A_353 = tpu.memref_slice %arg3[%add3A, %add3A_347, %dma_start3A_352] : memref<32x114x128xi32, #tpu.memory_space<hbm>> -> memref<1x1x128xi32, #tpu.memory_space<hbm>>
        %dma_start3A_354 = tpu.memref_squeeze %dma_start3A_353 : memref<1x1x128xi32, #tpu.memory_space<hbm>> -> memref<128xi32, #tpu.memory_space<hbm>>
        %dma_start3A_355 = arith.constant 0 : i32
        %dma_start3A_356 = tpu.memref_slice %arg7[%dma_start3A_348, %dma_start3A_355] : memref<8x128xi32, #tpu.memory_space<vmem>> -> memref<1x128xi32, #tpu.memory_space<vmem>>
        %dma_start3A_357 = tpu.memref_squeeze %dma_start3A_356 : memref<1x128xi32, #tpu.memory_space<vmem>> -> memref<128xi32, #tpu.memory_space<vmem>>
        %dma_start3A_358 = arith.constant 0 : i32
        %dma_start3A_359 = tpu.memref_slice %arg3[%add3A, %add3A_347, %dma_start3A_358] : memref<32x114x128xi32, #tpu.memory_space<hbm>> -> memref<1x1x128xi32, #tpu.memory_space<hbm>>
        %dma_start3A_360 = tpu.memref_squeeze %dma_start3A_359 : memref<1x1x128xi32, #tpu.memory_space<hbm>> -> memref<128xi32, #tpu.memory_space<hbm>>
        tpu.enqueue_dma source(%dma_start3A_360 : memref<128xi32, #tpu.memory_space<hbm>>) target(%dma_start3A_357 : memref<128xi32, #tpu.memory_space<vmem>>) target_semaphore(%arg22 : memref<!tpu.dma_semaphore, #tpu.memory_space<semaphore_mem>>)
      } else {
      }
      %add3A_340 = arith.constant 2 : i32
      %add3A_341 = arith.addi %add3A_291, %add3A_340 : i32
      %lt3A_342 = arith.cmpi slt, %add3A_341, %select_n3A : i32
      %convert_element_type3A_343 = arith.extui %lt3A_342 : i1 to i32
      %cond3A_344 = arith.constant 0 : i32
      %cond3A_345 = arith.cmpi ne, %convert_element_type3A_343, %cond3A_344 : i32
      scf.if %cond3A_345 {
        %add3A_346 = arith.constant 2 : i32
        %add3A_347 = arith.addi %add3A_291, %add3A_346 : i32
        %dma_start3A_348 = arith.constant 1 : i32
        %dma_start3A_349 = arith.constant 0 : i32
        %dma_start3A_350 = tpu.memref_slice %arg8[%dma_start3A_348, %dma_start3A_349] : memref<8x128xi32, #tpu.memory_space<vmem>> -> memref<1x128xi32, #tpu.memory_space<vmem>>
        %dma_start3A_351 = tpu.memref_squeeze %dma_start3A_350 : memref<1x128xi32, #tpu.memory_space<vmem>> -> memref<128xi32, #tpu.memory_space<vmem>>
        %dma_start3A_352 = arith.constant 0 : i32
        %dma_start3A_353 = tpu.memref_slice %arg4[%add3A, %add3A_347, %dma_start3A_352] : memref<32x114x128xi32, #tpu.memory_space<hbm>> -> memref<1x1x128xi32, #tpu.memory_space<hbm>>
        %dma_start3A_354 = tpu.memref_squeeze %dma_start3A_353 : memref<1x1x128xi32, #tpu.memory_space<hbm>> -> memref<128xi32, #tpu.memory_space<hbm>>
        %dma_start3A_355 = arith.constant 0 : i32
        %dma_start3A_356 = tpu.memref_slice %arg8[%dma_start3A_348, %dma_start3A_355] : memref<8x128xi32, #tpu.memory_space<vmem>> -> memref<1x128xi32, #tpu.memory_space<vmem>>
        %dma_start3A_357 = tpu.memref_squeeze %dma_start3A_356 : memref<1x128xi32, #tpu.memory_space<vmem>> -> memref<128xi32, #tpu.memory_space<vmem>>
        %dma_start3A_358 = arith.constant 0 : i32
        %dma_start3A_359 = tpu.memref_slice %arg4[%add3A, %add3A_347, %dma_start3A_358] : memref<32x114x128xi32, #tpu.memory_space<hbm>> -> memref<1x1x128xi32, #tpu.memory_space<hbm>>
        %dma_start3A_360 = tpu.memref_squeeze %dma_start3A_359 : memref<1x1x128xi32, #tpu.memory_space<hbm>> -> memref<128xi32, #tpu.memory_space<hbm>>
        tpu.enqueue_dma source(%dma_start3A_360 : memref<128xi32, #tpu.memory_space<hbm>>) target(%dma_start3A_357 : memref<128xi32, #tpu.memory_space<vmem>>) target_semaphore(%arg18 : memref<!tpu.dma_semaphore, #tpu.memory_space<semaphore_mem>>)
        %add3A_361 = arith.constant 2 : i32
        %add3A_362 = arith.addi %add3A_291, %add3A_361 : i32
        %dma_wait3A_363 = arith.constant 1 : i32
        %dma_wait3A_364 = arith.constant 0 : i32
        %dma_wait3A_365 = tpu.memref_slice %arg7[%dma_wait3A_363, %dma_wait3A_364] : memref<8x128xi32, #tpu.memory_space<vmem>> -> memref<1x128xi32, #tpu.memory_space<vmem>>
        %dma_wait3A_366 = tpu.memref_squeeze %dma_wait3A_365 : memref<1x128xi32, #tpu.memory_space<vmem>> -> memref<128xi32, #tpu.memory_space<vmem>>
        %dma_wait3A_367 = arith.constant 0 : i32
        %dma_wait3A_368 = tpu.memref_slice %arg3[%add3A, %add3A_362, %dma_wait3A_367] : memref<32x114x128xi32, #tpu.memory_space<hbm>> -> memref<1x1x128xi32, #tpu.memory_space<hbm>>
        %dma_wait3A_369 = tpu.memref_squeeze %dma_wait3A_368 : memref<1x1x128xi32, #tpu.memory_space<hbm>> -> memref<128xi32, #tpu.memory_space<hbm>>
        %dma_wait3A_370 = arith.constant 0 : i32
        %dma_wait3A_371 = tpu.memref_slice %arg7[%dma_wait3A_363, %dma_wait3A_370] : memref<8x128xi32, #tpu.memory_space<vmem>> -> memref<1x128xi32, #tpu.memory_space<vmem>>
        %dma_wait3A_372 = tpu.memref_squeeze %dma_wait3A_371 : memref<1x128xi32, #tpu.memory_space<vmem>> -> memref<128xi32, #tpu.memory_space<vmem>>
        %dma_wait3A_373 = arith.constant 0 : i32
        %dma_wait3A_374 = tpu.memref_slice %arg3[%add3A, %add3A_362, %dma_wait3A_373] : memref<32x114x128xi32, #tpu.memory_space<hbm>> -> memref<1x1x128xi32, #tpu.memory_space<hbm>>
        %dma_wait3A_375 = tpu.memref_squeeze %dma_wait3A_374 : memref<1x1x128xi32, #tpu.memory_space<hbm>> -> memref<128xi32, #tpu.memory_space<hbm>>
        tpu.wait_dma2 semaphore(%arg21 : memref<!tpu.dma_semaphore, #tpu.memory_space<semaphore_mem>>) src(%dma_wait3A_375 : memref<128xi32, #tpu.memory_space<hbm>>) dst(%dma_wait3A_372 : memref<128xi32, #tpu.memory_space<vmem>>)
        %add3A_376 = arith.constant 2 : i32
        %add3A_377 = arith.addi %add3A_291, %add3A_376 : i32
        %dma_start3A_378 = arith.constant 1 : i32
        %dma_start3A_379 = arith.constant 1 : i32
        %dma_start3A_380 = arith.constant 0 : i32
        %dma_start3A_381 = arith.constant 0 : i32
        %dma_start3A_382 = tpu.memref_slice %arg9[%dma_start3A_379, %dma_start3A_380, %dma_start3A_381] : memref<3x120x128xf32, #tpu.memory_space<vmem>> -> memref<1x120x128xf32, #tpu.memory_space<vmem>>
        %dma_start3A_383 = tpu.memref_squeeze %dma_start3A_382 : memref<1x120x128xf32, #tpu.memory_space<vmem>> -> memref<120x128xf32, #tpu.memory_space<vmem>>
        %dma_start3A_384 = arith.constant 0 : i32
        %dma_start3A_385 = tpu.memref_slice %arg7[%dma_start3A_378, %dma_start3A_384] : memref<8x128xi32, #tpu.memory_space<vmem>> -> memref<1x120xi32, #tpu.memory_space<vmem>>
        %dma_start3A_386 = tpu.memref_squeeze %dma_start3A_385 : memref<1x120xi32, #tpu.memory_space<vmem>> -> memref<120xi32, #tpu.memory_space<vmem>>
        %dma_start3A_387 = arith.constant 0 : i32
        %dma_start3A_388 = arith.constant 0 : i32
        %dma_start3A_389 = tpu.memref_slice %arg2[%dma_start3A_387, %dma_start3A_388] : memref<10000x128xf32, #tpu.memory_space<hbm>> -> memref<10000x128xf32, #tpu.memory_space<hbm>>
        tpu.enqueue_indirect_dma source(%dma_start3A_389 : memref<10000x128xf32, #tpu.memory_space<hbm>>) target(%dma_start3A_383 : memref<120x128xf32, #tpu.memory_space<vmem>>) offsets(%dma_start3A_386 : memref<120xi32, #tpu.memory_space<vmem>>) semaphore(%arg12 : memref<!tpu.dma_semaphore, #tpu.memory_space<semaphore_mem>>)
      } else {
      }
    }
    %dma_wait3A_162 = arith.constant 2 : i32
    %dma_wait3A_163 = arith.constant 2 : i32
    %dma_wait3A_164 = arith.constant 0 : i32
    %dma_wait3A_165 = arith.constant 0 : i32
    %dma_wait3A_166 = tpu.memref_slice %arg9[%dma_wait3A_162, %dma_wait3A_164, %dma_wait3A_165] : memref<3x120x128xf32, #tpu.memory_space<vmem>> -> memref<1x120x128xf32, #tpu.memory_space<vmem>>
    %dma_wait3A_167 = tpu.memref_squeeze %dma_wait3A_166 : memref<1x120x128xf32, #tpu.memory_space<vmem>> -> memref<120x128xf32, #tpu.memory_space<vmem>>
    %dma_wait3A_168 = arith.constant 0 : i32
    %dma_wait3A_169 = tpu.memref_slice %arg8[%dma_wait3A_163, %dma_wait3A_168] : memref<8x128xi32, #tpu.memory_space<vmem>> -> memref<1x120xi32, #tpu.memory_space<vmem>>
    %dma_wait3A_170 = tpu.memref_squeeze %dma_wait3A_169 : memref<1x120xi32, #tpu.memory_space<vmem>> -> memref<120xi32, #tpu.memory_space<vmem>>
    %dma_wait3A_171 = arith.constant 0 : i32
    %dma_wait3A_172 = arith.constant 0 : i32
    %dma_wait3A_173 = tpu.memref_slice %arg10[%dma_wait3A_171, %dma_wait3A_172] : memref<10112x128xf32, #tpu.memory_space<vmem_shared>> -> memref<10112x128xf32, #tpu.memory_space<vmem_shared>>
    tpu.wait_indirect_dma semaphore(%arg16 : memref<!tpu.dma_semaphore, #tpu.memory_space<semaphore_mem>>) src(%dma_wait3A_167 : memref<120x128xf32, #tpu.memory_space<vmem>>) dst(%dma_wait3A_173 : memref<10112x128xf32, #tpu.memory_space<vmem_shared>>)
    %barrier3A_174 = arith.constant 0 : index
    tpu.barrier barrier_id(%barrier3A_174)
    %mul3A_175 = arith.constant 632 : i32
    %mul3A_176 = arith.muli %arg1, %mul3A_175 : i32
    %mul3A_177 = arith.constant 632 : i32
    %mul3A_178 = arith.muli %arg1, %mul3A_177 : i32
    "tpu.region"() ({
      %run_scoped3A = tpu.sem_alloc : memref<!tpu.dma_semaphore, #tpu.memory_space<semaphore_mem>>
      %dma_start3A_179 = arith.constant 0 : i32
      %dma_start3A_180 = tpu.memref_slice %arg6[%arg0, %mul3A_178, %dma_start3A_179] : memref<2x10112x128xf32, #tpu.memory_space<hbm>> -> memref<1x632x128xf32, #tpu.memory_space<hbm>>
      %dma_start3A_181 = tpu.memref_squeeze %dma_start3A_180 : memref<1x632x128xf32, #tpu.memory_space<hbm>> -> memref<632x128xf32, #tpu.memory_space<hbm>>
      %dma_start3A_182 = arith.constant 0 : i32
      %dma_start3A_183 = tpu.memref_slice %arg10[%mul3A_176, %dma_start3A_182] : memref<10112x128xf32, #tpu.memory_space<vmem_shared>> -> memref<632x128xf32, #tpu.memory_space<vmem_shared>>
      tpu.enqueue_dma source(%dma_start3A_183 : memref<632x128xf32, #tpu.memory_space<vmem_shared>>) target(%dma_start3A_181 : memref<632x128xf32, #tpu.memory_space<hbm>>) target_semaphore(%run_scoped3A : memref<!tpu.dma_semaphore, #tpu.memory_space<semaphore_mem>>)
      %dma_wait3A_184 = arith.constant 0 : i32
      %dma_wait3A_185 = tpu.memref_slice %arg6[%arg0, %mul3A_178, %dma_wait3A_184] : memref<2x10112x128xf32, #tpu.memory_space<hbm>> -> memref<1x632x128xf32, #tpu.memory_space<hbm>>
      %dma_wait3A_186 = tpu.memref_squeeze %dma_wait3A_185 : memref<1x632x128xf32, #tpu.memory_space<hbm>> -> memref<632x128xf32, #tpu.memory_space<hbm>>
      %dma_wait3A_187 = arith.constant 0 : i32
      %dma_wait3A_188 = tpu.memref_slice %arg10[%mul3A_176, %dma_wait3A_187] : memref<10112x128xf32, #tpu.memory_space<vmem_shared>> -> memref<632x128xf32, #tpu.memory_space<vmem_shared>>
      tpu.wait_dma2 semaphore(%run_scoped3A : memref<!tpu.dma_semaphore, #tpu.memory_space<semaphore_mem>>) src(%dma_wait3A_188 : memref<632x128xf32, #tpu.memory_space<vmem_shared>>) dst(%dma_wait3A_186 : memref<632x128xf32, #tpu.memory_space<hbm>>)
      tpu.yield
    }) : () -> ()
    return
  }
}

module attributes {stable_mosaic.version = 14 : i64} {
  func.func @_mlp1_body(%arg0: i32, %arg1: memref<2000x128xf32, #tpu.memory_space<vmem>>, %arg2: memref<2000x128xf32, #tpu.memory_space<vmem>>, %arg3: memref<2000x128xf32, #tpu.memory_space<vmem>>, %arg4: memref<128x256xf32, #tpu.memory_space<vmem>>, %arg5: memref<1x256xf32, #tpu.memory_space<vmem>>, %arg6: memref<2000x256xf32, #tpu.memory_space<vmem>>, %arg7: memref<8x256xf32, #tpu.memory_space<vmem>>) attributes {dimension_semantics = [#tpu.dimension_semantics<arbitrary>], iteration_bounds = array<i64: 5>, scalar_prefetch = 0 : i64, scratch_operands = 0 : i64, tpu.core_type = #tpu.core_type<tc>, window_params = [{transform_indices = @transform_0, window_bounds = array<i64: 2000, 128>}, {transform_indices = @transform_1, window_bounds = array<i64: 2000, 128>}, {transform_indices = @transform_2, window_bounds = array<i64: 2000, 128>}, {pipeline_mode = #tpu.pipeline_mode<synchronous>, transform_indices = @transform_3, window_bounds = array<i64: 128, 256>}, {pipeline_mode = #tpu.pipeline_mode<synchronous>, transform_indices = @transform_4, window_bounds = array<i64: 1, 256>}, {transform_indices = @transform_5, window_bounds = array<i64: 2000, 256>}, {pipeline_mode = #tpu.pipeline_mode<synchronous>, transform_indices = @transform_6, window_bounds = array<i64: 8, 256>}]} {
    %get3A = arith.constant 0 : index
    %get3A_0 = arith.constant 0 : index
    %get3A_1 = vector.load %arg1[%get3A, %get3A_0] : memref<2000x128xf32, #tpu.memory_space<vmem>>, vector<2000x128xf32>
    %get3A_2 = arith.constant 0 : index
    %get3A_3 = arith.constant 0 : index
    %get3A_4 = vector.load %arg2[%get3A_2, %get3A_3] : memref<2000x128xf32, #tpu.memory_space<vmem>>, vector<2000x128xf32>
    %add3A = arith.addf %get3A_1, %get3A_4 : vector<2000x128xf32>
    %get3A_5 = arith.constant 0 : index
    %get3A_6 = arith.constant 0 : index
    %get3A_7 = vector.load %arg3[%get3A_5, %get3A_6] : memref<2000x128xf32, #tpu.memory_space<vmem>>, vector<2000x128xf32>
    %add3A_8 = arith.addf %add3A, %get3A_7 : vector<2000x128xf32>
    %get3A_9 = arith.constant 0 : index
    %get3A_10 = arith.constant 0 : index
    %get3A_11 = vector.load %arg4[%get3A_9, %get3A_10] : memref<128x256xf32, #tpu.memory_space<vmem>>, vector<128x256xf32>
    %dot_general3A = arith.constant dense<0.000000e+00> : vector<2000x256xf32>
    %dot_general3A_12 = tpu.matmul %add3A_8, %get3A_11, %dot_general3A {dimension_numbers = #tpu.dot_dimension_numbers<[1], [0], [0], [1], [0, 0, 1, 1], [], []>, transpose_lhs_hint = false} : vector<2000x128xf32>, vector<128x256xf32>, vector<2000x256xf32> -> vector<2000x256xf32>
    %get3A_13 = arith.constant 0 : index
    %get3A_14 = arith.constant 0 : index
    %get3A_15 = vector.load %arg5[%get3A_13, %get3A_14] : memref<1x256xf32, #tpu.memory_space<vmem>>, vector<1x256xf32>
    %add3A_16 = vector.broadcast %get3A_15 : vector<1x256xf32> to vector<2000x256xf32>
    %add3A_17 = arith.addf %dot_general3A_12, %add3A_16 : vector<2000x256xf32>
    %swap3A = arith.constant 0 : index
    %swap3A_18 = arith.constant 0 : index
    %swap3A_19 = vector.load %arg6[%swap3A, %swap3A_18] : memref<2000x256xf32, #tpu.memory_space<vmem>>, vector<2000x256xf32>
    tpu.vector_store %arg6[%swap3A, %swap3A_18], %add3A_17 {strides = array<i32>} : memref<2000x256xf32, #tpu.memory_space<vmem>>, vector<2000x256xf32>,
    %eq3A = arith.constant 0 : i32
    %eq3A_20 = arith.cmpi eq, %arg0, %eq3A : i32
    %convert_element_type3A = arith.extui %eq3A_20 : i1 to i32
    %cond3A = arith.constant 0 : i32
    %cond3A_21 = arith.cmpi ne, %convert_element_type3A, %cond3A : i32
    scf.if %cond3A_21 {
      %broadcast_in_dim3A_35 = arith.constant 0.000000e+00 : f32
      %broadcast_in_dim3A_36 = vector.broadcast %broadcast_in_dim3A_35 : f32 to vector<8x256xf32>
      %swap3A_37 = arith.constant 0 : index
      %swap3A_38 = arith.constant 0 : index
      %swap3A_39 = vector.load %arg7[%swap3A_37, %swap3A_38] : memref<8x256xf32, #tpu.memory_space<vmem>>, vector<8x256xf32>
      tpu.vector_store %arg7[%swap3A_37, %swap3A_38], %broadcast_in_dim3A_36 {strides = array<i32>} : memref<8x256xf32, #tpu.memory_space<vmem>>, vector<8x256xf32>,
    } else {
    }
    %reduce_sum3A = arith.constant dense<0.000000e+00> : vector<256xf32>
    %reduce_sum3A_22 = vector.multi_reduction <add>, %add3A_17, %reduce_sum3A [0] : vector<2000x256xf32> to vector<256xf32>
    %broadcast_in_dim3A = vector.shape_cast %reduce_sum3A_22 : vector<256xf32> to vector<1x256xf32>
    %mul3A = arith.mulf %add3A_17, %add3A_17 : vector<2000x256xf32>
    %reduce_sum3A_23 = arith.constant dense<0.000000e+00> : vector<256xf32>
    %reduce_sum3A_24 = vector.multi_reduction <add>, %mul3A, %reduce_sum3A_23 [0] : vector<2000x256xf32> to vector<256xf32>
    %broadcast_in_dim3A_25 = vector.shape_cast %reduce_sum3A_24 : vector<256xf32> to vector<1x256xf32>
    %broadcast_in_dim3A_26 = arith.constant 0.000000e+00 : f32
    %broadcast_in_dim3A_27 = vector.broadcast %broadcast_in_dim3A_26 : f32 to vector<6x256xf32>
    %concatenate3A = tpu.concatenate %broadcast_in_dim3A, %broadcast_in_dim3A_25, %broadcast_in_dim3A_27 in 0 : vector<1x256xf32>, vector<1x256xf32>, vector<6x256xf32> -> vector<8x256xf32>
    %get3A_28 = arith.constant 0 : index
    %get3A_29 = arith.constant 0 : index
    %get3A_30 = vector.load %arg7[%get3A_28, %get3A_29] : memref<8x256xf32, #tpu.memory_space<vmem>>, vector<8x256xf32>
    %add3A_31 = arith.addf %get3A_30, %concatenate3A : vector<8x256xf32>
    %swap3A_32 = arith.constant 0 : index
    %swap3A_33 = arith.constant 0 : index
    %swap3A_34 = vector.load %arg7[%swap3A_32, %swap3A_33] : memref<8x256xf32, #tpu.memory_space<vmem>>, vector<8x256xf32>
    tpu.vector_store %arg7[%swap3A_32, %swap3A_33], %add3A_31 {strides = array<i32>} : memref<8x256xf32, #tpu.memory_space<vmem>>, vector<8x256xf32>,
    return
  }
  func.func @transform_0(%arg0: i32) -> (i32, i32) {
    %c0_i32 = arith.constant 0 : i32
    %c0_i32_0 = arith.constant 0 : i32
    return %arg0, %c0_i32 : i32, i32
  }
  func.func @transform_1(%arg0: i32) -> (i32, i32) {
    %c0_i32 = arith.constant 0 : i32
    %c0_i32_0 = arith.constant 0 : i32
    return %arg0, %c0_i32 : i32, i32
  }
  func.func @transform_2(%arg0: i32) -> (i32, i32) {
    %c0_i32 = arith.constant 0 : i32
    %c0_i32_0 = arith.constant 0 : i32
    return %arg0, %c0_i32 : i32, i32
  }
  func.func @transform_3(%arg0: i32) -> (i32, i32) {
    %c0_i32 = arith.constant 0 : i32
    %c0_i32_0 = arith.constant 0 : i32
    %c0_i32_1 = arith.constant 0 : i32
    return %c0_i32, %c0_i32_0 : i32, i32
  }
  func.func @transform_4(%arg0: i32) -> (i32, i32) {
    %c0_i32 = arith.constant 0 : i32
    %c0_i32_0 = arith.constant 0 : i32
    %c0_i32_1 = arith.constant 0 : i32
    return %c0_i32, %c0_i32_0 : i32, i32
  }
  func.func @transform_5(%arg0: i32) -> (i32, i32) {
    %c0_i32 = arith.constant 0 : i32
    %c0_i32_0 = arith.constant 0 : i32
    return %arg0, %c0_i32 : i32, i32
  }
  func.func @transform_6(%arg0: i32) -> (i32, i32) {
    %c0_i32 = arith.constant 0 : i32
    %c0_i32_0 = arith.constant 0 : i32
    %c0_i32_1 = arith.constant 0 : i32
    return %c0_i32, %c0_i32_0 : i32, i32
  }
}

module attributes {stable_mosaic.version = 14 : i64} {
  func.func @_mlp2_body(%arg0: i32, %arg1: memref<2000x256xf32, #tpu.memory_space<vmem>>, %arg2: memref<8x256xf32, #tpu.memory_space<vmem>>, %arg3: memref<1x256xf32, #tpu.memory_space<vmem>>, %arg4: memref<1x256xf32, #tpu.memory_space<vmem>>, %arg5: memref<256x128xf32, #tpu.memory_space<vmem>>, %arg6: memref<1x128xf32, #tpu.memory_space<vmem>>, %arg7: memref<2000x128xf32, #tpu.memory_space<vmem>>) attributes {dimension_semantics = [#tpu.dimension_semantics<arbitrary>], iteration_bounds = array<i64: 5>, scalar_prefetch = 0 : i64, scratch_operands = 0 : i64, tpu.core_type = #tpu.core_type<tc>, window_params = [{transform_indices = @transform_0, window_bounds = array<i64: 2000, 256>}, {pipeline_mode = #tpu.pipeline_mode<synchronous>, transform_indices = @transform_1, window_bounds = array<i64: 8, 256>}, {pipeline_mode = #tpu.pipeline_mode<synchronous>, transform_indices = @transform_2, window_bounds = array<i64: 1, 256>}, {pipeline_mode = #tpu.pipeline_mode<synchronous>, transform_indices = @transform_3, window_bounds = array<i64: 1, 256>}, {pipeline_mode = #tpu.pipeline_mode<synchronous>, transform_indices = @transform_4, window_bounds = array<i64: 256, 128>}, {pipeline_mode = #tpu.pipeline_mode<synchronous>, transform_indices = @transform_5, window_bounds = array<i64: 1, 128>}, {transform_indices = @transform_6, window_bounds = array<i64: 2000, 128>}]} {
    %get3A = arith.constant 0 : index
    %get3A_0 = arith.constant 0 : index
    %get3A_1 = vector.load %arg2[%get3A, %get3A_0] : memref<8x256xf32, #tpu.memory_space<vmem>>, vector<1x256xf32>
    %mul3A = arith.constant 9.99999974E-5 : f32
    %mul3A_2 = vector.broadcast %mul3A : f32 to vector<1x256xf32>
    %mul3A_3 = arith.mulf %get3A_1, %mul3A_2 : vector<1x256xf32>
    %get3A_4 = arith.constant 1 : index
    %get3A_5 = arith.constant 0 : index
    %get3A_6 = vector.load %arg2[%get3A_4, %get3A_5] : memref<8x256xf32, #tpu.memory_space<vmem>>, vector<1x256xf32>
    %mul3A_7 = arith.constant 9.99999974E-5 : f32
    %mul3A_8 = vector.broadcast %mul3A_7 : f32 to vector<1x256xf32>
    %mul3A_9 = arith.mulf %get3A_6, %mul3A_8 : vector<1x256xf32>
    %mul3A_10 = arith.mulf %mul3A_3, %mul3A_3 : vector<1x256xf32>
    %sub3A = arith.subf %mul3A_9, %mul3A_10 : vector<1x256xf32>
    %add3A = arith.constant 9.99999974E-6 : f32
    %add3A_11 = vector.broadcast %add3A : f32 to vector<1x256xf32>
    %add3A_12 = arith.addf %sub3A, %add3A_11 : vector<1x256xf32>
    %rsqrt3A = math.rsqrt %add3A_12 : vector<1x256xf32>
    %get3A_13 = arith.constant 0 : index
    %get3A_14 = arith.constant 0 : index
    %get3A_15 = vector.load %arg3[%get3A_13, %get3A_14] : memref<1x256xf32, #tpu.memory_space<vmem>>, vector<1x256xf32>
    %mul3A_16 = arith.mulf %rsqrt3A, %get3A_15 : vector<1x256xf32>
    %get3A_17 = arith.constant 0 : index
    %get3A_18 = arith.constant 0 : index
    %get3A_19 = vector.load %arg1[%get3A_17, %get3A_18] : memref<2000x256xf32, #tpu.memory_space<vmem>>, vector<2000x256xf32>
    %sub3A_20 = vector.broadcast %mul3A_3 : vector<1x256xf32> to vector<2000x256xf32>
    %sub3A_21 = arith.subf %get3A_19, %sub3A_20 : vector<2000x256xf32>
    %mul3A_22 = vector.broadcast %mul3A_16 : vector<1x256xf32> to vector<2000x256xf32>
    %mul3A_23 = arith.mulf %sub3A_21, %mul3A_22 : vector<2000x256xf32>
    %get3A_24 = arith.constant 0 : index
    %get3A_25 = arith.constant 0 : index
    %get3A_26 = vector.load %arg4[%get3A_24, %get3A_25] : memref<1x256xf32, #tpu.memory_space<vmem>>, vector<1x256xf32>
    %add3A_27 = vector.broadcast %get3A_26 : vector<1x256xf32> to vector<2000x256xf32>
    %add3A_28 = arith.addf %mul3A_23, %add3A_27 : vector<2000x256xf32>
    %max3A = arith.constant 0.000000e+00 : f32
    %max3A_29 = vector.broadcast %max3A : f32 to vector<2000x256xf32>
    %max3A_30 = arith.maximumf %add3A_28, %max3A_29 : vector<2000x256xf32>
    %get3A_31 = arith.constant 0 : index
    %get3A_32 = arith.constant 0 : index
    %get3A_33 = vector.load %arg5[%get3A_31, %get3A_32] : memref<256x128xf32, #tpu.memory_space<vmem>>, vector<256x128xf32>
    %dot_general3A = arith.constant dense<0.000000e+00> : vector<2000x128xf32>
    %dot_general3A_34 = tpu.matmul %max3A_30, %get3A_33, %dot_general3A {dimension_numbers = #tpu.dot_dimension_numbers<[1], [0], [0], [1], [0, 0, 1, 1], [], []>, transpose_lhs_hint = false} : vector<2000x256xf32>, vector<256x128xf32>, vector<2000x128xf32> -> vector<2000x128xf32>
    %get3A_35 = arith.constant 0 : index
    %get3A_36 = arith.constant 0 : index
    %get3A_37 = vector.load %arg6[%get3A_35, %get3A_36] : memref<1x128xf32, #tpu.memory_space<vmem>>, vector<1x128xf32>
    %add3A_38 = vector.broadcast %get3A_37 : vector<1x128xf32> to vector<2000x128xf32>
    %add3A_39 = arith.addf %dot_general3A_34, %add3A_38 : vector<2000x128xf32>
    %swap3A = arith.constant 0 : index
    %swap3A_40 = arith.constant 0 : index
    %swap3A_41 = vector.load %arg7[%swap3A, %swap3A_40] : memref<2000x128xf32, #tpu.memory_space<vmem>>, vector<2000x128xf32>
    tpu.vector_store %arg7[%swap3A, %swap3A_40], %add3A_39 {strides = array<i32>} : memref<2000x128xf32, #tpu.memory_space<vmem>>, vector<2000x128xf32>,
    return
  }
  func.func @transform_0(%arg0: i32) -> (i32, i32) {
    %c0_i32 = arith.constant 0 : i32
    %c0_i32_0 = arith.constant 0 : i32
    return %arg0, %c0_i32 : i32, i32
  }
  func.func @transform_1(%arg0: i32) -> (i32, i32) {
    %c0_i32 = arith.constant 0 : i32
    %c0_i32_0 = arith.constant 0 : i32
    %c0_i32_1 = arith.constant 0 : i32
    return %c0_i32, %c0_i32_0 : i32, i32
  }
  func.func @transform_2(%arg0: i32) -> (i32, i32) {
    %c0_i32 = arith.constant 0 : i32
    %c0_i32_0 = arith.constant 0 : i32
    %c0_i32_1 = arith.constant 0 : i32
    return %c0_i32, %c0_i32_0 : i32, i32
  }
  func.func @transform_3(%arg0: i32) -> (i32, i32) {
    %c0_i32 = arith.constant 0 : i32
    %c0_i32_0 = arith.constant 0 : i32
    %c0_i32_1 = arith.constant 0 : i32
    return %c0_i32, %c0_i32_0 : i32, i32
  }
  func.func @transform_4(%arg0: i32) -> (i32, i32) {
    %c0_i32 = arith.constant 0 : i32
    %c0_i32_0 = arith.constant 0 : i32
    %c0_i32_1 = arith.constant 0 : i32
    return %c0_i32, %c0_i32_0 : i32, i32
  }
  func.func @transform_5(%arg0: i32) -> (i32, i32) {
    %c0_i32 = arith.constant 0 : i32
    %c0_i32_0 = arith.constant 0 : i32
    %c0_i32_1 = arith.constant 0 : i32
    return %c0_i32, %c0_i32_0 : i32, i32
  }
  func.func @transform_6(%arg0: i32) -> (i32, i32) {
    %c0_i32 = arith.constant 0 : i32
    %c0_i32_0 = arith.constant 0 : i32
    return %arg0, %c0_i32 : i32, i32
  }
}

module attributes {stable_mosaic.version = 14 : i64} {
  func.func @_mlp1_dual_body(%arg0: i32, %arg1: memref<2000x128xf32, #tpu.memory_space<vmem>>, %arg2: memref<2000x128xf32, #tpu.memory_space<vmem>>, %arg3: memref<2000x128xf32, #tpu.memory_space<vmem>>, %arg4: memref<128x256xf32, #tpu.memory_space<vmem>>, %arg5: memref<1x256xf32, #tpu.memory_space<vmem>>, %arg6: memref<128x256xf32, #tpu.memory_space<vmem>>, %arg7: memref<1x256xf32, #tpu.memory_space<vmem>>, %arg8: memref<2000x256xf32, #tpu.memory_space<vmem>>, %arg9: memref<2000x256xf32, #tpu.memory_space<vmem>>, %arg10: memref<8x256xf32, #tpu.memory_space<vmem>>) attributes {dimension_semantics = [#tpu.dimension_semantics<arbitrary>], iteration_bounds = array<i64: 5>, scalar_prefetch = 0 : i64, scratch_operands = 0 : i64, tpu.core_type = #tpu.core_type<tc>, window_params = [{transform_indices = @transform_0, window_bounds = array<i64: 2000, 128>}, {transform_indices = @transform_1, window_bounds = array<i64: 2000, 128>}, {transform_indices = @transform_2, window_bounds = array<i64: 2000, 128>}, {pipeline_mode = #tpu.pipeline_mode<synchronous>, transform_indices = @transform_3, window_bounds = array<i64: 128, 256>}, {pipeline_mode = #tpu.pipeline_mode<synchronous>, transform_indices = @transform_4, window_bounds = array<i64: 1, 256>}, {pipeline_mode = #tpu.pipeline_mode<synchronous>, transform_indices = @transform_5, window_bounds = array<i64: 128, 256>}, {pipeline_mode = #tpu.pipeline_mode<synchronous>, transform_indices = @transform_6, window_bounds = array<i64: 1, 256>}, {transform_indices = @transform_7, window_bounds = array<i64: 2000, 256>}, {transform_indices = @transform_8, window_bounds = array<i64: 2000, 256>}, {pipeline_mode = #tpu.pipeline_mode<synchronous>, transform_indices = @transform_9, window_bounds = array<i64: 8, 256>}]} {
    %get3A = arith.constant 0 : index
    %get3A_0 = arith.constant 0 : index
    %get3A_1 = vector.load %arg1[%get3A, %get3A_0] : memref<2000x128xf32, #tpu.memory_space<vmem>>, vector<2000x128xf32>
    %get3A_2 = arith.constant 0 : index
    %get3A_3 = arith.constant 0 : index
    %get3A_4 = vector.load %arg2[%get3A_2, %get3A_3] : memref<2000x128xf32, #tpu.memory_space<vmem>>, vector<2000x128xf32>
    %add3A = arith.addf %get3A_1, %get3A_4 : vector<2000x128xf32>
    %get3A_5 = arith.constant 0 : index
    %get3A_6 = arith.constant 0 : index
    %get3A_7 = vector.load %arg3[%get3A_5, %get3A_6] : memref<2000x128xf32, #tpu.memory_space<vmem>>, vector<2000x128xf32>
    %add3A_8 = arith.addf %add3A, %get3A_7 : vector<2000x128xf32>
    %get3A_9 = arith.constant 0 : index
    %get3A_10 = arith.constant 0 : index
    %get3A_11 = vector.load %arg4[%get3A_9, %get3A_10] : memref<128x256xf32, #tpu.memory_space<vmem>>, vector<128x256xf32>
    %dot_general3A = arith.constant dense<0.000000e+00> : vector<2000x256xf32>
    %dot_general3A_12 = tpu.matmul %add3A_8, %get3A_11, %dot_general3A {dimension_numbers = #tpu.dot_dimension_numbers<[1], [0], [0], [1], [0, 0, 1, 1], [], []>, transpose_lhs_hint = false} : vector<2000x128xf32>, vector<128x256xf32>, vector<2000x256xf32> -> vector<2000x256xf32>
    %get3A_13 = arith.constant 0 : index
    %get3A_14 = arith.constant 0 : index
    %get3A_15 = vector.load %arg5[%get3A_13, %get3A_14] : memref<1x256xf32, #tpu.memory_space<vmem>>, vector<1x256xf32>
    %add3A_16 = vector.broadcast %get3A_15 : vector<1x256xf32> to vector<2000x256xf32>
    %add3A_17 = arith.addf %dot_general3A_12, %add3A_16 : vector<2000x256xf32>
    %get3A_18 = arith.constant 0 : index
    %get3A_19 = arith.constant 0 : index
    %get3A_20 = vector.load %arg6[%get3A_18, %get3A_19] : memref<128x256xf32, #tpu.memory_space<vmem>>, vector<128x256xf32>
    %dot_general3A_21 = arith.constant dense<0.000000e+00> : vector<2000x256xf32>
    %dot_general3A_22 = tpu.matmul %add3A_8, %get3A_20, %dot_general3A_21 {dimension_numbers = #tpu.dot_dimension_numbers<[1], [0], [0], [1], [0, 0, 1, 1], [], []>, transpose_lhs_hint = false} : vector<2000x128xf32>, vector<128x256xf32>, vector<2000x256xf32> -> vector<2000x256xf32>
    %get3A_23 = arith.constant 0 : index
    %get3A_24 = arith.constant 0 : index
    %get3A_25 = vector.load %arg7[%get3A_23, %get3A_24] : memref<1x256xf32, #tpu.memory_space<vmem>>, vector<1x256xf32>
    %add3A_26 = vector.broadcast %get3A_25 : vector<1x256xf32> to vector<2000x256xf32>
    %add3A_27 = arith.addf %dot_general3A_22, %add3A_26 : vector<2000x256xf32>
    %swap3A = arith.constant 0 : index
    %swap3A_28 = arith.constant 0 : index
    %swap3A_29 = vector.load %arg8[%swap3A, %swap3A_28] : memref<2000x256xf32, #tpu.memory_space<vmem>>, vector<2000x256xf32>
    tpu.vector_store %arg8[%swap3A, %swap3A_28], %add3A_17 {strides = array<i32>} : memref<2000x256xf32, #tpu.memory_space<vmem>>, vector<2000x256xf32>,
    %swap3A_30 = arith.constant 0 : index
    %swap3A_31 = arith.constant 0 : index
    %swap3A_32 = vector.load %arg9[%swap3A_30, %swap3A_31] : memref<2000x256xf32, #tpu.memory_space<vmem>>, vector<2000x256xf32>
    tpu.vector_store %arg9[%swap3A_30, %swap3A_31], %add3A_27 {strides = array<i32>} : memref<2000x256xf32, #tpu.memory_space<vmem>>, vector<2000x256xf32>,
    %eq3A = arith.constant 0 : i32
    %eq3A_33 = arith.cmpi eq, %arg0, %eq3A : i32
    %convert_element_type3A = arith.extui %eq3A_33 : i1 to i32
    %cond3A = arith.constant 0 : i32
    %cond3A_34 = arith.cmpi ne, %convert_element_type3A, %cond3A : i32
    scf.if %cond3A_34 {
      %broadcast_in_dim3A_55 = arith.constant 0.000000e+00 : f32
      %broadcast_in_dim3A_56 = vector.broadcast %broadcast_in_dim3A_55 : f32 to vector<8x256xf32>
      %swap3A_57 = arith.constant 0 : index
      %swap3A_58 = arith.constant 0 : index
      %swap3A_59 = vector.load %arg10[%swap3A_57, %swap3A_58] : memref<8x256xf32, #tpu.memory_space<vmem>>, vector<8x256xf32>
      tpu.vector_store %arg10[%swap3A_57, %swap3A_58], %broadcast_in_dim3A_56 {strides = array<i32>} : memref<8x256xf32, #tpu.memory_space<vmem>>, vector<8x256xf32>,
    } else {
    }
    %reduce_sum3A = arith.constant dense<0.000000e+00> : vector<256xf32>
    %reduce_sum3A_35 = vector.multi_reduction <add>, %add3A_17, %reduce_sum3A [0] : vector<2000x256xf32> to vector<256xf32>
    %broadcast_in_dim3A = vector.shape_cast %reduce_sum3A_35 : vector<256xf32> to vector<1x256xf32>
    %mul3A = arith.mulf %add3A_17, %add3A_17 : vector<2000x256xf32>
    %reduce_sum3A_36 = arith.constant dense<0.000000e+00> : vector<256xf32>
    %reduce_sum3A_37 = vector.multi_reduction <add>, %mul3A, %reduce_sum3A_36 [0] : vector<2000x256xf32> to vector<256xf32>
    %broadcast_in_dim3A_38 = vector.shape_cast %reduce_sum3A_37 : vector<256xf32> to vector<1x256xf32>
    %reduce_sum3A_39 = arith.constant dense<0.000000e+00> : vector<256xf32>
    %reduce_sum3A_40 = vector.multi_reduction <add>, %add3A_27, %reduce_sum3A_39 [0] : vector<2000x256xf32> to vector<256xf32>
    %broadcast_in_dim3A_41 = vector.shape_cast %reduce_sum3A_40 : vector<256xf32> to vector<1x256xf32>
    %mul3A_42 = arith.mulf %add3A_27, %add3A_27 : vector<2000x256xf32>
    %reduce_sum3A_43 = arith.constant dense<0.000000e+00> : vector<256xf32>
    %reduce_sum3A_44 = vector.multi_reduction <add>, %mul3A_42, %reduce_sum3A_43 [0] : vector<2000x256xf32> to vector<256xf32>
    %broadcast_in_dim3A_45 = vector.shape_cast %reduce_sum3A_44 : vector<256xf32> to vector<1x256xf32>
    %broadcast_in_dim3A_46 = arith.constant 0.000000e+00 : f32
    %broadcast_in_dim3A_47 = vector.broadcast %broadcast_in_dim3A_46 : f32 to vector<4x256xf32>
    %concatenate3A = tpu.concatenate %broadcast_in_dim3A, %broadcast_in_dim3A_38, %broadcast_in_dim3A_41, %broadcast_in_dim3A_45, %broadcast_in_dim3A_47 in 0 : vector<1x256xf32>, vector<1x256xf32>, vector<1x256xf32>, vector<1x256xf32>, vector<4x256xf32> -> vector<8x256xf32>
    %get3A_48 = arith.constant 0 : index
    %get3A_49 = arith.constant 0 : index
    %get3A_50 = vector.load %arg10[%get3A_48, %get3A_49] : memref<8x256xf32, #tpu.memory_space<vmem>>, vector<8x256xf32>
    %add3A_51 = arith.addf %get3A_50, %concatenate3A : vector<8x256xf32>
    %swap3A_52 = arith.constant 0 : index
    %swap3A_53 = arith.constant 0 : index
    %swap3A_54 = vector.load %arg10[%swap3A_52, %swap3A_53] : memref<8x256xf32, #tpu.memory_space<vmem>>, vector<8x256xf32>
    tpu.vector_store %arg10[%swap3A_52, %swap3A_53], %add3A_51 {strides = array<i32>} : memref<8x256xf32, #tpu.memory_space<vmem>>, vector<8x256xf32>,
    return
  }
  func.func @transform_0(%arg0: i32) -> (i32, i32) {
    %c0_i32 = arith.constant 0 : i32
    %c0_i32_0 = arith.constant 0 : i32
    return %arg0, %c0_i32 : i32, i32
  }
  func.func @transform_1(%arg0: i32) -> (i32, i32) {
    %c0_i32 = arith.constant 0 : i32
    %c0_i32_0 = arith.constant 0 : i32
    return %arg0, %c0_i32 : i32, i32
  }
  func.func @transform_2(%arg0: i32) -> (i32, i32) {
    %c0_i32 = arith.constant 0 : i32
    %c0_i32_0 = arith.constant 0 : i32
    return %arg0, %c0_i32 : i32, i32
  }
  func.func @transform_3(%arg0: i32) -> (i32, i32) {
    %c0_i32 = arith.constant 0 : i32
    %c0_i32_0 = arith.constant 0 : i32
    %c0_i32_1 = arith.constant 0 : i32
    return %c0_i32, %c0_i32_0 : i32, i32
  }
  func.func @transform_4(%arg0: i32) -> (i32, i32) {
    %c0_i32 = arith.constant 0 : i32
    %c0_i32_0 = arith.constant 0 : i32
    %c0_i32_1 = arith.constant 0 : i32
    return %c0_i32, %c0_i32_0 : i32, i32
  }
  func.func @transform_5(%arg0: i32) -> (i32, i32) {
    %c0_i32 = arith.constant 0 : i32
    %c0_i32_0 = arith.constant 0 : i32
    %c0_i32_1 = arith.constant 0 : i32
    return %c0_i32, %c0_i32_0 : i32, i32
  }
  func.func @transform_6(%arg0: i32) -> (i32, i32) {
    %c0_i32 = arith.constant 0 : i32
    %c0_i32_0 = arith.constant 0 : i32
    %c0_i32_1 = arith.constant 0 : i32
    return %c0_i32, %c0_i32_0 : i32, i32
  }
  func.func @transform_7(%arg0: i32) -> (i32, i32) {
    %c0_i32 = arith.constant 0 : i32
    %c0_i32_0 = arith.constant 0 : i32
    return %arg0, %c0_i32 : i32, i32
  }
  func.func @transform_8(%arg0: i32) -> (i32, i32) {
    %c0_i32 = arith.constant 0 : i32
    %c0_i32_0 = arith.constant 0 : i32
    return %arg0, %c0_i32 : i32, i32
  }
  func.func @transform_9(%arg0: i32) -> (i32, i32) {
    %c0_i32 = arith.constant 0 : i32
    %c0_i32_0 = arith.constant 0 : i32
    %c0_i32_1 = arith.constant 0 : i32
    return %c0_i32, %c0_i32_0 : i32, i32
  }
}

module attributes {stable_mosaic.version = 14 : i64} {
  func.func @_mlp2_dual_final_body(%arg0: i32, %arg1: memref<2000x256xf32, #tpu.memory_space<vmem>>, %arg2: memref<2000x256xf32, #tpu.memory_space<vmem>>, %arg3: memref<8x256xf32, #tpu.memory_space<vmem>>, %arg4: memref<1x256xf32, #tpu.memory_space<vmem>>, %arg5: memref<1x256xf32, #tpu.memory_space<vmem>>, %arg6: memref<256x128xf32, #tpu.memory_space<vmem>>, %arg7: memref<1x128xf32, #tpu.memory_space<vmem>>, %arg8: memref<1x256xf32, #tpu.memory_space<vmem>>, %arg9: memref<1x256xf32, #tpu.memory_space<vmem>>, %arg10: memref<256x128xf32, #tpu.memory_space<vmem>>, %arg11: memref<1x128xf32, #tpu.memory_space<vmem>>, %arg12: memref<2000x128xf32, #tpu.memory_space<vmem>>, %arg13: memref<2000x128xf32, #tpu.memory_space<vmem>>) attributes {dimension_semantics = [#tpu.dimension_semantics<arbitrary>], iteration_bounds = array<i64: 5>, scalar_prefetch = 0 : i64, scratch_operands = 0 : i64, tpu.core_type = #tpu.core_type<tc>, window_params = [{transform_indices = @transform_0, window_bounds = array<i64: 2000, 256>}, {transform_indices = @transform_1, window_bounds = array<i64: 2000, 256>}, {pipeline_mode = #tpu.pipeline_mode<synchronous>, transform_indices = @transform_2, window_bounds = array<i64: 8, 256>}, {pipeline_mode = #tpu.pipeline_mode<synchronous>, transform_indices = @transform_3, window_bounds = array<i64: 1, 256>}, {pipeline_mode = #tpu.pipeline_mode<synchronous>, transform_indices = @transform_4, window_bounds = array<i64: 1, 256>}, {pipeline_mode = #tpu.pipeline_mode<synchronous>, transform_indices = @transform_5, window_bounds = array<i64: 256, 128>}, {pipeline_mode = #tpu.pipeline_mode<synchronous>, transform_indices = @transform_6, window_bounds = array<i64: 1, 128>}, {pipeline_mode = #tpu.pipeline_mode<synchronous>, transform_indices = @transform_7, window_bounds = array<i64: 1, 256>}, {pipeline_mode = #tpu.pipeline_mode<synchronous>, transform_indices = @transform_8, window_bounds = array<i64: 1, 256>}, {pipeline_mode = #tpu.pipeline_mode<synchronous>, transform_indices = @transform_9, window_bounds = array<i64: 256, 128>}, {pipeline_mode = #tpu.pipeline_mode<synchronous>, transform_indices = @transform_10, window_bounds = array<i64: 1, 128>}, {transform_indices = @transform_11, window_bounds = array<i64: 2000, 128>}, {transform_indices = @transform_12, window_bounds = array<i64: 2000, 128>}]} {
    %get3A = arith.constant 0 : index
    %get3A_0 = arith.constant 0 : index
    %get3A_1 = vector.load %arg3[%get3A, %get3A_0] : memref<8x256xf32, #tpu.memory_space<vmem>>, vector<1x256xf32>
    %mul3A = arith.constant 9.99999974E-5 : f32
    %mul3A_2 = vector.broadcast %mul3A : f32 to vector<1x256xf32>
    %mul3A_3 = arith.mulf %get3A_1, %mul3A_2 : vector<1x256xf32>
    %get3A_4 = arith.constant 1 : index
    %get3A_5 = arith.constant 0 : index
    %get3A_6 = vector.load %arg3[%get3A_4, %get3A_5] : memref<8x256xf32, #tpu.memory_space<vmem>>, vector<1x256xf32>
    %mul3A_7 = arith.constant 9.99999974E-5 : f32
    %mul3A_8 = vector.broadcast %mul3A_7 : f32 to vector<1x256xf32>
    %mul3A_9 = arith.mulf %get3A_6, %mul3A_8 : vector<1x256xf32>
    %mul3A_10 = arith.mulf %mul3A_3, %mul3A_3 : vector<1x256xf32>
    %sub3A = arith.subf %mul3A_9, %mul3A_10 : vector<1x256xf32>
    %get3A_11 = arith.constant 2 : index
    %get3A_12 = arith.constant 0 : index
    %get3A_13 = vector.load %arg3[%get3A_11, %get3A_12] : memref<8x256xf32, #tpu.memory_space<vmem>>, vector<1x256xf32>
    %mul3A_14 = arith.constant 9.99999974E-5 : f32
    %mul3A_15 = vector.broadcast %mul3A_14 : f32 to vector<1x256xf32>
    %mul3A_16 = arith.mulf %get3A_13, %mul3A_15 : vector<1x256xf32>
    %get3A_17 = arith.constant 3 : index
    %get3A_18 = arith.constant 0 : index
    %get3A_19 = vector.load %arg3[%get3A_17, %get3A_18] : memref<8x256xf32, #tpu.memory_space<vmem>>, vector<1x256xf32>
    %mul3A_20 = arith.constant 9.99999974E-5 : f32
    %mul3A_21 = vector.broadcast %mul3A_20 : f32 to vector<1x256xf32>
    %mul3A_22 = arith.mulf %get3A_19, %mul3A_21 : vector<1x256xf32>
    %mul3A_23 = arith.mulf %mul3A_16, %mul3A_16 : vector<1x256xf32>
    %sub3A_24 = arith.subf %mul3A_22, %mul3A_23 : vector<1x256xf32>
    %get3A_25 = arith.constant 0 : index
    %get3A_26 = arith.constant 0 : index
    %get3A_27 = vector.load %arg1[%get3A_25, %get3A_26] : memref<2000x256xf32, #tpu.memory_space<vmem>>, vector<2000x256xf32>
    %sub3A_28 = vector.broadcast %mul3A_3 : vector<1x256xf32> to vector<2000x256xf32>
    %sub3A_29 = arith.subf %get3A_27, %sub3A_28 : vector<2000x256xf32>
    %add3A = arith.constant 9.99999974E-6 : f32
    %add3A_30 = vector.broadcast %add3A : f32 to vector<1x256xf32>
    %add3A_31 = arith.addf %sub3A, %add3A_30 : vector<1x256xf32>
    %rsqrt3A = math.rsqrt %add3A_31 : vector<1x256xf32>
    %get3A_32 = arith.constant 0 : index
    %get3A_33 = arith.constant 0 : index
    %get3A_34 = vector.load %arg4[%get3A_32, %get3A_33] : memref<1x256xf32, #tpu.memory_space<vmem>>, vector<1x256xf32>
    %mul3A_35 = arith.mulf %rsqrt3A, %get3A_34 : vector<1x256xf32>
    %mul3A_36 = vector.broadcast %mul3A_35 : vector<1x256xf32> to vector<2000x256xf32>
    %mul3A_37 = arith.mulf %sub3A_29, %mul3A_36 : vector<2000x256xf32>
    %get3A_38 = arith.constant 0 : index
    %get3A_39 = arith.constant 0 : index
    %get3A_40 = vector.load %arg5[%get3A_38, %get3A_39] : memref<1x256xf32, #tpu.memory_space<vmem>>, vector<1x256xf32>
    %add3A_41 = vector.broadcast %get3A_40 : vector<1x256xf32> to vector<2000x256xf32>
    %add3A_42 = arith.addf %mul3A_37, %add3A_41 : vector<2000x256xf32>
    %get3A_43 = arith.constant 0 : index
    %get3A_44 = arith.constant 0 : index
    %get3A_45 = vector.load %arg2[%get3A_43, %get3A_44] : memref<2000x256xf32, #tpu.memory_space<vmem>>, vector<2000x256xf32>
    %sub3A_46 = vector.broadcast %mul3A_16 : vector<1x256xf32> to vector<2000x256xf32>
    %sub3A_47 = arith.subf %get3A_45, %sub3A_46 : vector<2000x256xf32>
    %add3A_48 = arith.constant 9.99999974E-6 : f32
    %add3A_49 = vector.broadcast %add3A_48 : f32 to vector<1x256xf32>
    %add3A_50 = arith.addf %sub3A_24, %add3A_49 : vector<1x256xf32>
    %rsqrt3A_51 = math.rsqrt %add3A_50 : vector<1x256xf32>
    %get3A_52 = arith.constant 0 : index
    %get3A_53 = arith.constant 0 : index
    %get3A_54 = vector.load %arg8[%get3A_52, %get3A_53] : memref<1x256xf32, #tpu.memory_space<vmem>>, vector<1x256xf32>
    %mul3A_55 = arith.mulf %rsqrt3A_51, %get3A_54 : vector<1x256xf32>
    %mul3A_56 = vector.broadcast %mul3A_55 : vector<1x256xf32> to vector<2000x256xf32>
    %mul3A_57 = arith.mulf %sub3A_47, %mul3A_56 : vector<2000x256xf32>
    %get3A_58 = arith.constant 0 : index
    %get3A_59 = arith.constant 0 : index
    %get3A_60 = vector.load %arg9[%get3A_58, %get3A_59] : memref<1x256xf32, #tpu.memory_space<vmem>>, vector<1x256xf32>
    %add3A_61 = vector.broadcast %get3A_60 : vector<1x256xf32> to vector<2000x256xf32>
    %add3A_62 = arith.addf %mul3A_57, %add3A_61 : vector<2000x256xf32>
    %get3A_63 = arith.constant 0 : index
    %get3A_64 = arith.constant 0 : index
    %get3A_65 = vector.load %arg6[%get3A_63, %get3A_64] : memref<256x128xf32, #tpu.memory_space<vmem>>, vector<256x128xf32>
    %dot_general3A = arith.constant dense<0.000000e+00> : vector<2000x128xf32>
    %dot_general3A_66 = tpu.matmul %add3A_42, %get3A_65, %dot_general3A {dimension_numbers = #tpu.dot_dimension_numbers<[1], [0], [0], [1], [0, 0, 1, 1], [], []>, transpose_lhs_hint = false} : vector<2000x256xf32>, vector<256x128xf32>, vector<2000x128xf32> -> vector<2000x128xf32>
    %get3A_67 = arith.constant 0 : index
    %get3A_68 = arith.constant 0 : index
    %get3A_69 = vector.load %arg7[%get3A_67, %get3A_68] : memref<1x128xf32, #tpu.memory_space<vmem>>, vector<1x128xf32>
    %add3A_70 = vector.broadcast %get3A_69 : vector<1x128xf32> to vector<2000x128xf32>
    %add3A_71 = arith.addf %dot_general3A_66, %add3A_70 : vector<2000x128xf32>
    %get3A_72 = arith.constant 0 : index
    %get3A_73 = arith.constant 0 : index
    %get3A_74 = vector.load %arg10[%get3A_72, %get3A_73] : memref<256x128xf32, #tpu.memory_space<vmem>>, vector<256x128xf32>
    %dot_general3A_75 = arith.constant dense<0.000000e+00> : vector<2000x128xf32>
    %dot_general3A_76 = tpu.matmul %add3A_62, %get3A_74, %dot_general3A_75 {dimension_numbers = #tpu.dot_dimension_numbers<[1], [0], [0], [1], [0, 0, 1, 1], [], []>, transpose_lhs_hint = false} : vector<2000x256xf32>, vector<256x128xf32>, vector<2000x128xf32> -> vector<2000x128xf32>
    %get3A_77 = arith.constant 0 : index
    %get3A_78 = arith.constant 0 : index
    %get3A_79 = vector.load %arg11[%get3A_77, %get3A_78] : memref<1x128xf32, #tpu.memory_space<vmem>>, vector<1x128xf32>
    %add3A_80 = vector.broadcast %get3A_79 : vector<1x128xf32> to vector<2000x128xf32>
    %add3A_81 = arith.addf %dot_general3A_76, %add3A_80 : vector<2000x128xf32>
    %get3A_82 = arith.constant 0 : index
    %get3A_83 = arith.constant 0 : index
    %get3A_84 = vector.load %arg12[%get3A_82, %get3A_83] : memref<2000x128xf32, #tpu.memory_space<vmem>>, vector<2000x128xf32>
    %exp3A = math.exp %add3A_81 : vector<2000x128xf32>
    %mul3A_85 = arith.mulf %get3A_84, %exp3A : vector<2000x128xf32>
    %add3A_86 = arith.addf %mul3A_85, %add3A_71 : vector<2000x128xf32>
    %swap3A = arith.constant 0 : index
    %swap3A_87 = arith.constant 0 : index
    %swap3A_88 = vector.load %arg13[%swap3A, %swap3A_87] : memref<2000x128xf32, #tpu.memory_space<vmem>>, vector<2000x128xf32>
    tpu.vector_store %arg13[%swap3A, %swap3A_87], %add3A_86 {strides = array<i32>} : memref<2000x128xf32, #tpu.memory_space<vmem>>, vector<2000x128xf32>,
    return
  }
  func.func @transform_0(%arg0: i32) -> (i32, i32) {
    %c0_i32 = arith.constant 0 : i32
    %c0_i32_0 = arith.constant 0 : i32
    return %arg0, %c0_i32 : i32, i32
  }
  func.func @transform_1(%arg0: i32) -> (i32, i32) {
    %c0_i32 = arith.constant 0 : i32
    %c0_i32_0 = arith.constant 0 : i32
    return %arg0, %c0_i32 : i32, i32
  }
  func.func @transform_2(%arg0: i32) -> (i32, i32) {
    %c0_i32 = arith.constant 0 : i32
    %c0_i32_0 = arith.constant 0 : i32
    %c0_i32_1 = arith.constant 0 : i32
    return %c0_i32, %c0_i32_0 : i32, i32
  }
  func.func @transform_3(%arg0: i32) -> (i32, i32) {
    %c0_i32 = arith.constant 0 : i32
    %c0_i32_0 = arith.constant 0 : i32
    %c0_i32_1 = arith.constant 0 : i32
    return %c0_i32, %c0_i32_0 : i32, i32
  }
  func.func @transform_4(%arg0: i32) -> (i32, i32) {
    %c0_i32 = arith.constant 0 : i32
    %c0_i32_0 = arith.constant 0 : i32
    %c0_i32_1 = arith.constant 0 : i32
    return %c0_i32, %c0_i32_0 : i32, i32
  }
  func.func @transform_5(%arg0: i32) -> (i32, i32) {
    %c0_i32 = arith.constant 0 : i32
    %c0_i32_0 = arith.constant 0 : i32
    %c0_i32_1 = arith.constant 0 : i32
    return %c0_i32, %c0_i32_0 : i32, i32
  }
  func.func @transform_6(%arg0: i32) -> (i32, i32) {
    %c0_i32 = arith.constant 0 : i32
    %c0_i32_0 = arith.constant 0 : i32
    %c0_i32_1 = arith.constant 0 : i32
    return %c0_i32, %c0_i32_0 : i32, i32
  }
  func.func @transform_7(%arg0: i32) -> (i32, i32) {
    %c0_i32 = arith.constant 0 : i32
    %c0_i32_0 = arith.constant 0 : i32
    %c0_i32_1 = arith.constant 0 : i32
    return %c0_i32, %c0_i32_0 : i32, i32
  }
  func.func @transform_8(%arg0: i32) -> (i32, i32) {
    %c0_i32 = arith.constant 0 : i32
    %c0_i32_0 = arith.constant 0 : i32
    %c0_i32_1 = arith.constant 0 : i32
    return %c0_i32, %c0_i32_0 : i32, i32
  }
  func.func @transform_9(%arg0: i32) -> (i32, i32) {
    %c0_i32 = arith.constant 0 : i32
    %c0_i32_0 = arith.constant 0 : i32
    %c0_i32_1 = arith.constant 0 : i32
    return %c0_i32, %c0_i32_0 : i32, i32
  }
  func.func @transform_10(%arg0: i32) -> (i32, i32) {
    %c0_i32 = arith.constant 0 : i32
    %c0_i32_0 = arith.constant 0 : i32
    %c0_i32_1 = arith.constant 0 : i32
    return %c0_i32, %c0_i32_0 : i32, i32
  }
  func.func @transform_11(%arg0: i32) -> (i32, i32) {
    %c0_i32 = arith.constant 0 : i32
    %c0_i32_0 = arith.constant 0 : i32
    return %arg0, %c0_i32 : i32, i32
  }
  func.func @transform_12(%arg0: i32) -> (i32, i32) {
    %c0_i32 = arith.constant 0 : i32
    %c0_i32_0 = arith.constant 0 : i32
    return %arg0, %c0_i32 : i32, i32
  }
}

</mosaic_0001>

<sc_bundles>
// kernel: kernel.11.cloned.1.call-start
scs
__scs_entry_jumppad:
0x0: {  	(pc) =	sbr.rel $0x88, $3  }
0x1: {  	(tag) =	ssettag $0x0;
	lr =	simm.s32 $0x1  }
0x2: {  	[smem:$0x3F86] =	sst lr;
	_ =	strace $0xD0000000  }
0x3: {  	_ = 	snop  }
0x4: {  	_ = 	snop  }
0x5: {  	_ = 	snop  }
0x6: {  	_ = 	snop  }
0x7: {  	_ = 	snop  }
__scs_overlays_trampoline_lowered:
0x8: {  	[smem:$0x3F95] =	sst s0  }
0x9: {  	[smem:$0x3F96] =	sst s1  }
0xa: {  	[smem:$0x3F97] =	sst s2  }
0xb: {  	[smem:$0x3F98] =	sst s3  }
0xc: {  	[smem:$0x3F99] =	sst s4  }
0xd: {  	[smem:$0x3F9A] =	sst s5  }
0xe: {  	[smem:$0x3F9B] =	sst s6  }
0xf: {  	[smem:$0x3F9C] =	sst s7  }
0x10: {  	[smem:$0x3F9D] =	sst s8  }
0x11: {  	[smem:$0x3F9E] =	sst s9;
	s0 =	simm.s32 @!p0 $0x0  }
0x12: {  	s1 =	sld [smem:$0x3F84];
	s0 =	simm.s32 @p0 $0x1  }
0x13: {  	[smem:$0x3F9F] =	sst s0;
	s0 =	simm.s32 @!p1 $0x0  }
0x14: {  	s2 =	sld [smem:$0x3F83];
	s0 =	simm.s32 @p1 $0x1  }
0x15: {  	[smem:$0x3FA0] =	sst s0;
	s0 =	simm.s32 @!p2 $0x0  }
0x16: {  	s3 =	sld [smem:$0x3FDB];
	s0 =	simm.s32 @p2 $0x1  }
0x17: {  	s4 =	simm.s32 $0x1BF5;
	[smem:$0x3FA2] =	sst s0  }
0x18: {  	s0 =	sld [smem:$0x3F85];
	_ =	swait.ge [sflag:s4], $0x0  }
0x19: {  	s7 =	sld [smem:$0x3F86]  }
0x1a: {  	s8 =	sadd.s32 $0xFFFFE003, lr  }
0x1b: {  	s9 =	sadd.s32 $0xFFFFFEF7, lr;
	s5 =	simm.s32 $0xFFFFFFFF;
	p2 =	slt.u32 s8, $0xFFFFF086  }
0x1c: {  	p1 =	slt.u32 s9, $0xF7A;
	s5 =	simm.s32 @!p2 $0x0  }
0x1d: {  	s5 =	simm.s32 @p1 $0x1;
	p0 =	seq.s32 s7, s2  }
0x1e: {  	s7 =	smul.u32 @!p0 $0xF7A, s2;
	p2 =	seq.s32 @!p0 s5, $0x0  }
0x1f: {  	s9 =	smul.u32 $0xF7A, s1;
	s8 =	simm.s32 @!p0 $0x1BF5;
	p2 =	por !p2, p0  }
0x20: {  	[sflag:s8] =	ssyncset.s32 @!p0 $0xFFFFF086;
	s6 =	sadd.s32 @!p0 s3, s7;
	s7 =	simm.s32 @!p0 $0x108  }
0x21: {  	s3 =	sadd.s32 s3, s9;
	s6 =	sadd.s32 @!p0 $0x88, s6;
	s7 =	simm.s32 @p2 $0x1082  }
0x22: {  	[simem:s7], [sflag:s8] =	dma.local @!p0 [hbm:s6], $0xF7A  }
0x23: {  	s9 =	sor.u32 $0xD0000000, s2;
	s6 =	simm.s32 $0x108;
	_ =	swait.ge @!p0 [sflag:s8], $0x0  }
0x24: {  	s3 =	sadd.s32 $0x88, s3;
	s6 =	simm.s32 @!p1 $0x1082;
	[sflag:s4] =	ssyncset.s32 $0xFFFFF086  }
0x25: {  	[simem:s6], [sflag:s4] =	dma.local [hbm:s3], $0xF7A  }
0x26: {  	[smem:$0x3F86] =	sst s1;
	(tag) =	ssettag s2;
	_ =	strace s9  }
0x27: {  	s1 =	sld [smem:$0x3F96]  }
0x28: {  	s2 =	sld [smem:$0x3F97]  }
0x29: {  	s4 =	sld [smem:$0x3F99]  }
0x2a: {  	p0 =	seq.s32 s5, $0x0;
	s5 =	sld [smem:$0x3F9A]  }
0x2b: {  	s6 =	sld [smem:$0x3F9B]  }
0x2c: {  	s7 =	sld [smem:$0x3F9C]  }
0x2d: {  	s3 =	simm.s32 $0x108;
	s8 =	sld [smem:$0x3F9D]  }
0x2e: {  	s3 =	simm.s32 @!p0 $0x1082;
	s9 =	sld [smem:$0x3F9E]  }
0x2f: {  	lr =	sadd.s32 s0, s3;
	s0 =	sld [smem:$0x3F95]  }
0x30: {  	s3 =	sld [smem:$0x3F98]  }
0x31: {  	[smem:$0x3FA1] =	sst s10  }
0x32: {  	s10 =	sld [smem:$0x3F9F];
	_ =	sdelay $0x3  }
0x33: {  	p0 =	seq.s32 s10, $0x1;
	s10 =	sld [smem:$0x3FA1];
	_ =	sdelay $0x3  }
0x34: {  	[smem:$0x3FA1] =	sst s10  }
0x35: {  	s10 =	sld [smem:$0x3FA0];
	_ =	sdelay $0x3  }
0x36: {  	p1 =	seq.s32 s10, $0x1;
	s10 =	sld [smem:$0x3FA1];
	_ =	sdelay $0x3  }
0x37: {  	[smem:$0x3FA1] =	sst s10  }
0x38: {  	s10 =	sld [smem:$0x3FA2]  }
0x39: {  	_ = 	snop;
	(pc) =	sbr.ind lr, $3  }
0x3a: {  	_ = 	snop  }
0x3b: {  	_ = 	snop  }
0x3c: {  	p2 =	seq.s32 s10, $0x1;
	s10 =	sld [smem:$0x3FA1]  }
0x3d: {  	_ =	shalt  }
0x3e: {  	_ =	shalt  }
0x3f: {  	_ =	shalt  }
0x40: {  	_ =	shalt  }
0x41: {  	_ =	shalt  }
0x42: {  	_ =	shalt  }
0x43: {  	_ =	shalt  }
0x44: {  	_ =	shalt  }
0x45: {  	_ =	shalt  }
0x46: {  	_ =	shalt  }
0x47: {  	_ =	shalt  }
0x48: {  	_ =	shalt  }
0x49: {  	_ =	shalt  }
0x4a: {  	_ =	shalt  }
0x4b: {  	_ =	shalt  }
0x4c: {  	_ =	shalt  }
0x4d: {  	_ =	shalt  }
0x4e: {  	_ =	shalt  }
0x4f: {  	_ =	shalt  }
0x50: {  	_ =	shalt  }
0x51: {  	_ =	shalt  }
0x52: {  	_ =	shalt  }
0x53: {  	_ =	shalt  }
0x54: {  	_ =	shalt  }
0x55: {  	_ =	shalt  }
0x56: {  	_ =	shalt  }
0x57: {  	_ =	shalt  }
0x58: {  	_ =	shalt  }
0x59: {  	_ =	shalt  }
0x5a: {  	_ =	shalt  }
0x5b: {  	_ =	shalt  }
0x5c: {  	_ =	shalt  }
0x5d: {  	_ =	shalt  }
0x5e: {  	_ =	shalt  }
0x5f: {  	_ =	shalt  }
0x60: {  	_ =	shalt  }
0x61: {  	_ =	shalt  }
0x62: {  	_ =	shalt  }
0x63: {  	_ =	shalt  }
0x64: {  	_ =	shalt  }
0x65: {  	_ =	shalt  }
0x66: {  	_ =	shalt  }
0x67: {  	_ =	shalt  }
0x68: {  	_ =	shalt  }
0x69: {  	_ =	shalt  }
0x6a: {  	_ =	shalt  }
0x6b: {  	_ =	shalt  }
0x6c: {  	_ =	shalt  }
0x6d: {  	_ =	shalt  }
0x6e: {  	_ =	shalt  }
0x6f: {  	_ =	shalt  }
0x70: {  	_ =	shalt  }
0x71: {  	_ =	shalt  }
0x72: {  	_ =	shalt  }
0x73: {  	_ =	shalt  }
0x74: {  	_ =	shalt  }
0x75: {  	_ =	shalt  }
0x76: {  	_ =	shalt  }
0x77: {  	_ =	shalt  }
0x78: {  	_ =	shalt  }
0x79: {  	_ =	shalt  }
0x7a: {  	_ =	shalt  }
0x7b: {  	_ =	shalt  }
0x7c: {  	_ =	shalt  }
0x7d: {  	_ =	shalt  }
0x7e: {  	_ =	shalt  }
0x7f: {  	_ =	shalt  }
0x80: {  	_ =	shalt  }
0x81: {  	_ =	shalt  }
0x82: {  	_ =	shalt  }
0x83: {  	_ =	shalt  }
0x84: {  	_ =	shalt  }
0x85: {  	_ =	shalt  }
0x86: {  	_ =	shalt  }
0x87: {  	_ =	shalt  }
.Lfunc_end0:
.L_simem_size_0:
called_computation_lowered:
.L_overlay_start_0:
0x88: {  	s2 =	sld [smem:$0x3FD9]  }
0x89: {  	s3 =	sld [smem:$0x3FFE];
	_ =	sdelay $0x1  }
0x8a: {  	s1 =	srdreg.scid  }
0x8b: {  	s0 =	sand.u32 $0x1, s1  }
0x8c: {  	s17 =	sshll.u32 s0, $0xA;
	s2 =	sadd.s32 s3, s2  }
0x8d: {  	s2 =	sadd.s32 s2, s17  }
0x8e: {  	[smem:$0x3FAD] =	sst s2  }
0x8f: {  	_ = 	snop  }
0x90: {  	s2 =	sld [smem:$0x3FC9];
	(tm) =	ssettm $0x1  }
0x91: {  	s18 =	sld [smem:$0x3FFB];
	_ =	sdelay $0x3  }
0x92: {  	_ =	strace s18  }
0x93: {  	s3 =	sld [smem:$0x3FFC];
	_ =	sdelay $0x3  }
0x94: {  	_ =	strace s3  }
0x95: {  	s3 =	sld [smem:$0x3FFD];
	_ =	sdelay $0x3  }
0x96: {  	_ =	strace s3  }
0x97: {  	_ =	strace $0x8FFFFFFF  }
0x98: {  	s19 =	sld [smem:$0x3FDB];
	_ =	sdelay $0x1  }
0x99: {  	s4 =	simm.s32 $_scs_section_size  }
0x9a: {  	s5 =	simm.s32 $_size__tile_overlayer_lowered;
	s6 =	simm.s32 $_tile_overlayer_lowered  }
0x9b: {  	s22 =	simm.s32 $0x1BFF;
	s21 =	sshll.u32 s6, $0x1;
	s3 =	sadd.s32 s4, s19  }
0x9c: {  	s7 =	simm.s32 $0x0;
	s20 =	sshll.u32 s5, $0x1;
	s5 =	sadd.s32 s21, s3  }
0x9d: {  	[timem:s7], [sflag:s22] =	dma.local [hbm:s5], s20  }
0x9e: {  	_ =	swait.ge [sflag:s22], s20  }
0x9f: {  	s4 =	ssub.s32 $0x0, s20;
	[sflag:s22] =	ssyncset.done $0x0  }
0xa0: {  	[sflag:s22] =	ssyncadd.s32 s4;
	_ =	sdelay $0x1  }
0xa1: {  	s23 =	simm.s32 $0x1B8B  }
0xa2: {  	_ =	swait.ge [sflag:s23], $0x1  }
0xa3: {  	[sflag:s23] =	ssyncset.done $0x0  }
0xa4: {  	s25 =	simm.s32 $0x1B8E;
	s24 =	sld [smem:$0x3FFE];
	[sflag:s23] =	ssyncadd.s32 $0xFFFFFFFF  }
0xa5: {  	s26 =	simm.s32 $execute0_lowered;
	[smem:$0x3FD2] =	sst s25  }
0xa6: {  	s5 =	sshll.u32 s26, $0x1;
	_ =	strace $0x80000046;
	[dreg:$0x1] =	wrdreg $0xFFFFFFFF  }
0xa7: {  	s28 =	simm.s32 $_size_execute0_lowered;
	s3 =	sadd.s32 s3, s5;
	[dreg:$0x0] =	wrdreg $0x0  }
0xa8: {  	s5 =	sshll.u32 s28, $0x1;
	[dreg:$0x2] =	wrdreg s3  }
0xa9: {  	[dreg:$0x3] =	wrdreg s5  }
0xaa: {  	[dreg:$0x4] =	wrdreg $0xC0  }
0xab: {  	_ =	task [dreg:s7], $0x5FFFF  }
0xac: {  	[dreg:$0x1] =	wrdreg $0xFFFFFFFF  }
0xad: {  	[dreg:$0x0] =	wrdreg $0x60  }
0xae: {  	[dreg:$0x2] =	wrdreg s2  }
0xaf: {  	[dreg:$0x3] =	wrdreg s24  }
0xb0: {  	[dreg:$0x4] =	wrdreg $0xBC000  }
0xb1: {  	[dreg:$0x5] =	wrdreg $0x9  }
0xb2: {  	_ =	task.clear_ibuf [dreg:s7], $0x6FFFF;
	_ =	strace $0x90000046  }
0xb3: {  	s29 =	simm.s32 $0x9;
	_ =	strace $0x80000048  }
0xb4: {  	_ =	swait.ge [sflag:s29], $0x1  }
0xb5: {  	[sflag:s29] =	ssyncadd.s32 $0xFFFFFFFF  }
0xb6: {  	_ =	strace $0x90000048  }
0xb7: {  	_ =	sfence  }
0xb8: {  	s30 =	sld [smem:$0x0];
	_ =	sdelay $0x2  }
0xb9: {  	s31 =	sshll.u32 s1, $0xD;
	s1 =	sshrl.u32 s1, $0x2  }
0xba: {  	s3 =	sand.u32 $0x4000, s31;
	s1 =	sadd.s32 s1, s30  }
0xbb: {  	s0 =	sor.u32 s3, s0;
	s1 =	sshll.u32 s1, $0x11  }
0xbc: {  	s0 =	sor.u32 s1, s0  }
0xbd: {  	s0 =	sadd.s32 $0x8F2B, s0  }
0xbe: {  	[sflag:s0] =	ssyncadd.remote.s32 $0x1  }
0xbf: {  	_ =	sfence.sel $0xFFFF  }
0xc0: {  	[dreg:$0x0] =	wrdreg $0xFFFFFFFF;
	(pc) =	sbr.abs _section_cstart, $3  }
0xc1: {  	[dreg:$0x1] =	wrdreg $0xFFFFFFFF  }
0xc2: {  	_ =	task.clear_ibuf [dreg:s7], $0x2FFFF;
	_ =	strace $0x9FFFFFFF  }
0xc3: {  	(tm) =	ssettm $0x7FFFFFFF  }
tec
execute0_lowered:
.L_overlay_start_1:
0x0: {  	(tag) =	ssettag $0x1  }
0x1: {  	s1 =	rddreg [dreg:$0x0]  }
0x2: {  	s0 =	rddreg [dreg:$0x1]  }
0x3: {  	s13 =	stileid.u32;
	s2 =	srdreg.scid  }
0x4: {  	s3 =	rddreg [dreg:$0x2];
	s4 =	simm.s32 $0x0;
	s28 =	simm.s32 $0x500  }
0x5: {  	s30 =	simm.s32 $0x8000;
	s29 =	simm.s32 $0x4400;
	s31 =	simm.s32 $0x1  }
0x6: {  	s15 =	simm.s32 $0xE;
	s6 =	smul.u32 $0x13C00, s13;
	s2 =	sand.u32 $0x1, s2  }
0x7: {  	[smem:$0x7FF] =	sst s4;
	s16 =	smul.u32 $0x4F000, s13;
	s17 =	sshll.u32 s13, $0x1  }
0x8: {  	s13 =	sshll.u32 s13, $0x6;
	s5 =	smul.u32 $0x13C000, s2;
	_ =	strace $0x80000047  }
0x9: {  	s10 =	ssub.s32 $0x2, s2;
	p0 =	seq.s32 s2, $0x0;
	[dreg:$0x7] =	wrdreg s13  }
0xa: {  	s2 =	sor.u32 s2, s17;
	s22 =	sor.u32 $0x1C0D, s13;
	[dreg:$0x5] =	wrdreg s28  }
0xb: {  	[dreg:$0x6] =	wrdreg s30;
	s8 =	sshrl.u32 s6, $0x3;
	s11 =	sshrl.u32 s10, $0x1  }
0xc: {  	s12 =	sshrl.u32 s16, $0x2;
	[dreg:$0x9] =	wrdreg s22;
	s22 =	simm.s32 $0x400  }
0xd: {  	s16 =	simm.s32 $0x0;
	s7 =	sadd.s32 s6, s5;
	s5 =	sadd.s32 $0x6000, s0  }
0xe: {  	s6 =	sadd.s32 $0x15000, s0;
	s9 =	sadd.s32 s8, s0;
	s8 =	smul.u32 $0x3C00, s2  }
0xf: {  	s18 =	ssub.s32 s10, s11;
	s19 =	sadd.s32 s12, s3;
	s2 =	simm.s32 $0x7  }
0x10: {  	s10 =	simm.s32 $0x8;
	s7 =	sshrl.u32 s7, $0x3;
	s9 =	sadd.s32 $0x24000, s9  }
0x11: {  	s26 =	smax.u32 s18, $0x1;
	s19 =	sshrl.u32 s19, $0x3;
	s0 =	sadd.s32 s7, s0  }
0x12: {  	s7 =	simm.s32 $0x72;
	s20 =	sshrl.u32 s8, $0x3;
	[dreg:$0x8] =	wrdreg s9  }
0x13: {  	[dreg:$0x10] =	wrdreg s26;
	s26 =	simm.s32 $0x800;
	s7 =	simm.s32 @!p0 $0x36  }
0x14: {  	s23 =	sor.u32 $0x10, s20;
	s24 =	sadd.s32 s5, s20;
	s11 =	sadd.s32 s6, s20  }
0x15: {  	s0 =	sadd.s32 $0x4B800, s0;
	s21 =	smul.u32 $0x56, s7;
	[dreg:$0xa] =	wrdreg s24  }
0x16: {  	s14 =	sadd.s32 s5, s23;
	s13 =	sadd.s32 $0x20, s24;
	[dreg:$0xd] =	wrdreg s11  }
0x17: {  	s9 =	sadd.s32 s6, s23;
	[dreg:$0xf] =	wrdreg s0;
	s23 =	simm.s32 $0x480  }
0x18: {  	s0 =	simm.s32 $0x4;
	[dreg:$0xb] =	wrdreg s14;
	s12 =	sshrl.u32 s21, $0x8  }
0x19: {  	s11 =	simm.s32 $0x5;
	[dreg:$0xc] =	wrdreg s13;
	s25 =	smul.u32 $0x180, s12  }
0x1a: {  	[dreg:$0xe] =	wrdreg s9;
	s9 =	simm.s32 $0x3;
	s13 =	simm.s32 $0x9  }
0x1b: {  	s21 =	simm.s32 $0x2;
	[dreg:$0x4] =	wrdreg s25;
	s25 =	simm.s32 $0x78  }
.LBB2_1:
0x1c: {  	s12 =	rddreg [dreg:$0x8]  }
0x1d: {  	s14 =	rddreg [dreg:$0x9]  }
0x1e: {  	[spmem:s19], [sflag:s14] =	dma.local [hbm:s12], $0x2780  }
0x1f: {  	s12 =	rddreg [dreg:$0xa]  }
0x20: {  	[tilespmem:s4], [sflag:$0xA] =	stream.linear.gather [hbm4b:s12+s4], $0x80, $0x38;
	[tilespmem:$0x1F800] =	vst v63  }
0x21: {  	s14 =	simm.s32 $0x80;
	s28 =	rddreg [dreg:$0xb]  }
0x22: {  	[tilespmem:s14], [sflag:$0xB] =	stream.linear.gather [hbm4b:s28+s4], $0x80, $0x38;
	[tilespmem:$0x1F800] =	vst v63  }
0x23: {  	s17 =	simm.s32 $0x100;
	s30 =	rddreg [dreg:$0xc]  }
0x24: {  	[tilespmem:s17], [sflag:$0xC] =	stream.linear.gather [hbm4b:s30+s4], $0x80, $0x38;
	[tilespmem:$0x1F800] =	vst v63  }
0x25: {  	s18 =	rddreg [dreg:$0xd]  }
0x26: {  	[tilespmem:s22], [sflag:$0x7] =	stream.linear.gather [hbm4b:s18+s4], $0x80, $0x38;
	[tilespmem:$0x1F800] =	vst v63  }
0x27: {  	s24 =	simm.s32 $0xA;
	s20 =	rddreg [dreg:$0xe]  }
0x28: {  	[tilespmem:s23], [sflag:$0x8] =	stream.linear.gather [hbm4b:s20+s4], $0x80, $0x38;
	[tilespmem:$0x1F800] =	vst v63  }
0x29: {  	_ =	swait.ge [sflag:s24], $0x80  }
0x2a: {  	[sflag:s24] =	ssyncset.done $0x0  }
0x2b: {  	s28 =	simm.s32 $0xB;
	[sflag:s24] =	ssyncadd.s32 $0xFFFFFF80  }
0x2c: {  	[tilespmem:s26], [sflag:$0x1] =	stream.indirect.gather [hbm4b:s1+s25], $0x80, s4, s25, $0xb8;
	[tilespmem:$0x1F800] =	vst v63  }
0x2d: {  	_ =	swait.ge [sflag:s28], $0x80  }
0x2e: {  	[sflag:s28] =	ssyncset.done $0x0  }
0x2f: {  	s30 =	simm.s32 $0xD;
	[sflag:s28] =	ssyncadd.s32 $0xFFFFFF80  }
0x30: {  	[tilespmem:s29], [sflag:$0x2] =	stream.indirect.gather [hbm4b:s1+s25], $0x80, s14, s25, $0xb8;
	[tilespmem:$0x1F800] =	vst v63  }
0x31: {  	_ =	swait.ge [sflag:s30], $0x2780  }
0x32: {  	[sflag:s30] =	ssyncset.done $0x0  }
0x33: {  	[sflag:s30] =	ssyncadd.s32 $0xFFFFD880  }
0x34: {  	s12 =	simm.s32 $0x5;
	s17 =	simm.s32 $0x0;
	[bflag:$0x0] =	sbarrier.arrive $0xFFFF  }
.LBB2_2:
0x35: {  	p0 =	seq.s32 s17, $0x0  }
0x36: {  	s20 =	simm.s32 @!p0 $0x6  }
0x37: {  	_ =	swait.ge @!p0 [sflag:s20], $0x3C00  }
0x38: {  	[sflag:s20] =	ssyncset.done @!p0 $0x0  }
0x39: {  	s28 =	sadd.s32 $0xFFFFFFFE, s12;
	[sflag:s20] =	ssyncadd.s32 @!p0 $0xFFFFC400  }
0x3a: {  	p0 =	sge.u32 s28, s7;
	_ =	swait.ge [sflag:s31], $0x3C00  }
0x3b: {  	s20 =	sadd.s32 @!p0 $0x180, s17;
	[sflag:s31] =	ssyncset.done $0x0  }
0x3c: {  	s18 =	sand.u32 @!p0 $0x7FFFFC00, s20;
	[sflag:s31] =	ssyncadd.s32 $0xFFFFC400  }
0x3d: {  	s20 =	sand.u32 @!p0 $0x380, s20;
	s18 =	sadd.s32 @!p0 s8, s18;
	_ =	swait.ge [sflag:s2], $0x80  }
0x3e: {  	s18 =	sor.u32 @!p0 s20, s18;
	[sflag:s2] =	ssyncset.done $0x0  }
0x3f: {  	s30 =	sadd.s32 $0xFFFFFFFD, s12;
	s18 =	sshrl.u32 @!p0 s18, $0x3;
	[sflag:s2] =	ssyncadd.s32 $0xFFFFFF80  }
0x40: {  	[spmem:s3] =	stream.indirect.scatter.add.f32 [tilespmem:s26], [sflag:$0x4], $0x80, s22, s25, $0xb8;
	[tilespmem:$0x1F800] =	vst v63  }
0x41: {  	p1 =	sge.u32 s30, s7;
	s24 =	simm.s32 @!p0 $0x0;
	s20 =	sadd.s32 @!p0 s5, s18  }
0x42: {  	[tilespmem:s24], [sflag:$0xA] =	stream.linear.gather @!p0 [hbm4b:s20+s24], $0x80, $0x38;
	[tilespmem:$0x1F800] =	vst v63  }
0x43: {  	s20 =	sadd.s32 @!p1 $0x100, s17  }
0x44: {  	s28 =	sand.u32 @!p1 $0x7FFFFC00, s20  }
0x45: {  	s20 =	sand.u32 @!p1 $0x380, s20;
	s28 =	sadd.s32 @!p1 s8, s28  }
0x46: {  	s20 =	sor.u32 @!p1 s20, s28  }
0x47: {  	s20 =	sshrl.u32 @!p1 s20, $0x3  }
0x48: {  	s30 =	simm.s32 @!p1 $0x500;
	s28 =	simm.s32 @!p1 $0x0;
	s20 =	sadd.s32 @!p1 s6, s20  }
0x49: {  	[tilespmem:s30], [sflag:$0x9] =	stream.linear.gather @!p1 [hbm4b:s20+s28], $0x80, $0x38;
	[tilespmem:$0x1F800] =	vst v63  }
0x4a: {  	s20 =	simm.s32 @!p1 $0xC  }
0x4b: {  	_ =	swait.ge @!p1 [sflag:s20], $0x80  }
0x4c: {  	s28 =	simm.s32 @!p1 $0x100;
	[sflag:s20] =	ssyncset.done @!p1 $0x0  }
0x4d: {  	s30 =	simm.s32 @!p1 $0x8000;
	[sflag:s20] =	ssyncadd.s32 @!p1 $0xFFFFFF80;
	s20 =	simm.s32 @!p1 $0x78  }
0x4e: {  	[tilespmem:s30], [sflag:$0x3] =	stream.indirect.gather @!p1 [hbm4b:s1+s20], $0x80, s28, s20, $0xb8;
	[tilespmem:$0x1F800] =	vst v63  }
0x4f: {  	_ =	swait.ge [sflag:s0], $0x3C00  }
0x50: {  	[sflag:s0] =	ssyncset.done $0x0  }
0x51: {  	s14 =	sadd.s32 $0xFFFFFFFF, s12;
	[sflag:s0] =	ssyncadd.s32 $0xFFFFC400  }
0x52: {  	p1 =	sge.u32 s14, s7;
	_ =	swait.ge [sflag:s21], $0x3C00  }
0x53: {  	s20 =	sadd.s32 @!p1 $0x200, s17;
	[sflag:s21] =	ssyncset.done $0x0  }
0x54: {  	s28 =	sand.u32 @!p1 $0x7FFFFC00, s20;
	[sflag:s21] =	ssyncadd.s32 $0xFFFFC400  }
0x55: {  	s20 =	sand.u32 @!p1 $0x380, s20;
	s28 =	sadd.s32 @!p1 s8, s28;
	_ =	swait.ge [sflag:s10], $0x80  }
0x56: {  	s20 =	sor.u32 @!p1 s20, s28;
	[sflag:s10] =	ssyncset.done $0x0  }
0x57: {  	s20 =	sshrl.u32 @!p1 s20, $0x3;
	[sflag:s10] =	ssyncadd.s32 $0xFFFFFF80  }
0x58: {  	[spmem:s3] =	stream.indirect.scatter.add.f32 [tilespmem:s29], [sflag:$0x5], $0x80, s23, s25, $0xb8;
	[tilespmem:$0x1F800] =	vst v63  }
0x59: {  	s30 =	simm.s32 @!p1 $0x0;
	s14 =	simm.s32 @!p1 $0x80;
	s28 =	sadd.s32 @!p1 s5, s20  }
0x5a: {  	[tilespmem:s14], [sflag:$0xB] =	stream.linear.gather @!p1 [hbm4b:s28+s30], $0x80, $0x38;
	[tilespmem:$0x1F800] =	vst v63  }
0x5b: {  	s18 =	sadd.s32 @!p0 s6, s18;
	s28 =	simm.s32 @!p0 $0x400  }
0x5c: {  	[tilespmem:s28], [sflag:$0x7] =	stream.linear.gather @!p0 [hbm4b:s18+s24], $0x80, $0x38;
	[tilespmem:$0x1F800] =	vst v63  }
0x5d: {  	s18 =	simm.s32 @!p0 $0xA  }
0x5e: {  	_ =	swait.ge @!p0 [sflag:s18], $0x80  }
0x5f: {  	[sflag:s18] =	ssyncset.done @!p0 $0x0  }
0x60: {  	s28 =	simm.s32 @!p0 $0x800;
	[sflag:s18] =	ssyncadd.s32 @!p0 $0xFFFFFF80;
	s18 =	simm.s32 @!p0 $0x78  }
0x61: {  	[tilespmem:s28], [sflag:$0x1] =	stream.indirect.gather @!p0 [hbm4b:s1+s18], $0x80, s24, s18, $0xb8;
	[tilespmem:$0x1F800] =	vst v63  }
0x62: {  	_ =	swait.ge [sflag:s11], $0x3C00  }
0x63: {  	[sflag:s11] =	ssyncset.done $0x0  }
0x64: {  	[sflag:s11] =	ssyncadd.s32 $0xFFFFC400  }
0x65: {  	_ =	swait.ge [sflag:s9], $0x3C00  }
0x66: {  	[sflag:s9] =	ssyncset.done $0x0  }
0x67: {  	[sflag:s9] =	ssyncadd.s32 $0xFFFFC400  }
0x68: {  	_ =	swait.ge [sflag:s13], $0x80  }
0x69: {  	p0 =	sge.u32 s12, s7;
	s24 =	rddreg [dreg:$0x5];
	[sflag:s13] =	ssyncset.done $0x0  }
0x6a: {  	s18 =	sadd.s32 @!p0 $0x280, s17;
	s28 =	rddreg [dreg:$0x6];
	[sflag:s13] =	ssyncadd.s32 $0xFFFFFF80  }
0x6b: {  	[spmem:s3] =	stream.indirect.scatter.add.f32 [tilespmem:s28], [sflag:$0x6], $0x80, s24, s25, $0xb8;
	[tilespmem:$0x1F800] =	vst v63  }
0x6c: {  	s24 =	sand.u32 @!p0 $0x7FFFFC00, s18  }
0x6d: {  	s18 =	sand.u32 @!p0 $0x380, s18;
	s24 =	sadd.s32 @!p0 s8, s24  }
0x6e: {  	s18 =	sor.u32 @!p0 s18, s24  }
0x6f: {  	s18 =	sshrl.u32 @!p0 s18, $0x3  }
0x70: {  	s28 =	simm.s32 @!p0 $0x100;
	s24 =	simm.s32 @!p0 $0x0;
	s18 =	sadd.s32 @!p0 s5, s18  }
0x71: {  	[tilespmem:s28], [sflag:$0xC] =	stream.linear.gather @!p0 [hbm4b:s18+s24], $0x80, $0x38;
	[tilespmem:$0x1F800] =	vst v63  }
0x72: {  	s18 =	sadd.s32 @!p1 s6, s20;
	s20 =	simm.s32 @!p1 $0x480  }
0x73: {  	[tilespmem:s20], [sflag:$0x8] =	stream.linear.gather @!p1 [hbm4b:s18+s30], $0x80, $0x38;
	[tilespmem:$0x1F800] =	vst v63  }
0x74: {  	s18 =	simm.s32 @!p1 $0xB  }
0x75: {  	_ =	swait.ge @!p1 [sflag:s18], $0x80  }
0x76: {  	s17 =	sadd.s32 $0x180, s17;
	s30 =	rddreg [dreg:$0x4]  }
0x77: {  	p0 =	sne.s32 s30, s17  }
.Ltmp0:
0x78: {  	_ = 	snop;
	(pc) =	sbr.rel @p0 .LBB2_2-.Ltmp0, $4  }
0x79: {  	_ = 	snop  }
0x7a: {  	s12 =	sadd.s32 $0x3, s12;
	[sflag:s18] =	ssyncset.done @!p1 $0x0  }
0x7b: {  	s20 =	simm.s32 @!p1 $0x4400;
	[sflag:s18] =	ssyncadd.s32 @!p1 $0xFFFFFF80;
	s18 =	simm.s32 @!p1 $0x78  }
0x7c: {  	[tilespmem:s20], [sflag:$0x2] =	stream.indirect.gather @!p1 [hbm4b:s1+s18], $0x80, s14, s18, $0xb8;
	[tilespmem:$0x1F800] =	vst v63  }
0x7d: {  	s12 =	simm.s32 $0x6  }
0x7e: {  	_ =	swait.ge [sflag:s12], $0x3C00  }
0x7f: {  	[sflag:s12] =	ssyncset.done $0x0  }
0x80: {  	[sflag:s12] =	ssyncadd.s32 $0xFFFFC400  }
0x81: {  	[bflag:$0x0] =	sbarrier.arrive $0xFFFF  }
0x82: {  	s28 =	rddreg [dreg:$0x7]  }
0x83: {  	s14 =	rddreg [dreg:$0xf];
	s12 =	sor.u32 $0x1C0E, s28  }
0x84: {  	[hbm:s14], [sflag:s12] =	dma.local [spmem:s19], $0x2780  }
0x85: {  	_ =	swait.ge [sflag:s15], $0x2780  }
0x86: {  	s16 =	sadd.s32 $0x1, s16;
	s30 =	rddreg [dreg:$0x10]  }
0x87: {  	p0 =	sne.s32 s16, s30  }
.Ltmp1:
0x88: {  	_ = 	snop;
	(pc) =	sbr.rel @p0 .LBB2_1-.Ltmp1, $3  }
0x89: {  	_ =	sdelay $0x1  }
0x8a: {  	[sflag:s15] =	ssyncset.done $0x0  }
0x8b: {  	[sflag:s15] =	ssyncadd.s32 $0xFFFFD880  }
0x8c: {  	_ =	sfence.sel $0x180000  }
0x8d: {  	[bflag:$0x0] =	sbarrier.arrive $0xFFFF  }
0x8e: {  	_ =	strace $0x90000047  }
0x8f: {  	s0 =	stileid.u32;
	[bflag:$0x2] =	sbarrier.arrive $0xFFFF  }
0x90: {  	p0 =	sne.s32 s0, $0x0;
	s0 =	rddreg [dreg:$0x3]  }
0x91: {  	s0 =	sadd.s32 @!p0 $0x100000, s0  }
0x92: {  	[sflag:s0] =	ssyncadd.tile.s32 @!p0 $0x1;
	_ =	shalt  }
.Lfunc_end2:
_tile_overlayer_lowered:
.L_overlay_start_2:
0x93: {  	(tag) =	ssettag $0x2  }
0x94: {  	s0 =	rddreg [dreg:$0x0];
	s2 =	stileid.u32  }
0x95: {  	s1 =	rddreg [dreg:$0x1];
	p0 =	sne.s32 s2, $0x0  }
0x96: {  	s3 =	rddreg [dreg:$0x2];
	[bflag:$0x3] =	sbarrier.arrive $0xFFFF;
	s2 =	simm.s32 @!p0 $0x1C0E  }
0x97: {  	[timem:s3], [sflag:s2] =	dma.local @!p0 [hbm:s0], s1  }
0x98: {  	s0 =	simm.s32 @!p0 $0xE  }
0x99: {  	_ =	swait.ge @!p0 [sflag:s0], s1  }
0x9a: {  	s1 =	ssub.s32 @!p0 $0x0, s1;
	[sflag:s0] =	ssyncset.done @!p0 $0x0  }
0x9b: {  	[sflag:s0] =	ssyncadd.s32 @!p0 s1  }
0x9c: {  	[bflag:$0x3] =	sbarrier.arrive $0xFFFF  }
0x9d: {  	_ =	shalt  }

// kernel: kernel.14.cloned.1.call-start
scs
__scs_entry_jumppad:
0x0: {  	(pc) =	sbr.rel $0x88, $3  }
0x1: {  	(tag) =	ssettag $0x0;
	lr =	simm.s32 $0x1  }
0x2: {  	[smem:$0x3F86] =	sst lr;
	_ =	strace $0xD0000000  }
0x3: {  	_ = 	snop  }
0x4: {  	_ = 	snop  }
0x5: {  	_ = 	snop  }
0x6: {  	_ = 	snop  }
0x7: {  	_ = 	snop  }
__scs_overlays_trampoline_lowered:
0x8: {  	[smem:$0x3F95] =	sst s0  }
0x9: {  	[smem:$0x3F96] =	sst s1  }
0xa: {  	[smem:$0x3F97] =	sst s2  }
0xb: {  	[smem:$0x3F98] =	sst s3  }
0xc: {  	[smem:$0x3F99] =	sst s4  }
0xd: {  	[smem:$0x3F9A] =	sst s5  }
0xe: {  	[smem:$0x3F9B] =	sst s6  }
0xf: {  	[smem:$0x3F9C] =	sst s7  }
0x10: {  	[smem:$0x3F9D] =	sst s8  }
0x11: {  	[smem:$0x3F9E] =	sst s9;
	s0 =	simm.s32 @!p0 $0x0  }
0x12: {  	s1 =	sld [smem:$0x3F84];
	s0 =	simm.s32 @p0 $0x1  }
0x13: {  	[smem:$0x3F9F] =	sst s0;
	s0 =	simm.s32 @!p1 $0x0  }
0x14: {  	s2 =	sld [smem:$0x3F83];
	s0 =	simm.s32 @p1 $0x1  }
0x15: {  	[smem:$0x3FA0] =	sst s0;
	s0 =	simm.s32 @!p2 $0x0  }
0x16: {  	s3 =	sld [smem:$0x3FDB];
	s0 =	simm.s32 @p2 $0x1  }
0x17: {  	s4 =	simm.s32 $0x1BF5;
	[smem:$0x3FA2] =	sst s0  }
0x18: {  	s0 =	sld [smem:$0x3F85];
	_ =	swait.ge [sflag:s4], $0x0  }
0x19: {  	s7 =	sld [smem:$0x3F86]  }
0x1a: {  	s8 =	sadd.s32 $0xFFFFE003, lr  }
0x1b: {  	s9 =	sadd.s32 $0xFFFFFEF7, lr;
	s5 =	simm.s32 $0xFFFFFFFF;
	p2 =	slt.u32 s8, $0xFFFFF086  }
0x1c: {  	p1 =	slt.u32 s9, $0xF7A;
	s5 =	simm.s32 @!p2 $0x0  }
0x1d: {  	s5 =	simm.s32 @p1 $0x1;
	p0 =	seq.s32 s7, s2  }
0x1e: {  	s7 =	smul.u32 @!p0 $0xF7A, s2;
	p2 =	seq.s32 @!p0 s5, $0x0  }
0x1f: {  	s9 =	smul.u32 $0xF7A, s1;
	s8 =	simm.s32 @!p0 $0x1BF5;
	p2 =	por !p2, p0  }
0x20: {  	[sflag:s8] =	ssyncset.s32 @!p0 $0xFFFFF086;
	s6 =	sadd.s32 @!p0 s3, s7;
	s7 =	simm.s32 @!p0 $0x108  }
0x21: {  	s3 =	sadd.s32 s3, s9;
	s6 =	sadd.s32 @!p0 $0x88, s6;
	s7 =	simm.s32 @p2 $0x1082  }
0x22: {  	[simem:s7], [sflag:s8] =	dma.local @!p0 [hbm:s6], $0xF7A  }
0x23: {  	s9 =	sor.u32 $0xD0000000, s2;
	s6 =	simm.s32 $0x108;
	_ =	swait.ge @!p0 [sflag:s8], $0x0  }
0x24: {  	s3 =	sadd.s32 $0x88, s3;
	s6 =	simm.s32 @!p1 $0x1082;
	[sflag:s4] =	ssyncset.s32 $0xFFFFF086  }
0x25: {  	[simem:s6], [sflag:s4] =	dma.local [hbm:s3], $0xF7A  }
0x26: {  	[smem:$0x3F86] =	sst s1;
	(tag) =	ssettag s2;
	_ =	strace s9  }
0x27: {  	s1 =	sld [smem:$0x3F96]  }
0x28: {  	s2 =	sld [smem:$0x3F97]  }
0x29: {  	s4 =	sld [smem:$0x3F99]  }
0x2a: {  	p0 =	seq.s32 s5, $0x0;
	s5 =	sld [smem:$0x3F9A]  }
0x2b: {  	s6 =	sld [smem:$0x3F9B]  }
0x2c: {  	s7 =	sld [smem:$0x3F9C]  }
0x2d: {  	s3 =	simm.s32 $0x108;
	s8 =	sld [smem:$0x3F9D]  }
0x2e: {  	s3 =	simm.s32 @!p0 $0x1082;
	s9 =	sld [smem:$0x3F9E]  }
0x2f: {  	lr =	sadd.s32 s0, s3;
	s0 =	sld [smem:$0x3F95]  }
0x30: {  	s3 =	sld [smem:$0x3F98]  }
0x31: {  	[smem:$0x3FA1] =	sst s10  }
0x32: {  	s10 =	sld [smem:$0x3F9F];
	_ =	sdelay $0x3  }
0x33: {  	p0 =	seq.s32 s10, $0x1;
	s10 =	sld [smem:$0x3FA1];
	_ =	sdelay $0x3  }
0x34: {  	[smem:$0x3FA1] =	sst s10  }
0x35: {  	s10 =	sld [smem:$0x3FA0];
	_ =	sdelay $0x3  }
0x36: {  	p1 =	seq.s32 s10, $0x1;
	s10 =	sld [smem:$0x3FA1];
	_ =	sdelay $0x3  }
0x37: {  	[smem:$0x3FA1] =	sst s10  }
0x38: {  	s10 =	sld [smem:$0x3FA2]  }
0x39: {  	_ = 	snop;
	(pc) =	sbr.ind lr, $3  }
0x3a: {  	_ = 	snop  }
0x3b: {  	_ = 	snop  }
0x3c: {  	p2 =	seq.s32 s10, $0x1;
	s10 =	sld [smem:$0x3FA1]  }
0x3d: {  	_ =	shalt  }
0x3e: {  	_ =	shalt  }
0x3f: {  	_ =	shalt  }
0x40: {  	_ =	shalt  }
0x41: {  	_ =	shalt  }
0x42: {  	_ =	shalt  }
0x43: {  	_ =	shalt  }
0x44: {  	_ =	shalt  }
0x45: {  	_ =	shalt  }
0x46: {  	_ =	shalt  }
0x47: {  	_ =	shalt  }
0x48: {  	_ =	shalt  }
0x49: {  	_ =	shalt  }
0x4a: {  	_ =	shalt  }
0x4b: {  	_ =	shalt  }
0x4c: {  	_ =	shalt  }
0x4d: {  	_ =	shalt  }
0x4e: {  	_ =	shalt  }
0x4f: {  	_ =	shalt  }
0x50: {  	_ =	shalt  }
0x51: {  	_ =	shalt  }
0x52: {  	_ =	shalt  }
0x53: {  	_ =	shalt  }
0x54: {  	_ =	shalt  }
0x55: {  	_ =	shalt  }
0x56: {  	_ =	shalt  }
0x57: {  	_ =	shalt  }
0x58: {  	_ =	shalt  }
0x59: {  	_ =	shalt  }
0x5a: {  	_ =	shalt  }
0x5b: {  	_ =	shalt  }
0x5c: {  	_ =	shalt  }
0x5d: {  	_ =	shalt  }
0x5e: {  	_ =	shalt  }
0x5f: {  	_ =	shalt  }
0x60: {  	_ =	shalt  }
0x61: {  	_ =	shalt  }
0x62: {  	_ =	shalt  }
0x63: {  	_ =	shalt  }
0x64: {  	_ =	shalt  }
0x65: {  	_ =	shalt  }
0x66: {  	_ =	shalt  }
0x67: {  	_ =	shalt  }
0x68: {  	_ =	shalt  }
0x69: {  	_ =	shalt  }
0x6a: {  	_ =	shalt  }
0x6b: {  	_ =	shalt  }
0x6c: {  	_ =	shalt  }
0x6d: {  	_ =	shalt  }
0x6e: {  	_ =	shalt  }
0x6f: {  	_ =	shalt  }
0x70: {  	_ =	shalt  }
0x71: {  	_ =	shalt  }
0x72: {  	_ =	shalt  }
0x73: {  	_ =	shalt  }
0x74: {  	_ =	shalt  }
0x75: {  	_ =	shalt  }
0x76: {  	_ =	shalt  }
0x77: {  	_ =	shalt  }
0x78: {  	_ =	shalt  }
0x79: {  	_ =	shalt  }
0x7a: {  	_ =	shalt  }
0x7b: {  	_ =	shalt  }
0x7c: {  	_ =	shalt  }
0x7d: {  	_ =	shalt  }
0x7e: {  	_ =	shalt  }
0x7f: {  	_ =	shalt  }
0x80: {  	_ =	shalt  }
0x81: {  	_ =	shalt  }
0x82: {  	_ =	shalt  }
0x83: {  	_ =	shalt  }
0x84: {  	_ =	shalt  }
0x85: {  	_ =	shalt  }
0x86: {  	_ =	shalt  }
0x87: {  	_ =	shalt  }
.Lfunc_end0:
.L_simem_size_0:
called_computation.1_lowered:
.L_overlay_start_0:
0x88: {  	s2 =	sld [smem:$0x3FD9]  }
0x89: {  	s3 =	sld [smem:$0x3FFE];
	_ =	sdelay $0x1  }
0x8a: {  	s1 =	srdreg.scid  }
0x8b: {  	s0 =	sand.u32 $0x1, s1  }
0x8c: {  	s17 =	sshll.u32 s0, $0xA;
	s2 =	sadd.s32 s3, s2  }
0x8d: {  	s2 =	sadd.s32 s2, s17  }
0x8e: {  	[smem:$0x3FAD] =	sst s2  }
0x8f: {  	_ = 	snop  }
0x90: {  	s2 =	sld [smem:$0x3FD0];
	(tm) =	ssettm $0x1  }
0x91: {  	s18 =	sld [smem:$0x3FFB];
	_ =	sdelay $0x3  }
0x92: {  	_ =	strace s18  }
0x93: {  	s3 =	sld [smem:$0x3FFC];
	_ =	sdelay $0x3  }
0x94: {  	_ =	strace s3  }
0x95: {  	s3 =	sld [smem:$0x3FFD];
	_ =	sdelay $0x3  }
0x96: {  	_ =	strace s3  }
0x97: {  	_ =	strace $0x8FFFFFFF  }
0x98: {  	s19 =	sld [smem:$0x3FDB];
	_ =	sdelay $0x1  }
0x99: {  	s4 =	simm.s32 $_scs_section_size  }
0x9a: {  	s5 =	simm.s32 $_size__tile_overlayer_lowered;
	s6 =	simm.s32 $_tile_overlayer_lowered  }
0x9b: {  	s22 =	simm.s32 $0x1BFF;
	s21 =	sshll.u32 s6, $0x1;
	s3 =	sadd.s32 s4, s19  }
0x9c: {  	s7 =	simm.s32 $0x0;
	s20 =	sshll.u32 s5, $0x1;
	s5 =	sadd.s32 s21, s3  }
0x9d: {  	[timem:s7], [sflag:s22] =	dma.local [hbm:s5], s20  }
0x9e: {  	_ =	swait.ge [sflag:s22], s20  }
0x9f: {  	s4 =	ssub.s32 $0x0, s20;
	[sflag:s22] =	ssyncset.done $0x0  }
0xa0: {  	[sflag:s22] =	ssyncadd.s32 s4;
	_ =	sdelay $0x1  }
0xa1: {  	s23 =	simm.s32 $0x1B8B  }
0xa2: {  	_ =	swait.ge [sflag:s23], $0x1  }
0xa3: {  	[sflag:s23] =	ssyncset.done $0x0  }
0xa4: {  	s25 =	simm.s32 $0x1B8E;
	s24 =	sld [smem:$0x3FFE];
	[sflag:s23] =	ssyncadd.s32 $0xFFFFFFFF  }
0xa5: {  	s26 =	simm.s32 $execute0_lowered;
	[smem:$0x3FD2] =	sst s25  }
0xa6: {  	s5 =	sshll.u32 s26, $0x1;
	_ =	strace $0x80000049;
	[dreg:$0x1] =	wrdreg $0xFFFFFFFF  }
0xa7: {  	s28 =	simm.s32 $_size_execute0_lowered;
	s3 =	sadd.s32 s3, s5;
	[dreg:$0x0] =	wrdreg $0x0  }
0xa8: {  	s5 =	sshll.u32 s28, $0x1;
	[dreg:$0x2] =	wrdreg s3  }
0xa9: {  	[dreg:$0x3] =	wrdreg s5  }
0xaa: {  	[dreg:$0x4] =	wrdreg $0xC0  }
0xab: {  	_ =	task [dreg:s7], $0x5FFFF  }
0xac: {  	[dreg:$0x1] =	wrdreg $0xFFFFFFFF  }
0xad: {  	[dreg:$0x0] =	wrdreg $0x60  }
0xae: {  	[dreg:$0x2] =	wrdreg s2  }
0xaf: {  	[dreg:$0x3] =	wrdreg s24  }
0xb0: {  	[dreg:$0x4] =	wrdreg $0xBC000  }
0xb1: {  	[dreg:$0x5] =	wrdreg $0x9  }
0xb2: {  	_ =	task.clear_ibuf [dreg:s7], $0x6FFFF;
	_ =	strace $0x90000049  }
0xb3: {  	s29 =	simm.s32 $0x9;
	_ =	strace $0x8000004B  }
0xb4: {  	_ =	swait.ge [sflag:s29], $0x1  }
0xb5: {  	[sflag:s29] =	ssyncadd.s32 $0xFFFFFFFF  }
0xb6: {  	_ =	strace $0x9000004B  }
0xb7: {  	_ =	sfence  }
0xb8: {  	s30 =	sld [smem:$0x0];
	_ =	sdelay $0x2  }
0xb9: {  	s31 =	sshll.u32 s1, $0xD;
	s1 =	sshrl.u32 s1, $0x2  }
0xba: {  	s3 =	sand.u32 $0x4000, s31;
	s1 =	sadd.s32 s1, s30  }
0xbb: {  	s0 =	sor.u32 s3, s0;
	s1 =	sshll.u32 s1, $0x11  }
0xbc: {  	s0 =	sor.u32 s1, s0  }
0xbd: {  	s0 =	sadd.s32 $0x8F2B, s0  }
0xbe: {  	[sflag:s0] =	ssyncadd.remote.s32 $0x1  }
0xbf: {  	_ =	sfence.sel $0xFFFF  }
0xc0: {  	[dreg:$0x0] =	wrdreg $0xFFFFFFFF;
	(pc) =	sbr.abs _section_cstart, $3  }
0xc1: {  	[dreg:$0x1] =	wrdreg $0xFFFFFFFF  }
0xc2: {  	_ =	task.clear_ibuf [dreg:s7], $0x2FFFF;
	_ =	strace $0x9FFFFFFF  }
0xc3: {  	(tm) =	ssettm $0x7FFFFFFF  }
tec
execute0_lowered:
.L_overlay_start_1:
0x0: {  	(tag) =	ssettag $0x1  }
0x1: {  	s1 =	rddreg [dreg:$0x0]  }
0x2: {  	s0 =	rddreg [dreg:$0x1]  }
0x3: {  	s13 =	stileid.u32;
	s2 =	srdreg.scid  }
0x4: {  	s3 =	rddreg [dreg:$0x2];
	s4 =	simm.s32 $0x0;
	s28 =	simm.s32 $0x500  }
0x5: {  	s30 =	simm.s32 $0x8000;
	s29 =	simm.s32 $0x4400;
	s31 =	simm.s32 $0x1  }
0x6: {  	s15 =	simm.s32 $0xE;
	s6 =	smul.u32 $0x13C00, s13;
	s2 =	sand.u32 $0x1, s2  }
0x7: {  	[smem:$0x7FF] =	sst s4;
	s16 =	smul.u32 $0x4F000, s13;
	s17 =	sshll.u32 s13, $0x1  }
0x8: {  	s13 =	sshll.u32 s13, $0x6;
	s5 =	smul.u32 $0x13C000, s2;
	_ =	strace $0x8000004A  }
0x9: {  	s10 =	ssub.s32 $0x2, s2;
	p0 =	seq.s32 s2, $0x0;
	[dreg:$0x7] =	wrdreg s13  }
0xa: {  	s2 =	sor.u32 s2, s17;
	s22 =	sor.u32 $0x1C0D, s13;
	[dreg:$0x5] =	wrdreg s28  }
0xb: {  	[dreg:$0x6] =	wrdreg s30;
	s8 =	sshrl.u32 s6, $0x3;
	s11 =	sshrl.u32 s10, $0x1  }
0xc: {  	s12 =	sshrl.u32 s16, $0x2;
	[dreg:$0x9] =	wrdreg s22;
	s22 =	simm.s32 $0x400  }
0xd: {  	s16 =	simm.s32 $0x0;
	s7 =	sadd.s32 s6, s5;
	s5 =	sadd.s32 $0x6000, s0  }
0xe: {  	s6 =	sadd.s32 $0x15000, s0;
	s9 =	sadd.s32 s8, s0;
	s8 =	smul.u32 $0x3C00, s2  }
0xf: {  	s18 =	ssub.s32 s10, s11;
	s19 =	sadd.s32 s12, s3;
	s2 =	simm.s32 $0x7  }
0x10: {  	s10 =	simm.s32 $0x8;
	s7 =	sshrl.u32 s7, $0x3;
	s9 =	sadd.s32 $0x24000, s9  }
0x11: {  	s26 =	smax.u32 s18, $0x1;
	s19 =	sshrl.u32 s19, $0x3;
	s0 =	sadd.s32 s7, s0  }
0x12: {  	s7 =	simm.s32 $0x72;
	s20 =	sshrl.u32 s8, $0x3;
	[dreg:$0x8] =	wrdreg s9  }
0x13: {  	[dreg:$0x10] =	wrdreg s26;
	s26 =	simm.s32 $0x800;
	s7 =	simm.s32 @!p0 $0x36  }
0x14: {  	s23 =	sor.u32 $0x10, s20;
	s24 =	sadd.s32 s5, s20;
	s11 =	sadd.s32 s6, s20  }
0x15: {  	s0 =	sadd.s32 $0x4B800, s0;
	s21 =	smul.u32 $0x56, s7;
	[dreg:$0xa] =	wrdreg s24  }
0x16: {  	s14 =	sadd.s32 s5, s23;
	s13 =	sadd.s32 $0x20, s24;
	[dreg:$0xd] =	wrdreg s11  }
0x17: {  	s9 =	sadd.s32 s6, s23;
	[dreg:$0xf] =	wrdreg s0;
	s23 =	simm.s32 $0x480  }
0x18: {  	s0 =	simm.s32 $0x4;
	[dreg:$0xb] =	wrdreg s14;
	s12 =	sshrl.u32 s21, $0x8  }
0x19: {  	s11 =	simm.s32 $0x5;
	[dreg:$0xc] =	wrdreg s13;
	s25 =	smul.u32 $0x180, s12  }
0x1a: {  	[dreg:$0xe] =	wrdreg s9;
	s9 =	simm.s32 $0x3;
	s13 =	simm.s32 $0x9  }
0x1b: {  	s21 =	simm.s32 $0x2;
	[dreg:$0x4] =	wrdreg s25;
	s25 =	simm.s32 $0x78  }
.LBB2_1:
0x1c: {  	s12 =	rddreg [dreg:$0x8]  }
0x1d: {  	s14 =	rddreg [dreg:$0x9]  }
0x1e: {  	[spmem:s19], [sflag:s14] =	dma.local [hbm:s12], $0x2780  }
0x1f: {  	s12 =	rddreg [dreg:$0xa]  }
0x20: {  	[tilespmem:s4], [sflag:$0xA] =	stream.linear.gather [hbm4b:s12+s4], $0x80, $0x38;
	[tilespmem:$0x1F800] =	vst v63  }
0x21: {  	s14 =	simm.s32 $0x80;
	s28 =	rddreg [dreg:$0xb]  }
0x22: {  	[tilespmem:s14], [sflag:$0xB] =	stream.linear.gather [hbm4b:s28+s4], $0x80, $0x38;
	[tilespmem:$0x1F800] =	vst v63  }
0x23: {  	s17 =	simm.s32 $0x100;
	s30 =	rddreg [dreg:$0xc]  }
0x24: {  	[tilespmem:s17], [sflag:$0xC] =	stream.linear.gather [hbm4b:s30+s4], $0x80, $0x38;
	[tilespmem:$0x1F800] =	vst v63  }
0x25: {  	s18 =	rddreg [dreg:$0xd]  }
0x26: {  	[tilespmem:s22], [sflag:$0x7] =	stream.linear.gather [hbm4b:s18+s4], $0x80, $0x38;
	[tilespmem:$0x1F800] =	vst v63  }
0x27: {  	s24 =	simm.s32 $0xA;
	s20 =	rddreg [dreg:$0xe]  }
0x28: {  	[tilespmem:s23], [sflag:$0x8] =	stream.linear.gather [hbm4b:s20+s4], $0x80, $0x38;
	[tilespmem:$0x1F800] =	vst v63  }
0x29: {  	_ =	swait.ge [sflag:s24], $0x80  }
0x2a: {  	[sflag:s24] =	ssyncset.done $0x0  }
0x2b: {  	s28 =	simm.s32 $0xB;
	[sflag:s24] =	ssyncadd.s32 $0xFFFFFF80  }
0x2c: {  	[tilespmem:s26], [sflag:$0x1] =	stream.indirect.gather [hbm4b:s1+s25], $0x80, s4, s25, $0xb8;
	[tilespmem:$0x1F800] =	vst v63  }
0x2d: {  	_ =	swait.ge [sflag:s28], $0x80  }
0x2e: {  	[sflag:s28] =	ssyncset.done $0x0  }
0x2f: {  	s30 =	simm.s32 $0xD;
	[sflag:s28] =	ssyncadd.s32 $0xFFFFFF80  }
0x30: {  	[tilespmem:s29], [sflag:$0x2] =	stream.indirect.gather [hbm4b:s1+s25], $0x80, s14, s25, $0xb8;
	[tilespmem:$0x1F800] =	vst v63  }
0x31: {  	_ =	swait.ge [sflag:s30], $0x2780  }
0x32: {  	[sflag:s30] =	ssyncset.done $0x0  }
0x33: {  	[sflag:s30] =	ssyncadd.s32 $0xFFFFD880  }
0x34: {  	s12 =	simm.s32 $0x5;
	s17 =	simm.s32 $0x0;
	[bflag:$0x0] =	sbarrier.arrive $0xFFFF  }
.LBB2_2:
0x35: {  	p0 =	seq.s32 s17, $0x0  }
0x36: {  	s20 =	simm.s32 @!p0 $0x6  }
0x37: {  	_ =	swait.ge @!p0 [sflag:s20], $0x3C00  }
0x38: {  	[sflag:s20] =	ssyncset.done @!p0 $0x0  }
0x39: {  	s28 =	sadd.s32 $0xFFFFFFFE, s12;
	[sflag:s20] =	ssyncadd.s32 @!p0 $0xFFFFC400  }
0x3a: {  	p0 =	sge.u32 s28, s7;
	_ =	swait.ge [sflag:s31], $0x3C00  }
0x3b: {  	s20 =	sadd.s32 @!p0 $0x180, s17;
	[sflag:s31] =	ssyncset.done $0x0  }
0x3c: {  	s18 =	sand.u32 @!p0 $0x7FFFFC00, s20;
	[sflag:s31] =	ssyncadd.s32 $0xFFFFC400  }
0x3d: {  	s20 =	sand.u32 @!p0 $0x380, s20;
	s18 =	sadd.s32 @!p0 s8, s18;
	_ =	swait.ge [sflag:s2], $0x80  }
0x3e: {  	s18 =	sor.u32 @!p0 s20, s18;
	[sflag:s2] =	ssyncset.done $0x0  }
0x3f: {  	s30 =	sadd.s32 $0xFFFFFFFD, s12;
	s18 =	sshrl.u32 @!p0 s18, $0x3;
	[sflag:s2] =	ssyncadd.s32 $0xFFFFFF80  }
0x40: {  	[spmem:s3] =	stream.indirect.scatter.add.f32 [tilespmem:s26], [sflag:$0x4], $0x80, s22, s25, $0xb8;
	[tilespmem:$0x1F800] =	vst v63  }
0x41: {  	p1 =	sge.u32 s30, s7;
	s24 =	simm.s32 @!p0 $0x0;
	s20 =	sadd.s32 @!p0 s5, s18  }
0x42: {  	[tilespmem:s24], [sflag:$0xA] =	stream.linear.gather @!p0 [hbm4b:s20+s24], $0x80, $0x38;
	[tilespmem:$0x1F800] =	vst v63  }
0x43: {  	s20 =	sadd.s32 @!p1 $0x100, s17  }
0x44: {  	s28 =	sand.u32 @!p1 $0x7FFFFC00, s20  }
0x45: {  	s20 =	sand.u32 @!p1 $0x380, s20;
	s28 =	sadd.s32 @!p1 s8, s28  }
0x46: {  	s20 =	sor.u32 @!p1 s20, s28  }
0x47: {  	s20 =	sshrl.u32 @!p1 s20, $0x3  }
0x48: {  	s30 =	simm.s32 @!p1 $0x500;
	s28 =	simm.s32 @!p1 $0x0;
	s20 =	sadd.s32 @!p1 s6, s20  }
0x49: {  	[tilespmem:s30], [sflag:$0x9] =	stream.linear.gather @!p1 [hbm4b:s20+s28], $0x80, $0x38;
	[tilespmem:$0x1F800] =	vst v63  }
0x4a: {  	s20 =	simm.s32 @!p1 $0xC  }
0x4b: {  	_ =	swait.ge @!p1 [sflag:s20], $0x80  }
0x4c: {  	s28 =	simm.s32 @!p1 $0x100;
	[sflag:s20] =	ssyncset.done @!p1 $0x0  }
0x4d: {  	s30 =	simm.s32 @!p1 $0x8000;
	[sflag:s20] =	ssyncadd.s32 @!p1 $0xFFFFFF80;
	s20 =	simm.s32 @!p1 $0x78  }
0x4e: {  	[tilespmem:s30], [sflag:$0x3] =	stream.indirect.gather @!p1 [hbm4b:s1+s20], $0x80, s28, s20, $0xb8;
	[tilespmem:$0x1F800] =	vst v63  }
0x4f: {  	_ =	swait.ge [sflag:s0], $0x3C00  }
0x50: {  	[sflag:s0] =	ssyncset.done $0x0  }
0x51: {  	s14 =	sadd.s32 $0xFFFFFFFF, s12;
	[sflag:s0] =	ssyncadd.s32 $0xFFFFC400  }
0x52: {  	p1 =	sge.u32 s14, s7;
	_ =	swait.ge [sflag:s21], $0x3C00  }
0x53: {  	s20 =	sadd.s32 @!p1 $0x200, s17;
	[sflag:s21] =	ssyncset.done $0x0  }
0x54: {  	s28 =	sand.u32 @!p1 $0x7FFFFC00, s20;
	[sflag:s21] =	ssyncadd.s32 $0xFFFFC400  }
0x55: {  	s20 =	sand.u32 @!p1 $0x380, s20;
	s28 =	sadd.s32 @!p1 s8, s28;
	_ =	swait.ge [sflag:s10], $0x80  }
0x56: {  	s20 =	sor.u32 @!p1 s20, s28;
	[sflag:s10] =	ssyncset.done $0x0  }
0x57: {  	s20 =	sshrl.u32 @!p1 s20, $0x3;
	[sflag:s10] =	ssyncadd.s32 $0xFFFFFF80  }
0x58: {  	[spmem:s3] =	stream.indirect.scatter.add.f32 [tilespmem:s29], [sflag:$0x5], $0x80, s23, s25, $0xb8;
	[tilespmem:$0x1F800] =	vst v63  }
0x59: {  	s30 =	simm.s32 @!p1 $0x0;
	s14 =	simm.s32 @!p1 $0x80;
	s28 =	sadd.s32 @!p1 s5, s20  }
0x5a: {  	[tilespmem:s14], [sflag:$0xB] =	stream.linear.gather @!p1 [hbm4b:s28+s30], $0x80, $0x38;
	[tilespmem:$0x1F800] =	vst v63  }
0x5b: {  	s18 =	sadd.s32 @!p0 s6, s18;
	s28 =	simm.s32 @!p0 $0x400  }
0x5c: {  	[tilespmem:s28], [sflag:$0x7] =	stream.linear.gather @!p0 [hbm4b:s18+s24], $0x80, $0x38;
	[tilespmem:$0x1F800] =	vst v63  }
0x5d: {  	s18 =	simm.s32 @!p0 $0xA  }
0x5e: {  	_ =	swait.ge @!p0 [sflag:s18], $0x80  }
0x5f: {  	[sflag:s18] =	ssyncset.done @!p0 $0x0  }
0x60: {  	s28 =	simm.s32 @!p0 $0x800;
	[sflag:s18] =	ssyncadd.s32 @!p0 $0xFFFFFF80;
	s18 =	simm.s32 @!p0 $0x78  }
0x61: {  	[tilespmem:s28], [sflag:$0x1] =	stream.indirect.gather @!p0 [hbm4b:s1+s18], $0x80, s24, s18, $0xb8;
	[tilespmem:$0x1F800] =	vst v63  }
0x62: {  	_ =	swait.ge [sflag:s11], $0x3C00  }
0x63: {  	[sflag:s11] =	ssyncset.done $0x0  }
0x64: {  	[sflag:s11] =	ssyncadd.s32 $0xFFFFC400  }
0x65: {  	_ =	swait.ge [sflag:s9], $0x3C00  }
0x66: {  	[sflag:s9] =	ssyncset.done $0x0  }
0x67: {  	[sflag:s9] =	ssyncadd.s32 $0xFFFFC400  }
0x68: {  	_ =	swait.ge [sflag:s13], $0x80  }
0x69: {  	p0 =	sge.u32 s12, s7;
	s24 =	rddreg [dreg:$0x5];
	[sflag:s13] =	ssyncset.done $0x0  }
0x6a: {  	s18 =	sadd.s32 @!p0 $0x280, s17;
	s28 =	rddreg [dreg:$0x6];
	[sflag:s13] =	ssyncadd.s32 $0xFFFFFF80  }
0x6b: {  	[spmem:s3] =	stream.indirect.scatter.add.f32 [tilespmem:s28], [sflag:$0x6], $0x80, s24, s25, $0xb8;
	[tilespmem:$0x1F800] =	vst v63  }
0x6c: {  	s24 =	sand.u32 @!p0 $0x7FFFFC00, s18  }
0x6d: {  	s18 =	sand.u32 @!p0 $0x380, s18;
	s24 =	sadd.s32 @!p0 s8, s24  }
0x6e: {  	s18 =	sor.u32 @!p0 s18, s24  }
0x6f: {  	s18 =	sshrl.u32 @!p0 s18, $0x3  }
0x70: {  	s28 =	simm.s32 @!p0 $0x100;
	s24 =	simm.s32 @!p0 $0x0;
	s18 =	sadd.s32 @!p0 s5, s18  }
0x71: {  	[tilespmem:s28], [sflag:$0xC] =	stream.linear.gather @!p0 [hbm4b:s18+s24], $0x80, $0x38;
	[tilespmem:$0x1F800] =	vst v63  }
0x72: {  	s18 =	sadd.s32 @!p1 s6, s20;
	s20 =	simm.s32 @!p1 $0x480  }
0x73: {  	[tilespmem:s20], [sflag:$0x8] =	stream.linear.gather @!p1 [hbm4b:s18+s30], $0x80, $0x38;
	[tilespmem:$0x1F800] =	vst v63  }
0x74: {  	s18 =	simm.s32 @!p1 $0xB  }
0x75: {  	_ =	swait.ge @!p1 [sflag:s18], $0x80  }
0x76: {  	s17 =	sadd.s32 $0x180, s17;
	s30 =	rddreg [dreg:$0x4]  }
0x77: {  	p0 =	sne.s32 s30, s17  }
.Ltmp0:
0x78: {  	_ = 	snop;
	(pc) =	sbr.rel @p0 .LBB2_2-.Ltmp0, $4  }
0x79: {  	_ = 	snop  }
0x7a: {  	s12 =	sadd.s32 $0x3, s12;
	[sflag:s18] =	ssyncset.done @!p1 $0x0  }
0x7b: {  	s20 =	simm.s32 @!p1 $0x4400;
	[sflag:s18] =	ssyncadd.s32 @!p1 $0xFFFFFF80;
	s18 =	simm.s32 @!p1 $0x78  }
0x7c: {  	[tilespmem:s20], [sflag:$0x2] =	stream.indirect.gather @!p1 [hbm4b:s1+s18], $0x80, s14, s18, $0xb8;
	[tilespmem:$0x1F800] =	vst v63  }
0x7d: {  	s12 =	simm.s32 $0x6  }
0x7e: {  	_ =	swait.ge [sflag:s12], $0x3C00  }
0x7f: {  	[sflag:s12] =	ssyncset.done $0x0  }
0x80: {  	[sflag:s12] =	ssyncadd.s32 $0xFFFFC400  }
0x81: {  	[bflag:$0x0] =	sbarrier.arrive $0xFFFF  }
0x82: {  	s28 =	rddreg [dreg:$0x7]  }
0x83: {  	s14 =	rddreg [dreg:$0xf];
	s12 =	sor.u32 $0x1C0E, s28  }
0x84: {  	[hbm:s14], [sflag:s12] =	dma.local [spmem:s19], $0x2780  }
0x85: {  	_ =	swait.ge [sflag:s15], $0x2780  }
0x86: {  	s16 =	sadd.s32 $0x1, s16;
	s30 =	rddreg [dreg:$0x10]  }
0x87: {  	p0 =	sne.s32 s16, s30  }
.Ltmp1:
0x88: {  	_ = 	snop;
	(pc) =	sbr.rel @p0 .LBB2_1-.Ltmp1, $3  }
0x89: {  	_ =	sdelay $0x1  }
0x8a: {  	[sflag:s15] =	ssyncset.done $0x0  }
0x8b: {  	[sflag:s15] =	ssyncadd.s32 $0xFFFFD880  }
0x8c: {  	_ =	sfence.sel $0x180000  }
0x8d: {  	[bflag:$0x0] =	sbarrier.arrive $0xFFFF  }
0x8e: {  	_ =	strace $0x9000004A  }
0x8f: {  	s0 =	stileid.u32;
	[bflag:$0x2] =	sbarrier.arrive $0xFFFF  }
0x90: {  	p0 =	sne.s32 s0, $0x0;
	s0 =	rddreg [dreg:$0x3]  }
0x91: {  	s0 =	sadd.s32 @!p0 $0x100000, s0  }
0x92: {  	[sflag:s0] =	ssyncadd.tile.s32 @!p0 $0x1;
	_ =	shalt  }
.Lfunc_end2:
_tile_overlayer_lowered:
.L_overlay_start_2:
0x93: {  	(tag) =	ssettag $0x2  }
0x94: {  	s0 =	rddreg [dreg:$0x0];
	s2 =	stileid.u32  }
0x95: {  	s1 =	rddreg [dreg:$0x1];
	p0 =	sne.s32 s2, $0x0  }
0x96: {  	s3 =	rddreg [dreg:$0x2];
	[bflag:$0x3] =	sbarrier.arrive $0xFFFF;
	s2 =	simm.s32 @!p0 $0x1C0E  }
0x97: {  	[timem:s3], [sflag:s2] =	dma.local @!p0 [hbm:s0], s1  }
0x98: {  	s0 =	simm.s32 @!p0 $0xE  }
0x99: {  	_ =	swait.ge @!p0 [sflag:s0], s1  }
0x9a: {  	s1 =	ssub.s32 @!p0 $0x0, s1;
	[sflag:s0] =	ssyncset.done @!p0 $0x0  }
0x9b: {  	[sflag:s0] =	ssyncadd.s32 @!p0 s1  }
0x9c: {  	[bflag:$0x3] =	sbarrier.arrive $0xFFFF  }
0x9d: {  	_ =	shalt  }

// kernel: kernel.17.cloned.1.call-start
scs
__scs_entry_jumppad:
0x0: {  	(pc) =	sbr.rel $0x88, $3  }
0x1: {  	(tag) =	ssettag $0x0;
	lr =	simm.s32 $0x1  }
0x2: {  	[smem:$0x3F86] =	sst lr;
	_ =	strace $0xD0000000  }
0x3: {  	_ = 	snop  }
0x4: {  	_ = 	snop  }
0x5: {  	_ = 	snop  }
0x6: {  	_ = 	snop  }
0x7: {  	_ = 	snop  }
__scs_overlays_trampoline_lowered:
0x8: {  	[smem:$0x3F95] =	sst s0  }
0x9: {  	[smem:$0x3F96] =	sst s1  }
0xa: {  	[smem:$0x3F97] =	sst s2  }
0xb: {  	[smem:$0x3F98] =	sst s3  }
0xc: {  	[smem:$0x3F99] =	sst s4  }
0xd: {  	[smem:$0x3F9A] =	sst s5  }
0xe: {  	[smem:$0x3F9B] =	sst s6  }
0xf: {  	[smem:$0x3F9C] =	sst s7  }
0x10: {  	[smem:$0x3F9D] =	sst s8  }
0x11: {  	[smem:$0x3F9E] =	sst s9;
	s0 =	simm.s32 @!p0 $0x0  }
0x12: {  	s1 =	sld [smem:$0x3F84];
	s0 =	simm.s32 @p0 $0x1  }
0x13: {  	[smem:$0x3F9F] =	sst s0;
	s0 =	simm.s32 @!p1 $0x0  }
0x14: {  	s2 =	sld [smem:$0x3F83];
	s0 =	simm.s32 @p1 $0x1  }
0x15: {  	[smem:$0x3FA0] =	sst s0;
	s0 =	simm.s32 @!p2 $0x0  }
0x16: {  	s3 =	sld [smem:$0x3FDB];
	s0 =	simm.s32 @p2 $0x1  }
0x17: {  	s4 =	simm.s32 $0x1BF5;
	[smem:$0x3FA2] =	sst s0  }
0x18: {  	s0 =	sld [smem:$0x3F85];
	_ =	swait.ge [sflag:s4], $0x0  }
0x19: {  	s7 =	sld [smem:$0x3F86]  }
0x1a: {  	s8 =	sadd.s32 $0xFFFFE003, lr  }
0x1b: {  	s9 =	sadd.s32 $0xFFFFFEF7, lr;
	s5 =	simm.s32 $0xFFFFFFFF;
	p2 =	slt.u32 s8, $0xFFFFF086  }
0x1c: {  	p1 =	slt.u32 s9, $0xF7A;
	s5 =	simm.s32 @!p2 $0x0  }
0x1d: {  	s5 =	simm.s32 @p1 $0x1;
	p0 =	seq.s32 s7, s2  }
0x1e: {  	s7 =	smul.u32 @!p0 $0xF7A, s2;
	p2 =	seq.s32 @!p0 s5, $0x0  }
0x1f: {  	s9 =	smul.u32 $0xF7A, s1;
	s8 =	simm.s32 @!p0 $0x1BF5;
	p2 =	por !p2, p0  }
0x20: {  	[sflag:s8] =	ssyncset.s32 @!p0 $0xFFFFF086;
	s6 =	sadd.s32 @!p0 s3, s7;
	s7 =	simm.s32 @!p0 $0x108  }
0x21: {  	s3 =	sadd.s32 s3, s9;
	s6 =	sadd.s32 @!p0 $0x88, s6;
	s7 =	simm.s32 @p2 $0x1082  }
0x22: {  	[simem:s7], [sflag:s8] =	dma.local @!p0 [hbm:s6], $0xF7A  }
0x23: {  	s9 =	sor.u32 $0xD0000000, s2;
	s6 =	simm.s32 $0x108;
	_ =	swait.ge @!p0 [sflag:s8], $0x0  }
0x24: {  	s3 =	sadd.s32 $0x88, s3;
	s6 =	simm.s32 @!p1 $0x1082;
	[sflag:s4] =	ssyncset.s32 $0xFFFFF086  }
0x25: {  	[simem:s6], [sflag:s4] =	dma.local [hbm:s3], $0xF7A  }
0x26: {  	[smem:$0x3F86] =	sst s1;
	(tag) =	ssettag s2;
	_ =	strace s9  }
0x27: {  	s1 =	sld [smem:$0x3F96]  }
0x28: {  	s2 =	sld [smem:$0x3F97]  }
0x29: {  	s4 =	sld [smem:$0x3F99]  }
0x2a: {  	p0 =	seq.s32 s5, $0x0;
	s5 =	sld [smem:$0x3F9A]  }
0x2b: {  	s6 =	sld [smem:$0x3F9B]  }
0x2c: {  	s7 =	sld [smem:$0x3F9C]  }
0x2d: {  	s3 =	simm.s32 $0x108;
	s8 =	sld [smem:$0x3F9D]  }
0x2e: {  	s3 =	simm.s32 @!p0 $0x1082;
	s9 =	sld [smem:$0x3F9E]  }
0x2f: {  	lr =	sadd.s32 s0, s3;
	s0 =	sld [smem:$0x3F95]  }
0x30: {  	s3 =	sld [smem:$0x3F98]  }
0x31: {  	[smem:$0x3FA1] =	sst s10  }
0x32: {  	s10 =	sld [smem:$0x3F9F];
	_ =	sdelay $0x3  }
0x33: {  	p0 =	seq.s32 s10, $0x1;
	s10 =	sld [smem:$0x3FA1];
	_ =	sdelay $0x3  }
0x34: {  	[smem:$0x3FA1] =	sst s10  }
0x35: {  	s10 =	sld [smem:$0x3FA0];
	_ =	sdelay $0x3  }
0x36: {  	p1 =	seq.s32 s10, $0x1;
	s10 =	sld [smem:$0x3FA1];
	_ =	sdelay $0x3  }
0x37: {  	[smem:$0x3FA1] =	sst s10  }
0x38: {  	s10 =	sld [smem:$0x3FA2]  }
0x39: {  	_ = 	snop;
	(pc) =	sbr.ind lr, $3  }
0x3a: {  	_ = 	snop  }
0x3b: {  	_ = 	snop  }
0x3c: {  	p2 =	seq.s32 s10, $0x1;
	s10 =	sld [smem:$0x3FA1]  }
0x3d: {  	_ =	shalt  }
0x3e: {  	_ =	shalt  }
0x3f: {  	_ =	shalt  }
0x40: {  	_ =	shalt  }
0x41: {  	_ =	shalt  }
0x42: {  	_ =	shalt  }
0x43: {  	_ =	shalt  }
0x44: {  	_ =	shalt  }
0x45: {  	_ =	shalt  }
0x46: {  	_ =	shalt  }
0x47: {  	_ =	shalt  }
0x48: {  	_ =	shalt  }
0x49: {  	_ =	shalt  }
0x4a: {  	_ =	shalt  }
0x4b: {  	_ =	shalt  }
0x4c: {  	_ =	shalt  }
0x4d: {  	_ =	shalt  }
0x4e: {  	_ =	shalt  }
0x4f: {  	_ =	shalt  }
0x50: {  	_ =	shalt  }
0x51: {  	_ =	shalt  }
0x52: {  	_ =	shalt  }
0x53: {  	_ =	shalt  }
0x54: {  	_ =	shalt  }
0x55: {  	_ =	shalt  }
0x56: {  	_ =	shalt  }
0x57: {  	_ =	shalt  }
0x58: {  	_ =	shalt  }
0x59: {  	_ =	shalt  }
0x5a: {  	_ =	shalt  }
0x5b: {  	_ =	shalt  }
0x5c: {  	_ =	shalt  }
0x5d: {  	_ =	shalt  }
0x5e: {  	_ =	shalt  }
0x5f: {  	_ =	shalt  }
0x60: {  	_ =	shalt  }
0x61: {  	_ =	shalt  }
0x62: {  	_ =	shalt  }
0x63: {  	_ =	shalt  }
0x64: {  	_ =	shalt  }
0x65: {  	_ =	shalt  }
0x66: {  	_ =	shalt  }
0x67: {  	_ =	shalt  }
0x68: {  	_ =	shalt  }
0x69: {  	_ =	shalt  }
0x6a: {  	_ =	shalt  }
0x6b: {  	_ =	shalt  }
0x6c: {  	_ =	shalt  }
0x6d: {  	_ =	shalt  }
0x6e: {  	_ =	shalt  }
0x6f: {  	_ =	shalt  }
0x70: {  	_ =	shalt  }
0x71: {  	_ =	shalt  }
0x72: {  	_ =	shalt  }
0x73: {  	_ =	shalt  }
0x74: {  	_ =	shalt  }
0x75: {  	_ =	shalt  }
0x76: {  	_ =	shalt  }
0x77: {  	_ =	shalt  }
0x78: {  	_ =	shalt  }
0x79: {  	_ =	shalt  }
0x7a: {  	_ =	shalt  }
0x7b: {  	_ =	shalt  }
0x7c: {  	_ =	shalt  }
0x7d: {  	_ =	shalt  }
0x7e: {  	_ =	shalt  }
0x7f: {  	_ =	shalt  }
0x80: {  	_ =	shalt  }
0x81: {  	_ =	shalt  }
0x82: {  	_ =	shalt  }
0x83: {  	_ =	shalt  }
0x84: {  	_ =	shalt  }
0x85: {  	_ =	shalt  }
0x86: {  	_ =	shalt  }
0x87: {  	_ =	shalt  }
.Lfunc_end0:
.L_simem_size_0:
called_computation.2_lowered:
.L_overlay_start_0:
0x88: {  	s2 =	sld [smem:$0x3FD9]  }
0x89: {  	s3 =	sld [smem:$0x3FFE];
	_ =	sdelay $0x1  }
0x8a: {  	s1 =	srdreg.scid  }
0x8b: {  	s0 =	sand.u32 $0x1, s1  }
0x8c: {  	s17 =	sshll.u32 s0, $0xA;
	s2 =	sadd.s32 s3, s2  }
0x8d: {  	s2 =	sadd.s32 s2, s17  }
0x8e: {  	[smem:$0x3FAD] =	sst s2  }
0x8f: {  	_ = 	snop  }
0x90: {  	s2 =	sld [smem:$0x3FD0];
	(tm) =	ssettm $0x1  }
0x91: {  	s18 =	sld [smem:$0x3FFB];
	_ =	sdelay $0x3  }
0x92: {  	_ =	strace s18  }
0x93: {  	s3 =	sld [smem:$0x3FFC];
	_ =	sdelay $0x3  }
0x94: {  	_ =	strace s3  }
0x95: {  	s3 =	sld [smem:$0x3FFD];
	_ =	sdelay $0x3  }
0x96: {  	_ =	strace s3  }
0x97: {  	_ =	strace $0x8FFFFFFF  }
0x98: {  	s19 =	sld [smem:$0x3FDB];
	_ =	sdelay $0x1  }
0x99: {  	s4 =	simm.s32 $_scs_section_size  }
0x9a: {  	s5 =	simm.s32 $_size__tile_overlayer_lowered;
	s6 =	simm.s32 $_tile_overlayer_lowered  }
0x9b: {  	s22 =	simm.s32 $0x1BFF;
	s21 =	sshll.u32 s6, $0x1;
	s3 =	sadd.s32 s4, s19  }
0x9c: {  	s7 =	simm.s32 $0x0;
	s20 =	sshll.u32 s5, $0x1;
	s5 =	sadd.s32 s21, s3  }
0x9d: {  	[timem:s7], [sflag:s22] =	dma.local [hbm:s5], s20  }
0x9e: {  	_ =	swait.ge [sflag:s22], s20  }
0x9f: {  	s4 =	ssub.s32 $0x0, s20;
	[sflag:s22] =	ssyncset.done $0x0  }
0xa0: {  	[sflag:s22] =	ssyncadd.s32 s4;
	_ =	sdelay $0x1  }
0xa1: {  	s23 =	simm.s32 $0x1B8B  }
0xa2: {  	_ =	swait.ge [sflag:s23], $0x1  }
0xa3: {  	[sflag:s23] =	ssyncset.done $0x0  }
0xa4: {  	s25 =	simm.s32 $0x1B8E;
	s24 =	sld [smem:$0x3FFE];
	[sflag:s23] =	ssyncadd.s32 $0xFFFFFFFF  }
0xa5: {  	s26 =	simm.s32 $execute0_lowered;
	[smem:$0x3FD2] =	sst s25  }
0xa6: {  	s5 =	sshll.u32 s26, $0x1;
	_ =	strace $0x8000004C;
	[dreg:$0x1] =	wrdreg $0xFFFFFFFF  }
0xa7: {  	s28 =	simm.s32 $_size_execute0_lowered;
	s3 =	sadd.s32 s3, s5;
	[dreg:$0x0] =	wrdreg $0x0  }
0xa8: {  	s5 =	sshll.u32 s28, $0x1;
	[dreg:$0x2] =	wrdreg s3  }
0xa9: {  	[dreg:$0x3] =	wrdreg s5  }
0xaa: {  	[dreg:$0x4] =	wrdreg $0xC0  }
0xab: {  	_ =	task [dreg:s7], $0x5FFFF  }
0xac: {  	[dreg:$0x1] =	wrdreg $0xFFFFFFFF  }
0xad: {  	[dreg:$0x0] =	wrdreg $0x60  }
0xae: {  	[dreg:$0x2] =	wrdreg s2  }
0xaf: {  	[dreg:$0x3] =	wrdreg s24  }
0xb0: {  	[dreg:$0x4] =	wrdreg $0xBC000  }
0xb1: {  	[dreg:$0x5] =	wrdreg $0x9  }
0xb2: {  	_ =	task.clear_ibuf [dreg:s7], $0x6FFFF;
	_ =	strace $0x9000004C  }
0xb3: {  	s29 =	simm.s32 $0x9;
	_ =	strace $0x8000004E  }
0xb4: {  	_ =	swait.ge [sflag:s29], $0x1  }
0xb5: {  	[sflag:s29] =	ssyncadd.s32 $0xFFFFFFFF  }
0xb6: {  	_ =	strace $0x9000004E  }
0xb7: {  	_ =	sfence  }
0xb8: {  	s30 =	sld [smem:$0x0];
	_ =	sdelay $0x2  }
0xb9: {  	s31 =	sshll.u32 s1, $0xD;
	s1 =	sshrl.u32 s1, $0x2  }
0xba: {  	s3 =	sand.u32 $0x4000, s31;
	s1 =	sadd.s32 s1, s30  }
0xbb: {  	s0 =	sor.u32 s3, s0;
	s1 =	sshll.u32 s1, $0x11  }
0xbc: {  	s0 =	sor.u32 s1, s0  }
0xbd: {  	s0 =	sadd.s32 $0x8F2B, s0  }
0xbe: {  	[sflag:s0] =	ssyncadd.remote.s32 $0x1  }
0xbf: {  	_ =	sfence.sel $0xFFFF  }
0xc0: {  	[dreg:$0x0] =	wrdreg $0xFFFFFFFF;
	(pc) =	sbr.abs _section_cstart, $3  }
0xc1: {  	[dreg:$0x1] =	wrdreg $0xFFFFFFFF  }
0xc2: {  	_ =	task.clear_ibuf [dreg:s7], $0x2FFFF;
	_ =	strace $0x9FFFFFFF  }
0xc3: {  	(tm) =	ssettm $0x7FFFFFFF  }
tec
execute0_lowered:
.L_overlay_start_1:
0x0: {  	(tag) =	ssettag $0x1  }
0x1: {  	s1 =	rddreg [dreg:$0x0]  }
0x2: {  	s0 =	rddreg [dreg:$0x1]  }
0x3: {  	s13 =	stileid.u32;
	s2 =	srdreg.scid  }
0x4: {  	s3 =	rddreg [dreg:$0x2];
	s4 =	simm.s32 $0x0;
	s28 =	simm.s32 $0x500  }
0x5: {  	s30 =	simm.s32 $0x8000;
	s29 =	simm.s32 $0x4400;
	s31 =	simm.s32 $0x1  }
0x6: {  	s15 =	simm.s32 $0xE;
	s6 =	smul.u32 $0x13C00, s13;
	s2 =	sand.u32 $0x1, s2  }
0x7: {  	[smem:$0x7FF] =	sst s4;
	s16 =	smul.u32 $0x4F000, s13;
	s17 =	sshll.u32 s13, $0x1  }
0x8: {  	s13 =	sshll.u32 s13, $0x6;
	s5 =	smul.u32 $0x13C000, s2;
	_ =	strace $0x8000004D  }
0x9: {  	s10 =	ssub.s32 $0x2, s2;
	p0 =	seq.s32 s2, $0x0;
	[dreg:$0x7] =	wrdreg s13  }
0xa: {  	s2 =	sor.u32 s2, s17;
	s22 =	sor.u32 $0x1C0D, s13;
	[dreg:$0x5] =	wrdreg s28  }
0xb: {  	[dreg:$0x6] =	wrdreg s30;
	s8 =	sshrl.u32 s6, $0x3;
	s11 =	sshrl.u32 s10, $0x1  }
0xc: {  	s12 =	sshrl.u32 s16, $0x2;
	[dreg:$0x9] =	wrdreg s22;
	s22 =	simm.s32 $0x400  }
0xd: {  	s16 =	simm.s32 $0x0;
	s7 =	sadd.s32 s6, s5;
	s5 =	sadd.s32 $0x6000, s0  }
0xe: {  	s6 =	sadd.s32 $0x15000, s0;
	s9 =	sadd.s32 s8, s0;
	s8 =	smul.u32 $0x3C00, s2  }
0xf: {  	s18 =	ssub.s32 s10, s11;
	s19 =	sadd.s32 s12, s3;
	s2 =	simm.s32 $0x7  }
0x10: {  	s10 =	simm.s32 $0x8;
	s7 =	sshrl.u32 s7, $0x3;
	s9 =	sadd.s32 $0x24000, s9  }
0x11: {  	s26 =	smax.u32 s18, $0x1;
	s19 =	sshrl.u32 s19, $0x3;
	s0 =	sadd.s32 s7, s0  }
0x12: {  	s7 =	simm.s32 $0x72;
	s20 =	sshrl.u32 s8, $0x3;
	[dreg:$0x8] =	wrdreg s9  }
0x13: {  	[dreg:$0x10] =	wrdreg s26;
	s26 =	simm.s32 $0x800;
	s7 =	simm.s32 @!p0 $0x36  }
0x14: {  	s23 =	sor.u32 $0x10, s20;
	s24 =	sadd.s32 s5, s20;
	s11 =	sadd.s32 s6, s20  }
0x15: {  	s0 =	sadd.s32 $0x4B800, s0;
	s21 =	smul.u32 $0x56, s7;
	[dreg:$0xa] =	wrdreg s24  }
0x16: {  	s14 =	sadd.s32 s5, s23;
	s13 =	sadd.s32 $0x20, s24;
	[dreg:$0xd] =	wrdreg s11  }
0x17: {  	s9 =	sadd.s32 s6, s23;
	[dreg:$0xf] =	wrdreg s0;
	s23 =	simm.s32 $0x480  }
0x18: {  	s0 =	simm.s32 $0x4;
	[dreg:$0xb] =	wrdreg s14;
	s12 =	sshrl.u32 s21, $0x8  }
0x19: {  	s11 =	simm.s32 $0x5;
	[dreg:$0xc] =	wrdreg s13;
	s25 =	smul.u32 $0x180, s12  }
0x1a: {  	[dreg:$0xe] =	wrdreg s9;
	s9 =	simm.s32 $0x3;
	s13 =	simm.s32 $0x9  }
0x1b: {  	s21 =	simm.s32 $0x2;
	[dreg:$0x4] =	wrdreg s25;
	s25 =	simm.s32 $0x78  }
.LBB2_1:
0x1c: {  	s12 =	rddreg [dreg:$0x8]  }
0x1d: {  	s14 =	rddreg [dreg:$0x9]  }
0x1e: {  	[spmem:s19], [sflag:s14] =	dma.local [hbm:s12], $0x2780  }
0x1f: {  	s12 =	rddreg [dreg:$0xa]  }
0x20: {  	[tilespmem:s4], [sflag:$0xA] =	stream.linear.gather [hbm4b:s12+s4], $0x80, $0x38;
	[tilespmem:$0x1F800] =	vst v63  }
0x21: {  	s14 =	simm.s32 $0x80;
	s28 =	rddreg [dreg:$0xb]  }
0x22: {  	[tilespmem:s14], [sflag:$0xB] =	stream.linear.gather [hbm4b:s28+s4], $0x80, $0x38;
	[tilespmem:$0x1F800] =	vst v63  }
0x23: {  	s17 =	simm.s32 $0x100;
	s30 =	rddreg [dreg:$0xc]  }
0x24: {  	[tilespmem:s17], [sflag:$0xC] =	stream.linear.gather [hbm4b:s30+s4], $0x80, $0x38;
	[tilespmem:$0x1F800] =	vst v63  }
0x25: {  	s18 =	rddreg [dreg:$0xd]  }
0x26: {  	[tilespmem:s22], [sflag:$0x7] =	stream.linear.gather [hbm4b:s18+s4], $0x80, $0x38;
	[tilespmem:$0x1F800] =	vst v63  }
0x27: {  	s24 =	simm.s32 $0xA;
	s20 =	rddreg [dreg:$0xe]  }
0x28: {  	[tilespmem:s23], [sflag:$0x8] =	stream.linear.gather [hbm4b:s20+s4], $0x80, $0x38;
	[tilespmem:$0x1F800] =	vst v63  }
0x29: {  	_ =	swait.ge [sflag:s24], $0x80  }
0x2a: {  	[sflag:s24] =	ssyncset.done $0x0  }
0x2b: {  	s28 =	simm.s32 $0xB;
	[sflag:s24] =	ssyncadd.s32 $0xFFFFFF80  }
0x2c: {  	[tilespmem:s26], [sflag:$0x1] =	stream.indirect.gather [hbm4b:s1+s25], $0x80, s4, s25, $0xb8;
	[tilespmem:$0x1F800] =	vst v63  }
0x2d: {  	_ =	swait.ge [sflag:s28], $0x80  }
0x2e: {  	[sflag:s28] =	ssyncset.done $0x0  }
0x2f: {  	s30 =	simm.s32 $0xD;
	[sflag:s28] =	ssyncadd.s32 $0xFFFFFF80  }
0x30: {  	[tilespmem:s29], [sflag:$0x2] =	stream.indirect.gather [hbm4b:s1+s25], $0x80, s14, s25, $0xb8;
	[tilespmem:$0x1F800] =	vst v63  }
0x31: {  	_ =	swait.ge [sflag:s30], $0x2780  }
0x32: {  	[sflag:s30] =	ssyncset.done $0x0  }
0x33: {  	[sflag:s30] =	ssyncadd.s32 $0xFFFFD880  }
0x34: {  	s12 =	simm.s32 $0x5;
	s17 =	simm.s32 $0x0;
	[bflag:$0x0] =	sbarrier.arrive $0xFFFF  }
.LBB2_2:
0x35: {  	p0 =	seq.s32 s17, $0x0  }
0x36: {  	s20 =	simm.s32 @!p0 $0x6  }
0x37: {  	_ =	swait.ge @!p0 [sflag:s20], $0x3C00  }
0x38: {  	[sflag:s20] =	ssyncset.done @!p0 $0x0  }
0x39: {  	s28 =	sadd.s32 $0xFFFFFFFE, s12;
	[sflag:s20] =	ssyncadd.s32 @!p0 $0xFFFFC400  }
0x3a: {  	p0 =	sge.u32 s28, s7;
	_ =	swait.ge [sflag:s31], $0x3C00  }
0x3b: {  	s20 =	sadd.s32 @!p0 $0x180, s17;
	[sflag:s31] =	ssyncset.done $0x0  }
0x3c: {  	s18 =	sand.u32 @!p0 $0x7FFFFC00, s20;
	[sflag:s31] =	ssyncadd.s32 $0xFFFFC400  }
0x3d: {  	s20 =	sand.u32 @!p0 $0x380, s20;
	s18 =	sadd.s32 @!p0 s8, s18;
	_ =	swait.ge [sflag:s2], $0x80  }
0x3e: {  	s18 =	sor.u32 @!p0 s20, s18;
	[sflag:s2] =	ssyncset.done $0x0  }
0x3f: {  	s30 =	sadd.s32 $0xFFFFFFFD, s12;
	s18 =	sshrl.u32 @!p0 s18, $0x3;
	[sflag:s2] =	ssyncadd.s32 $0xFFFFFF80  }
0x40: {  	[spmem:s3] =	stream.indirect.scatter.add.f32 [tilespmem:s26], [sflag:$0x4], $0x80, s22, s25, $0xb8;
	[tilespmem:$0x1F800] =	vst v63  }
0x41: {  	p1 =	sge.u32 s30, s7;
	s24 =	simm.s32 @!p0 $0x0;
	s20 =	sadd.s32 @!p0 s5, s18  }
0x42: {  	[tilespmem:s24], [sflag:$0xA] =	stream.linear.gather @!p0 [hbm4b:s20+s24], $0x80, $0x38;
	[tilespmem:$0x1F800] =	vst v63  }
0x43: {  	s20 =	sadd.s32 @!p1 $0x100, s17  }
0x44: {  	s28 =	sand.u32 @!p1 $0x7FFFFC00, s20  }
0x45: {  	s20 =	sand.u32 @!p1 $0x380, s20;
	s28 =	sadd.s32 @!p1 s8, s28  }
0x46: {  	s20 =	sor.u32 @!p1 s20, s28  }
0x47: {  	s20 =	sshrl.u32 @!p1 s20, $0x3  }
0x48: {  	s30 =	simm.s32 @!p1 $0x500;
	s28 =	simm.s32 @!p1 $0x0;
	s20 =	sadd.s32 @!p1 s6, s20  }
0x49: {  	[tilespmem:s30], [sflag:$0x9] =	stream.linear.gather @!p1 [hbm4b:s20+s28], $0x80, $0x38;
	[tilespmem:$0x1F800] =	vst v63  }
0x4a: {  	s20 =	simm.s32 @!p1 $0xC  }
0x4b: {  	_ =	swait.ge @!p1 [sflag:s20], $0x80  }
0x4c: {  	s28 =	simm.s32 @!p1 $0x100;
	[sflag:s20] =	ssyncset.done @!p1 $0x0  }
0x4d: {  	s30 =	simm.s32 @!p1 $0x8000;
	[sflag:s20] =	ssyncadd.s32 @!p1 $0xFFFFFF80;
	s20 =	simm.s32 @!p1 $0x78  }
0x4e: {  	[tilespmem:s30], [sflag:$0x3] =	stream.indirect.gather @!p1 [hbm4b:s1+s20], $0x80, s28, s20, $0xb8;
	[tilespmem:$0x1F800] =	vst v63  }
0x4f: {  	_ =	swait.ge [sflag:s0], $0x3C00  }
0x50: {  	[sflag:s0] =	ssyncset.done $0x0  }
0x51: {  	s14 =	sadd.s32 $0xFFFFFFFF, s12;
	[sflag:s0] =	ssyncadd.s32 $0xFFFFC400  }
0x52: {  	p1 =	sge.u32 s14, s7;
	_ =	swait.ge [sflag:s21], $0x3C00  }
0x53: {  	s20 =	sadd.s32 @!p1 $0x200, s17;
	[sflag:s21] =	ssyncset.done $0x0  }
0x54: {  	s28 =	sand.u32 @!p1 $0x7FFFFC00, s20;
	[sflag:s21] =	ssyncadd.s32 $0xFFFFC400  }
0x55: {  	s20 =	sand.u32 @!p1 $0x380, s20;
	s28 =	sadd.s32 @!p1 s8, s28;
	_ =	swait.ge [sflag:s10], $0x80  }
0x56: {  	s20 =	sor.u32 @!p1 s20, s28;
	[sflag:s10] =	ssyncset.done $0x0  }
0x57: {  	s20 =	sshrl.u32 @!p1 s20, $0x3;
	[sflag:s10] =	ssyncadd.s32 $0xFFFFFF80  }
0x58: {  	[spmem:s3] =	stream.indirect.scatter.add.f32 [tilespmem:s29], [sflag:$0x5], $0x80, s23, s25, $0xb8;
	[tilespmem:$0x1F800] =	vst v63  }
0x59: {  	s30 =	simm.s32 @!p1 $0x0;
	s14 =	simm.s32 @!p1 $0x80;
	s28 =	sadd.s32 @!p1 s5, s20  }
0x5a: {  	[tilespmem:s14], [sflag:$0xB] =	stream.linear.gather @!p1 [hbm4b:s28+s30], $0x80, $0x38;
	[tilespmem:$0x1F800] =	vst v63  }
0x5b: {  	s18 =	sadd.s32 @!p0 s6, s18;
	s28 =	simm.s32 @!p0 $0x400  }
0x5c: {  	[tilespmem:s28], [sflag:$0x7] =	stream.linear.gather @!p0 [hbm4b:s18+s24], $0x80, $0x38;
	[tilespmem:$0x1F800] =	vst v63  }
0x5d: {  	s18 =	simm.s32 @!p0 $0xA  }
0x5e: {  	_ =	swait.ge @!p0 [sflag:s18], $0x80  }
0x5f: {  	[sflag:s18] =	ssyncset.done @!p0 $0x0  }
0x60: {  	s28 =	simm.s32 @!p0 $0x800;
	[sflag:s18] =	ssyncadd.s32 @!p0 $0xFFFFFF80;
	s18 =	simm.s32 @!p0 $0x78  }
0x61: {  	[tilespmem:s28], [sflag:$0x1] =	stream.indirect.gather @!p0 [hbm4b:s1+s18], $0x80, s24, s18, $0xb8;
	[tilespmem:$0x1F800] =	vst v63  }
0x62: {  	_ =	swait.ge [sflag:s11], $0x3C00  }
0x63: {  	[sflag:s11] =	ssyncset.done $0x0  }
0x64: {  	[sflag:s11] =	ssyncadd.s32 $0xFFFFC400  }
0x65: {  	_ =	swait.ge [sflag:s9], $0x3C00  }
0x66: {  	[sflag:s9] =	ssyncset.done $0x0  }
0x67: {  	[sflag:s9] =	ssyncadd.s32 $0xFFFFC400  }
0x68: {  	_ =	swait.ge [sflag:s13], $0x80  }
0x69: {  	p0 =	sge.u32 s12, s7;
	s24 =	rddreg [dreg:$0x5];
	[sflag:s13] =	ssyncset.done $0x0  }
0x6a: {  	s18 =	sadd.s32 @!p0 $0x280, s17;
	s28 =	rddreg [dreg:$0x6];
	[sflag:s13] =	ssyncadd.s32 $0xFFFFFF80  }
0x6b: {  	[spmem:s3] =	stream.indirect.scatter.add.f32 [tilespmem:s28], [sflag:$0x6], $0x80, s24, s25, $0xb8;
	[tilespmem:$0x1F800] =	vst v63  }
0x6c: {  	s24 =	sand.u32 @!p0 $0x7FFFFC00, s18  }
0x6d: {  	s18 =	sand.u32 @!p0 $0x380, s18;
	s24 =	sadd.s32 @!p0 s8, s24  }
0x6e: {  	s18 =	sor.u32 @!p0 s18, s24  }
0x6f: {  	s18 =	sshrl.u32 @!p0 s18, $0x3  }
0x70: {  	s28 =	simm.s32 @!p0 $0x100;
	s24 =	simm.s32 @!p0 $0x0;
	s18 =	sadd.s32 @!p0 s5, s18  }
0x71: {  	[tilespmem:s28], [sflag:$0xC] =	stream.linear.gather @!p0 [hbm4b:s18+s24], $0x80, $0x38;
	[tilespmem:$0x1F800] =	vst v63  }
0x72: {  	s18 =	sadd.s32 @!p1 s6, s20;
	s20 =	simm.s32 @!p1 $0x480  }
0x73: {  	[tilespmem:s20], [sflag:$0x8] =	stream.linear.gather @!p1 [hbm4b:s18+s30], $0x80, $0x38;
	[tilespmem:$0x1F800] =	vst v63  }
0x74: {  	s18 =	simm.s32 @!p1 $0xB  }
0x75: {  	_ =	swait.ge @!p1 [sflag:s18], $0x80  }
0x76: {  	s17 =	sadd.s32 $0x180, s17;
	s30 =	rddreg [dreg:$0x4]  }
0x77: {  	p0 =	sne.s32 s30, s17  }
.Ltmp0:
0x78: {  	_ = 	snop;
	(pc) =	sbr.rel @p0 .LBB2_2-.Ltmp0, $4  }
0x79: {  	_ = 	snop  }
0x7a: {  	s12 =	sadd.s32 $0x3, s12;
	[sflag:s18] =	ssyncset.done @!p1 $0x0  }
0x7b: {  	s20 =	simm.s32 @!p1 $0x4400;
	[sflag:s18] =	ssyncadd.s32 @!p1 $0xFFFFFF80;
	s18 =	simm.s32 @!p1 $0x78  }
0x7c: {  	[tilespmem:s20], [sflag:$0x2] =	stream.indirect.gather @!p1 [hbm4b:s1+s18], $0x80, s14, s18, $0xb8;
	[tilespmem:$0x1F800] =	vst v63  }
0x7d: {  	s12 =	simm.s32 $0x6  }
0x7e: {  	_ =	swait.ge [sflag:s12], $0x3C00  }
0x7f: {  	[sflag:s12] =	ssyncset.done $0x0  }
0x80: {  	[sflag:s12] =	ssyncadd.s32 $0xFFFFC400  }
0x81: {  	[bflag:$0x0] =	sbarrier.arrive $0xFFFF  }
0x82: {  	s28 =	rddreg [dreg:$0x7]  }
0x83: {  	s14 =	rddreg [dreg:$0xf];
	s12 =	sor.u32 $0x1C0E, s28  }
0x84: {  	[hbm:s14], [sflag:s12] =	dma.local [spmem:s19], $0x2780  }
0x85: {  	_ =	swait.ge [sflag:s15], $0x2780  }
0x86: {  	s16 =	sadd.s32 $0x1, s16;
	s30 =	rddreg [dreg:$0x10]  }
0x87: {  	p0 =	sne.s32 s16, s30  }
.Ltmp1:
0x88: {  	_ = 	snop;
	(pc) =	sbr.rel @p0 .LBB2_1-.Ltmp1, $3  }
0x89: {  	_ =	sdelay $0x1  }
0x8a: {  	[sflag:s15] =	ssyncset.done $0x0  }
0x8b: {  	[sflag:s15] =	ssyncadd.s32 $0xFFFFD880  }
0x8c: {  	_ =	sfence.sel $0x180000  }
0x8d: {  	[bflag:$0x0] =	sbarrier.arrive $0xFFFF  }
0x8e: {  	_ =	strace $0x9000004D  }
0x8f: {  	s0 =	stileid.u32;
	[bflag:$0x2] =	sbarrier.arrive $0xFFFF  }
0x90: {  	p0 =	sne.s32 s0, $0x0;
	s0 =	rddreg [dreg:$0x3]  }
0x91: {  	s0 =	sadd.s32 @!p0 $0x100000, s0  }
0x92: {  	[sflag:s0] =	ssyncadd.tile.s32 @!p0 $0x1;
	_ =	shalt  }
.Lfunc_end2:
_tile_overlayer_lowered:
.L_overlay_start_2:
0x93: {  	(tag) =	ssettag $0x2  }
0x94: {  	s0 =	rddreg [dreg:$0x0];
	s2 =	stileid.u32  }
0x95: {  	s1 =	rddreg [dreg:$0x1];
	p0 =	sne.s32 s2, $0x0  }
0x96: {  	s3 =	rddreg [dreg:$0x2];
	[bflag:$0x3] =	sbarrier.arrive $0xFFFF;
	s2 =	simm.s32 @!p0 $0x1C0E  }
0x97: {  	[timem:s3], [sflag:s2] =	dma.local @!p0 [hbm:s0], s1  }
0x98: {  	s0 =	simm.s32 @!p0 $0xE  }
0x99: {  	_ =	swait.ge @!p0 [sflag:s0], s1  }
0x9a: {  	s1 =	ssub.s32 @!p0 $0x0, s1;
	[sflag:s0] =	ssyncset.done @!p0 $0x0  }
0x9b: {  	[sflag:s0] =	ssyncadd.s32 @!p0 s1  }
0x9c: {  	[bflag:$0x3] =	sbarrier.arrive $0xFFFF  }
0x9d: {  	_ =	shalt  }

</sc_bundles>
